<compile_context>
chip_gen: v7x
topology: tpu7x:2x2x1
jax: 0.10.2.dev20260603
libtpu: 0.0.44.dev20260713+nightly
codegen_flags: <defaults>
</compile_context>

<pallas_src>
import functools

import jax
import jax.numpy as jnp
from jax import lax
from jax.experimental import pallas as pl
from jax.experimental.pallas import tpu as pltpu
from jax.experimental.pallas import tpu_sc as plsc

N = 10000
NPAD = 10240
D = 128
O = 64
NC = 2
NS = 16
NTILE = NC * NS
C = 128
RPT = NPAD // NS
RB = RPT // C
BLK = 1280
GRID = NPAD // BLK


def _dot(a, b):
    return jnp.dot(a, b, precision=lax.Precision.HIGHEST,
                   preferred_element_type=jnp.float32)


def _lrelu(x):
    return jnp.where(x >= 0, x, 0.01 * x)



def _mm3_body(fu, fi, wf, wc, wcb, of, oc, ocb):
    u = fu[...]
    of[...] = _dot(u, wf[...])
    oc[...] = _dot(u, wc[...])
    ocb[...] = _dot(fi[...], wcb[...])


def _mm3(fu, fi, wf, wc, wcb):
    row = pl.BlockSpec((BLK, D), lambda i: (i, 0))
    full = pl.BlockSpec((D, D), lambda i: (0, 0))
    return pl.pallas_call(
        _mm3_body,
        grid=(GRID,),
        in_specs=[row, row, full, full, full],
        out_specs=[row, row, row],
        out_shape=[jax.ShapeDtypeStruct((NPAD, D), jnp.float32)] * 3,
    )(fu, fi, wf, wc, wcb)



def _mesh():
    return plsc.VectorSubcoreMesh(core_axis_name="c", subcore_axis_name="s",
                                  num_cores=NC, num_subcores=NS)


@functools.lru_cache(maxsize=None)
def _make_agg(width):
    out_type = [jax.ShapeDtypeStruct((NC * NPAD, width), jnp.float32)] * 3
    scratch = [
        pltpu.VMEM_SHARED((NPAD, width), jnp.float32),
        [pltpu.VMEM((C,), jnp.int32) for _ in range(2)],
        [pltpu.VMEM((C,), jnp.int32) for _ in range(2)],
        [pltpu.VMEM((C, width), jnp.float32) for _ in range(2)],
        [pltpu.SemaphoreType.DMA for _ in range(2)],
        [pltpu.SemaphoreType.DMA for _ in range(2)],
        [pltpu.SemaphoreType.DMA for _ in range(2)],
    ]

    def body(tf, tc, tcb, sf, df, sc_, dc, scb, dcb, zrows_h,
             af_o, ac_o, acb_o,
             acc_s, sidx, didx, rows, semI, semG, semS):
        triples = [(tf, sf, df, af_o), (tc, sc_, dc, ac_o),
                   (tcb, scb, dcb, acb_o)]

        ept = sf.shape[0] // NTILE
        nchunk = ept // C
        c = lax.axis_index("c")
        s = lax.axis_index("s")
        tile = c * NS + s
        ebase = tile * ept
        rb = s * RPT
        ob = c * NPAD + s * RPT

        def idx_start(src, dst, g, b):
            off = pl.multiple_of(ebase + g * C, C)
            pltpu.async_copy(src.at[pl.ds(off, C)], sidx[b], semI[b])
            pltpu.async_copy(dst.at[pl.ds(off, C)], didx[b], semI[b])

        def idx_wait(src, dst, g, b):
            off = pl.multiple_of(ebase + g * C, C)
            pltpu.make_async_copy(src.at[pl.ds(off, C)], sidx[b],
                                  semI[b]).wait()
            pltpu.make_async_copy(dst.at[pl.ds(off, C)], didx[b],
                                  semI[b]).wait()

        for (tab, src, dst, acc_o) in triples:
            pltpu.sync_copy(zrows_h, rows[0])
            for k in range(RB):
                pltpu.sync_copy(rows[0], acc_s.at[pl.ds(rb + k * C, C)])
            plsc.subcore_barrier()

            idx_start(src, dst, 0, 0)
            idx_wait(src, dst, 0, 0)
            pltpu.async_copy(tab.at[sidx[0]], rows[0], semG[0])
            idx_start(src, dst, 1, 1)

            @pl.loop(0, nchunk, step=2)
            def _(k):
                for b in range(2):
                    g = k + b
                    bn = 1 - b

                    @pl.when(g + 1 < nchunk)
                    def _():
                        idx_wait(src, dst, g + 1, bn)
                        pltpu.async_copy(tab.at[sidx[bn]], rows[bn],
                                         semG[bn])
                    pltpu.make_async_copy(tab.at[sidx[b]], rows[b],
                                          semG[b]).wait()
                    pltpu.sync_copy(rows[b], acc_s.at[didx[b]], add=True)

                    @pl.when(g + 2 < nchunk)
                    def _():
                        idx_start(src, dst, g + 2, b)

            plsc.subcore_barrier()

            for k in range(RB):
                b = k % 2
                if k >= 2:
                    pltpu.make_async_copy(
                        rows[b], acc_o.at[pl.ds(ob + (k - 2) * C, C)],
                        semS[b]).wait()
                pltpu.sync_copy(acc_s.at[pl.ds(rb + k * C, C)], rows[b])
                pltpu.async_copy(rows[b], acc_o.at[pl.ds(ob + k * C, C)],
                                 semS[b])
            for k in range(RB - 2, RB):
                b = k % 2
                pltpu.make_async_copy(rows[b],
                                      acc_o.at[pl.ds(ob + k * C, C)],
                                      semS[b]).wait()

    return pl.kernel(body, out_type=out_type, mesh=_mesh(),
                     scratch_types=scratch,
                     compiler_params=pltpu.CompilerParams(
                         use_tc_tiling_on_sc=(width == D)))


@functools.lru_cache(maxsize=None)
def _make_deg():
    out_type = [jax.ShapeDtypeStruct((NC, NPAD, 8), jnp.float32)] * 3
    scratch = [
        pltpu.VMEM_SHARED((NPAD, 8), jnp.float32),
        [pltpu.VMEM((C,), jnp.int32) for _ in range(2)],
        pltpu.VMEM((C, 8), jnp.float32),
        [pltpu.SemaphoreType.DMA for _ in range(2)],
    ]

    def body(df, dc, dcb, ones8_h, zdeg_h, gf_o, gc_o, gcb_o,
             deg_s, didx, ones8_v, semI):
        ept = df.shape[0] // NTILE
        nchunk = ept // C
        c = lax.axis_index("c")
        s = lax.axis_index("s")
        ebase = (c * NS + s) * ept

        pltpu.sync_copy(ones8_h, ones8_v)

        def idx_start(dst, g, b):
            off = pl.multiple_of(ebase + g * C, C)
            pltpu.async_copy(dst.at[pl.ds(off, C)], didx[b], semI[b])

        def idx_wait(dst, g, b):
            off = pl.multiple_of(ebase + g * C, C)
            pltpu.make_async_copy(dst.at[pl.ds(off, C)], didx[b],
                                  semI[b]).wait()

        for (dst, deg_o) in [(df, gf_o), (dc, gc_o), (dcb, gcb_o)]:
            @pl.when(s == 0)
            def _():
                pltpu.sync_copy(zdeg_h, deg_s)
            plsc.subcore_barrier()

            idx_start(dst, 0, 0)
            idx_start(dst, 1, 1)

            @pl.loop(0, nchunk, step=2)
            def _(k):
                for b in range(2):
                    g = k + b
                    idx_wait(dst, g, b)
                    pltpu.sync_copy(ones8_v, deg_s.at[didx[b]], add=True)

                    @pl.when(g + 2 < nchunk)
                    def _():
                        idx_start(dst, g + 2, b)

            plsc.subcore_barrier()

            @pl.when(s == 0)
            def _():
                pltpu.sync_copy(deg_s, deg_o.at[c])

    return pl.kernel(body, out_type=out_type, mesh=_mesh(),
                     scratch_types=scratch,
                     compiler_params=pltpu.CompilerParams(
                         use_tc_tiling_on_sc=False))



def _comb1_body(af, acb, ac, gf, gcb, gc, bf, bcb, bc, wf, wc, wcb,
                of, oc, ocb):
    def mean(a_ref, g_ref, b_ref):
        sm = a_ref[0] + a_ref[1]
        dg = g_ref[0][:, :1] + g_ref[1][:, :1]
        return jnp.where(dg > 0, sm / jnp.maximum(dg, 1.0) + b_ref[...], 0.0)

    h_user = _lrelu(mean(af, gf, bf) + mean(acb, gcb, bcb))
    h_item = _lrelu(mean(ac, gc, bc))
    of[...] = _dot(h_user, wf[...])
    oc[...] = _dot(h_user, wc[...])
    ocb[...] = _dot(h_item, wcb[...])


def _comb1(af, acb, ac, gf, gcb, gc, bf, bcb, bc, wf, wc, wcb):
    acc = pl.BlockSpec((NC, BLK, D), lambda i: (0, i, 0))
    deg = pl.BlockSpec((NC, BLK, 8), lambda i: (0, i, 0))
    bia = pl.BlockSpec((1, D), lambda i: (0, 0))
    wsp = pl.BlockSpec((D, O), lambda i: (0, 0))
    row = pl.BlockSpec((BLK, O), lambda i: (i, 0))
    return pl.pallas_call(
        _comb1_body,
        grid=(GRID,),
        in_specs=[acc, acc, acc, deg, deg, deg, bia, bia, bia, wsp, wsp, wsp],
        out_specs=[row, row, row],
        out_shape=[jax.ShapeDtypeStruct((NPAD, O), jnp.float32)] * 3,
    )(af, acb, ac, gf, gcb, gc, bf, bcb, bc, wf, wc, wcb)



def _comb2_body(af, acb, ac, gf, gcb, gc, bf, bcb, bc, ou, oi):
    def mean_half(a_ref, g_ref, b_ref, h):
        sm = a_ref[0] + a_ref[1]
        dg = (g_ref[0] + g_ref[1])[:, 8 * h:8 * h + 1]
        smh = sm[:, 64 * h:64 * h + 64]
        return jnp.where(dg > 0, smh / jnp.maximum(dg, 1.0) + b_ref[...], 0.0)

    u = [mean_half(af, gf, bf, h) + mean_half(acb, gcb, bcb, h)
         for h in range(2)]
    i = [mean_half(ac, gc, bc, h) for h in range(2)]
    ou[...] = jnp.concatenate(u, axis=1)
    oi[...] = jnp.concatenate(i, axis=1)


def _comb2(af, acb, ac, gf, gcb, gc, bf, bcb, bc):
    B2 = 1000
    acc = pl.BlockSpec((NC, B2, 2 * O), lambda i: (0, i, 0))
    deg = pl.BlockSpec((NC, B2, 16), lambda i: (0, i, 0))
    bia = pl.BlockSpec((1, O), lambda i: (0, 0))
    row = pl.BlockSpec((B2, 2 * O), lambda i: (i, 0))
    return pl.pallas_call(
        _comb2_body,
        grid=(N // (2 * B2),),
        in_specs=[acc, acc, acc, deg, deg, deg, bia, bia, bia],
        out_specs=[row, row],
        out_shape=[jax.ShapeDtypeStruct((N // 2, 2 * O), jnp.float32)] * 2,
    )(af, acb, ac, gf, gcb, gc, bf, bcb, bc)



def _pad_edges(e):
    ne = e.shape[1]
    per = -(-ne // NTILE)
    ep0 = per * NTILE
    src = jnp.concatenate([e[0], jnp.zeros((ep0 - ne,), jnp.int32)])
    dst = jnp.concatenate([e[1], jnp.full((ep0 - ne,), N, jnp.int32)])
    cpt = -(-per // C)
    cpt += cpt % 2
    ept = cpt * C
    pad = ept - per
    spad = jnp.arange(pad, dtype=jnp.int32) % N
    dpad = N + jnp.arange(pad, dtype=jnp.int32) % (NPAD - N)
    src = jnp.concatenate([src.reshape(NTILE, per),
                           jnp.broadcast_to(spad, (NTILE, pad))],
                          axis=1).reshape(-1)
    dst = jnp.concatenate([dst.reshape(NTILE, per),
                           jnp.broadcast_to(dpad, (NTILE, pad))],
                          axis=1).reshape(-1)
    return src, dst


@jax.jit
def kernel(feat_user, feat_item, edges_follows, edges_clicks,
           edges_clicked_by, W1_f, b1_f, W1_c, b1_c, W1_cb, b1_cb,
           W2_f, b2_f, W2_c, b2_c, W2_cb, b2_cb):
    fu = jnp.pad(feat_user, ((0, NPAD - N), (0, 0)))
    fi = jnp.pad(feat_item, ((0, NPAD - N), (0, 0)))
    sf, df = _pad_edges(edges_follows)
    sc_, dc = _pad_edges(edges_clicks)
    scb, dcb = _pad_edges(edges_clicked_by)

    zrD = jnp.zeros((C, D), jnp.float32)
    zrO = jnp.zeros((C, O), jnp.float32)
    ones8 = jnp.ones((C, 8), jnp.float32)
    zdeg = jnp.zeros((NPAD, 8), jnp.float32)

    gf, gc, gcb = _make_deg()(df, dc, dcb, ones8, zdeg)

    t1f, t1c, t1cb = _mm3(fu, fi, W1_f, W1_c, W1_cb)
    af, ac, acb = _make_agg(D)(t1f, t1c, t1cb, sf, df, sc_, dc, scb, dcb,
                               zrD)
    af = af.reshape(NC, NPAD, D)
    ac = ac.reshape(NC, NPAD, D)
    acb = acb.reshape(NC, NPAD, D)

    t2f, t2c, t2cb = _comb1(af, acb, ac, gf, gcb, gc,
                            b1_f.reshape(1, D), b1_cb.reshape(1, D),
                            b1_c.reshape(1, D), W2_f, W2_c, W2_cb)

    a2f, a2c, a2cb = _make_agg(O)(t2f, t2c, t2cb, sf, df, sc_, dc,
                                  scb, dcb, zrO)
    a2f = a2f.reshape(NC, NPAD // 2, 2 * O)
    a2c = a2c.reshape(NC, NPAD // 2, 2 * O)
    a2cb = a2cb.reshape(NC, NPAD // 2, 2 * O)
    gfp = gf.reshape(NC, NPAD // 2, 16)
    gcp = gc.reshape(NC, NPAD // 2, 16)
    gcbp = gcb.reshape(NC, NPAD // 2, 16)

    u2, i2 = _comb2(a2f, a2cb, a2c, gfp, gcbp, gcp,
                    b2_f.reshape(1, O), b2_cb.reshape(1, O),
                    b2_c.reshape(1, O))
    return u2.reshape(N, O), i2.reshape(N, O)

# --- scband reference (transcript-rebuilt; emitter-appended) ---
"""Pipeline reference for scband-hetero-rgcn-41455024340998 (READ-ONLY COPY).

The authoritative reference and input builder live on the scoring server;
editing this copy changes nothing except your own understanding.
"""

import jax, jax.numpy as jnp
import numpy as np

N_USER = 10000
N_ITEM = 10000
D = 128
H = 128
O = 64
E = 100000


def _mean_agg(wh_src, edges, n_dst):
    # copy_u -> mean aggregation per destination node (DGL fn.copy_u + fn.mean)
    src = edges[0]
    dst = edges[1]
    msgs = jnp.take(wh_src, src, axis=0)
    s = jax.ops.segment_sum(msgs, dst, num_segments=n_dst)
    deg = jax.ops.segment_sum(jnp.ones((edges.shape[1],), dtype=wh_src.dtype), dst, num_segments=n_dst)
    return jnp.where(deg[:, None] > 0, s / jnp.maximum(deg, 1.0)[:, None], 0.0)


def _lin_init(k, fan_in, fan_out):
    bound = 1.0 / np.sqrt(fan_in)
    w = jax.random.uniform(k, (fan_in, fan_out), jnp.float32, -bound, bound)
    b = jnp.zeros((fan_out,), jnp.float32)
    return w, b


def setup_inputs(seed: int = 0) -> dict:
    key = jax.random.key(seed)
    ks = jax.random.split(key, 12)
    feat_user = jax.random.normal(ks[0], (N_USER, D), jnp.float32)
    feat_item = jax.random.normal(ks[1], (N_ITEM, D), jnp.float32)
    edges_follows = jax.random.randint(ks[2], (2, E), 0, N_USER, dtype=jnp.int32)
    edges_clicks = jax.random.randint(ks[3], (2, E), 0, N_ITEM, dtype=jnp.int32)
    edges_clicks = edges_clicks.at[0].set(jax.random.randint(ks[4], (E,), 0, N_USER, dtype=jnp.int32))
    edges_clicked_by = jax.random.randint(ks[5], (2, E), 0, N_USER, dtype=jnp.int32)
    edges_clicked_by = edges_clicked_by.at[0].set(jax.random.randint(ks[6], (E,), 0, N_ITEM, dtype=jnp.int32))
    W1_f, b1_f = _lin_init(ks[7], D, H)
    W1_c, b1_c = _lin_init(ks[8], D, H)
    W1_cb, b1_cb = _lin_init(ks[9], D, H)
    W2_f, b2_f = _lin_init(ks[10], H, O)
    W2_c, b2_c = _lin_init(ks[11], H, O)
    W2_cb, b2_cb = _lin_init(jax.random.fold_in(key, 99), H, O)
    return {
        "feat_user": feat_user, "feat_item": feat_item,
        "edges_follows": edges_follows, "edges_clicks": edges_clicks, "edges_clicked_by": edges_clicked_by,
        "W1_f": W1_f, "b1_f": b1_f, "W1_c": W1_c, "b1_c": b1_c, "W1_cb": W1_cb, "b1_cb": b1_cb,
        "W2_f": W2_f, "b2_f": b2_f, "W2_c": W2_c, "b2_c": b2_c, "W2_cb": W2_cb, "b2_cb": b2_cb,
    }


def _layer(h_user, h_item, edges_follows, edges_clicks, edges_clicked_by,
           W_f, b_f, W_c, b_c, W_cb, b_cb):
    # per-etype linear on source features
    Wh_f = h_user @ W_f + b_f      # user -follows-> user
    Wh_c = h_user @ W_c + b_c      # user -clicks-> item
    Wh_cb = h_item @ W_cb + b_cb   # item -clicked_by-> user
    # multi_update_all with per-etype mean, cross-etype 'sum'
    out_user = _mean_agg(Wh_f, edges_follows, N_USER) + _mean_agg(Wh_cb, edges_clicked_by, N_USER)
    out_item = _mean_agg(Wh_c, edges_clicks, N_ITEM)
    return out_user, out_item


def reference(feat_user, feat_item, edges_follows, edges_clicks, edges_clicked_by,
              W1_f, b1_f, W1_c, b1_c, W1_cb, b1_cb,
              W2_f, b2_f, W2_c, b2_c, W2_cb, b2_cb):
    h_user, h_item = _layer(feat_user, feat_item, edges_follows, edges_clicks, edges_clicked_by,
                            W1_f, b1_f, W1_c, b1_c, W1_cb, b1_cb)
    h_user = jax.nn.leaky_relu(h_user, negative_slope=0.01)
    h_item = jax.nn.leaky_relu(h_item, negative_slope=0.01)
    h_user2, h_item2 = _layer(h_user, h_item, edges_follows, edges_clicks, edges_clicked_by,
                              W2_f, b2_f, W2_c, b2_c, W2_cb, b2_cb)
    return (h_user2, h_item2)

if __name__ == "__main__":
    import jax
    _d = setup_inputs()
    print(jax.jit(kernel)(*tuple(_d.values())))

</pallas_src>

<mosaic_0001>
#map = affine_map<(d0, d1) -> (0, 0)>
#map1 = affine_map<(d0, d1) -> (0)>
module attributes {stable_mosaic.version = 14 : i64} {
  func.func @body(%arg0: i32, %arg1: i32, %arg2: memref<10240x128xf32, #tpu.memory_space<hbm>>, %arg3: memref<10240x128xf32, #tpu.memory_space<hbm>>, %arg4: memref<10240x128xf32, #tpu.memory_space<hbm>>, %arg5: memref<106496xi32, #tpu.memory_space<hbm>>, %arg6: memref<106496xi32, #tpu.memory_space<hbm>>, %arg7: memref<106496xi32, #tpu.memory_space<hbm>>, %arg8: memref<106496xi32, #tpu.memory_space<hbm>>, %arg9: memref<106496xi32, #tpu.memory_space<hbm>>, %arg10: memref<106496xi32, #tpu.memory_space<hbm>>, %arg11: memref<128x128xf32, #tpu.memory_space<hbm>>, %arg12: memref<20480x128xf32, #tpu.memory_space<hbm>>, %arg13: memref<20480x128xf32, #tpu.memory_space<hbm>>, %arg14: memref<20480x128xf32, #tpu.memory_space<hbm>>, %arg15: memref<10240x128xf32, #tpu.memory_space<vmem_shared>>, %arg16: memref<128xi32, #tpu.memory_space<vmem>>, %arg17: memref<128xi32, #tpu.memory_space<vmem>>, %arg18: memref<128xi32, #tpu.memory_space<vmem>>, %arg19: memref<128xi32, #tpu.memory_space<vmem>>, %arg20: memref<128x128xf32, #tpu.memory_space<vmem>>, %arg21: memref<128x128xf32, #tpu.memory_space<vmem>>, %arg22: memref<!tpu.dma_semaphore, #tpu.memory_space<semaphore_mem>>, %arg23: memref<!tpu.dma_semaphore, #tpu.memory_space<semaphore_mem>>, %arg24: memref<!tpu.dma_semaphore, #tpu.memory_space<semaphore_mem>>, %arg25: memref<!tpu.dma_semaphore, #tpu.memory_space<semaphore_mem>>, %arg26: memref<!tpu.dma_semaphore, #tpu.memory_space<semaphore_mem>>, %arg27: memref<!tpu.dma_semaphore, #tpu.memory_space<semaphore_mem>>) attributes {dimension_semantics = [#tpu.dimension_semantics<core_parallel>, #tpu.dimension_semantics<subcore_parallel>], iteration_bounds = array<i64: 2, 16>, scalar_prefetch = 0 : i64, scratch_operands = 13 : i64, tpu.core_type = #tpu.core_type<sc_vector_subcore>, window_params = [{transform_indices = #map}, {transform_indices = #map}, {transform_indices = #map}, {transform_indices = #map1}, {transform_indices = #map1}, {transform_indices = #map1}, {transform_indices = #map1}, {transform_indices = #map1}, {transform_indices = #map1}, {transform_indices = #map}, {transform_indices = #map}, {transform_indices = #map}, {transform_indices = #map}]} {
    %mul3A = arith.constant 16 : i32
    %mul3A_0 = arith.muli %arg0, %mul3A : i32
    %add3A = arith.addi %mul3A_0, %arg1 : i32
    %mul3A_1 = arith.constant 3328 : i32
    %mul3A_2 = arith.muli %add3A, %mul3A_1 : i32
    %mul3A_3 = arith.constant 640 : i32
    %mul3A_4 = arith.muli %arg1, %mul3A_3 : i32
    %mul3A_5 = arith.constant 10240 : i32
    %mul3A_6 = arith.muli %arg0, %mul3A_5 : i32
    %mul3A_7 = arith.constant 640 : i32
    %mul3A_8 = arith.muli %arg1, %mul3A_7 : i32
    %add3A_9 = arith.addi %mul3A_6, %mul3A_8 : i32
    "tpu.region"() ({
      %run_scoped3A = tpu.sem_alloc : memref<!tpu.dma_semaphore, #tpu.memory_space<semaphore_mem>>
      tpu.enqueue_dma source(%arg11 : memref<128x128xf32, #tpu.memory_space<hbm>>) target(%arg20 : memref<128x128xf32, #tpu.memory_space<vmem>>) target_semaphore(%run_scoped3A : memref<!tpu.dma_semaphore, #tpu.memory_space<semaphore_mem>>)
      tpu.wait_dma2 semaphore(%run_scoped3A : memref<!tpu.dma_semaphore, #tpu.memory_space<semaphore_mem>>) src(%arg11 : memref<128x128xf32, #tpu.memory_space<hbm>>) dst(%arg20 : memref<128x128xf32, #tpu.memory_space<vmem>>)
      tpu.yield
    }) : () -> ()
    %add3A_10 = arith.constant 0 : i32
    %add3A_11 = arith.addi %mul3A_4, %add3A_10 : i32
    "tpu.region"() ({
      %run_scoped3A = tpu.sem_alloc : memref<!tpu.dma_semaphore, #tpu.memory_space<semaphore_mem>>
      %dma_start3A_338 = arith.constant 0 : i32
      %dma_start3A_339 = tpu.memref_slice %arg15[%add3A_11, %dma_start3A_338] : memref<10240x128xf32, #tpu.memory_space<vmem_shared>> -> memref<128x128xf32, #tpu.memory_space<vmem_shared>>
      %dma_start3A_340 = arith.constant 0 : i32
      %dma_start3A_341 = tpu.memref_slice %arg15[%add3A_11, %dma_start3A_340] : memref<10240x128xf32, #tpu.memory_space<vmem_shared>> -> memref<128x128xf32, #tpu.memory_space<vmem_shared>>
      tpu.enqueue_dma source(%arg20 : memref<128x128xf32, #tpu.memory_space<vmem>>) target(%dma_start3A_341 : memref<128x128xf32, #tpu.memory_space<vmem_shared>>) target_semaphore(%run_scoped3A : memref<!tpu.dma_semaphore, #tpu.memory_space<semaphore_mem>>)
      %dma_wait3A_342 = arith.constant 0 : i32
      %dma_wait3A_343 = tpu.memref_slice %arg15[%add3A_11, %dma_wait3A_342] : memref<10240x128xf32, #tpu.memory_space<vmem_shared>> -> memref<128x128xf32, #tpu.memory_space<vmem_shared>>
      %dma_wait3A_344 = arith.constant 0 : i32
      %dma_wait3A_345 = tpu.memref_slice %arg15[%add3A_11, %dma_wait3A_344] : memref<10240x128xf32, #tpu.memory_space<vmem_shared>> -> memref<128x128xf32, #tpu.memory_space<vmem_shared>>
      tpu.wait_dma2 semaphore(%run_scoped3A : memref<!tpu.dma_semaphore, #tpu.memory_space<semaphore_mem>>) src(%arg20 : memref<128x128xf32, #tpu.memory_space<vmem>>) dst(%dma_wait3A_345 : memref<128x128xf32, #tpu.memory_space<vmem_shared>>)
      tpu.yield
    }) : () -> ()
    %add3A_12 = arith.constant 128 : i32
    %add3A_13 = arith.addi %mul3A_4, %add3A_12 : i32
    "tpu.region"() ({
      %run_scoped3A = tpu.sem_alloc : memref<!tpu.dma_semaphore, #tpu.memory_space<semaphore_mem>>
      %dma_start3A_338 = arith.constant 0 : i32
      %dma_start3A_339 = tpu.memref_slice %arg15[%add3A_13, %dma_start3A_338] : memref<10240x128xf32, #tpu.memory_space<vmem_shared>> -> memref<128x128xf32, #tpu.memory_space<vmem_shared>>
      %dma_start3A_340 = arith.constant 0 : i32
      %dma_start3A_341 = tpu.memref_slice %arg15[%add3A_13, %dma_start3A_340] : memref<10240x128xf32, #tpu.memory_space<vmem_shared>> -> memref<128x128xf32, #tpu.memory_space<vmem_shared>>
      tpu.enqueue_dma source(%arg20 : memref<128x128xf32, #tpu.memory_space<vmem>>) target(%dma_start3A_341 : memref<128x128xf32, #tpu.memory_space<vmem_shared>>) target_semaphore(%run_scoped3A : memref<!tpu.dma_semaphore, #tpu.memory_space<semaphore_mem>>)
      %dma_wait3A_342 = arith.constant 0 : i32
      %dma_wait3A_343 = tpu.memref_slice %arg15[%add3A_13, %dma_wait3A_342] : memref<10240x128xf32, #tpu.memory_space<vmem_shared>> -> memref<128x128xf32, #tpu.memory_space<vmem_shared>>
      %dma_wait3A_344 = arith.constant 0 : i32
      %dma_wait3A_345 = tpu.memref_slice %arg15[%add3A_13, %dma_wait3A_344] : memref<10240x128xf32, #tpu.memory_space<vmem_shared>> -> memref<128x128xf32, #tpu.memory_space<vmem_shared>>
      tpu.wait_dma2 semaphore(%run_scoped3A : memref<!tpu.dma_semaphore, #tpu.memory_space<semaphore_mem>>) src(%arg20 : memref<128x128xf32, #tpu.memory_space<vmem>>) dst(%dma_wait3A_345 : memref<128x128xf32, #tpu.memory_space<vmem_shared>>)
      tpu.yield
    }) : () -> ()
    %add3A_14 = arith.constant 256 : i32
    %add3A_15 = arith.addi %mul3A_4, %add3A_14 : i32
    "tpu.region"() ({
      %run_scoped3A = tpu.sem_alloc : memref<!tpu.dma_semaphore, #tpu.memory_space<semaphore_mem>>
      %dma_start3A_338 = arith.constant 0 : i32
      %dma_start3A_339 = tpu.memref_slice %arg15[%add3A_15, %dma_start3A_338] : memref<10240x128xf32, #tpu.memory_space<vmem_shared>> -> memref<128x128xf32, #tpu.memory_space<vmem_shared>>
      %dma_start3A_340 = arith.constant 0 : i32
      %dma_start3A_341 = tpu.memref_slice %arg15[%add3A_15, %dma_start3A_340] : memref<10240x128xf32, #tpu.memory_space<vmem_shared>> -> memref<128x128xf32, #tpu.memory_space<vmem_shared>>
      tpu.enqueue_dma source(%arg20 : memref<128x128xf32, #tpu.memory_space<vmem>>) target(%dma_start3A_341 : memref<128x128xf32, #tpu.memory_space<vmem_shared>>) target_semaphore(%run_scoped3A : memref<!tpu.dma_semaphore, #tpu.memory_space<semaphore_mem>>)
      %dma_wait3A_342 = arith.constant 0 : i32
      %dma_wait3A_343 = tpu.memref_slice %arg15[%add3A_15, %dma_wait3A_342] : memref<10240x128xf32, #tpu.memory_space<vmem_shared>> -> memref<128x128xf32, #tpu.memory_space<vmem_shared>>
      %dma_wait3A_344 = arith.constant 0 : i32
      %dma_wait3A_345 = tpu.memref_slice %arg15[%add3A_15, %dma_wait3A_344] : memref<10240x128xf32, #tpu.memory_space<vmem_shared>> -> memref<128x128xf32, #tpu.memory_space<vmem_shared>>
      tpu.wait_dma2 semaphore(%run_scoped3A : memref<!tpu.dma_semaphore, #tpu.memory_space<semaphore_mem>>) src(%arg20 : memref<128x128xf32, #tpu.memory_space<vmem>>) dst(%dma_wait3A_345 : memref<128x128xf32, #tpu.memory_space<vmem_shared>>)
      tpu.yield
    }) : () -> ()
    %add3A_16 = arith.constant 384 : i32
    %add3A_17 = arith.addi %mul3A_4, %add3A_16 : i32
    "tpu.region"() ({
      %run_scoped3A = tpu.sem_alloc : memref<!tpu.dma_semaphore, #tpu.memory_space<semaphore_mem>>
      %dma_start3A_338 = arith.constant 0 : i32
      %dma_start3A_339 = tpu.memref_slice %arg15[%add3A_17, %dma_start3A_338] : memref<10240x128xf32, #tpu.memory_space<vmem_shared>> -> memref<128x128xf32, #tpu.memory_space<vmem_shared>>
      %dma_start3A_340 = arith.constant 0 : i32
      %dma_start3A_341 = tpu.memref_slice %arg15[%add3A_17, %dma_start3A_340] : memref<10240x128xf32, #tpu.memory_space<vmem_shared>> -> memref<128x128xf32, #tpu.memory_space<vmem_shared>>
      tpu.enqueue_dma source(%arg20 : memref<128x128xf32, #tpu.memory_space<vmem>>) target(%dma_start3A_341 : memref<128x128xf32, #tpu.memory_space<vmem_shared>>) target_semaphore(%run_scoped3A : memref<!tpu.dma_semaphore, #tpu.memory_space<semaphore_mem>>)
      %dma_wait3A_342 = arith.constant 0 : i32
      %dma_wait3A_343 = tpu.memref_slice %arg15[%add3A_17, %dma_wait3A_342] : memref<10240x128xf32, #tpu.memory_space<vmem_shared>> -> memref<128x128xf32, #tpu.memory_space<vmem_shared>>
      %dma_wait3A_344 = arith.constant 0 : i32
      %dma_wait3A_345 = tpu.memref_slice %arg15[%add3A_17, %dma_wait3A_344] : memref<10240x128xf32, #tpu.memory_space<vmem_shared>> -> memref<128x128xf32, #tpu.memory_space<vmem_shared>>
      tpu.wait_dma2 semaphore(%run_scoped3A : memref<!tpu.dma_semaphore, #tpu.memory_space<semaphore_mem>>) src(%arg20 : memref<128x128xf32, #tpu.memory_space<vmem>>) dst(%dma_wait3A_345 : memref<128x128xf32, #tpu.memory_space<vmem_shared>>)
      tpu.yield
    }) : () -> ()
    %add3A_18 = arith.constant 512 : i32
    %add3A_19 = arith.addi %mul3A_4, %add3A_18 : i32
    "tpu.region"() ({
      %run_scoped3A = tpu.sem_alloc : memref<!tpu.dma_semaphore, #tpu.memory_space<semaphore_mem>>
      %dma_start3A_338 = arith.constant 0 : i32
      %dma_start3A_339 = tpu.memref_slice %arg15[%add3A_19, %dma_start3A_338] : memref<10240x128xf32, #tpu.memory_space<vmem_shared>> -> memref<128x128xf32, #tpu.memory_space<vmem_shared>>
      %dma_start3A_340 = arith.constant 0 : i32
      %dma_start3A_341 = tpu.memref_slice %arg15[%add3A_19, %dma_start3A_340] : memref<10240x128xf32, #tpu.memory_space<vmem_shared>> -> memref<128x128xf32, #tpu.memory_space<vmem_shared>>
      tpu.enqueue_dma source(%arg20 : memref<128x128xf32, #tpu.memory_space<vmem>>) target(%dma_start3A_341 : memref<128x128xf32, #tpu.memory_space<vmem_shared>>) target_semaphore(%run_scoped3A : memref<!tpu.dma_semaphore, #tpu.memory_space<semaphore_mem>>)
      %dma_wait3A_342 = arith.constant 0 : i32
      %dma_wait3A_343 = tpu.memref_slice %arg15[%add3A_19, %dma_wait3A_342] : memref<10240x128xf32, #tpu.memory_space<vmem_shared>> -> memref<128x128xf32, #tpu.memory_space<vmem_shared>>
      %dma_wait3A_344 = arith.constant 0 : i32
      %dma_wait3A_345 = tpu.memref_slice %arg15[%add3A_19, %dma_wait3A_344] : memref<10240x128xf32, #tpu.memory_space<vmem_shared>> -> memref<128x128xf32, #tpu.memory_space<vmem_shared>>
      tpu.wait_dma2 semaphore(%run_scoped3A : memref<!tpu.dma_semaphore, #tpu.memory_space<semaphore_mem>>) src(%arg20 : memref<128x128xf32, #tpu.memory_space<vmem>>) dst(%dma_wait3A_345 : memref<128x128xf32, #tpu.memory_space<vmem_shared>>)
      tpu.yield
    }) : () -> ()
    %barrier3A = arith.constant 0 : index
    tpu.barrier barrier_id(%barrier3A)
    %add3A_20 = arith.constant 0 : i32
    %add3A_21 = arith.addi %mul3A_2, %add3A_20 : i32
    %multiple_of3A = tpu.assume_multiple %add3A_21, 128 : i32
    %dma_start3A = tpu.memref_slice %arg5[%multiple_of3A] : memref<106496xi32, #tpu.memory_space<hbm>> -> memref<128xi32, #tpu.memory_space<hbm>>
    %dma_start3A_22 = tpu.memref_slice %arg5[%multiple_of3A] : memref<106496xi32, #tpu.memory_space<hbm>> -> memref<128xi32, #tpu.memory_space<hbm>>
    tpu.enqueue_dma source(%dma_start3A_22 : memref<128xi32, #tpu.memory_space<hbm>>) target(%arg16 : memref<128xi32, #tpu.memory_space<vmem>>) target_semaphore(%arg22 : memref<!tpu.dma_semaphore, #tpu.memory_space<semaphore_mem>>)
    %dma_start3A_23 = tpu.memref_slice %arg6[%multiple_of3A] : memref<106496xi32, #tpu.memory_space<hbm>> -> memref<128xi32, #tpu.memory_space<hbm>>
    %dma_start3A_24 = tpu.memref_slice %arg6[%multiple_of3A] : memref<106496xi32, #tpu.memory_space<hbm>> -> memref<128xi32, #tpu.memory_space<hbm>>
    tpu.enqueue_dma source(%dma_start3A_24 : memref<128xi32, #tpu.memory_space<hbm>>) target(%arg18 : memref<128xi32, #tpu.memory_space<vmem>>) target_semaphore(%arg22 : memref<!tpu.dma_semaphore, #tpu.memory_space<semaphore_mem>>)
    %add3A_25 = arith.constant 0 : i32
    %add3A_26 = arith.addi %mul3A_2, %add3A_25 : i32
    %multiple_of3A_27 = tpu.assume_multiple %add3A_26, 128 : i32
    %dma_wait3A = tpu.memref_slice %arg5[%multiple_of3A_27] : memref<106496xi32, #tpu.memory_space<hbm>> -> memref<128xi32, #tpu.memory_space<hbm>>
    %dma_wait3A_28 = tpu.memref_slice %arg5[%multiple_of3A_27] : memref<106496xi32, #tpu.memory_space<hbm>> -> memref<128xi32, #tpu.memory_space<hbm>>
    tpu.wait_dma2 semaphore(%arg22 : memref<!tpu.dma_semaphore, #tpu.memory_space<semaphore_mem>>) src(%dma_wait3A_28 : memref<128xi32, #tpu.memory_space<hbm>>) dst(%arg16 : memref<128xi32, #tpu.memory_space<vmem>>)
    %dma_wait3A_29 = tpu.memref_slice %arg6[%multiple_of3A_27] : memref<106496xi32, #tpu.memory_space<hbm>> -> memref<128xi32, #tpu.memory_space<hbm>>
    %dma_wait3A_30 = tpu.memref_slice %arg6[%multiple_of3A_27] : memref<106496xi32, #tpu.memory_space<hbm>> -> memref<128xi32, #tpu.memory_space<hbm>>
    tpu.wait_dma2 semaphore(%arg22 : memref<!tpu.dma_semaphore, #tpu.memory_space<semaphore_mem>>) src(%dma_wait3A_30 : memref<128xi32, #tpu.memory_space<hbm>>) dst(%arg18 : memref<128xi32, #tpu.memory_space<vmem>>)
    %dma_start3A_31 = arith.constant 0 : i32
    %dma_start3A_32 = arith.constant 0 : i32
    %dma_start3A_33 = tpu.memref_slice %arg2[%dma_start3A_31, %dma_start3A_32] : memref<10240x128xf32, #tpu.memory_space<hbm>> -> memref<10240x128xf32, #tpu.memory_space<hbm>>
    tpu.enqueue_indirect_dma source(%dma_start3A_33 : memref<10240x128xf32, #tpu.memory_space<hbm>>) target(%arg20 : memref<128x128xf32, #tpu.memory_space<vmem>>) offsets(%arg16 : memref<128xi32, #tpu.memory_space<vmem>>) semaphore(%arg24 : memref<!tpu.dma_semaphore, #tpu.memory_space<semaphore_mem>>)
    %add3A_34 = arith.constant 128 : i32
    %add3A_35 = arith.addi %mul3A_2, %add3A_34 : i32
    %multiple_of3A_36 = tpu.assume_multiple %add3A_35, 128 : i32
    %dma_start3A_37 = tpu.memref_slice %arg5[%multiple_of3A_36] : memref<106496xi32, #tpu.memory_space<hbm>> -> memref<128xi32, #tpu.memory_space<hbm>>
    %dma_start3A_38 = tpu.memref_slice %arg5[%multiple_of3A_36] : memref<106496xi32, #tpu.memory_space<hbm>> -> memref<128xi32, #tpu.memory_space<hbm>>
    tpu.enqueue_dma source(%dma_start3A_38 : memref<128xi32, #tpu.memory_space<hbm>>) target(%arg17 : memref<128xi32, #tpu.memory_space<vmem>>) target_semaphore(%arg23 : memref<!tpu.dma_semaphore, #tpu.memory_space<semaphore_mem>>)
    %dma_start3A_39 = tpu.memref_slice %arg6[%multiple_of3A_36] : memref<106496xi32, #tpu.memory_space<hbm>> -> memref<128xi32, #tpu.memory_space<hbm>>
    %dma_start3A_40 = tpu.memref_slice %arg6[%multiple_of3A_36] : memref<106496xi32, #tpu.memory_space<hbm>> -> memref<128xi32, #tpu.memory_space<hbm>>
    tpu.enqueue_dma source(%dma_start3A_40 : memref<128xi32, #tpu.memory_space<hbm>>) target(%arg19 : memref<128xi32, #tpu.memory_space<vmem>>) target_semaphore(%arg23 : memref<!tpu.dma_semaphore, #tpu.memory_space<semaphore_mem>>)
    %scan3A = arith.constant 0 : i32
    %scan3A_41 = arith.constant 13 : i32
    %scan3A_42 = arith.addi %scan3A, %scan3A_41 : i32
    %scan3A_43 = arith.constant 1 : i32
    scf.for %scan3A_338 = %scan3A to %scan3A_42 step %scan3A_43  : i32 {
      %mul3A_339 = arith.constant 2 : i32
      %mul3A_340 = arith.muli %scan3A_338, %mul3A_339 : i32
      %add3A_341 = arith.constant 0 : i32
      %add3A_342 = arith.addi %add3A_341, %mul3A_340 : i32
      %add3A_343 = arith.constant 0 : i32
      %add3A_344 = arith.addi %add3A_342, %add3A_343 : i32
      %add3A_345 = arith.constant 1 : i32
      %add3A_346 = arith.addi %add3A_344, %add3A_345 : i32
      %lt3A = arith.constant 26 : i32
      %lt3A_347 = arith.cmpi slt, %add3A_346, %lt3A : i32
      %convert_element_type3A = arith.extui %lt3A_347 : i1 to i32
      %cond3A = arith.constant 0 : i32
      %cond3A_348 = arith.cmpi ne, %convert_element_type3A, %cond3A : i32
      scf.if %cond3A_348 {
        %add3A_378 = arith.constant 1 : i32
        %add3A_379 = arith.addi %add3A_344, %add3A_378 : i32
        %mul3A_380 = arith.constant 128 : i32
        %mul3A_381 = arith.muli %add3A_379, %mul3A_380 : i32
        %add3A_382 = arith.addi %mul3A_2, %mul3A_381 : i32
        %multiple_of3A_383 = tpu.assume_multiple %add3A_382, 128 : i32
        %dma_wait3A_384 = tpu.memref_slice %arg5[%multiple_of3A_383] : memref<106496xi32, #tpu.memory_space<hbm>> -> memref<128xi32, #tpu.memory_space<hbm>>
        %dma_wait3A_385 = tpu.memref_slice %arg5[%multiple_of3A_383] : memref<106496xi32, #tpu.memory_space<hbm>> -> memref<128xi32, #tpu.memory_space<hbm>>
        tpu.wait_dma2 semaphore(%arg23 : memref<!tpu.dma_semaphore, #tpu.memory_space<semaphore_mem>>) src(%dma_wait3A_385 : memref<128xi32, #tpu.memory_space<hbm>>) dst(%arg17 : memref<128xi32, #tpu.memory_space<vmem>>)
        %dma_wait3A_386 = tpu.memref_slice %arg6[%multiple_of3A_383] : memref<106496xi32, #tpu.memory_space<hbm>> -> memref<128xi32, #tpu.memory_space<hbm>>
        %dma_wait3A_387 = tpu.memref_slice %arg6[%multiple_of3A_383] : memref<106496xi32, #tpu.memory_space<hbm>> -> memref<128xi32, #tpu.memory_space<hbm>>
        tpu.wait_dma2 semaphore(%arg23 : memref<!tpu.dma_semaphore, #tpu.memory_space<semaphore_mem>>) src(%dma_wait3A_387 : memref<128xi32, #tpu.memory_space<hbm>>) dst(%arg19 : memref<128xi32, #tpu.memory_space<vmem>>)
        %dma_start3A_388 = arith.constant 0 : i32
        %dma_start3A_389 = arith.constant 0 : i32
        %dma_start3A_390 = tpu.memref_slice %arg2[%dma_start3A_388, %dma_start3A_389] : memref<10240x128xf32, #tpu.memory_space<hbm>> -> memref<10240x128xf32, #tpu.memory_space<hbm>>
        tpu.enqueue_indirect_dma source(%dma_start3A_390 : memref<10240x128xf32, #tpu.memory_space<hbm>>) target(%arg21 : memref<128x128xf32, #tpu.memory_space<vmem>>) offsets(%arg17 : memref<128xi32, #tpu.memory_space<vmem>>) semaphore(%arg25 : memref<!tpu.dma_semaphore, #tpu.memory_space<semaphore_mem>>)
      } else {
      }
      %dma_wait3A_349 = arith.constant 0 : i32
      %dma_wait3A_350 = arith.constant 0 : i32
      %dma_wait3A_351 = tpu.memref_slice %arg2[%dma_wait3A_349, %dma_wait3A_350] : memref<10240x128xf32, #tpu.memory_space<hbm>> -> memref<10240x128xf32, #tpu.memory_space<hbm>>
      tpu.wait_indirect_dma semaphore(%arg24 : memref<!tpu.dma_semaphore, #tpu.memory_space<semaphore_mem>>) src(%dma_wait3A_351 : memref<10240x128xf32, #tpu.memory_space<hbm>>) dst(%arg20 : memref<128x128xf32, #tpu.memory_space<vmem>>)
      "tpu.region"() ({
        %run_scoped3A = tpu.sem_alloc : memref<!tpu.dma_semaphore, #tpu.memory_space<semaphore_mem>>
        %dma_start3A_378 = arith.constant 0 : i32
        %dma_start3A_379 = arith.constant 0 : i32
        %dma_start3A_380 = tpu.memref_slice %arg15[%dma_start3A_378, %dma_start3A_379] : memref<10240x128xf32, #tpu.memory_space<vmem_shared>> -> memref<10240x128xf32, #tpu.memory_space<vmem_shared>>
        tpu.enqueue_indirect_dma source(%arg20 : memref<128x128xf32, #tpu.memory_space<vmem>>) target(%dma_start3A_380 : memref<10240x128xf32, #tpu.memory_space<vmem_shared>>) offsets(%arg18 : memref<128xi32, #tpu.memory_space<vmem>>) semaphore(%run_scoped3A : memref<!tpu.dma_semaphore, #tpu.memory_space<semaphore_mem>>) {add = true}
        %dma_wait3A_381 = arith.constant 0 : i32
        %dma_wait3A_382 = arith.constant 0 : i32
        %dma_wait3A_383 = tpu.memref_slice %arg15[%dma_wait3A_381, %dma_wait3A_382] : memref<10240x128xf32, #tpu.memory_space<vmem_shared>> -> memref<10240x128xf32, #tpu.memory_space<vmem_shared>>
        tpu.wait_indirect_dma semaphore(%run_scoped3A : memref<!tpu.dma_semaphore, #tpu.memory_space<semaphore_mem>>) src(%arg20 : memref<128x128xf32, #tpu.memory_space<vmem>>) dst(%dma_wait3A_383 : memref<10240x128xf32, #tpu.memory_space<vmem_shared>>)
        tpu.yield
      }) : () -> ()
      %add3A_352 = arith.constant 2 : i32
      %add3A_353 = arith.addi %add3A_344, %add3A_352 : i32
      %lt3A_354 = arith.constant 26 : i32
      %lt3A_355 = arith.cmpi slt, %add3A_353, %lt3A_354 : i32
      %convert_element_type3A_356 = arith.extui %lt3A_355 : i1 to i32
      %cond3A_357 = arith.constant 0 : i32
      %cond3A_358 = arith.cmpi ne, %convert_element_type3A_356, %cond3A_357 : i32
      scf.if %cond3A_358 {
        %add3A_378 = arith.constant 2 : i32
        %add3A_379 = arith.addi %add3A_344, %add3A_378 : i32
        %mul3A_380 = arith.constant 128 : i32
        %mul3A_381 = arith.muli %add3A_379, %mul3A_380 : i32
        %add3A_382 = arith.addi %mul3A_2, %mul3A_381 : i32
        %multiple_of3A_383 = tpu.assume_multiple %add3A_382, 128 : i32
        %dma_start3A_384 = tpu.memref_slice %arg5[%multiple_of3A_383] : memref<106496xi32, #tpu.memory_space<hbm>> -> memref<128xi32, #tpu.memory_space<hbm>>
        %dma_start3A_385 = tpu.memref_slice %arg5[%multiple_of3A_383] : memref<106496xi32, #tpu.memory_space<hbm>> -> memref<128xi32, #tpu.memory_space<hbm>>
        tpu.enqueue_dma source(%dma_start3A_385 : memref<128xi32, #tpu.memory_space<hbm>>) target(%arg16 : memref<128xi32, #tpu.memory_space<vmem>>) target_semaphore(%arg22 : memref<!tpu.dma_semaphore, #tpu.memory_space<semaphore_mem>>)
        %dma_start3A_386 = tpu.memref_slice %arg6[%multiple_of3A_383] : memref<106496xi32, #tpu.memory_space<hbm>> -> memref<128xi32, #tpu.memory_space<hbm>>
        %dma_start3A_387 = tpu.memref_slice %arg6[%multiple_of3A_383] : memref<106496xi32, #tpu.memory_space<hbm>> -> memref<128xi32, #tpu.memory_space<hbm>>
        tpu.enqueue_dma source(%dma_start3A_387 : memref<128xi32, #tpu.memory_space<hbm>>) target(%arg18 : memref<128xi32, #tpu.memory_space<vmem>>) target_semaphore(%arg22 : memref<!tpu.dma_semaphore, #tpu.memory_space<semaphore_mem>>)
      } else {
      }
      %add3A_359 = arith.constant 1 : i32
      %add3A_360 = arith.addi %add3A_342, %add3A_359 : i32
      %add3A_361 = arith.constant 1 : i32
      %add3A_362 = arith.addi %add3A_360, %add3A_361 : i32
      %lt3A_363 = arith.constant 26 : i32
      %lt3A_364 = arith.cmpi slt, %add3A_362, %lt3A_363 : i32
      %convert_element_type3A_365 = arith.extui %lt3A_364 : i1 to i32
      %cond3A_366 = arith.constant 0 : i32
      %cond3A_367 = arith.cmpi ne, %convert_element_type3A_365, %cond3A_366 : i32
      scf.if %cond3A_367 {
        %add3A_378 = arith.constant 1 : i32
        %add3A_379 = arith.addi %add3A_360, %add3A_378 : i32
        %mul3A_380 = arith.constant 128 : i32
        %mul3A_381 = arith.muli %add3A_379, %mul3A_380 : i32
        %add3A_382 = arith.addi %mul3A_2, %mul3A_381 : i32
        %multiple_of3A_383 = tpu.assume_multiple %add3A_382, 128 : i32
        %dma_wait3A_384 = tpu.memref_slice %arg5[%multiple_of3A_383] : memref<106496xi32, #tpu.memory_space<hbm>> -> memref<128xi32, #tpu.memory_space<hbm>>
        %dma_wait3A_385 = tpu.memref_slice %arg5[%multiple_of3A_383] : memref<106496xi32, #tpu.memory_space<hbm>> -> memref<128xi32, #tpu.memory_space<hbm>>
        tpu.wait_dma2 semaphore(%arg22 : memref<!tpu.dma_semaphore, #tpu.memory_space<semaphore_mem>>) src(%dma_wait3A_385 : memref<128xi32, #tpu.memory_space<hbm>>) dst(%arg16 : memref<128xi32, #tpu.memory_space<vmem>>)
        %dma_wait3A_386 = tpu.memref_slice %arg6[%multiple_of3A_383] : memref<106496xi32, #tpu.memory_space<hbm>> -> memref<128xi32, #tpu.memory_space<hbm>>
        %dma_wait3A_387 = tpu.memref_slice %arg6[%multiple_of3A_383] : memref<106496xi32, #tpu.memory_space<hbm>> -> memref<128xi32, #tpu.memory_space<hbm>>
        tpu.wait_dma2 semaphore(%arg22 : memref<!tpu.dma_semaphore, #tpu.memory_space<semaphore_mem>>) src(%dma_wait3A_387 : memref<128xi32, #tpu.memory_space<hbm>>) dst(%arg18 : memref<128xi32, #tpu.memory_space<vmem>>)
        %dma_start3A_388 = arith.constant 0 : i32
        %dma_start3A_389 = arith.constant 0 : i32
        %dma_start3A_390 = tpu.memref_slice %arg2[%dma_start3A_388, %dma_start3A_389] : memref<10240x128xf32, #tpu.memory_space<hbm>> -> memref<10240x128xf32, #tpu.memory_space<hbm>>
        tpu.enqueue_indirect_dma source(%dma_start3A_390 : memref<10240x128xf32, #tpu.memory_space<hbm>>) target(%arg20 : memref<128x128xf32, #tpu.memory_space<vmem>>) offsets(%arg16 : memref<128xi32, #tpu.memory_space<vmem>>) semaphore(%arg24 : memref<!tpu.dma_semaphore, #tpu.memory_space<semaphore_mem>>)
      } else {
      }
      %dma_wait3A_368 = arith.constant 0 : i32
      %dma_wait3A_369 = arith.constant 0 : i32
      %dma_wait3A_370 = tpu.memref_slice %arg2[%dma_wait3A_368, %dma_wait3A_369] : memref<10240x128xf32, #tpu.memory_space<hbm>> -> memref<10240x128xf32, #tpu.memory_space<hbm>>
      tpu.wait_indirect_dma semaphore(%arg25 : memref<!tpu.dma_semaphore, #tpu.memory_space<semaphore_mem>>) src(%dma_wait3A_370 : memref<10240x128xf32, #tpu.memory_space<hbm>>) dst(%arg21 : memref<128x128xf32, #tpu.memory_space<vmem>>)
      "tpu.region"() ({
        %run_scoped3A = tpu.sem_alloc : memref<!tpu.dma_semaphore, #tpu.memory_space<semaphore_mem>>
        %dma_start3A_378 = arith.constant 0 : i32
        %dma_start3A_379 = arith.constant 0 : i32
        %dma_start3A_380 = tpu.memref_slice %arg15[%dma_start3A_378, %dma_start3A_379] : memref<10240x128xf32, #tpu.memory_space<vmem_shared>> -> memref<10240x128xf32, #tpu.memory_space<vmem_shared>>
        tpu.enqueue_indirect_dma source(%arg21 : memref<128x128xf32, #tpu.memory_space<vmem>>) target(%dma_start3A_380 : memref<10240x128xf32, #tpu.memory_space<vmem_shared>>) offsets(%arg19 : memref<128xi32, #tpu.memory_space<vmem>>) semaphore(%run_scoped3A : memref<!tpu.dma_semaphore, #tpu.memory_space<semaphore_mem>>) {add = true}
        %dma_wait3A_381 = arith.constant 0 : i32
        %dma_wait3A_382 = arith.constant 0 : i32
        %dma_wait3A_383 = tpu.memref_slice %arg15[%dma_wait3A_381, %dma_wait3A_382] : memref<10240x128xf32, #tpu.memory_space<vmem_shared>> -> memref<10240x128xf32, #tpu.memory_space<vmem_shared>>
        tpu.wait_indirect_dma semaphore(%run_scoped3A : memref<!tpu.dma_semaphore, #tpu.memory_space<semaphore_mem>>) src(%arg21 : memref<128x128xf32, #tpu.memory_space<vmem>>) dst(%dma_wait3A_383 : memref<10240x128xf32, #tpu.memory_space<vmem_shared>>)
        tpu.yield
      }) : () -> ()
      %add3A_371 = arith.constant 2 : i32
      %add3A_372 = arith.addi %add3A_360, %add3A_371 : i32
      %lt3A_373 = arith.constant 26 : i32
      %lt3A_374 = arith.cmpi slt, %add3A_372, %lt3A_373 : i32
      %convert_element_type3A_375 = arith.extui %lt3A_374 : i1 to i32
      %cond3A_376 = arith.constant 0 : i32
      %cond3A_377 = arith.cmpi ne, %convert_element_type3A_375, %cond3A_376 : i32
      scf.if %cond3A_377 {
        %add3A_378 = arith.constant 2 : i32
        %add3A_379 = arith.addi %add3A_360, %add3A_378 : i32
        %mul3A_380 = arith.constant 128 : i32
        %mul3A_381 = arith.muli %add3A_379, %mul3A_380 : i32
        %add3A_382 = arith.addi %mul3A_2, %mul3A_381 : i32
        %multiple_of3A_383 = tpu.assume_multiple %add3A_382, 128 : i32
        %dma_start3A_384 = tpu.memref_slice %arg5[%multiple_of3A_383] : memref<106496xi32, #tpu.memory_space<hbm>> -> memref<128xi32, #tpu.memory_space<hbm>>
        %dma_start3A_385 = tpu.memref_slice %arg5[%multiple_of3A_383] : memref<106496xi32, #tpu.memory_space<hbm>> -> memref<128xi32, #tpu.memory_space<hbm>>
        tpu.enqueue_dma source(%dma_start3A_385 : memref<128xi32, #tpu.memory_space<hbm>>) target(%arg17 : memref<128xi32, #tpu.memory_space<vmem>>) target_semaphore(%arg23 : memref<!tpu.dma_semaphore, #tpu.memory_space<semaphore_mem>>)
        %dma_start3A_386 = tpu.memref_slice %arg6[%multiple_of3A_383] : memref<106496xi32, #tpu.memory_space<hbm>> -> memref<128xi32, #tpu.memory_space<hbm>>
        %dma_start3A_387 = tpu.memref_slice %arg6[%multiple_of3A_383] : memref<106496xi32, #tpu.memory_space<hbm>> -> memref<128xi32, #tpu.memory_space<hbm>>
        tpu.enqueue_dma source(%dma_start3A_387 : memref<128xi32, #tpu.memory_space<hbm>>) target(%arg19 : memref<128xi32, #tpu.memory_space<vmem>>) target_semaphore(%arg23 : memref<!tpu.dma_semaphore, #tpu.memory_space<semaphore_mem>>)
      } else {
      }
    }
    %scan3A_44 = arith.constant 13 : i32
    %barrier3A_45 = arith.constant 0 : index
    tpu.barrier barrier_id(%barrier3A_45)
    %add3A_46 = arith.constant 0 : i32
    %add3A_47 = arith.addi %mul3A_4, %add3A_46 : i32
    "tpu.region"() ({
      %run_scoped3A = tpu.sem_alloc : memref<!tpu.dma_semaphore, #tpu.memory_space<semaphore_mem>>
      %dma_start3A_338 = arith.constant 0 : i32
      %dma_start3A_339 = tpu.memref_slice %arg15[%add3A_47, %dma_start3A_338] : memref<10240x128xf32, #tpu.memory_space<vmem_shared>> -> memref<128x128xf32, #tpu.memory_space<vmem_shared>>
      %dma_start3A_340 = arith.constant 0 : i32
      %dma_start3A_341 = tpu.memref_slice %arg15[%add3A_47, %dma_start3A_340] : memref<10240x128xf32, #tpu.memory_space<vmem_shared>> -> memref<128x128xf32, #tpu.memory_space<vmem_shared>>
      tpu.enqueue_dma source(%dma_start3A_341 : memref<128x128xf32, #tpu.memory_space<vmem_shared>>) target(%arg20 : memref<128x128xf32, #tpu.memory_space<vmem>>) target_semaphore(%run_scoped3A : memref<!tpu.dma_semaphore, #tpu.memory_space<semaphore_mem>>)
      %dma_wait3A_342 = arith.constant 0 : i32
      %dma_wait3A_343 = tpu.memref_slice %arg15[%add3A_47, %dma_wait3A_342] : memref<10240x128xf32, #tpu.memory_space<vmem_shared>> -> memref<128x128xf32, #tpu.memory_space<vmem_shared>>
      %dma_wait3A_344 = arith.constant 0 : i32
      %dma_wait3A_345 = tpu.memref_slice %arg15[%add3A_47, %dma_wait3A_344] : memref<10240x128xf32, #tpu.memory_space<vmem_shared>> -> memref<128x128xf32, #tpu.memory_space<vmem_shared>>
      tpu.wait_dma2 semaphore(%run_scoped3A : memref<!tpu.dma_semaphore, #tpu.memory_space<semaphore_mem>>) src(%dma_wait3A_345 : memref<128x128xf32, #tpu.memory_space<vmem_shared>>) dst(%arg20 : memref<128x128xf32, #tpu.memory_space<vmem>>)
      tpu.yield
    }) : () -> ()
    %add3A_48 = arith.constant 0 : i32
    %add3A_49 = arith.addi %add3A_9, %add3A_48 : i32
    %dma_start3A_50 = arith.constant 0 : i32
    %dma_start3A_51 = tpu.memref_slice %arg12[%add3A_49, %dma_start3A_50] : memref<20480x128xf32, #tpu.memory_space<hbm>> -> memref<128x128xf32, #tpu.memory_space<hbm>>
    %dma_start3A_52 = arith.constant 0 : i32
    %dma_start3A_53 = tpu.memref_slice %arg12[%add3A_49, %dma_start3A_52] : memref<20480x128xf32, #tpu.memory_space<hbm>> -> memref<128x128xf32, #tpu.memory_space<hbm>>
    tpu.enqueue_dma source(%arg20 : memref<128x128xf32, #tpu.memory_space<vmem>>) target(%dma_start3A_53 : memref<128x128xf32, #tpu.memory_space<hbm>>) target_semaphore(%arg26 : memref<!tpu.dma_semaphore, #tpu.memory_space<semaphore_mem>>)
    %add3A_54 = arith.constant 128 : i32
    %add3A_55 = arith.addi %mul3A_4, %add3A_54 : i32
    "tpu.region"() ({
      %run_scoped3A = tpu.sem_alloc : memref<!tpu.dma_semaphore, #tpu.memory_space<semaphore_mem>>
      %dma_start3A_338 = arith.constant 0 : i32
      %dma_start3A_339 = tpu.memref_slice %arg15[%add3A_55, %dma_start3A_338] : memref<10240x128xf32, #tpu.memory_space<vmem_shared>> -> memref<128x128xf32, #tpu.memory_space<vmem_shared>>
      %dma_start3A_340 = arith.constant 0 : i32
      %dma_start3A_341 = tpu.memref_slice %arg15[%add3A_55, %dma_start3A_340] : memref<10240x128xf32, #tpu.memory_space<vmem_shared>> -> memref<128x128xf32, #tpu.memory_space<vmem_shared>>
      tpu.enqueue_dma source(%dma_start3A_341 : memref<128x128xf32, #tpu.memory_space<vmem_shared>>) target(%arg21 : memref<128x128xf32, #tpu.memory_space<vmem>>) target_semaphore(%run_scoped3A : memref<!tpu.dma_semaphore, #tpu.memory_space<semaphore_mem>>)
      %dma_wait3A_342 = arith.constant 0 : i32
      %dma_wait3A_343 = tpu.memref_slice %arg15[%add3A_55, %dma_wait3A_342] : memref<10240x128xf32, #tpu.memory_space<vmem_shared>> -> memref<128x128xf32, #tpu.memory_space<vmem_shared>>
      %dma_wait3A_344 = arith.constant 0 : i32
      %dma_wait3A_345 = tpu.memref_slice %arg15[%add3A_55, %dma_wait3A_344] : memref<10240x128xf32, #tpu.memory_space<vmem_shared>> -> memref<128x128xf32, #tpu.memory_space<vmem_shared>>
      tpu.wait_dma2 semaphore(%run_scoped3A : memref<!tpu.dma_semaphore, #tpu.memory_space<semaphore_mem>>) src(%dma_wait3A_345 : memref<128x128xf32, #tpu.memory_space<vmem_shared>>) dst(%arg21 : memref<128x128xf32, #tpu.memory_space<vmem>>)
      tpu.yield
    }) : () -> ()
    %add3A_56 = arith.constant 128 : i32
    %add3A_57 = arith.addi %add3A_9, %add3A_56 : i32
    %dma_start3A_58 = arith.constant 0 : i32
    %dma_start3A_59 = tpu.memref_slice %arg12[%add3A_57, %dma_start3A_58] : memref<20480x128xf32, #tpu.memory_space<hbm>> -> memref<128x128xf32, #tpu.memory_space<hbm>>
    %dma_start3A_60 = arith.constant 0 : i32
    %dma_start3A_61 = tpu.memref_slice %arg12[%add3A_57, %dma_start3A_60] : memref<20480x128xf32, #tpu.memory_space<hbm>> -> memref<128x128xf32, #tpu.memory_space<hbm>>
    tpu.enqueue_dma source(%arg21 : memref<128x128xf32, #tpu.memory_space<vmem>>) target(%dma_start3A_61 : memref<128x128xf32, #tpu.memory_space<hbm>>) target_semaphore(%arg27 : memref<!tpu.dma_semaphore, #tpu.memory_space<semaphore_mem>>)
    %add3A_62 = arith.constant 0 : i32
    %add3A_63 = arith.addi %add3A_9, %add3A_62 : i32
    %dma_wait3A_64 = arith.constant 0 : i32
    %dma_wait3A_65 = tpu.memref_slice %arg12[%add3A_63, %dma_wait3A_64] : memref<20480x128xf32, #tpu.memory_space<hbm>> -> memref<128x128xf32, #tpu.memory_space<hbm>>
    %dma_wait3A_66 = arith.constant 0 : i32
    %dma_wait3A_67 = tpu.memref_slice %arg12[%add3A_63, %dma_wait3A_66] : memref<20480x128xf32, #tpu.memory_space<hbm>> -> memref<128x128xf32, #tpu.memory_space<hbm>>
    tpu.wait_dma2 semaphore(%arg26 : memref<!tpu.dma_semaphore, #tpu.memory_space<semaphore_mem>>) src(%arg20 : memref<128x128xf32, #tpu.memory_space<vmem>>) dst(%dma_wait3A_67 : memref<128x128xf32, #tpu.memory_space<hbm>>)
    %add3A_68 = arith.constant 256 : i32
    %add3A_69 = arith.addi %mul3A_4, %add3A_68 : i32
    "tpu.region"() ({
      %run_scoped3A = tpu.sem_alloc : memref<!tpu.dma_semaphore, #tpu.memory_space<semaphore_mem>>
      %dma_start3A_338 = arith.constant 0 : i32
      %dma_start3A_339 = tpu.memref_slice %arg15[%add3A_69, %dma_start3A_338] : memref<10240x128xf32, #tpu.memory_space<vmem_shared>> -> memref<128x128xf32, #tpu.memory_space<vmem_shared>>
      %dma_start3A_340 = arith.constant 0 : i32
      %dma_start3A_341 = tpu.memref_slice %arg15[%add3A_69, %dma_start3A_340] : memref<10240x128xf32, #tpu.memory_space<vmem_shared>> -> memref<128x128xf32, #tpu.memory_space<vmem_shared>>
      tpu.enqueue_dma source(%dma_start3A_341 : memref<128x128xf32, #tpu.memory_space<vmem_shared>>) target(%arg20 : memref<128x128xf32, #tpu.memory_space<vmem>>) target_semaphore(%run_scoped3A : memref<!tpu.dma_semaphore, #tpu.memory_space<semaphore_mem>>)
      %dma_wait3A_342 = arith.constant 0 : i32
      %dma_wait3A_343 = tpu.memref_slice %arg15[%add3A_69, %dma_wait3A_342] : memref<10240x128xf32, #tpu.memory_space<vmem_shared>> -> memref<128x128xf32, #tpu.memory_space<vmem_shared>>
      %dma_wait3A_344 = arith.constant 0 : i32
      %dma_wait3A_345 = tpu.memref_slice %arg15[%add3A_69, %dma_wait3A_344] : memref<10240x128xf32, #tpu.memory_space<vmem_shared>> -> memref<128x128xf32, #tpu.memory_space<vmem_shared>>
      tpu.wait_dma2 semaphore(%run_scoped3A : memref<!tpu.dma_semaphore, #tpu.memory_space<semaphore_mem>>) src(%dma_wait3A_345 : memref<128x128xf32, #tpu.memory_space<vmem_shared>>) dst(%arg20 : memref<128x128xf32, #tpu.memory_space<vmem>>)
      tpu.yield
    }) : () -> ()
    %add3A_70 = arith.constant 256 : i32
    %add3A_71 = arith.addi %add3A_9, %add3A_70 : i32
    %dma_start3A_72 = arith.constant 0 : i32
    %dma_start3A_73 = tpu.memref_slice %arg12[%add3A_71, %dma_start3A_72] : memref<20480x128xf32, #tpu.memory_space<hbm>> -> memref<128x128xf32, #tpu.memory_space<hbm>>
    %dma_start3A_74 = arith.constant 0 : i32
    %dma_start3A_75 = tpu.memref_slice %arg12[%add3A_71, %dma_start3A_74] : memref<20480x128xf32, #tpu.memory_space<hbm>> -> memref<128x128xf32, #tpu.memory_space<hbm>>
    tpu.enqueue_dma source(%arg20 : memref<128x128xf32, #tpu.memory_space<vmem>>) target(%dma_start3A_75 : memref<128x128xf32, #tpu.memory_space<hbm>>) target_semaphore(%arg26 : memref<!tpu.dma_semaphore, #tpu.memory_space<semaphore_mem>>)
    %add3A_76 = arith.constant 128 : i32
    %add3A_77 = arith.addi %add3A_9, %add3A_76 : i32
    %dma_wait3A_78 = arith.constant 0 : i32
    %dma_wait3A_79 = tpu.memref_slice %arg12[%add3A_77, %dma_wait3A_78] : memref<20480x128xf32, #tpu.memory_space<hbm>> -> memref<128x128xf32, #tpu.memory_space<hbm>>
    %dma_wait3A_80 = arith.constant 0 : i32
    %dma_wait3A_81 = tpu.memref_slice %arg12[%add3A_77, %dma_wait3A_80] : memref<20480x128xf32, #tpu.memory_space<hbm>> -> memref<128x128xf32, #tpu.memory_space<hbm>>
    tpu.wait_dma2 semaphore(%arg27 : memref<!tpu.dma_semaphore, #tpu.memory_space<semaphore_mem>>) src(%arg21 : memref<128x128xf32, #tpu.memory_space<vmem>>) dst(%dma_wait3A_81 : memref<128x128xf32, #tpu.memory_space<hbm>>)
    %add3A_82 = arith.constant 384 : i32
    %add3A_83 = arith.addi %mul3A_4, %add3A_82 : i32
    "tpu.region"() ({
      %run_scoped3A = tpu.sem_alloc : memref<!tpu.dma_semaphore, #tpu.memory_space<semaphore_mem>>
      %dma_start3A_338 = arith.constant 0 : i32
      %dma_start3A_339 = tpu.memref_slice %arg15[%add3A_83, %dma_start3A_338] : memref<10240x128xf32, #tpu.memory_space<vmem_shared>> -> memref<128x128xf32, #tpu.memory_space<vmem_shared>>
      %dma_start3A_340 = arith.constant 0 : i32
      %dma_start3A_341 = tpu.memref_slice %arg15[%add3A_83, %dma_start3A_340] : memref<10240x128xf32, #tpu.memory_space<vmem_shared>> -> memref<128x128xf32, #tpu.memory_space<vmem_shared>>
      tpu.enqueue_dma source(%dma_start3A_341 : memref<128x128xf32, #tpu.memory_space<vmem_shared>>) target(%arg21 : memref<128x128xf32, #tpu.memory_space<vmem>>) target_semaphore(%run_scoped3A : memref<!tpu.dma_semaphore, #tpu.memory_space<semaphore_mem>>)
      %dma_wait3A_342 = arith.constant 0 : i32
      %dma_wait3A_343 = tpu.memref_slice %arg15[%add3A_83, %dma_wait3A_342] : memref<10240x128xf32, #tpu.memory_space<vmem_shared>> -> memref<128x128xf32, #tpu.memory_space<vmem_shared>>
      %dma_wait3A_344 = arith.constant 0 : i32
      %dma_wait3A_345 = tpu.memref_slice %arg15[%add3A_83, %dma_wait3A_344] : memref<10240x128xf32, #tpu.memory_space<vmem_shared>> -> memref<128x128xf32, #tpu.memory_space<vmem_shared>>
      tpu.wait_dma2 semaphore(%run_scoped3A : memref<!tpu.dma_semaphore, #tpu.memory_space<semaphore_mem>>) src(%dma_wait3A_345 : memref<128x128xf32, #tpu.memory_space<vmem_shared>>) dst(%arg21 : memref<128x128xf32, #tpu.memory_space<vmem>>)
      tpu.yield
    }) : () -> ()
    %add3A_84 = arith.constant 384 : i32
    %add3A_85 = arith.addi %add3A_9, %add3A_84 : i32
    %dma_start3A_86 = arith.constant 0 : i32
    %dma_start3A_87 = tpu.memref_slice %arg12[%add3A_85, %dma_start3A_86] : memref<20480x128xf32, #tpu.memory_space<hbm>> -> memref<128x128xf32, #tpu.memory_space<hbm>>
    %dma_start3A_88 = arith.constant 0 : i32
    %dma_start3A_89 = tpu.memref_slice %arg12[%add3A_85, %dma_start3A_88] : memref<20480x128xf32, #tpu.memory_space<hbm>> -> memref<128x128xf32, #tpu.memory_space<hbm>>
    tpu.enqueue_dma source(%arg21 : memref<128x128xf32, #tpu.memory_space<vmem>>) target(%dma_start3A_89 : memref<128x128xf32, #tpu.memory_space<hbm>>) target_semaphore(%arg27 : memref<!tpu.dma_semaphore, #tpu.memory_space<semaphore_mem>>)
    %add3A_90 = arith.constant 256 : i32
    %add3A_91 = arith.addi %add3A_9, %add3A_90 : i32
    %dma_wait3A_92 = arith.constant 0 : i32
    %dma_wait3A_93 = tpu.memref_slice %arg12[%add3A_91, %dma_wait3A_92] : memref<20480x128xf32, #tpu.memory_space<hbm>> -> memref<128x128xf32, #tpu.memory_space<hbm>>
    %dma_wait3A_94 = arith.constant 0 : i32
    %dma_wait3A_95 = tpu.memref_slice %arg12[%add3A_91, %dma_wait3A_94] : memref<20480x128xf32, #tpu.memory_space<hbm>> -> memref<128x128xf32, #tpu.memory_space<hbm>>
    tpu.wait_dma2 semaphore(%arg26 : memref<!tpu.dma_semaphore, #tpu.memory_space<semaphore_mem>>) src(%arg20 : memref<128x128xf32, #tpu.memory_space<vmem>>) dst(%dma_wait3A_95 : memref<128x128xf32, #tpu.memory_space<hbm>>)
    %add3A_96 = arith.constant 512 : i32
    %add3A_97 = arith.addi %mul3A_4, %add3A_96 : i32
    "tpu.region"() ({
      %run_scoped3A = tpu.sem_alloc : memref<!tpu.dma_semaphore, #tpu.memory_space<semaphore_mem>>
      %dma_start3A_338 = arith.constant 0 : i32
      %dma_start3A_339 = tpu.memref_slice %arg15[%add3A_97, %dma_start3A_338] : memref<10240x128xf32, #tpu.memory_space<vmem_shared>> -> memref<128x128xf32, #tpu.memory_space<vmem_shared>>
      %dma_start3A_340 = arith.constant 0 : i32
      %dma_start3A_341 = tpu.memref_slice %arg15[%add3A_97, %dma_start3A_340] : memref<10240x128xf32, #tpu.memory_space<vmem_shared>> -> memref<128x128xf32, #tpu.memory_space<vmem_shared>>
      tpu.enqueue_dma source(%dma_start3A_341 : memref<128x128xf32, #tpu.memory_space<vmem_shared>>) target(%arg20 : memref<128x128xf32, #tpu.memory_space<vmem>>) target_semaphore(%run_scoped3A : memref<!tpu.dma_semaphore, #tpu.memory_space<semaphore_mem>>)
      %dma_wait3A_342 = arith.constant 0 : i32
      %dma_wait3A_343 = tpu.memref_slice %arg15[%add3A_97, %dma_wait3A_342] : memref<10240x128xf32, #tpu.memory_space<vmem_shared>> -> memref<128x128xf32, #tpu.memory_space<vmem_shared>>
      %dma_wait3A_344 = arith.constant 0 : i32
      %dma_wait3A_345 = tpu.memref_slice %arg15[%add3A_97, %dma_wait3A_344] : memref<10240x128xf32, #tpu.memory_space<vmem_shared>> -> memref<128x128xf32, #tpu.memory_space<vmem_shared>>
      tpu.wait_dma2 semaphore(%run_scoped3A : memref<!tpu.dma_semaphore, #tpu.memory_space<semaphore_mem>>) src(%dma_wait3A_345 : memref<128x128xf32, #tpu.memory_space<vmem_shared>>) dst(%arg20 : memref<128x128xf32, #tpu.memory_space<vmem>>)
      tpu.yield
    }) : () -> ()
    %add3A_98 = arith.constant 512 : i32
    %add3A_99 = arith.addi %add3A_9, %add3A_98 : i32
    %dma_start3A_100 = arith.constant 0 : i32
    %dma_start3A_101 = tpu.memref_slice %arg12[%add3A_99, %dma_start3A_100] : memref<20480x128xf32, #tpu.memory_space<hbm>> -> memref<128x128xf32, #tpu.memory_space<hbm>>
    %dma_start3A_102 = arith.constant 0 : i32
    %dma_start3A_103 = tpu.memref_slice %arg12[%add3A_99, %dma_start3A_102] : memref<20480x128xf32, #tpu.memory_space<hbm>> -> memref<128x128xf32, #tpu.memory_space<hbm>>
    tpu.enqueue_dma source(%arg20 : memref<128x128xf32, #tpu.memory_space<vmem>>) target(%dma_start3A_103 : memref<128x128xf32, #tpu.memory_space<hbm>>) target_semaphore(%arg26 : memref<!tpu.dma_semaphore, #tpu.memory_space<semaphore_mem>>)
    %add3A_104 = arith.constant 384 : i32
    %add3A_105 = arith.addi %add3A_9, %add3A_104 : i32
    %dma_wait3A_106 = arith.constant 0 : i32
    %dma_wait3A_107 = tpu.memref_slice %arg12[%add3A_105, %dma_wait3A_106] : memref<20480x128xf32, #tpu.memory_space<hbm>> -> memref<128x128xf32, #tpu.memory_space<hbm>>
    %dma_wait3A_108 = arith.constant 0 : i32
    %dma_wait3A_109 = tpu.memref_slice %arg12[%add3A_105, %dma_wait3A_108] : memref<20480x128xf32, #tpu.memory_space<hbm>> -> memref<128x128xf32, #tpu.memory_space<hbm>>
    tpu.wait_dma2 semaphore(%arg27 : memref<!tpu.dma_semaphore, #tpu.memory_space<semaphore_mem>>) src(%arg21 : memref<128x128xf32, #tpu.memory_space<vmem>>) dst(%dma_wait3A_109 : memref<128x128xf32, #tpu.memory_space<hbm>>)
    %add3A_110 = arith.constant 512 : i32
    %add3A_111 = arith.addi %add3A_9, %add3A_110 : i32
    %dma_wait3A_112 = arith.constant 0 : i32
    %dma_wait3A_113 = tpu.memref_slice %arg12[%add3A_111, %dma_wait3A_112] : memref<20480x128xf32, #tpu.memory_space<hbm>> -> memref<128x128xf32, #tpu.memory_space<hbm>>
    %dma_wait3A_114 = arith.constant 0 : i32
    %dma_wait3A_115 = tpu.memref_slice %arg12[%add3A_111, %dma_wait3A_114] : memref<20480x128xf32, #tpu.memory_space<hbm>> -> memref<128x128xf32, #tpu.memory_space<hbm>>
    tpu.wait_dma2 semaphore(%arg26 : memref<!tpu.dma_semaphore, #tpu.memory_space<semaphore_mem>>) src(%arg20 : memref<128x128xf32, #tpu.memory_space<vmem>>) dst(%dma_wait3A_115 : memref<128x128xf32, #tpu.memory_space<hbm>>)
    "tpu.region"() ({
      %run_scoped3A = tpu.sem_alloc : memref<!tpu.dma_semaphore, #tpu.memory_space<semaphore_mem>>
      tpu.enqueue_dma source(%arg11 : memref<128x128xf32, #tpu.memory_space<hbm>>) target(%arg20 : memref<128x128xf32, #tpu.memory_space<vmem>>) target_semaphore(%run_scoped3A : memref<!tpu.dma_semaphore, #tpu.memory_space<semaphore_mem>>)
      tpu.wait_dma2 semaphore(%run_scoped3A : memref<!tpu.dma_semaphore, #tpu.memory_space<semaphore_mem>>) src(%arg11 : memref<128x128xf32, #tpu.memory_space<hbm>>) dst(%arg20 : memref<128x128xf32, #tpu.memory_space<vmem>>)
      tpu.yield
    }) : () -> ()
    %add3A_116 = arith.constant 0 : i32
    %add3A_117 = arith.addi %mul3A_4, %add3A_116 : i32
    "tpu.region"() ({
      %run_scoped3A = tpu.sem_alloc : memref<!tpu.dma_semaphore, #tpu.memory_space<semaphore_mem>>
      %dma_start3A_338 = arith.constant 0 : i32
      %dma_start3A_339 = tpu.memref_slice %arg15[%add3A_117, %dma_start3A_338] : memref<10240x128xf32, #tpu.memory_space<vmem_shared>> -> memref<128x128xf32, #tpu.memory_space<vmem_shared>>
      %dma_start3A_340 = arith.constant 0 : i32
      %dma_start3A_341 = tpu.memref_slice %arg15[%add3A_117, %dma_start3A_340] : memref<10240x128xf32, #tpu.memory_space<vmem_shared>> -> memref<128x128xf32, #tpu.memory_space<vmem_shared>>
      tpu.enqueue_dma source(%arg20 : memref<128x128xf32, #tpu.memory_space<vmem>>) target(%dma_start3A_341 : memref<128x128xf32, #tpu.memory_space<vmem_shared>>) target_semaphore(%run_scoped3A : memref<!tpu.dma_semaphore, #tpu.memory_space<semaphore_mem>>)
      %dma_wait3A_342 = arith.constant 0 : i32
      %dma_wait3A_343 = tpu.memref_slice %arg15[%add3A_117, %dma_wait3A_342] : memref<10240x128xf32, #tpu.memory_space<vmem_shared>> -> memref<128x128xf32, #tpu.memory_space<vmem_shared>>
      %dma_wait3A_344 = arith.constant 0 : i32
      %dma_wait3A_345 = tpu.memref_slice %arg15[%add3A_117, %dma_wait3A_344] : memref<10240x128xf32, #tpu.memory_space<vmem_shared>> -> memref<128x128xf32, #tpu.memory_space<vmem_shared>>
      tpu.wait_dma2 semaphore(%run_scoped3A : memref<!tpu.dma_semaphore, #tpu.memory_space<semaphore_mem>>) src(%arg20 : memref<128x128xf32, #tpu.memory_space<vmem>>) dst(%dma_wait3A_345 : memref<128x128xf32, #tpu.memory_space<vmem_shared>>)
      tpu.yield
    }) : () -> ()
    %add3A_118 = arith.constant 128 : i32
    %add3A_119 = arith.addi %mul3A_4, %add3A_118 : i32
    "tpu.region"() ({
      %run_scoped3A = tpu.sem_alloc : memref<!tpu.dma_semaphore, #tpu.memory_space<semaphore_mem>>
      %dma_start3A_338 = arith.constant 0 : i32
      %dma_start3A_339 = tpu.memref_slice %arg15[%add3A_119, %dma_start3A_338] : memref<10240x128xf32, #tpu.memory_space<vmem_shared>> -> memref<128x128xf32, #tpu.memory_space<vmem_shared>>
      %dma_start3A_340 = arith.constant 0 : i32
      %dma_start3A_341 = tpu.memref_slice %arg15[%add3A_119, %dma_start3A_340] : memref<10240x128xf32, #tpu.memory_space<vmem_shared>> -> memref<128x128xf32, #tpu.memory_space<vmem_shared>>
      tpu.enqueue_dma source(%arg20 : memref<128x128xf32, #tpu.memory_space<vmem>>) target(%dma_start3A_341 : memref<128x128xf32, #tpu.memory_space<vmem_shared>>) target_semaphore(%run_scoped3A : memref<!tpu.dma_semaphore, #tpu.memory_space<semaphore_mem>>)
      %dma_wait3A_342 = arith.constant 0 : i32
      %dma_wait3A_343 = tpu.memref_slice %arg15[%add3A_119, %dma_wait3A_342] : memref<10240x128xf32, #tpu.memory_space<vmem_shared>> -> memref<128x128xf32, #tpu.memory_space<vmem_shared>>
      %dma_wait3A_344 = arith.constant 0 : i32
      %dma_wait3A_345 = tpu.memref_slice %arg15[%add3A_119, %dma_wait3A_344] : memref<10240x128xf32, #tpu.memory_space<vmem_shared>> -> memref<128x128xf32, #tpu.memory_space<vmem_shared>>
      tpu.wait_dma2 semaphore(%run_scoped3A : memref<!tpu.dma_semaphore, #tpu.memory_space<semaphore_mem>>) src(%arg20 : memref<128x128xf32, #tpu.memory_space<vmem>>) dst(%dma_wait3A_345 : memref<128x128xf32, #tpu.memory_space<vmem_shared>>)
      tpu.yield
    }) : () -> ()
    %add3A_120 = arith.constant 256 : i32
    %add3A_121 = arith.addi %mul3A_4, %add3A_120 : i32
    "tpu.region"() ({
      %run_scoped3A = tpu.sem_alloc : memref<!tpu.dma_semaphore, #tpu.memory_space<semaphore_mem>>
      %dma_start3A_338 = arith.constant 0 : i32
      %dma_start3A_339 = tpu.memref_slice %arg15[%add3A_121, %dma_start3A_338] : memref<10240x128xf32, #tpu.memory_space<vmem_shared>> -> memref<128x128xf32, #tpu.memory_space<vmem_shared>>
      %dma_start3A_340 = arith.constant 0 : i32
      %dma_start3A_341 = tpu.memref_slice %arg15[%add3A_121, %dma_start3A_340] : memref<10240x128xf32, #tpu.memory_space<vmem_shared>> -> memref<128x128xf32, #tpu.memory_space<vmem_shared>>
      tpu.enqueue_dma source(%arg20 : memref<128x128xf32, #tpu.memory_space<vmem>>) target(%dma_start3A_341 : memref<128x128xf32, #tpu.memory_space<vmem_shared>>) target_semaphore(%run_scoped3A : memref<!tpu.dma_semaphore, #tpu.memory_space<semaphore_mem>>)
      %dma_wait3A_342 = arith.constant 0 : i32
      %dma_wait3A_343 = tpu.memref_slice %arg15[%add3A_121, %dma_wait3A_342] : memref<10240x128xf32, #tpu.memory_space<vmem_shared>> -> memref<128x128xf32, #tpu.memory_space<vmem_shared>>
      %dma_wait3A_344 = arith.constant 0 : i32
      %dma_wait3A_345 = tpu.memref_slice %arg15[%add3A_121, %dma_wait3A_344] : memref<10240x128xf32, #tpu.memory_space<vmem_shared>> -> memref<128x128xf32, #tpu.memory_space<vmem_shared>>
      tpu.wait_dma2 semaphore(%run_scoped3A : memref<!tpu.dma_semaphore, #tpu.memory_space<semaphore_mem>>) src(%arg20 : memref<128x128xf32, #tpu.memory_space<vmem>>) dst(%dma_wait3A_345 : memref<128x128xf32, #tpu.memory_space<vmem_shared>>)
      tpu.yield
    }) : () -> ()
    %add3A_122 = arith.constant 384 : i32
    %add3A_123 = arith.addi %mul3A_4, %add3A_122 : i32
    "tpu.region"() ({
      %run_scoped3A = tpu.sem_alloc : memref<!tpu.dma_semaphore, #tpu.memory_space<semaphore_mem>>
      %dma_start3A_338 = arith.constant 0 : i32
      %dma_start3A_339 = tpu.memref_slice %arg15[%add3A_123, %dma_start3A_338] : memref<10240x128xf32, #tpu.memory_space<vmem_shared>> -> memref<128x128xf32, #tpu.memory_space<vmem_shared>>
      %dma_start3A_340 = arith.constant 0 : i32
      %dma_start3A_341 = tpu.memref_slice %arg15[%add3A_123, %dma_start3A_340] : memref<10240x128xf32, #tpu.memory_space<vmem_shared>> -> memref<128x128xf32, #tpu.memory_space<vmem_shared>>
      tpu.enqueue_dma source(%arg20 : memref<128x128xf32, #tpu.memory_space<vmem>>) target(%dma_start3A_341 : memref<128x128xf32, #tpu.memory_space<vmem_shared>>) target_semaphore(%run_scoped3A : memref<!tpu.dma_semaphore, #tpu.memory_space<semaphore_mem>>)
      %dma_wait3A_342 = arith.constant 0 : i32
      %dma_wait3A_343 = tpu.memref_slice %arg15[%add3A_123, %dma_wait3A_342] : memref<10240x128xf32, #tpu.memory_space<vmem_shared>> -> memref<128x128xf32, #tpu.memory_space<vmem_shared>>
      %dma_wait3A_344 = arith.constant 0 : i32
      %dma_wait3A_345 = tpu.memref_slice %arg15[%add3A_123, %dma_wait3A_344] : memref<10240x128xf32, #tpu.memory_space<vmem_shared>> -> memref<128x128xf32, #tpu.memory_space<vmem_shared>>
      tpu.wait_dma2 semaphore(%run_scoped3A : memref<!tpu.dma_semaphore, #tpu.memory_space<semaphore_mem>>) src(%arg20 : memref<128x128xf32, #tpu.memory_space<vmem>>) dst(%dma_wait3A_345 : memref<128x128xf32, #tpu.memory_space<vmem_shared>>)
      tpu.yield
    }) : () -> ()
    %add3A_124 = arith.constant 512 : i32
    %add3A_125 = arith.addi %mul3A_4, %add3A_124 : i32
    "tpu.region"() ({
      %run_scoped3A = tpu.sem_alloc : memref<!tpu.dma_semaphore, #tpu.memory_space<semaphore_mem>>
      %dma_start3A_338 = arith.constant 0 : i32
      %dma_start3A_339 = tpu.memref_slice %arg15[%add3A_125, %dma_start3A_338] : memref<10240x128xf32, #tpu.memory_space<vmem_shared>> -> memref<128x128xf32, #tpu.memory_space<vmem_shared>>
      %dma_start3A_340 = arith.constant 0 : i32
      %dma_start3A_341 = tpu.memref_slice %arg15[%add3A_125, %dma_start3A_340] : memref<10240x128xf32, #tpu.memory_space<vmem_shared>> -> memref<128x128xf32, #tpu.memory_space<vmem_shared>>
      tpu.enqueue_dma source(%arg20 : memref<128x128xf32, #tpu.memory_space<vmem>>) target(%dma_start3A_341 : memref<128x128xf32, #tpu.memory_space<vmem_shared>>) target_semaphore(%run_scoped3A : memref<!tpu.dma_semaphore, #tpu.memory_space<semaphore_mem>>)
      %dma_wait3A_342 = arith.constant 0 : i32
      %dma_wait3A_343 = tpu.memref_slice %arg15[%add3A_125, %dma_wait3A_342] : memref<10240x128xf32, #tpu.memory_space<vmem_shared>> -> memref<128x128xf32, #tpu.memory_space<vmem_shared>>
      %dma_wait3A_344 = arith.constant 0 : i32
      %dma_wait3A_345 = tpu.memref_slice %arg15[%add3A_125, %dma_wait3A_344] : memref<10240x128xf32, #tpu.memory_space<vmem_shared>> -> memref<128x128xf32, #tpu.memory_space<vmem_shared>>
      tpu.wait_dma2 semaphore(%run_scoped3A : memref<!tpu.dma_semaphore, #tpu.memory_space<semaphore_mem>>) src(%arg20 : memref<128x128xf32, #tpu.memory_space<vmem>>) dst(%dma_wait3A_345 : memref<128x128xf32, #tpu.memory_space<vmem_shared>>)
      tpu.yield
    }) : () -> ()
    %barrier3A_126 = arith.constant 0 : index
    tpu.barrier barrier_id(%barrier3A_126)
    %add3A_127 = arith.constant 0 : i32
    %add3A_128 = arith.addi %mul3A_2, %add3A_127 : i32
    %multiple_of3A_129 = tpu.assume_multiple %add3A_128, 128 : i32
    %dma_start3A_130 = tpu.memref_slice %arg7[%multiple_of3A_129] : memref<106496xi32, #tpu.memory_space<hbm>> -> memref<128xi32, #tpu.memory_space<hbm>>
    %dma_start3A_131 = tpu.memref_slice %arg7[%multiple_of3A_129] : memref<106496xi32, #tpu.memory_space<hbm>> -> memref<128xi32, #tpu.memory_space<hbm>>
    tpu.enqueue_dma source(%dma_start3A_131 : memref<128xi32, #tpu.memory_space<hbm>>) target(%arg16 : memref<128xi32, #tpu.memory_space<vmem>>) target_semaphore(%arg22 : memref<!tpu.dma_semaphore, #tpu.memory_space<semaphore_mem>>)
    %dma_start3A_132 = tpu.memref_slice %arg8[%multiple_of3A_129] : memref<106496xi32, #tpu.memory_space<hbm>> -> memref<128xi32, #tpu.memory_space<hbm>>
    %dma_start3A_133 = tpu.memref_slice %arg8[%multiple_of3A_129] : memref<106496xi32, #tpu.memory_space<hbm>> -> memref<128xi32, #tpu.memory_space<hbm>>
    tpu.enqueue_dma source(%dma_start3A_133 : memref<128xi32, #tpu.memory_space<hbm>>) target(%arg18 : memref<128xi32, #tpu.memory_space<vmem>>) target_semaphore(%arg22 : memref<!tpu.dma_semaphore, #tpu.memory_space<semaphore_mem>>)
    %add3A_134 = arith.constant 0 : i32
    %add3A_135 = arith.addi %mul3A_2, %add3A_134 : i32
    %multiple_of3A_136 = tpu.assume_multiple %add3A_135, 128 : i32
    %dma_wait3A_137 = tpu.memref_slice %arg7[%multiple_of3A_136] : memref<106496xi32, #tpu.memory_space<hbm>> -> memref<128xi32, #tpu.memory_space<hbm>>
    %dma_wait3A_138 = tpu.memref_slice %arg7[%multiple_of3A_136] : memref<106496xi32, #tpu.memory_space<hbm>> -> memref<128xi32, #tpu.memory_space<hbm>>
    tpu.wait_dma2 semaphore(%arg22 : memref<!tpu.dma_semaphore, #tpu.memory_space<semaphore_mem>>) src(%dma_wait3A_138 : memref<128xi32, #tpu.memory_space<hbm>>) dst(%arg16 : memref<128xi32, #tpu.memory_space<vmem>>)
    %dma_wait3A_139 = tpu.memref_slice %arg8[%multiple_of3A_136] : memref<106496xi32, #tpu.memory_space<hbm>> -> memref<128xi32, #tpu.memory_space<hbm>>
    %dma_wait3A_140 = tpu.memref_slice %arg8[%multiple_of3A_136] : memref<106496xi32, #tpu.memory_space<hbm>> -> memref<128xi32, #tpu.memory_space<hbm>>
    tpu.wait_dma2 semaphore(%arg22 : memref<!tpu.dma_semaphore, #tpu.memory_space<semaphore_mem>>) src(%dma_wait3A_140 : memref<128xi32, #tpu.memory_space<hbm>>) dst(%arg18 : memref<128xi32, #tpu.memory_space<vmem>>)
    %dma_start3A_141 = arith.constant 0 : i32
    %dma_start3A_142 = arith.constant 0 : i32
    %dma_start3A_143 = tpu.memref_slice %arg3[%dma_start3A_141, %dma_start3A_142] : memref<10240x128xf32, #tpu.memory_space<hbm>> -> memref<10240x128xf32, #tpu.memory_space<hbm>>
    tpu.enqueue_indirect_dma source(%dma_start3A_143 : memref<10240x128xf32, #tpu.memory_space<hbm>>) target(%arg20 : memref<128x128xf32, #tpu.memory_space<vmem>>) offsets(%arg16 : memref<128xi32, #tpu.memory_space<vmem>>) semaphore(%arg24 : memref<!tpu.dma_semaphore, #tpu.memory_space<semaphore_mem>>)
    %add3A_144 = arith.constant 128 : i32
    %add3A_145 = arith.addi %mul3A_2, %add3A_144 : i32
    %multiple_of3A_146 = tpu.assume_multiple %add3A_145, 128 : i32
    %dma_start3A_147 = tpu.memref_slice %arg7[%multiple_of3A_146] : memref<106496xi32, #tpu.memory_space<hbm>> -> memref<128xi32, #tpu.memory_space<hbm>>
    %dma_start3A_148 = tpu.memref_slice %arg7[%multiple_of3A_146] : memref<106496xi32, #tpu.memory_space<hbm>> -> memref<128xi32, #tpu.memory_space<hbm>>
    tpu.enqueue_dma source(%dma_start3A_148 : memref<128xi32, #tpu.memory_space<hbm>>) target(%arg17 : memref<128xi32, #tpu.memory_space<vmem>>) target_semaphore(%arg23 : memref<!tpu.dma_semaphore, #tpu.memory_space<semaphore_mem>>)
    %dma_start3A_149 = tpu.memref_slice %arg8[%multiple_of3A_146] : memref<106496xi32, #tpu.memory_space<hbm>> -> memref<128xi32, #tpu.memory_space<hbm>>
    %dma_start3A_150 = tpu.memref_slice %arg8[%multiple_of3A_146] : memref<106496xi32, #tpu.memory_space<hbm>> -> memref<128xi32, #tpu.memory_space<hbm>>
    tpu.enqueue_dma source(%dma_start3A_150 : memref<128xi32, #tpu.memory_space<hbm>>) target(%arg19 : memref<128xi32, #tpu.memory_space<vmem>>) target_semaphore(%arg23 : memref<!tpu.dma_semaphore, #tpu.memory_space<semaphore_mem>>)
    %scan3A_151 = arith.constant 0 : i32
    %scan3A_152 = arith.constant 13 : i32
    %scan3A_153 = arith.addi %scan3A_151, %scan3A_152 : i32
    %scan3A_154 = arith.constant 1 : i32
    scf.for %scan3A_338 = %scan3A_151 to %scan3A_153 step %scan3A_154  : i32 {
      %mul3A_339 = arith.constant 2 : i32
      %mul3A_340 = arith.muli %scan3A_338, %mul3A_339 : i32
      %add3A_341 = arith.constant 0 : i32
      %add3A_342 = arith.addi %add3A_341, %mul3A_340 : i32
      %add3A_343 = arith.constant 0 : i32
      %add3A_344 = arith.addi %add3A_342, %add3A_343 : i32
      %add3A_345 = arith.constant 1 : i32
      %add3A_346 = arith.addi %add3A_344, %add3A_345 : i32
      %lt3A = arith.constant 26 : i32
      %lt3A_347 = arith.cmpi slt, %add3A_346, %lt3A : i32
      %convert_element_type3A = arith.extui %lt3A_347 : i1 to i32
      %cond3A = arith.constant 0 : i32
      %cond3A_348 = arith.cmpi ne, %convert_element_type3A, %cond3A : i32
      scf.if %cond3A_348 {
        %add3A_378 = arith.constant 1 : i32
        %add3A_379 = arith.addi %add3A_344, %add3A_378 : i32
        %mul3A_380 = arith.constant 128 : i32
        %mul3A_381 = arith.muli %add3A_379, %mul3A_380 : i32
        %add3A_382 = arith.addi %mul3A_2, %mul3A_381 : i32
        %multiple_of3A_383 = tpu.assume_multiple %add3A_382, 128 : i32
        %dma_wait3A_384 = tpu.memref_slice %arg7[%multiple_of3A_383] : memref<106496xi32, #tpu.memory_space<hbm>> -> memref<128xi32, #tpu.memory_space<hbm>>
        %dma_wait3A_385 = tpu.memref_slice %arg7[%multiple_of3A_383] : memref<106496xi32, #tpu.memory_space<hbm>> -> memref<128xi32, #tpu.memory_space<hbm>>
        tpu.wait_dma2 semaphore(%arg23 : memref<!tpu.dma_semaphore, #tpu.memory_space<semaphore_mem>>) src(%dma_wait3A_385 : memref<128xi32, #tpu.memory_space<hbm>>) dst(%arg17 : memref<128xi32, #tpu.memory_space<vmem>>)
        %dma_wait3A_386 = tpu.memref_slice %arg8[%multiple_of3A_383] : memref<106496xi32, #tpu.memory_space<hbm>> -> memref<128xi32, #tpu.memory_space<hbm>>
        %dma_wait3A_387 = tpu.memref_slice %arg8[%multiple_of3A_383] : memref<106496xi32, #tpu.memory_space<hbm>> -> memref<128xi32, #tpu.memory_space<hbm>>
        tpu.wait_dma2 semaphore(%arg23 : memref<!tpu.dma_semaphore, #tpu.memory_space<semaphore_mem>>) src(%dma_wait3A_387 : memref<128xi32, #tpu.memory_space<hbm>>) dst(%arg19 : memref<128xi32, #tpu.memory_space<vmem>>)
        %dma_start3A_388 = arith.constant 0 : i32
        %dma_start3A_389 = arith.constant 0 : i32
        %dma_start3A_390 = tpu.memref_slice %arg3[%dma_start3A_388, %dma_start3A_389] : memref<10240x128xf32, #tpu.memory_space<hbm>> -> memref<10240x128xf32, #tpu.memory_space<hbm>>
        tpu.enqueue_indirect_dma source(%dma_start3A_390 : memref<10240x128xf32, #tpu.memory_space<hbm>>) target(%arg21 : memref<128x128xf32, #tpu.memory_space<vmem>>) offsets(%arg17 : memref<128xi32, #tpu.memory_space<vmem>>) semaphore(%arg25 : memref<!tpu.dma_semaphore, #tpu.memory_space<semaphore_mem>>)
      } else {
      }
      %dma_wait3A_349 = arith.constant 0 : i32
      %dma_wait3A_350 = arith.constant 0 : i32
      %dma_wait3A_351 = tpu.memref_slice %arg3[%dma_wait3A_349, %dma_wait3A_350] : memref<10240x128xf32, #tpu.memory_space<hbm>> -> memref<10240x128xf32, #tpu.memory_space<hbm>>
      tpu.wait_indirect_dma semaphore(%arg24 : memref<!tpu.dma_semaphore, #tpu.memory_space<semaphore_mem>>) src(%dma_wait3A_351 : memref<10240x128xf32, #tpu.memory_space<hbm>>) dst(%arg20 : memref<128x128xf32, #tpu.memory_space<vmem>>)
      "tpu.region"() ({
        %run_scoped3A = tpu.sem_alloc : memref<!tpu.dma_semaphore, #tpu.memory_space<semaphore_mem>>
        %dma_start3A_378 = arith.constant 0 : i32
        %dma_start3A_379 = arith.constant 0 : i32
        %dma_start3A_380 = tpu.memref_slice %arg15[%dma_start3A_378, %dma_start3A_379] : memref<10240x128xf32, #tpu.memory_space<vmem_shared>> -> memref<10240x128xf32, #tpu.memory_space<vmem_shared>>
        tpu.enqueue_indirect_dma source(%arg20 : memref<128x128xf32, #tpu.memory_space<vmem>>) target(%dma_start3A_380 : memref<10240x128xf32, #tpu.memory_space<vmem_shared>>) offsets(%arg18 : memref<128xi32, #tpu.memory_space<vmem>>) semaphore(%run_scoped3A : memref<!tpu.dma_semaphore, #tpu.memory_space<semaphore_mem>>) {add = true}
        %dma_wait3A_381 = arith.constant 0 : i32
        %dma_wait3A_382 = arith.constant 0 : i32
        %dma_wait3A_383 = tpu.memref_slice %arg15[%dma_wait3A_381, %dma_wait3A_382] : memref<10240x128xf32, #tpu.memory_space<vmem_shared>> -> memref<10240x128xf32, #tpu.memory_space<vmem_shared>>
        tpu.wait_indirect_dma semaphore(%run_scoped3A : memref<!tpu.dma_semaphore, #tpu.memory_space<semaphore_mem>>) src(%arg20 : memref<128x128xf32, #tpu.memory_space<vmem>>) dst(%dma_wait3A_383 : memref<10240x128xf32, #tpu.memory_space<vmem_shared>>)
        tpu.yield
      }) : () -> ()
      %add3A_352 = arith.constant 2 : i32
      %add3A_353 = arith.addi %add3A_344, %add3A_352 : i32
      %lt3A_354 = arith.constant 26 : i32
      %lt3A_355 = arith.cmpi slt, %add3A_353, %lt3A_354 : i32
      %convert_element_type3A_356 = arith.extui %lt3A_355 : i1 to i32
      %cond3A_357 = arith.constant 0 : i32
      %cond3A_358 = arith.cmpi ne, %convert_element_type3A_356, %cond3A_357 : i32
      scf.if %cond3A_358 {
        %add3A_378 = arith.constant 2 : i32
        %add3A_379 = arith.addi %add3A_344, %add3A_378 : i32
        %mul3A_380 = arith.constant 128 : i32
        %mul3A_381 = arith.muli %add3A_379, %mul3A_380 : i32
        %add3A_382 = arith.addi %mul3A_2, %mul3A_381 : i32
        %multiple_of3A_383 = tpu.assume_multiple %add3A_382, 128 : i32
        %dma_start3A_384 = tpu.memref_slice %arg7[%multiple_of3A_383] : memref<106496xi32, #tpu.memory_space<hbm>> -> memref<128xi32, #tpu.memory_space<hbm>>
        %dma_start3A_385 = tpu.memref_slice %arg7[%multiple_of3A_383] : memref<106496xi32, #tpu.memory_space<hbm>> -> memref<128xi32, #tpu.memory_space<hbm>>
        tpu.enqueue_dma source(%dma_start3A_385 : memref<128xi32, #tpu.memory_space<hbm>>) target(%arg16 : memref<128xi32, #tpu.memory_space<vmem>>) target_semaphore(%arg22 : memref<!tpu.dma_semaphore, #tpu.memory_space<semaphore_mem>>)
        %dma_start3A_386 = tpu.memref_slice %arg8[%multiple_of3A_383] : memref<106496xi32, #tpu.memory_space<hbm>> -> memref<128xi32, #tpu.memory_space<hbm>>
        %dma_start3A_387 = tpu.memref_slice %arg8[%multiple_of3A_383] : memref<106496xi32, #tpu.memory_space<hbm>> -> memref<128xi32, #tpu.memory_space<hbm>>
        tpu.enqueue_dma source(%dma_start3A_387 : memref<128xi32, #tpu.memory_space<hbm>>) target(%arg18 : memref<128xi32, #tpu.memory_space<vmem>>) target_semaphore(%arg22 : memref<!tpu.dma_semaphore, #tpu.memory_space<semaphore_mem>>)
      } else {
      }
      %add3A_359 = arith.constant 1 : i32
      %add3A_360 = arith.addi %add3A_342, %add3A_359 : i32
      %add3A_361 = arith.constant 1 : i32
      %add3A_362 = arith.addi %add3A_360, %add3A_361 : i32
      %lt3A_363 = arith.constant 26 : i32
      %lt3A_364 = arith.cmpi slt, %add3A_362, %lt3A_363 : i32
      %convert_element_type3A_365 = arith.extui %lt3A_364 : i1 to i32
      %cond3A_366 = arith.constant 0 : i32
      %cond3A_367 = arith.cmpi ne, %convert_element_type3A_365, %cond3A_366 : i32
      scf.if %cond3A_367 {
        %add3A_378 = arith.constant 1 : i32
        %add3A_379 = arith.addi %add3A_360, %add3A_378 : i32
        %mul3A_380 = arith.constant 128 : i32
        %mul3A_381 = arith.muli %add3A_379, %mul3A_380 : i32
        %add3A_382 = arith.addi %mul3A_2, %mul3A_381 : i32
        %multiple_of3A_383 = tpu.assume_multiple %add3A_382, 128 : i32
        %dma_wait3A_384 = tpu.memref_slice %arg7[%multiple_of3A_383] : memref<106496xi32, #tpu.memory_space<hbm>> -> memref<128xi32, #tpu.memory_space<hbm>>
        %dma_wait3A_385 = tpu.memref_slice %arg7[%multiple_of3A_383] : memref<106496xi32, #tpu.memory_space<hbm>> -> memref<128xi32, #tpu.memory_space<hbm>>
        tpu.wait_dma2 semaphore(%arg22 : memref<!tpu.dma_semaphore, #tpu.memory_space<semaphore_mem>>) src(%dma_wait3A_385 : memref<128xi32, #tpu.memory_space<hbm>>) dst(%arg16 : memref<128xi32, #tpu.memory_space<vmem>>)
        %dma_wait3A_386 = tpu.memref_slice %arg8[%multiple_of3A_383] : memref<106496xi32, #tpu.memory_space<hbm>> -> memref<128xi32, #tpu.memory_space<hbm>>
        %dma_wait3A_387 = tpu.memref_slice %arg8[%multiple_of3A_383] : memref<106496xi32, #tpu.memory_space<hbm>> -> memref<128xi32, #tpu.memory_space<hbm>>
        tpu.wait_dma2 semaphore(%arg22 : memref<!tpu.dma_semaphore, #tpu.memory_space<semaphore_mem>>) src(%dma_wait3A_387 : memref<128xi32, #tpu.memory_space<hbm>>) dst(%arg18 : memref<128xi32, #tpu.memory_space<vmem>>)
        %dma_start3A_388 = arith.constant 0 : i32
        %dma_start3A_389 = arith.constant 0 : i32
        %dma_start3A_390 = tpu.memref_slice %arg3[%dma_start3A_388, %dma_start3A_389] : memref<10240x128xf32, #tpu.memory_space<hbm>> -> memref<10240x128xf32, #tpu.memory_space<hbm>>
        tpu.enqueue_indirect_dma source(%dma_start3A_390 : memref<10240x128xf32, #tpu.memory_space<hbm>>) target(%arg20 : memref<128x128xf32, #tpu.memory_space<vmem>>) offsets(%arg16 : memref<128xi32, #tpu.memory_space<vmem>>) semaphore(%arg24 : memref<!tpu.dma_semaphore, #tpu.memory_space<semaphore_mem>>)
      } else {
      }
      %dma_wait3A_368 = arith.constant 0 : i32
      %dma_wait3A_369 = arith.constant 0 : i32
      %dma_wait3A_370 = tpu.memref_slice %arg3[%dma_wait3A_368, %dma_wait3A_369] : memref<10240x128xf32, #tpu.memory_space<hbm>> -> memref<10240x128xf32, #tpu.memory_space<hbm>>
      tpu.wait_indirect_dma semaphore(%arg25 : memref<!tpu.dma_semaphore, #tpu.memory_space<semaphore_mem>>) src(%dma_wait3A_370 : memref<10240x128xf32, #tpu.memory_space<hbm>>) dst(%arg21 : memref<128x128xf32, #tpu.memory_space<vmem>>)
      "tpu.region"() ({
        %run_scoped3A = tpu.sem_alloc : memref<!tpu.dma_semaphore, #tpu.memory_space<semaphore_mem>>
        %dma_start3A_378 = arith.constant 0 : i32
        %dma_start3A_379 = arith.constant 0 : i32
        %dma_start3A_380 = tpu.memref_slice %arg15[%dma_start3A_378, %dma_start3A_379] : memref<10240x128xf32, #tpu.memory_space<vmem_shared>> -> memref<10240x128xf32, #tpu.memory_space<vmem_shared>>
        tpu.enqueue_indirect_dma source(%arg21 : memref<128x128xf32, #tpu.memory_space<vmem>>) target(%dma_start3A_380 : memref<10240x128xf32, #tpu.memory_space<vmem_shared>>) offsets(%arg19 : memref<128xi32, #tpu.memory_space<vmem>>) semaphore(%run_scoped3A : memref<!tpu.dma_semaphore, #tpu.memory_space<semaphore_mem>>) {add = true}
        %dma_wait3A_381 = arith.constant 0 : i32
        %dma_wait3A_382 = arith.constant 0 : i32
        %dma_wait3A_383 = tpu.memref_slice %arg15[%dma_wait3A_381, %dma_wait3A_382] : memref<10240x128xf32, #tpu.memory_space<vmem_shared>> -> memref<10240x128xf32, #tpu.memory_space<vmem_shared>>
        tpu.wait_indirect_dma semaphore(%run_scoped3A : memref<!tpu.dma_semaphore, #tpu.memory_space<semaphore_mem>>) src(%arg21 : memref<128x128xf32, #tpu.memory_space<vmem>>) dst(%dma_wait3A_383 : memref<10240x128xf32, #tpu.memory_space<vmem_shared>>)
        tpu.yield
      }) : () -> ()
      %add3A_371 = arith.constant 2 : i32
      %add3A_372 = arith.addi %add3A_360, %add3A_371 : i32
      %lt3A_373 = arith.constant 26 : i32
      %lt3A_374 = arith.cmpi slt, %add3A_372, %lt3A_373 : i32
      %convert_element_type3A_375 = arith.extui %lt3A_374 : i1 to i32
      %cond3A_376 = arith.constant 0 : i32
      %cond3A_377 = arith.cmpi ne, %convert_element_type3A_375, %cond3A_376 : i32
      scf.if %cond3A_377 {
        %add3A_378 = arith.constant 2 : i32
        %add3A_379 = arith.addi %add3A_360, %add3A_378 : i32
        %mul3A_380 = arith.constant 128 : i32
        %mul3A_381 = arith.muli %add3A_379, %mul3A_380 : i32
        %add3A_382 = arith.addi %mul3A_2, %mul3A_381 : i32
        %multiple_of3A_383 = tpu.assume_multiple %add3A_382, 128 : i32
        %dma_start3A_384 = tpu.memref_slice %arg7[%multiple_of3A_383] : memref<106496xi32, #tpu.memory_space<hbm>> -> memref<128xi32, #tpu.memory_space<hbm>>
        %dma_start3A_385 = tpu.memref_slice %arg7[%multiple_of3A_383] : memref<106496xi32, #tpu.memory_space<hbm>> -> memref<128xi32, #tpu.memory_space<hbm>>
        tpu.enqueue_dma source(%dma_start3A_385 : memref<128xi32, #tpu.memory_space<hbm>>) target(%arg17 : memref<128xi32, #tpu.memory_space<vmem>>) target_semaphore(%arg23 : memref<!tpu.dma_semaphore, #tpu.memory_space<semaphore_mem>>)
        %dma_start3A_386 = tpu.memref_slice %arg8[%multiple_of3A_383] : memref<106496xi32, #tpu.memory_space<hbm>> -> memref<128xi32, #tpu.memory_space<hbm>>
        %dma_start3A_387 = tpu.memref_slice %arg8[%multiple_of3A_383] : memref<106496xi32, #tpu.memory_space<hbm>> -> memref<128xi32, #tpu.memory_space<hbm>>
        tpu.enqueue_dma source(%dma_start3A_387 : memref<128xi32, #tpu.memory_space<hbm>>) target(%arg19 : memref<128xi32, #tpu.memory_space<vmem>>) target_semaphore(%arg23 : memref<!tpu.dma_semaphore, #tpu.memory_space<semaphore_mem>>)
      } else {
      }
    }
    %scan3A_155 = arith.constant 13 : i32
    %barrier3A_156 = arith.constant 0 : index
    tpu.barrier barrier_id(%barrier3A_156)
    %add3A_157 = arith.constant 0 : i32
    %add3A_158 = arith.addi %mul3A_4, %add3A_157 : i32
    "tpu.region"() ({
      %run_scoped3A = tpu.sem_alloc : memref<!tpu.dma_semaphore, #tpu.memory_space<semaphore_mem>>
      %dma_start3A_338 = arith.constant 0 : i32
      %dma_start3A_339 = tpu.memref_slice %arg15[%add3A_158, %dma_start3A_338] : memref<10240x128xf32, #tpu.memory_space<vmem_shared>> -> memref<128x128xf32, #tpu.memory_space<vmem_shared>>
      %dma_start3A_340 = arith.constant 0 : i32
      %dma_start3A_341 = tpu.memref_slice %arg15[%add3A_158, %dma_start3A_340] : memref<10240x128xf32, #tpu.memory_space<vmem_shared>> -> memref<128x128xf32, #tpu.memory_space<vmem_shared>>
      tpu.enqueue_dma source(%dma_start3A_341 : memref<128x128xf32, #tpu.memory_space<vmem_shared>>) target(%arg20 : memref<128x128xf32, #tpu.memory_space<vmem>>) target_semaphore(%run_scoped3A : memref<!tpu.dma_semaphore, #tpu.memory_space<semaphore_mem>>)
      %dma_wait3A_342 = arith.constant 0 : i32
      %dma_wait3A_343 = tpu.memref_slice %arg15[%add3A_158, %dma_wait3A_342] : memref<10240x128xf32, #tpu.memory_space<vmem_shared>> -> memref<128x128xf32, #tpu.memory_space<vmem_shared>>
      %dma_wait3A_344 = arith.constant 0 : i32
      %dma_wait3A_345 = tpu.memref_slice %arg15[%add3A_158, %dma_wait3A_344] : memref<10240x128xf32, #tpu.memory_space<vmem_shared>> -> memref<128x128xf32, #tpu.memory_space<vmem_shared>>
      tpu.wait_dma2 semaphore(%run_scoped3A : memref<!tpu.dma_semaphore, #tpu.memory_space<semaphore_mem>>) src(%dma_wait3A_345 : memref<128x128xf32, #tpu.memory_space<vmem_shared>>) dst(%arg20 : memref<128x128xf32, #tpu.memory_space<vmem>>)
      tpu.yield
    }) : () -> ()
    %add3A_159 = arith.constant 0 : i32
    %add3A_160 = arith.addi %add3A_9, %add3A_159 : i32
    %dma_start3A_161 = arith.constant 0 : i32
    %dma_start3A_162 = tpu.memref_slice %arg13[%add3A_160, %dma_start3A_161] : memref<20480x128xf32, #tpu.memory_space<hbm>> -> memref<128x128xf32, #tpu.memory_space<hbm>>
    %dma_start3A_163 = arith.constant 0 : i32
    %dma_start3A_164 = tpu.memref_slice %arg13[%add3A_160, %dma_start3A_163] : memref<20480x128xf32, #tpu.memory_space<hbm>> -> memref<128x128xf32, #tpu.memory_space<hbm>>
    tpu.enqueue_dma source(%arg20 : memref<128x128xf32, #tpu.memory_space<vmem>>) target(%dma_start3A_164 : memref<128x128xf32, #tpu.memory_space<hbm>>) target_semaphore(%arg26 : memref<!tpu.dma_semaphore, #tpu.memory_space<semaphore_mem>>)
    %add3A_165 = arith.constant 128 : i32
    %add3A_166 = arith.addi %mul3A_4, %add3A_165 : i32
    "tpu.region"() ({
      %run_scoped3A = tpu.sem_alloc : memref<!tpu.dma_semaphore, #tpu.memory_space<semaphore_mem>>
      %dma_start3A_338 = arith.constant 0 : i32
      %dma_start3A_339 = tpu.memref_slice %arg15[%add3A_166, %dma_start3A_338] : memref<10240x128xf32, #tpu.memory_space<vmem_shared>> -> memref<128x128xf32, #tpu.memory_space<vmem_shared>>
      %dma_start3A_340 = arith.constant 0 : i32
      %dma_start3A_341 = tpu.memref_slice %arg15[%add3A_166, %dma_start3A_340] : memref<10240x128xf32, #tpu.memory_space<vmem_shared>> -> memref<128x128xf32, #tpu.memory_space<vmem_shared>>
      tpu.enqueue_dma source(%dma_start3A_341 : memref<128x128xf32, #tpu.memory_space<vmem_shared>>) target(%arg21 : memref<128x128xf32, #tpu.memory_space<vmem>>) target_semaphore(%run_scoped3A : memref<!tpu.dma_semaphore, #tpu.memory_space<semaphore_mem>>)
      %dma_wait3A_342 = arith.constant 0 : i32
      %dma_wait3A_343 = tpu.memref_slice %arg15[%add3A_166, %dma_wait3A_342] : memref<10240x128xf32, #tpu.memory_space<vmem_shared>> -> memref<128x128xf32, #tpu.memory_space<vmem_shared>>
      %dma_wait3A_344 = arith.constant 0 : i32
      %dma_wait3A_345 = tpu.memref_slice %arg15[%add3A_166, %dma_wait3A_344] : memref<10240x128xf32, #tpu.memory_space<vmem_shared>> -> memref<128x128xf32, #tpu.memory_space<vmem_shared>>
      tpu.wait_dma2 semaphore(%run_scoped3A : memref<!tpu.dma_semaphore, #tpu.memory_space<semaphore_mem>>) src(%dma_wait3A_345 : memref<128x128xf32, #tpu.memory_space<vmem_shared>>) dst(%arg21 : memref<128x128xf32, #tpu.memory_space<vmem>>)
      tpu.yield
    }) : () -> ()
    %add3A_167 = arith.constant 128 : i32
    %add3A_168 = arith.addi %add3A_9, %add3A_167 : i32
    %dma_start3A_169 = arith.constant 0 : i32
    %dma_start3A_170 = tpu.memref_slice %arg13[%add3A_168, %dma_start3A_169] : memref<20480x128xf32, #tpu.memory_space<hbm>> -> memref<128x128xf32, #tpu.memory_space<hbm>>
    %dma_start3A_171 = arith.constant 0 : i32
    %dma_start3A_172 = tpu.memref_slice %arg13[%add3A_168, %dma_start3A_171] : memref<20480x128xf32, #tpu.memory_space<hbm>> -> memref<128x128xf32, #tpu.memory_space<hbm>>
    tpu.enqueue_dma source(%arg21 : memref<128x128xf32, #tpu.memory_space<vmem>>) target(%dma_start3A_172 : memref<128x128xf32, #tpu.memory_space<hbm>>) target_semaphore(%arg27 : memref<!tpu.dma_semaphore, #tpu.memory_space<semaphore_mem>>)
    %add3A_173 = arith.constant 0 : i32
    %add3A_174 = arith.addi %add3A_9, %add3A_173 : i32
    %dma_wait3A_175 = arith.constant 0 : i32
    %dma_wait3A_176 = tpu.memref_slice %arg13[%add3A_174, %dma_wait3A_175] : memref<20480x128xf32, #tpu.memory_space<hbm>> -> memref<128x128xf32, #tpu.memory_space<hbm>>
    %dma_wait3A_177 = arith.constant 0 : i32
    %dma_wait3A_178 = tpu.memref_slice %arg13[%add3A_174, %dma_wait3A_177] : memref<20480x128xf32, #tpu.memory_space<hbm>> -> memref<128x128xf32, #tpu.memory_space<hbm>>
    tpu.wait_dma2 semaphore(%arg26 : memref<!tpu.dma_semaphore, #tpu.memory_space<semaphore_mem>>) src(%arg20 : memref<128x128xf32, #tpu.memory_space<vmem>>) dst(%dma_wait3A_178 : memref<128x128xf32, #tpu.memory_space<hbm>>)
    %add3A_179 = arith.constant 256 : i32
    %add3A_180 = arith.addi %mul3A_4, %add3A_179 : i32
    "tpu.region"() ({
      %run_scoped3A = tpu.sem_alloc : memref<!tpu.dma_semaphore, #tpu.memory_space<semaphore_mem>>
      %dma_start3A_338 = arith.constant 0 : i32
      %dma_start3A_339 = tpu.memref_slice %arg15[%add3A_180, %dma_start3A_338] : memref<10240x128xf32, #tpu.memory_space<vmem_shared>> -> memref<128x128xf32, #tpu.memory_space<vmem_shared>>
      %dma_start3A_340 = arith.constant 0 : i32
      %dma_start3A_341 = tpu.memref_slice %arg15[%add3A_180, %dma_start3A_340] : memref<10240x128xf32, #tpu.memory_space<vmem_shared>> -> memref<128x128xf32, #tpu.memory_space<vmem_shared>>
      tpu.enqueue_dma source(%dma_start3A_341 : memref<128x128xf32, #tpu.memory_space<vmem_shared>>) target(%arg20 : memref<128x128xf32, #tpu.memory_space<vmem>>) target_semaphore(%run_scoped3A : memref<!tpu.dma_semaphore, #tpu.memory_space<semaphore_mem>>)
      %dma_wait3A_342 = arith.constant 0 : i32
      %dma_wait3A_343 = tpu.memref_slice %arg15[%add3A_180, %dma_wait3A_342] : memref<10240x128xf32, #tpu.memory_space<vmem_shared>> -> memref<128x128xf32, #tpu.memory_space<vmem_shared>>
      %dma_wait3A_344 = arith.constant 0 : i32
      %dma_wait3A_345 = tpu.memref_slice %arg15[%add3A_180, %dma_wait3A_344] : memref<10240x128xf32, #tpu.memory_space<vmem_shared>> -> memref<128x128xf32, #tpu.memory_space<vmem_shared>>
      tpu.wait_dma2 semaphore(%run_scoped3A : memref<!tpu.dma_semaphore, #tpu.memory_space<semaphore_mem>>) src(%dma_wait3A_345 : memref<128x128xf32, #tpu.memory_space<vmem_shared>>) dst(%arg20 : memref<128x128xf32, #tpu.memory_space<vmem>>)
      tpu.yield
    }) : () -> ()
    %add3A_181 = arith.constant 256 : i32
    %add3A_182 = arith.addi %add3A_9, %add3A_181 : i32
    %dma_start3A_183 = arith.constant 0 : i32
    %dma_start3A_184 = tpu.memref_slice %arg13[%add3A_182, %dma_start3A_183] : memref<20480x128xf32, #tpu.memory_space<hbm>> -> memref<128x128xf32, #tpu.memory_space<hbm>>
    %dma_start3A_185 = arith.constant 0 : i32
    %dma_start3A_186 = tpu.memref_slice %arg13[%add3A_182, %dma_start3A_185] : memref<20480x128xf32, #tpu.memory_space<hbm>> -> memref<128x128xf32, #tpu.memory_space<hbm>>
    tpu.enqueue_dma source(%arg20 : memref<128x128xf32, #tpu.memory_space<vmem>>) target(%dma_start3A_186 : memref<128x128xf32, #tpu.memory_space<hbm>>) target_semaphore(%arg26 : memref<!tpu.dma_semaphore, #tpu.memory_space<semaphore_mem>>)
    %add3A_187 = arith.constant 128 : i32
    %add3A_188 = arith.addi %add3A_9, %add3A_187 : i32
    %dma_wait3A_189 = arith.constant 0 : i32
    %dma_wait3A_190 = tpu.memref_slice %arg13[%add3A_188, %dma_wait3A_189] : memref<20480x128xf32, #tpu.memory_space<hbm>> -> memref<128x128xf32, #tpu.memory_space<hbm>>
    %dma_wait3A_191 = arith.constant 0 : i32
    %dma_wait3A_192 = tpu.memref_slice %arg13[%add3A_188, %dma_wait3A_191] : memref<20480x128xf32, #tpu.memory_space<hbm>> -> memref<128x128xf32, #tpu.memory_space<hbm>>
    tpu.wait_dma2 semaphore(%arg27 : memref<!tpu.dma_semaphore, #tpu.memory_space<semaphore_mem>>) src(%arg21 : memref<128x128xf32, #tpu.memory_space<vmem>>) dst(%dma_wait3A_192 : memref<128x128xf32, #tpu.memory_space<hbm>>)
    %add3A_193 = arith.constant 384 : i32
    %add3A_194 = arith.addi %mul3A_4, %add3A_193 : i32
    "tpu.region"() ({
      %run_scoped3A = tpu.sem_alloc : memref<!tpu.dma_semaphore, #tpu.memory_space<semaphore_mem>>
      %dma_start3A_338 = arith.constant 0 : i32
      %dma_start3A_339 = tpu.memref_slice %arg15[%add3A_194, %dma_start3A_338] : memref<10240x128xf32, #tpu.memory_space<vmem_shared>> -> memref<128x128xf32, #tpu.memory_space<vmem_shared>>
      %dma_start3A_340 = arith.constant 0 : i32
      %dma_start3A_341 = tpu.memref_slice %arg15[%add3A_194, %dma_start3A_340] : memref<10240x128xf32, #tpu.memory_space<vmem_shared>> -> memref<128x128xf32, #tpu.memory_space<vmem_shared>>
      tpu.enqueue_dma source(%dma_start3A_341 : memref<128x128xf32, #tpu.memory_space<vmem_shared>>) target(%arg21 : memref<128x128xf32, #tpu.memory_space<vmem>>) target_semaphore(%run_scoped3A : memref<!tpu.dma_semaphore, #tpu.memory_space<semaphore_mem>>)
      %dma_wait3A_342 = arith.constant 0 : i32
      %dma_wait3A_343 = tpu.memref_slice %arg15[%add3A_194, %dma_wait3A_342] : memref<10240x128xf32, #tpu.memory_space<vmem_shared>> -> memref<128x128xf32, #tpu.memory_space<vmem_shared>>
      %dma_wait3A_344 = arith.constant 0 : i32
      %dma_wait3A_345 = tpu.memref_slice %arg15[%add3A_194, %dma_wait3A_344] : memref<10240x128xf32, #tpu.memory_space<vmem_shared>> -> memref<128x128xf32, #tpu.memory_space<vmem_shared>>
      tpu.wait_dma2 semaphore(%run_scoped3A : memref<!tpu.dma_semaphore, #tpu.memory_space<semaphore_mem>>) src(%dma_wait3A_345 : memref<128x128xf32, #tpu.memory_space<vmem_shared>>) dst(%arg21 : memref<128x128xf32, #tpu.memory_space<vmem>>)
      tpu.yield
    }) : () -> ()
    %add3A_195 = arith.constant 384 : i32
    %add3A_196 = arith.addi %add3A_9, %add3A_195 : i32
    %dma_start3A_197 = arith.constant 0 : i32
    %dma_start3A_198 = tpu.memref_slice %arg13[%add3A_196, %dma_start3A_197] : memref<20480x128xf32, #tpu.memory_space<hbm>> -> memref<128x128xf32, #tpu.memory_space<hbm>>
    %dma_start3A_199 = arith.constant 0 : i32
    %dma_start3A_200 = tpu.memref_slice %arg13[%add3A_196, %dma_start3A_199] : memref<20480x128xf32, #tpu.memory_space<hbm>> -> memref<128x128xf32, #tpu.memory_space<hbm>>
    tpu.enqueue_dma source(%arg21 : memref<128x128xf32, #tpu.memory_space<vmem>>) target(%dma_start3A_200 : memref<128x128xf32, #tpu.memory_space<hbm>>) target_semaphore(%arg27 : memref<!tpu.dma_semaphore, #tpu.memory_space<semaphore_mem>>)
    %add3A_201 = arith.constant 256 : i32
    %add3A_202 = arith.addi %add3A_9, %add3A_201 : i32
    %dma_wait3A_203 = arith.constant 0 : i32
    %dma_wait3A_204 = tpu.memref_slice %arg13[%add3A_202, %dma_wait3A_203] : memref<20480x128xf32, #tpu.memory_space<hbm>> -> memref<128x128xf32, #tpu.memory_space<hbm>>
    %dma_wait3A_205 = arith.constant 0 : i32
    %dma_wait3A_206 = tpu.memref_slice %arg13[%add3A_202, %dma_wait3A_205] : memref<20480x128xf32, #tpu.memory_space<hbm>> -> memref<128x128xf32, #tpu.memory_space<hbm>>
    tpu.wait_dma2 semaphore(%arg26 : memref<!tpu.dma_semaphore, #tpu.memory_space<semaphore_mem>>) src(%arg20 : memref<128x128xf32, #tpu.memory_space<vmem>>) dst(%dma_wait3A_206 : memref<128x128xf32, #tpu.memory_space<hbm>>)
    %add3A_207 = arith.constant 512 : i32
    %add3A_208 = arith.addi %mul3A_4, %add3A_207 : i32
    "tpu.region"() ({
      %run_scoped3A = tpu.sem_alloc : memref<!tpu.dma_semaphore, #tpu.memory_space<semaphore_mem>>
      %dma_start3A_338 = arith.constant 0 : i32
      %dma_start3A_339 = tpu.memref_slice %arg15[%add3A_208, %dma_start3A_338] : memref<10240x128xf32, #tpu.memory_space<vmem_shared>> -> memref<128x128xf32, #tpu.memory_space<vmem_shared>>
      %dma_start3A_340 = arith.constant 0 : i32
      %dma_start3A_341 = tpu.memref_slice %arg15[%add3A_208, %dma_start3A_340] : memref<10240x128xf32, #tpu.memory_space<vmem_shared>> -> memref<128x128xf32, #tpu.memory_space<vmem_shared>>
      tpu.enqueue_dma source(%dma_start3A_341 : memref<128x128xf32, #tpu.memory_space<vmem_shared>>) target(%arg20 : memref<128x128xf32, #tpu.memory_space<vmem>>) target_semaphore(%run_scoped3A : memref<!tpu.dma_semaphore, #tpu.memory_space<semaphore_mem>>)
      %dma_wait3A_342 = arith.constant 0 : i32
      %dma_wait3A_343 = tpu.memref_slice %arg15[%add3A_208, %dma_wait3A_342] : memref<10240x128xf32, #tpu.memory_space<vmem_shared>> -> memref<128x128xf32, #tpu.memory_space<vmem_shared>>
      %dma_wait3A_344 = arith.constant 0 : i32
      %dma_wait3A_345 = tpu.memref_slice %arg15[%add3A_208, %dma_wait3A_344] : memref<10240x128xf32, #tpu.memory_space<vmem_shared>> -> memref<128x128xf32, #tpu.memory_space<vmem_shared>>
      tpu.wait_dma2 semaphore(%run_scoped3A : memref<!tpu.dma_semaphore, #tpu.memory_space<semaphore_mem>>) src(%dma_wait3A_345 : memref<128x128xf32, #tpu.memory_space<vmem_shared>>) dst(%arg20 : memref<128x128xf32, #tpu.memory_space<vmem>>)
      tpu.yield
    }) : () -> ()
    %add3A_209 = arith.constant 512 : i32
    %add3A_210 = arith.addi %add3A_9, %add3A_209 : i32
    %dma_start3A_211 = arith.constant 0 : i32
    %dma_start3A_212 = tpu.memref_slice %arg13[%add3A_210, %dma_start3A_211] : memref<20480x128xf32, #tpu.memory_space<hbm>> -> memref<128x128xf32, #tpu.memory_space<hbm>>
    %dma_start3A_213 = arith.constant 0 : i32
    %dma_start3A_214 = tpu.memref_slice %arg13[%add3A_210, %dma_start3A_213] : memref<20480x128xf32, #tpu.memory_space<hbm>> -> memref<128x128xf32, #tpu.memory_space<hbm>>
    tpu.enqueue_dma source(%arg20 : memref<128x128xf32, #tpu.memory_space<vmem>>) target(%dma_start3A_214 : memref<128x128xf32, #tpu.memory_space<hbm>>) target_semaphore(%arg26 : memref<!tpu.dma_semaphore, #tpu.memory_space<semaphore_mem>>)
    %add3A_215 = arith.constant 384 : i32
    %add3A_216 = arith.addi %add3A_9, %add3A_215 : i32
    %dma_wait3A_217 = arith.constant 0 : i32
    %dma_wait3A_218 = tpu.memref_slice %arg13[%add3A_216, %dma_wait3A_217] : memref<20480x128xf32, #tpu.memory_space<hbm>> -> memref<128x128xf32, #tpu.memory_space<hbm>>
    %dma_wait3A_219 = arith.constant 0 : i32
    %dma_wait3A_220 = tpu.memref_slice %arg13[%add3A_216, %dma_wait3A_219] : memref<20480x128xf32, #tpu.memory_space<hbm>> -> memref<128x128xf32, #tpu.memory_space<hbm>>
    tpu.wait_dma2 semaphore(%arg27 : memref<!tpu.dma_semaphore, #tpu.memory_space<semaphore_mem>>) src(%arg21 : memref<128x128xf32, #tpu.memory_space<vmem>>) dst(%dma_wait3A_220 : memref<128x128xf32, #tpu.memory_space<hbm>>)
    %add3A_221 = arith.constant 512 : i32
    %add3A_222 = arith.addi %add3A_9, %add3A_221 : i32
    %dma_wait3A_223 = arith.constant 0 : i32
    %dma_wait3A_224 = tpu.memref_slice %arg13[%add3A_222, %dma_wait3A_223] : memref<20480x128xf32, #tpu.memory_space<hbm>> -> memref<128x128xf32, #tpu.memory_space<hbm>>
    %dma_wait3A_225 = arith.constant 0 : i32
    %dma_wait3A_226 = tpu.memref_slice %arg13[%add3A_222, %dma_wait3A_225] : memref<20480x128xf32, #tpu.memory_space<hbm>> -> memref<128x128xf32, #tpu.memory_space<hbm>>
    tpu.wait_dma2 semaphore(%arg26 : memref<!tpu.dma_semaphore, #tpu.memory_space<semaphore_mem>>) src(%arg20 : memref<128x128xf32, #tpu.memory_space<vmem>>) dst(%dma_wait3A_226 : memref<128x128xf32, #tpu.memory_space<hbm>>)
    "tpu.region"() ({
      %run_scoped3A = tpu.sem_alloc : memref<!tpu.dma_semaphore, #tpu.memory_space<semaphore_mem>>
      tpu.enqueue_dma source(%arg11 : memref<128x128xf32, #tpu.memory_space<hbm>>) target(%arg20 : memref<128x128xf32, #tpu.memory_space<vmem>>) target_semaphore(%run_scoped3A : memref<!tpu.dma_semaphore, #tpu.memory_space<semaphore_mem>>)
      tpu.wait_dma2 semaphore(%run_scoped3A : memref<!tpu.dma_semaphore, #tpu.memory_space<semaphore_mem>>) src(%arg11 : memref<128x128xf32, #tpu.memory_space<hbm>>) dst(%arg20 : memref<128x128xf32, #tpu.memory_space<vmem>>)
      tpu.yield
    }) : () -> ()
    %add3A_227 = arith.constant 0 : i32
    %add3A_228 = arith.addi %mul3A_4, %add3A_227 : i32
    "tpu.region"() ({
      %run_scoped3A = tpu.sem_alloc : memref<!tpu.dma_semaphore, #tpu.memory_space<semaphore_mem>>
      %dma_start3A_338 = arith.constant 0 : i32
      %dma_start3A_339 = tpu.memref_slice %arg15[%add3A_228, %dma_start3A_338] : memref<10240x128xf32, #tpu.memory_space<vmem_shared>> -> memref<128x128xf32, #tpu.memory_space<vmem_shared>>
      %dma_start3A_340 = arith.constant 0 : i32
      %dma_start3A_341 = tpu.memref_slice %arg15[%add3A_228, %dma_start3A_340] : memref<10240x128xf32, #tpu.memory_space<vmem_shared>> -> memref<128x128xf32, #tpu.memory_space<vmem_shared>>
      tpu.enqueue_dma source(%arg20 : memref<128x128xf32, #tpu.memory_space<vmem>>) target(%dma_start3A_341 : memref<128x128xf32, #tpu.memory_space<vmem_shared>>) target_semaphore(%run_scoped3A : memref<!tpu.dma_semaphore, #tpu.memory_space<semaphore_mem>>)
      %dma_wait3A_342 = arith.constant 0 : i32
      %dma_wait3A_343 = tpu.memref_slice %arg15[%add3A_228, %dma_wait3A_342] : memref<10240x128xf32, #tpu.memory_space<vmem_shared>> -> memref<128x128xf32, #tpu.memory_space<vmem_shared>>
      %dma_wait3A_344 = arith.constant 0 : i32
      %dma_wait3A_345 = tpu.memref_slice %arg15[%add3A_228, %dma_wait3A_344] : memref<10240x128xf32, #tpu.memory_space<vmem_shared>> -> memref<128x128xf32, #tpu.memory_space<vmem_shared>>
      tpu.wait_dma2 semaphore(%run_scoped3A : memref<!tpu.dma_semaphore, #tpu.memory_space<semaphore_mem>>) src(%arg20 : memref<128x128xf32, #tpu.memory_space<vmem>>) dst(%dma_wait3A_345 : memref<128x128xf32, #tpu.memory_space<vmem_shared>>)
      tpu.yield
    }) : () -> ()
    %add3A_229 = arith.constant 128 : i32
    %add3A_230 = arith.addi %mul3A_4, %add3A_229 : i32
    "tpu.region"() ({
      %run_scoped3A = tpu.sem_alloc : memref<!tpu.dma_semaphore, #tpu.memory_space<semaphore_mem>>
      %dma_start3A_338 = arith.constant 0 : i32
      %dma_start3A_339 = tpu.memref_slice %arg15[%add3A_230, %dma_start3A_338] : memref<10240x128xf32, #tpu.memory_space<vmem_shared>> -> memref<128x128xf32, #tpu.memory_space<vmem_shared>>
      %dma_start3A_340 = arith.constant 0 : i32
      %dma_start3A_341 = tpu.memref_slice %arg15[%add3A_230, %dma_start3A_340] : memref<10240x128xf32, #tpu.memory_space<vmem_shared>> -> memref<128x128xf32, #tpu.memory_space<vmem_shared>>
      tpu.enqueue_dma source(%arg20 : memref<128x128xf32, #tpu.memory_space<vmem>>) target(%dma_start3A_341 : memref<128x128xf32, #tpu.memory_space<vmem_shared>>) target_semaphore(%run_scoped3A : memref<!tpu.dma_semaphore, #tpu.memory_space<semaphore_mem>>)
      %dma_wait3A_342 = arith.constant 0 : i32
      %dma_wait3A_343 = tpu.memref_slice %arg15[%add3A_230, %dma_wait3A_342] : memref<10240x128xf32, #tpu.memory_space<vmem_shared>> -> memref<128x128xf32, #tpu.memory_space<vmem_shared>>
      %dma_wait3A_344 = arith.constant 0 : i32
      %dma_wait3A_345 = tpu.memref_slice %arg15[%add3A_230, %dma_wait3A_344] : memref<10240x128xf32, #tpu.memory_space<vmem_shared>> -> memref<128x128xf32, #tpu.memory_space<vmem_shared>>
      tpu.wait_dma2 semaphore(%run_scoped3A : memref<!tpu.dma_semaphore, #tpu.memory_space<semaphore_mem>>) src(%arg20 : memref<128x128xf32, #tpu.memory_space<vmem>>) dst(%dma_wait3A_345 : memref<128x128xf32, #tpu.memory_space<vmem_shared>>)
      tpu.yield
    }) : () -> ()
    %add3A_231 = arith.constant 256 : i32
    %add3A_232 = arith.addi %mul3A_4, %add3A_231 : i32
    "tpu.region"() ({
      %run_scoped3A = tpu.sem_alloc : memref<!tpu.dma_semaphore, #tpu.memory_space<semaphore_mem>>
      %dma_start3A_338 = arith.constant 0 : i32
      %dma_start3A_339 = tpu.memref_slice %arg15[%add3A_232, %dma_start3A_338] : memref<10240x128xf32, #tpu.memory_space<vmem_shared>> -> memref<128x128xf32, #tpu.memory_space<vmem_shared>>
      %dma_start3A_340 = arith.constant 0 : i32
      %dma_start3A_341 = tpu.memref_slice %arg15[%add3A_232, %dma_start3A_340] : memref<10240x128xf32, #tpu.memory_space<vmem_shared>> -> memref<128x128xf32, #tpu.memory_space<vmem_shared>>
      tpu.enqueue_dma source(%arg20 : memref<128x128xf32, #tpu.memory_space<vmem>>) target(%dma_start3A_341 : memref<128x128xf32, #tpu.memory_space<vmem_shared>>) target_semaphore(%run_scoped3A : memref<!tpu.dma_semaphore, #tpu.memory_space<semaphore_mem>>)
      %dma_wait3A_342 = arith.constant 0 : i32
      %dma_wait3A_343 = tpu.memref_slice %arg15[%add3A_232, %dma_wait3A_342] : memref<10240x128xf32, #tpu.memory_space<vmem_shared>> -> memref<128x128xf32, #tpu.memory_space<vmem_shared>>
      %dma_wait3A_344 = arith.constant 0 : i32
      %dma_wait3A_345 = tpu.memref_slice %arg15[%add3A_232, %dma_wait3A_344] : memref<10240x128xf32, #tpu.memory_space<vmem_shared>> -> memref<128x128xf32, #tpu.memory_space<vmem_shared>>
      tpu.wait_dma2 semaphore(%run_scoped3A : memref<!tpu.dma_semaphore, #tpu.memory_space<semaphore_mem>>) src(%arg20 : memref<128x128xf32, #tpu.memory_space<vmem>>) dst(%dma_wait3A_345 : memref<128x128xf32, #tpu.memory_space<vmem_shared>>)
      tpu.yield
    }) : () -> ()
    %add3A_233 = arith.constant 384 : i32
    %add3A_234 = arith.addi %mul3A_4, %add3A_233 : i32
    "tpu.region"() ({
      %run_scoped3A = tpu.sem_alloc : memref<!tpu.dma_semaphore, #tpu.memory_space<semaphore_mem>>
      %dma_start3A_338 = arith.constant 0 : i32
      %dma_start3A_339 = tpu.memref_slice %arg15[%add3A_234, %dma_start3A_338] : memref<10240x128xf32, #tpu.memory_space<vmem_shared>> -> memref<128x128xf32, #tpu.memory_space<vmem_shared>>
      %dma_start3A_340 = arith.constant 0 : i32
      %dma_start3A_341 = tpu.memref_slice %arg15[%add3A_234, %dma_start3A_340] : memref<10240x128xf32, #tpu.memory_space<vmem_shared>> -> memref<128x128xf32, #tpu.memory_space<vmem_shared>>
      tpu.enqueue_dma source(%arg20 : memref<128x128xf32, #tpu.memory_space<vmem>>) target(%dma_start3A_341 : memref<128x128xf32, #tpu.memory_space<vmem_shared>>) target_semaphore(%run_scoped3A : memref<!tpu.dma_semaphore, #tpu.memory_space<semaphore_mem>>)
      %dma_wait3A_342 = arith.constant 0 : i32
      %dma_wait3A_343 = tpu.memref_slice %arg15[%add3A_234, %dma_wait3A_342] : memref<10240x128xf32, #tpu.memory_space<vmem_shared>> -> memref<128x128xf32, #tpu.memory_space<vmem_shared>>
      %dma_wait3A_344 = arith.constant 0 : i32
      %dma_wait3A_345 = tpu.memref_slice %arg15[%add3A_234, %dma_wait3A_344] : memref<10240x128xf32, #tpu.memory_space<vmem_shared>> -> memref<128x128xf32, #tpu.memory_space<vmem_shared>>
      tpu.wait_dma2 semaphore(%run_scoped3A : memref<!tpu.dma_semaphore, #tpu.memory_space<semaphore_mem>>) src(%arg20 : memref<128x128xf32, #tpu.memory_space<vmem>>) dst(%dma_wait3A_345 : memref<128x128xf32, #tpu.memory_space<vmem_shared>>)
      tpu.yield
    }) : () -> ()
    %add3A_235 = arith.constant 512 : i32
    %add3A_236 = arith.addi %mul3A_4, %add3A_235 : i32
    "tpu.region"() ({
      %run_scoped3A = tpu.sem_alloc : memref<!tpu.dma_semaphore, #tpu.memory_space<semaphore_mem>>
      %dma_start3A_338 = arith.constant 0 : i32
      %dma_start3A_339 = tpu.memref_slice %arg15[%add3A_236, %dma_start3A_338] : memref<10240x128xf32, #tpu.memory_space<vmem_shared>> -> memref<128x128xf32, #tpu.memory_space<vmem_shared>>
      %dma_start3A_340 = arith.constant 0 : i32
      %dma_start3A_341 = tpu.memref_slice %arg15[%add3A_236, %dma_start3A_340] : memref<10240x128xf32, #tpu.memory_space<vmem_shared>> -> memref<128x128xf32, #tpu.memory_space<vmem_shared>>
      tpu.enqueue_dma source(%arg20 : memref<128x128xf32, #tpu.memory_space<vmem>>) target(%dma_start3A_341 : memref<128x128xf32, #tpu.memory_space<vmem_shared>>) target_semaphore(%run_scoped3A : memref<!tpu.dma_semaphore, #tpu.memory_space<semaphore_mem>>)
      %dma_wait3A_342 = arith.constant 0 : i32
      %dma_wait3A_343 = tpu.memref_slice %arg15[%add3A_236, %dma_wait3A_342] : memref<10240x128xf32, #tpu.memory_space<vmem_shared>> -> memref<128x128xf32, #tpu.memory_space<vmem_shared>>
      %dma_wait3A_344 = arith.constant 0 : i32
      %dma_wait3A_345 = tpu.memref_slice %arg15[%add3A_236, %dma_wait3A_344] : memref<10240x128xf32, #tpu.memory_space<vmem_shared>> -> memref<128x128xf32, #tpu.memory_space<vmem_shared>>
      tpu.wait_dma2 semaphore(%run_scoped3A : memref<!tpu.dma_semaphore, #tpu.memory_space<semaphore_mem>>) src(%arg20 : memref<128x128xf32, #tpu.memory_space<vmem>>) dst(%dma_wait3A_345 : memref<128x128xf32, #tpu.memory_space<vmem_shared>>)
      tpu.yield
    }) : () -> ()
    %barrier3A_237 = arith.constant 0 : index
    tpu.barrier barrier_id(%barrier3A_237)
    %add3A_238 = arith.constant 0 : i32
    %add3A_239 = arith.addi %mul3A_2, %add3A_238 : i32
    %multiple_of3A_240 = tpu.assume_multiple %add3A_239, 128 : i32
    %dma_start3A_241 = tpu.memref_slice %arg9[%multiple_of3A_240] : memref<106496xi32, #tpu.memory_space<hbm>> -> memref<128xi32, #tpu.memory_space<hbm>>
    %dma_start3A_242 = tpu.memref_slice %arg9[%multiple_of3A_240] : memref<106496xi32, #tpu.memory_space<hbm>> -> memref<128xi32, #tpu.memory_space<hbm>>
    tpu.enqueue_dma source(%dma_start3A_242 : memref<128xi32, #tpu.memory_space<hbm>>) target(%arg16 : memref<128xi32, #tpu.memory_space<vmem>>) target_semaphore(%arg22 : memref<!tpu.dma_semaphore, #tpu.memory_space<semaphore_mem>>)
    %dma_start3A_243 = tpu.memref_slice %arg10[%multiple_of3A_240] : memref<106496xi32, #tpu.memory_space<hbm>> -> memref<128xi32, #tpu.memory_space<hbm>>
    %dma_start3A_244 = tpu.memref_slice %arg10[%multiple_of3A_240] : memref<106496xi32, #tpu.memory_space<hbm>> -> memref<128xi32, #tpu.memory_space<hbm>>
    tpu.enqueue_dma source(%dma_start3A_244 : memref<128xi32, #tpu.memory_space<hbm>>) target(%arg18 : memref<128xi32, #tpu.memory_space<vmem>>) target_semaphore(%arg22 : memref<!tpu.dma_semaphore, #tpu.memory_space<semaphore_mem>>)
    %add3A_245 = arith.constant 0 : i32
    %add3A_246 = arith.addi %mul3A_2, %add3A_245 : i32
    %multiple_of3A_247 = tpu.assume_multiple %add3A_246, 128 : i32
    %dma_wait3A_248 = tpu.memref_slice %arg9[%multiple_of3A_247] : memref<106496xi32, #tpu.memory_space<hbm>> -> memref<128xi32, #tpu.memory_space<hbm>>
    %dma_wait3A_249 = tpu.memref_slice %arg9[%multiple_of3A_247] : memref<106496xi32, #tpu.memory_space<hbm>> -> memref<128xi32, #tpu.memory_space<hbm>>
    tpu.wait_dma2 semaphore(%arg22 : memref<!tpu.dma_semaphore, #tpu.memory_space<semaphore_mem>>) src(%dma_wait3A_249 : memref<128xi32, #tpu.memory_space<hbm>>) dst(%arg16 : memref<128xi32, #tpu.memory_space<vmem>>)
    %dma_wait3A_250 = tpu.memref_slice %arg10[%multiple_of3A_247] : memref<106496xi32, #tpu.memory_space<hbm>> -> memref<128xi32, #tpu.memory_space<hbm>>
    %dma_wait3A_251 = tpu.memref_slice %arg10[%multiple_of3A_247] : memref<106496xi32, #tpu.memory_space<hbm>> -> memref<128xi32, #tpu.memory_space<hbm>>
    tpu.wait_dma2 semaphore(%arg22 : memref<!tpu.dma_semaphore, #tpu.memory_space<semaphore_mem>>) src(%dma_wait3A_251 : memref<128xi32, #tpu.memory_space<hbm>>) dst(%arg18 : memref<128xi32, #tpu.memory_space<vmem>>)
    %dma_start3A_252 = arith.constant 0 : i32
    %dma_start3A_253 = arith.constant 0 : i32
    %dma_start3A_254 = tpu.memref_slice %arg4[%dma_start3A_252, %dma_start3A_253] : memref<10240x128xf32, #tpu.memory_space<hbm>> -> memref<10240x128xf32, #tpu.memory_space<hbm>>
    tpu.enqueue_indirect_dma source(%dma_start3A_254 : memref<10240x128xf32, #tpu.memory_space<hbm>>) target(%arg20 : memref<128x128xf32, #tpu.memory_space<vmem>>) offsets(%arg16 : memref<128xi32, #tpu.memory_space<vmem>>) semaphore(%arg24 : memref<!tpu.dma_semaphore, #tpu.memory_space<semaphore_mem>>)
    %add3A_255 = arith.constant 128 : i32
    %add3A_256 = arith.addi %mul3A_2, %add3A_255 : i32
    %multiple_of3A_257 = tpu.assume_multiple %add3A_256, 128 : i32
    %dma_start3A_258 = tpu.memref_slice %arg9[%multiple_of3A_257] : memref<106496xi32, #tpu.memory_space<hbm>> -> memref<128xi32, #tpu.memory_space<hbm>>
    %dma_start3A_259 = tpu.memref_slice %arg9[%multiple_of3A_257] : memref<106496xi32, #tpu.memory_space<hbm>> -> memref<128xi32, #tpu.memory_space<hbm>>
    tpu.enqueue_dma source(%dma_start3A_259 : memref<128xi32, #tpu.memory_space<hbm>>) target(%arg17 : memref<128xi32, #tpu.memory_space<vmem>>) target_semaphore(%arg23 : memref<!tpu.dma_semaphore, #tpu.memory_space<semaphore_mem>>)
    %dma_start3A_260 = tpu.memref_slice %arg10[%multiple_of3A_257] : memref<106496xi32, #tpu.memory_space<hbm>> -> memref<128xi32, #tpu.memory_space<hbm>>
    %dma_start3A_261 = tpu.memref_slice %arg10[%multiple_of3A_257] : memref<106496xi32, #tpu.memory_space<hbm>> -> memref<128xi32, #tpu.memory_space<hbm>>
    tpu.enqueue_dma source(%dma_start3A_261 : memref<128xi32, #tpu.memory_space<hbm>>) target(%arg19 : memref<128xi32, #tpu.memory_space<vmem>>) target_semaphore(%arg23 : memref<!tpu.dma_semaphore, #tpu.memory_space<semaphore_mem>>)
    %scan3A_262 = arith.constant 0 : i32
    %scan3A_263 = arith.constant 13 : i32
    %scan3A_264 = arith.addi %scan3A_262, %scan3A_263 : i32
    %scan3A_265 = arith.constant 1 : i32
    scf.for %scan3A_338 = %scan3A_262 to %scan3A_264 step %scan3A_265  : i32 {
      %mul3A_339 = arith.constant 2 : i32
      %mul3A_340 = arith.muli %scan3A_338, %mul3A_339 : i32
      %add3A_341 = arith.constant 0 : i32
      %add3A_342 = arith.addi %add3A_341, %mul3A_340 : i32
      %add3A_343 = arith.constant 0 : i32
      %add3A_344 = arith.addi %add3A_342, %add3A_343 : i32
      %add3A_345 = arith.constant 1 : i32
      %add3A_346 = arith.addi %add3A_344, %add3A_345 : i32
      %lt3A = arith.constant 26 : i32
      %lt3A_347 = arith.cmpi slt, %add3A_346, %lt3A : i32
      %convert_element_type3A = arith.extui %lt3A_347 : i1 to i32
      %cond3A = arith.constant 0 : i32
      %cond3A_348 = arith.cmpi ne, %convert_element_type3A, %cond3A : i32
      scf.if %cond3A_348 {
        %add3A_378 = arith.constant 1 : i32
        %add3A_379 = arith.addi %add3A_344, %add3A_378 : i32
        %mul3A_380 = arith.constant 128 : i32
        %mul3A_381 = arith.muli %add3A_379, %mul3A_380 : i32
        %add3A_382 = arith.addi %mul3A_2, %mul3A_381 : i32
        %multiple_of3A_383 = tpu.assume_multiple %add3A_382, 128 : i32
        %dma_wait3A_384 = tpu.memref_slice %arg9[%multiple_of3A_383] : memref<106496xi32, #tpu.memory_space<hbm>> -> memref<128xi32, #tpu.memory_space<hbm>>
        %dma_wait3A_385 = tpu.memref_slice %arg9[%multiple_of3A_383] : memref<106496xi32, #tpu.memory_space<hbm>> -> memref<128xi32, #tpu.memory_space<hbm>>
        tpu.wait_dma2 semaphore(%arg23 : memref<!tpu.dma_semaphore, #tpu.memory_space<semaphore_mem>>) src(%dma_wait3A_385 : memref<128xi32, #tpu.memory_space<hbm>>) dst(%arg17 : memref<128xi32, #tpu.memory_space<vmem>>)
        %dma_wait3A_386 = tpu.memref_slice %arg10[%multiple_of3A_383] : memref<106496xi32, #tpu.memory_space<hbm>> -> memref<128xi32, #tpu.memory_space<hbm>>
        %dma_wait3A_387 = tpu.memref_slice %arg10[%multiple_of3A_383] : memref<106496xi32, #tpu.memory_space<hbm>> -> memref<128xi32, #tpu.memory_space<hbm>>
        tpu.wait_dma2 semaphore(%arg23 : memref<!tpu.dma_semaphore, #tpu.memory_space<semaphore_mem>>) src(%dma_wait3A_387 : memref<128xi32, #tpu.memory_space<hbm>>) dst(%arg19 : memref<128xi32, #tpu.memory_space<vmem>>)
        %dma_start3A_388 = arith.constant 0 : i32
        %dma_start3A_389 = arith.constant 0 : i32
        %dma_start3A_390 = tpu.memref_slice %arg4[%dma_start3A_388, %dma_start3A_389] : memref<10240x128xf32, #tpu.memory_space<hbm>> -> memref<10240x128xf32, #tpu.memory_space<hbm>>
        tpu.enqueue_indirect_dma source(%dma_start3A_390 : memref<10240x128xf32, #tpu.memory_space<hbm>>) target(%arg21 : memref<128x128xf32, #tpu.memory_space<vmem>>) offsets(%arg17 : memref<128xi32, #tpu.memory_space<vmem>>) semaphore(%arg25 : memref<!tpu.dma_semaphore, #tpu.memory_space<semaphore_mem>>)
      } else {
      }
      %dma_wait3A_349 = arith.constant 0 : i32
      %dma_wait3A_350 = arith.constant 0 : i32
      %dma_wait3A_351 = tpu.memref_slice %arg4[%dma_wait3A_349, %dma_wait3A_350] : memref<10240x128xf32, #tpu.memory_space<hbm>> -> memref<10240x128xf32, #tpu.memory_space<hbm>>
      tpu.wait_indirect_dma semaphore(%arg24 : memref<!tpu.dma_semaphore, #tpu.memory_space<semaphore_mem>>) src(%dma_wait3A_351 : memref<10240x128xf32, #tpu.memory_space<hbm>>) dst(%arg20 : memref<128x128xf32, #tpu.memory_space<vmem>>)
      "tpu.region"() ({
        %run_scoped3A = tpu.sem_alloc : memref<!tpu.dma_semaphore, #tpu.memory_space<semaphore_mem>>
        %dma_start3A_378 = arith.constant 0 : i32
        %dma_start3A_379 = arith.constant 0 : i32
        %dma_start3A_380 = tpu.memref_slice %arg15[%dma_start3A_378, %dma_start3A_379] : memref<10240x128xf32, #tpu.memory_space<vmem_shared>> -> memref<10240x128xf32, #tpu.memory_space<vmem_shared>>
        tpu.enqueue_indirect_dma source(%arg20 : memref<128x128xf32, #tpu.memory_space<vmem>>) target(%dma_start3A_380 : memref<10240x128xf32, #tpu.memory_space<vmem_shared>>) offsets(%arg18 : memref<128xi32, #tpu.memory_space<vmem>>) semaphore(%run_scoped3A : memref<!tpu.dma_semaphore, #tpu.memory_space<semaphore_mem>>) {add = true}
        %dma_wait3A_381 = arith.constant 0 : i32
        %dma_wait3A_382 = arith.constant 0 : i32
        %dma_wait3A_383 = tpu.memref_slice %arg15[%dma_wait3A_381, %dma_wait3A_382] : memref<10240x128xf32, #tpu.memory_space<vmem_shared>> -> memref<10240x128xf32, #tpu.memory_space<vmem_shared>>
        tpu.wait_indirect_dma semaphore(%run_scoped3A : memref<!tpu.dma_semaphore, #tpu.memory_space<semaphore_mem>>) src(%arg20 : memref<128x128xf32, #tpu.memory_space<vmem>>) dst(%dma_wait3A_383 : memref<10240x128xf32, #tpu.memory_space<vmem_shared>>)
        tpu.yield
      }) : () -> ()
      %add3A_352 = arith.constant 2 : i32
      %add3A_353 = arith.addi %add3A_344, %add3A_352 : i32
      %lt3A_354 = arith.constant 26 : i32
      %lt3A_355 = arith.cmpi slt, %add3A_353, %lt3A_354 : i32
      %convert_element_type3A_356 = arith.extui %lt3A_355 : i1 to i32
      %cond3A_357 = arith.constant 0 : i32
      %cond3A_358 = arith.cmpi ne, %convert_element_type3A_356, %cond3A_357 : i32
      scf.if %cond3A_358 {
        %add3A_378 = arith.constant 2 : i32
        %add3A_379 = arith.addi %add3A_344, %add3A_378 : i32
        %mul3A_380 = arith.constant 128 : i32
        %mul3A_381 = arith.muli %add3A_379, %mul3A_380 : i32
        %add3A_382 = arith.addi %mul3A_2, %mul3A_381 : i32
        %multiple_of3A_383 = tpu.assume_multiple %add3A_382, 128 : i32
        %dma_start3A_384 = tpu.memref_slice %arg9[%multiple_of3A_383] : memref<106496xi32, #tpu.memory_space<hbm>> -> memref<128xi32, #tpu.memory_space<hbm>>
        %dma_start3A_385 = tpu.memref_slice %arg9[%multiple_of3A_383] : memref<106496xi32, #tpu.memory_space<hbm>> -> memref<128xi32, #tpu.memory_space<hbm>>
        tpu.enqueue_dma source(%dma_start3A_385 : memref<128xi32, #tpu.memory_space<hbm>>) target(%arg16 : memref<128xi32, #tpu.memory_space<vmem>>) target_semaphore(%arg22 : memref<!tpu.dma_semaphore, #tpu.memory_space<semaphore_mem>>)
        %dma_start3A_386 = tpu.memref_slice %arg10[%multiple_of3A_383] : memref<106496xi32, #tpu.memory_space<hbm>> -> memref<128xi32, #tpu.memory_space<hbm>>
        %dma_start3A_387 = tpu.memref_slice %arg10[%multiple_of3A_383] : memref<106496xi32, #tpu.memory_space<hbm>> -> memref<128xi32, #tpu.memory_space<hbm>>
        tpu.enqueue_dma source(%dma_start3A_387 : memref<128xi32, #tpu.memory_space<hbm>>) target(%arg18 : memref<128xi32, #tpu.memory_space<vmem>>) target_semaphore(%arg22 : memref<!tpu.dma_semaphore, #tpu.memory_space<semaphore_mem>>)
      } else {
      }
      %add3A_359 = arith.constant 1 : i32
      %add3A_360 = arith.addi %add3A_342, %add3A_359 : i32
      %add3A_361 = arith.constant 1 : i32
      %add3A_362 = arith.addi %add3A_360, %add3A_361 : i32
      %lt3A_363 = arith.constant 26 : i32
      %lt3A_364 = arith.cmpi slt, %add3A_362, %lt3A_363 : i32
      %convert_element_type3A_365 = arith.extui %lt3A_364 : i1 to i32
      %cond3A_366 = arith.constant 0 : i32
      %cond3A_367 = arith.cmpi ne, %convert_element_type3A_365, %cond3A_366 : i32
      scf.if %cond3A_367 {
        %add3A_378 = arith.constant 1 : i32
        %add3A_379 = arith.addi %add3A_360, %add3A_378 : i32
        %mul3A_380 = arith.constant 128 : i32
        %mul3A_381 = arith.muli %add3A_379, %mul3A_380 : i32
        %add3A_382 = arith.addi %mul3A_2, %mul3A_381 : i32
        %multiple_of3A_383 = tpu.assume_multiple %add3A_382, 128 : i32
        %dma_wait3A_384 = tpu.memref_slice %arg9[%multiple_of3A_383] : memref<106496xi32, #tpu.memory_space<hbm>> -> memref<128xi32, #tpu.memory_space<hbm>>
        %dma_wait3A_385 = tpu.memref_slice %arg9[%multiple_of3A_383] : memref<106496xi32, #tpu.memory_space<hbm>> -> memref<128xi32, #tpu.memory_space<hbm>>
        tpu.wait_dma2 semaphore(%arg22 : memref<!tpu.dma_semaphore, #tpu.memory_space<semaphore_mem>>) src(%dma_wait3A_385 : memref<128xi32, #tpu.memory_space<hbm>>) dst(%arg16 : memref<128xi32, #tpu.memory_space<vmem>>)
        %dma_wait3A_386 = tpu.memref_slice %arg10[%multiple_of3A_383] : memref<106496xi32, #tpu.memory_space<hbm>> -> memref<128xi32, #tpu.memory_space<hbm>>
        %dma_wait3A_387 = tpu.memref_slice %arg10[%multiple_of3A_383] : memref<106496xi32, #tpu.memory_space<hbm>> -> memref<128xi32, #tpu.memory_space<hbm>>
        tpu.wait_dma2 semaphore(%arg22 : memref<!tpu.dma_semaphore, #tpu.memory_space<semaphore_mem>>) src(%dma_wait3A_387 : memref<128xi32, #tpu.memory_space<hbm>>) dst(%arg18 : memref<128xi32, #tpu.memory_space<vmem>>)
        %dma_start3A_388 = arith.constant 0 : i32
        %dma_start3A_389 = arith.constant 0 : i32
        %dma_start3A_390 = tpu.memref_slice %arg4[%dma_start3A_388, %dma_start3A_389] : memref<10240x128xf32, #tpu.memory_space<hbm>> -> memref<10240x128xf32, #tpu.memory_space<hbm>>
        tpu.enqueue_indirect_dma source(%dma_start3A_390 : memref<10240x128xf32, #tpu.memory_space<hbm>>) target(%arg20 : memref<128x128xf32, #tpu.memory_space<vmem>>) offsets(%arg16 : memref<128xi32, #tpu.memory_space<vmem>>) semaphore(%arg24 : memref<!tpu.dma_semaphore, #tpu.memory_space<semaphore_mem>>)
      } else {
      }
      %dma_wait3A_368 = arith.constant 0 : i32
      %dma_wait3A_369 = arith.constant 0 : i32
      %dma_wait3A_370 = tpu.memref_slice %arg4[%dma_wait3A_368, %dma_wait3A_369] : memref<10240x128xf32, #tpu.memory_space<hbm>> -> memref<10240x128xf32, #tpu.memory_space<hbm>>
      tpu.wait_indirect_dma semaphore(%arg25 : memref<!tpu.dma_semaphore, #tpu.memory_space<semaphore_mem>>) src(%dma_wait3A_370 : memref<10240x128xf32, #tpu.memory_space<hbm>>) dst(%arg21 : memref<128x128xf32, #tpu.memory_space<vmem>>)
      "tpu.region"() ({
        %run_scoped3A = tpu.sem_alloc : memref<!tpu.dma_semaphore, #tpu.memory_space<semaphore_mem>>
        %dma_start3A_378 = arith.constant 0 : i32
        %dma_start3A_379 = arith.constant 0 : i32
        %dma_start3A_380 = tpu.memref_slice %arg15[%dma_start3A_378, %dma_start3A_379] : memref<10240x128xf32, #tpu.memory_space<vmem_shared>> -> memref<10240x128xf32, #tpu.memory_space<vmem_shared>>
        tpu.enqueue_indirect_dma source(%arg21 : memref<128x128xf32, #tpu.memory_space<vmem>>) target(%dma_start3A_380 : memref<10240x128xf32, #tpu.memory_space<vmem_shared>>) offsets(%arg19 : memref<128xi32, #tpu.memory_space<vmem>>) semaphore(%run_scoped3A : memref<!tpu.dma_semaphore, #tpu.memory_space<semaphore_mem>>) {add = true}
        %dma_wait3A_381 = arith.constant 0 : i32
        %dma_wait3A_382 = arith.constant 0 : i32
        %dma_wait3A_383 = tpu.memref_slice %arg15[%dma_wait3A_381, %dma_wait3A_382] : memref<10240x128xf32, #tpu.memory_space<vmem_shared>> -> memref<10240x128xf32, #tpu.memory_space<vmem_shared>>
        tpu.wait_indirect_dma semaphore(%run_scoped3A : memref<!tpu.dma_semaphore, #tpu.memory_space<semaphore_mem>>) src(%arg21 : memref<128x128xf32, #tpu.memory_space<vmem>>) dst(%dma_wait3A_383 : memref<10240x128xf32, #tpu.memory_space<vmem_shared>>)
        tpu.yield
      }) : () -> ()
      %add3A_371 = arith.constant 2 : i32
      %add3A_372 = arith.addi %add3A_360, %add3A_371 : i32
      %lt3A_373 = arith.constant 26 : i32
      %lt3A_374 = arith.cmpi slt, %add3A_372, %lt3A_373 : i32
      %convert_element_type3A_375 = arith.extui %lt3A_374 : i1 to i32
      %cond3A_376 = arith.constant 0 : i32
      %cond3A_377 = arith.cmpi ne, %convert_element_type3A_375, %cond3A_376 : i32
      scf.if %cond3A_377 {
        %add3A_378 = arith.constant 2 : i32
        %add3A_379 = arith.addi %add3A_360, %add3A_378 : i32
        %mul3A_380 = arith.constant 128 : i32
        %mul3A_381 = arith.muli %add3A_379, %mul3A_380 : i32
        %add3A_382 = arith.addi %mul3A_2, %mul3A_381 : i32
        %multiple_of3A_383 = tpu.assume_multiple %add3A_382, 128 : i32
        %dma_start3A_384 = tpu.memref_slice %arg9[%multiple_of3A_383] : memref<106496xi32, #tpu.memory_space<hbm>> -> memref<128xi32, #tpu.memory_space<hbm>>
        %dma_start3A_385 = tpu.memref_slice %arg9[%multiple_of3A_383] : memref<106496xi32, #tpu.memory_space<hbm>> -> memref<128xi32, #tpu.memory_space<hbm>>
        tpu.enqueue_dma source(%dma_start3A_385 : memref<128xi32, #tpu.memory_space<hbm>>) target(%arg17 : memref<128xi32, #tpu.memory_space<vmem>>) target_semaphore(%arg23 : memref<!tpu.dma_semaphore, #tpu.memory_space<semaphore_mem>>)
        %dma_start3A_386 = tpu.memref_slice %arg10[%multiple_of3A_383] : memref<106496xi32, #tpu.memory_space<hbm>> -> memref<128xi32, #tpu.memory_space<hbm>>
        %dma_start3A_387 = tpu.memref_slice %arg10[%multiple_of3A_383] : memref<106496xi32, #tpu.memory_space<hbm>> -> memref<128xi32, #tpu.memory_space<hbm>>
        tpu.enqueue_dma source(%dma_start3A_387 : memref<128xi32, #tpu.memory_space<hbm>>) target(%arg19 : memref<128xi32, #tpu.memory_space<vmem>>) target_semaphore(%arg23 : memref<!tpu.dma_semaphore, #tpu.memory_space<semaphore_mem>>)
      } else {
      }
    }
    %scan3A_266 = arith.constant 13 : i32
    %barrier3A_267 = arith.constant 0 : index
    tpu.barrier barrier_id(%barrier3A_267)
    %add3A_268 = arith.constant 0 : i32
    %add3A_269 = arith.addi %mul3A_4, %add3A_268 : i32
    "tpu.region"() ({
      %run_scoped3A = tpu.sem_alloc : memref<!tpu.dma_semaphore, #tpu.memory_space<semaphore_mem>>
      %dma_start3A_338 = arith.constant 0 : i32
      %dma_start3A_339 = tpu.memref_slice %arg15[%add3A_269, %dma_start3A_338] : memref<10240x128xf32, #tpu.memory_space<vmem_shared>> -> memref<128x128xf32, #tpu.memory_space<vmem_shared>>
      %dma_start3A_340 = arith.constant 0 : i32
      %dma_start3A_341 = tpu.memref_slice %arg15[%add3A_269, %dma_start3A_340] : memref<10240x128xf32, #tpu.memory_space<vmem_shared>> -> memref<128x128xf32, #tpu.memory_space<vmem_shared>>
      tpu.enqueue_dma source(%dma_start3A_341 : memref<128x128xf32, #tpu.memory_space<vmem_shared>>) target(%arg20 : memref<128x128xf32, #tpu.memory_space<vmem>>) target_semaphore(%run_scoped3A : memref<!tpu.dma_semaphore, #tpu.memory_space<semaphore_mem>>)
      %dma_wait3A_342 = arith.constant 0 : i32
      %dma_wait3A_343 = tpu.memref_slice %arg15[%add3A_269, %dma_wait3A_342] : memref<10240x128xf32, #tpu.memory_space<vmem_shared>> -> memref<128x128xf32, #tpu.memory_space<vmem_shared>>
      %dma_wait3A_344 = arith.constant 0 : i32
      %dma_wait3A_345 = tpu.memref_slice %arg15[%add3A_269, %dma_wait3A_344] : memref<10240x128xf32, #tpu.memory_space<vmem_shared>> -> memref<128x128xf32, #tpu.memory_space<vmem_shared>>
      tpu.wait_dma2 semaphore(%run_scoped3A : memref<!tpu.dma_semaphore, #tpu.memory_space<semaphore_mem>>) src(%dma_wait3A_345 : memref<128x128xf32, #tpu.memory_space<vmem_shared>>) dst(%arg20 : memref<128x128xf32, #tpu.memory_space<vmem>>)
      tpu.yield
    }) : () -> ()
    %add3A_270 = arith.constant 0 : i32
    %add3A_271 = arith.addi %add3A_9, %add3A_270 : i32
    %dma_start3A_272 = arith.constant 0 : i32
    %dma_start3A_273 = tpu.memref_slice %arg14[%add3A_271, %dma_start3A_272] : memref<20480x128xf32, #tpu.memory_space<hbm>> -> memref<128x128xf32, #tpu.memory_space<hbm>>
    %dma_start3A_274 = arith.constant 0 : i32
    %dma_start3A_275 = tpu.memref_slice %arg14[%add3A_271, %dma_start3A_274] : memref<20480x128xf32, #tpu.memory_space<hbm>> -> memref<128x128xf32, #tpu.memory_space<hbm>>
    tpu.enqueue_dma source(%arg20 : memref<128x128xf32, #tpu.memory_space<vmem>>) target(%dma_start3A_275 : memref<128x128xf32, #tpu.memory_space<hbm>>) target_semaphore(%arg26 : memref<!tpu.dma_semaphore, #tpu.memory_space<semaphore_mem>>)
    %add3A_276 = arith.constant 128 : i32
    %add3A_277 = arith.addi %mul3A_4, %add3A_276 : i32
    "tpu.region"() ({
      %run_scoped3A = tpu.sem_alloc : memref<!tpu.dma_semaphore, #tpu.memory_space<semaphore_mem>>
      %dma_start3A_338 = arith.constant 0 : i32
      %dma_start3A_339 = tpu.memref_slice %arg15[%add3A_277, %dma_start3A_338] : memref<10240x128xf32, #tpu.memory_space<vmem_shared>> -> memref<128x128xf32, #tpu.memory_space<vmem_shared>>
      %dma_start3A_340 = arith.constant 0 : i32
      %dma_start3A_341 = tpu.memref_slice %arg15[%add3A_277, %dma_start3A_340] : memref<10240x128xf32, #tpu.memory_space<vmem_shared>> -> memref<128x128xf32, #tpu.memory_space<vmem_shared>>
      tpu.enqueue_dma source(%dma_start3A_341 : memref<128x128xf32, #tpu.memory_space<vmem_shared>>) target(%arg21 : memref<128x128xf32, #tpu.memory_space<vmem>>) target_semaphore(%run_scoped3A : memref<!tpu.dma_semaphore, #tpu.memory_space<semaphore_mem>>)
      %dma_wait3A_342 = arith.constant 0 : i32
      %dma_wait3A_343 = tpu.memref_slice %arg15[%add3A_277, %dma_wait3A_342] : memref<10240x128xf32, #tpu.memory_space<vmem_shared>> -> memref<128x128xf32, #tpu.memory_space<vmem_shared>>
      %dma_wait3A_344 = arith.constant 0 : i32
      %dma_wait3A_345 = tpu.memref_slice %arg15[%add3A_277, %dma_wait3A_344] : memref<10240x128xf32, #tpu.memory_space<vmem_shared>> -> memref<128x128xf32, #tpu.memory_space<vmem_shared>>
      tpu.wait_dma2 semaphore(%run_scoped3A : memref<!tpu.dma_semaphore, #tpu.memory_space<semaphore_mem>>) src(%dma_wait3A_345 : memref<128x128xf32, #tpu.memory_space<vmem_shared>>) dst(%arg21 : memref<128x128xf32, #tpu.memory_space<vmem>>)
      tpu.yield
    }) : () -> ()
    %add3A_278 = arith.constant 128 : i32
    %add3A_279 = arith.addi %add3A_9, %add3A_278 : i32
    %dma_start3A_280 = arith.constant 0 : i32
    %dma_start3A_281 = tpu.memref_slice %arg14[%add3A_279, %dma_start3A_280] : memref<20480x128xf32, #tpu.memory_space<hbm>> -> memref<128x128xf32, #tpu.memory_space<hbm>>
    %dma_start3A_282 = arith.constant 0 : i32
    %dma_start3A_283 = tpu.memref_slice %arg14[%add3A_279, %dma_start3A_282] : memref<20480x128xf32, #tpu.memory_space<hbm>> -> memref<128x128xf32, #tpu.memory_space<hbm>>
    tpu.enqueue_dma source(%arg21 : memref<128x128xf32, #tpu.memory_space<vmem>>) target(%dma_start3A_283 : memref<128x128xf32, #tpu.memory_space<hbm>>) target_semaphore(%arg27 : memref<!tpu.dma_semaphore, #tpu.memory_space<semaphore_mem>>)
    %add3A_284 = arith.constant 0 : i32
    %add3A_285 = arith.addi %add3A_9, %add3A_284 : i32
    %dma_wait3A_286 = arith.constant 0 : i32
    %dma_wait3A_287 = tpu.memref_slice %arg14[%add3A_285, %dma_wait3A_286] : memref<20480x128xf32, #tpu.memory_space<hbm>> -> memref<128x128xf32, #tpu.memory_space<hbm>>
    %dma_wait3A_288 = arith.constant 0 : i32
    %dma_wait3A_289 = tpu.memref_slice %arg14[%add3A_285, %dma_wait3A_288] : memref<20480x128xf32, #tpu.memory_space<hbm>> -> memref<128x128xf32, #tpu.memory_space<hbm>>
    tpu.wait_dma2 semaphore(%arg26 : memref<!tpu.dma_semaphore, #tpu.memory_space<semaphore_mem>>) src(%arg20 : memref<128x128xf32, #tpu.memory_space<vmem>>) dst(%dma_wait3A_289 : memref<128x128xf32, #tpu.memory_space<hbm>>)
    %add3A_290 = arith.constant 256 : i32
    %add3A_291 = arith.addi %mul3A_4, %add3A_290 : i32
    "tpu.region"() ({
      %run_scoped3A = tpu.sem_alloc : memref<!tpu.dma_semaphore, #tpu.memory_space<semaphore_mem>>
      %dma_start3A_338 = arith.constant 0 : i32
      %dma_start3A_339 = tpu.memref_slice %arg15[%add3A_291, %dma_start3A_338] : memref<10240x128xf32, #tpu.memory_space<vmem_shared>> -> memref<128x128xf32, #tpu.memory_space<vmem_shared>>
      %dma_start3A_340 = arith.constant 0 : i32
      %dma_start3A_341 = tpu.memref_slice %arg15[%add3A_291, %dma_start3A_340] : memref<10240x128xf32, #tpu.memory_space<vmem_shared>> -> memref<128x128xf32, #tpu.memory_space<vmem_shared>>
      tpu.enqueue_dma source(%dma_start3A_341 : memref<128x128xf32, #tpu.memory_space<vmem_shared>>) target(%arg20 : memref<128x128xf32, #tpu.memory_space<vmem>>) target_semaphore(%run_scoped3A : memref<!tpu.dma_semaphore, #tpu.memory_space<semaphore_mem>>)
      %dma_wait3A_342 = arith.constant 0 : i32
      %dma_wait3A_343 = tpu.memref_slice %arg15[%add3A_291, %dma_wait3A_342] : memref<10240x128xf32, #tpu.memory_space<vmem_shared>> -> memref<128x128xf32, #tpu.memory_space<vmem_shared>>
      %dma_wait3A_344 = arith.constant 0 : i32
      %dma_wait3A_345 = tpu.memref_slice %arg15[%add3A_291, %dma_wait3A_344] : memref<10240x128xf32, #tpu.memory_space<vmem_shared>> -> memref<128x128xf32, #tpu.memory_space<vmem_shared>>
      tpu.wait_dma2 semaphore(%run_scoped3A : memref<!tpu.dma_semaphore, #tpu.memory_space<semaphore_mem>>) src(%dma_wait3A_345 : memref<128x128xf32, #tpu.memory_space<vmem_shared>>) dst(%arg20 : memref<128x128xf32, #tpu.memory_space<vmem>>)
      tpu.yield
    }) : () -> ()
    %add3A_292 = arith.constant 256 : i32
    %add3A_293 = arith.addi %add3A_9, %add3A_292 : i32
    %dma_start3A_294 = arith.constant 0 : i32
    %dma_start3A_295 = tpu.memref_slice %arg14[%add3A_293, %dma_start3A_294] : memref<20480x128xf32, #tpu.memory_space<hbm>> -> memref<128x128xf32, #tpu.memory_space<hbm>>
    %dma_start3A_296 = arith.constant 0 : i32
    %dma_start3A_297 = tpu.memref_slice %arg14[%add3A_293, %dma_start3A_296] : memref<20480x128xf32, #tpu.memory_space<hbm>> -> memref<128x128xf32, #tpu.memory_space<hbm>>
    tpu.enqueue_dma source(%arg20 : memref<128x128xf32, #tpu.memory_space<vmem>>) target(%dma_start3A_297 : memref<128x128xf32, #tpu.memory_space<hbm>>) target_semaphore(%arg26 : memref<!tpu.dma_semaphore, #tpu.memory_space<semaphore_mem>>)
    %add3A_298 = arith.constant 128 : i32
    %add3A_299 = arith.addi %add3A_9, %add3A_298 : i32
    %dma_wait3A_300 = arith.constant 0 : i32
    %dma_wait3A_301 = tpu.memref_slice %arg14[%add3A_299, %dma_wait3A_300] : memref<20480x128xf32, #tpu.memory_space<hbm>> -> memref<128x128xf32, #tpu.memory_space<hbm>>
    %dma_wait3A_302 = arith.constant 0 : i32
    %dma_wait3A_303 = tpu.memref_slice %arg14[%add3A_299, %dma_wait3A_302] : memref<20480x128xf32, #tpu.memory_space<hbm>> -> memref<128x128xf32, #tpu.memory_space<hbm>>
    tpu.wait_dma2 semaphore(%arg27 : memref<!tpu.dma_semaphore, #tpu.memory_space<semaphore_mem>>) src(%arg21 : memref<128x128xf32, #tpu.memory_space<vmem>>) dst(%dma_wait3A_303 : memref<128x128xf32, #tpu.memory_space<hbm>>)
    %add3A_304 = arith.constant 384 : i32
    %add3A_305 = arith.addi %mul3A_4, %add3A_304 : i32
    "tpu.region"() ({
      %run_scoped3A = tpu.sem_alloc : memref<!tpu.dma_semaphore, #tpu.memory_space<semaphore_mem>>
      %dma_start3A_338 = arith.constant 0 : i32
      %dma_start3A_339 = tpu.memref_slice %arg15[%add3A_305, %dma_start3A_338] : memref<10240x128xf32, #tpu.memory_space<vmem_shared>> -> memref<128x128xf32, #tpu.memory_space<vmem_shared>>
      %dma_start3A_340 = arith.constant 0 : i32
      %dma_start3A_341 = tpu.memref_slice %arg15[%add3A_305, %dma_start3A_340] : memref<10240x128xf32, #tpu.memory_space<vmem_shared>> -> memref<128x128xf32, #tpu.memory_space<vmem_shared>>
      tpu.enqueue_dma source(%dma_start3A_341 : memref<128x128xf32, #tpu.memory_space<vmem_shared>>) target(%arg21 : memref<128x128xf32, #tpu.memory_space<vmem>>) target_semaphore(%run_scoped3A : memref<!tpu.dma_semaphore, #tpu.memory_space<semaphore_mem>>)
      %dma_wait3A_342 = arith.constant 0 : i32
      %dma_wait3A_343 = tpu.memref_slice %arg15[%add3A_305, %dma_wait3A_342] : memref<10240x128xf32, #tpu.memory_space<vmem_shared>> -> memref<128x128xf32, #tpu.memory_space<vmem_shared>>
      %dma_wait3A_344 = arith.constant 0 : i32
      %dma_wait3A_345 = tpu.memref_slice %arg15[%add3A_305, %dma_wait3A_344] : memref<10240x128xf32, #tpu.memory_space<vmem_shared>> -> memref<128x128xf32, #tpu.memory_space<vmem_shared>>
      tpu.wait_dma2 semaphore(%run_scoped3A : memref<!tpu.dma_semaphore, #tpu.memory_space<semaphore_mem>>) src(%dma_wait3A_345 : memref<128x128xf32, #tpu.memory_space<vmem_shared>>) dst(%arg21 : memref<128x128xf32, #tpu.memory_space<vmem>>)
      tpu.yield
    }) : () -> ()
    %add3A_306 = arith.constant 384 : i32
    %add3A_307 = arith.addi %add3A_9, %add3A_306 : i32
    %dma_start3A_308 = arith.constant 0 : i32
    %dma_start3A_309 = tpu.memref_slice %arg14[%add3A_307, %dma_start3A_308] : memref<20480x128xf32, #tpu.memory_space<hbm>> -> memref<128x128xf32, #tpu.memory_space<hbm>>
    %dma_start3A_310 = arith.constant 0 : i32
    %dma_start3A_311 = tpu.memref_slice %arg14[%add3A_307, %dma_start3A_310] : memref<20480x128xf32, #tpu.memory_space<hbm>> -> memref<128x128xf32, #tpu.memory_space<hbm>>
    tpu.enqueue_dma source(%arg21 : memref<128x128xf32, #tpu.memory_space<vmem>>) target(%dma_start3A_311 : memref<128x128xf32, #tpu.memory_space<hbm>>) target_semaphore(%arg27 : memref<!tpu.dma_semaphore, #tpu.memory_space<semaphore_mem>>)
    %add3A_312 = arith.constant 256 : i32
    %add3A_313 = arith.addi %add3A_9, %add3A_312 : i32
    %dma_wait3A_314 = arith.constant 0 : i32
    %dma_wait3A_315 = tpu.memref_slice %arg14[%add3A_313, %dma_wait3A_314] : memref<20480x128xf32, #tpu.memory_space<hbm>> -> memref<128x128xf32, #tpu.memory_space<hbm>>
    %dma_wait3A_316 = arith.constant 0 : i32
    %dma_wait3A_317 = tpu.memref_slice %arg14[%add3A_313, %dma_wait3A_316] : memref<20480x128xf32, #tpu.memory_space<hbm>> -> memref<128x128xf32, #tpu.memory_space<hbm>>
    tpu.wait_dma2 semaphore(%arg26 : memref<!tpu.dma_semaphore, #tpu.memory_space<semaphore_mem>>) src(%arg20 : memref<128x128xf32, #tpu.memory_space<vmem>>) dst(%dma_wait3A_317 : memref<128x128xf32, #tpu.memory_space<hbm>>)
    %add3A_318 = arith.constant 512 : i32
    %add3A_319 = arith.addi %mul3A_4, %add3A_318 : i32
    "tpu.region"() ({
      %run_scoped3A = tpu.sem_alloc : memref<!tpu.dma_semaphore, #tpu.memory_space<semaphore_mem>>
      %dma_start3A_338 = arith.constant 0 : i32
      %dma_start3A_339 = tpu.memref_slice %arg15[%add3A_319, %dma_start3A_338] : memref<10240x128xf32, #tpu.memory_space<vmem_shared>> -> memref<128x128xf32, #tpu.memory_space<vmem_shared>>
      %dma_start3A_340 = arith.constant 0 : i32
      %dma_start3A_341 = tpu.memref_slice %arg15[%add3A_319, %dma_start3A_340] : memref<10240x128xf32, #tpu.memory_space<vmem_shared>> -> memref<128x128xf32, #tpu.memory_space<vmem_shared>>
      tpu.enqueue_dma source(%dma_start3A_341 : memref<128x128xf32, #tpu.memory_space<vmem_shared>>) target(%arg20 : memref<128x128xf32, #tpu.memory_space<vmem>>) target_semaphore(%run_scoped3A : memref<!tpu.dma_semaphore, #tpu.memory_space<semaphore_mem>>)
      %dma_wait3A_342 = arith.constant 0 : i32
      %dma_wait3A_343 = tpu.memref_slice %arg15[%add3A_319, %dma_wait3A_342] : memref<10240x128xf32, #tpu.memory_space<vmem_shared>> -> memref<128x128xf32, #tpu.memory_space<vmem_shared>>
      %dma_wait3A_344 = arith.constant 0 : i32
      %dma_wait3A_345 = tpu.memref_slice %arg15[%add3A_319, %dma_wait3A_344] : memref<10240x128xf32, #tpu.memory_space<vmem_shared>> -> memref<128x128xf32, #tpu.memory_space<vmem_shared>>
      tpu.wait_dma2 semaphore(%run_scoped3A : memref<!tpu.dma_semaphore, #tpu.memory_space<semaphore_mem>>) src(%dma_wait3A_345 : memref<128x128xf32, #tpu.memory_space<vmem_shared>>) dst(%arg20 : memref<128x128xf32, #tpu.memory_space<vmem>>)
      tpu.yield
    }) : () -> ()
    %add3A_320 = arith.constant 512 : i32
    %add3A_321 = arith.addi %add3A_9, %add3A_320 : i32
    %dma_start3A_322 = arith.constant 0 : i32
    %dma_start3A_323 = tpu.memref_slice %arg14[%add3A_321, %dma_start3A_322] : memref<20480x128xf32, #tpu.memory_space<hbm>> -> memref<128x128xf32, #tpu.memory_space<hbm>>
    %dma_start3A_324 = arith.constant 0 : i32
    %dma_start3A_325 = tpu.memref_slice %arg14[%add3A_321, %dma_start3A_324] : memref<20480x128xf32, #tpu.memory_space<hbm>> -> memref<128x128xf32, #tpu.memory_space<hbm>>
    tpu.enqueue_dma source(%arg20 : memref<128x128xf32, #tpu.memory_space<vmem>>) target(%dma_start3A_325 : memref<128x128xf32, #tpu.memory_space<hbm>>) target_semaphore(%arg26 : memref<!tpu.dma_semaphore, #tpu.memory_space<semaphore_mem>>)
    %add3A_326 = arith.constant 384 : i32
    %add3A_327 = arith.addi %add3A_9, %add3A_326 : i32
    %dma_wait3A_328 = arith.constant 0 : i32
    %dma_wait3A_329 = tpu.memref_slice %arg14[%add3A_327, %dma_wait3A_328] : memref<20480x128xf32, #tpu.memory_space<hbm>> -> memref<128x128xf32, #tpu.memory_space<hbm>>
    %dma_wait3A_330 = arith.constant 0 : i32
    %dma_wait3A_331 = tpu.memref_slice %arg14[%add3A_327, %dma_wait3A_330] : memref<20480x128xf32, #tpu.memory_space<hbm>> -> memref<128x128xf32, #tpu.memory_space<hbm>>
    tpu.wait_dma2 semaphore(%arg27 : memref<!tpu.dma_semaphore, #tpu.memory_space<semaphore_mem>>) src(%arg21 : memref<128x128xf32, #tpu.memory_space<vmem>>) dst(%dma_wait3A_331 : memref<128x128xf32, #tpu.memory_space<hbm>>)
    %add3A_332 = arith.constant 512 : i32
    %add3A_333 = arith.addi %add3A_9, %add3A_332 : i32
    %dma_wait3A_334 = arith.constant 0 : i32
    %dma_wait3A_335 = tpu.memref_slice %arg14[%add3A_333, %dma_wait3A_334] : memref<20480x128xf32, #tpu.memory_space<hbm>> -> memref<128x128xf32, #tpu.memory_space<hbm>>
    %dma_wait3A_336 = arith.constant 0 : i32
    %dma_wait3A_337 = tpu.memref_slice %arg14[%add3A_333, %dma_wait3A_336] : memref<20480x128xf32, #tpu.memory_space<hbm>> -> memref<128x128xf32, #tpu.memory_space<hbm>>
    tpu.wait_dma2 semaphore(%arg26 : memref<!tpu.dma_semaphore, #tpu.memory_space<semaphore_mem>>) src(%arg20 : memref<128x128xf32, #tpu.memory_space<vmem>>) dst(%dma_wait3A_337 : memref<128x128xf32, #tpu.memory_space<hbm>>)
    return
  }
}

#map = affine_map<(d0, d1) -> (0)>
#map1 = affine_map<(d0, d1) -> (0, 0)>
#map2 = affine_map<(d0, d1) -> (0, 0, 0)>
module attributes {stable_mosaic.version = 14 : i64} {
  func.func @body(%arg0: i32, %arg1: i32, %arg2: memref<106496xi32, #tpu.memory_space<hbm>>, %arg3: memref<106496xi32, #tpu.memory_space<hbm>>, %arg4: memref<106496xi32, #tpu.memory_space<hbm>>, %arg5: memref<128x8xf32, #tpu.memory_space<hbm>>, %arg6: memref<10240x8xf32, #tpu.memory_space<hbm>>, %arg7: memref<2x10240x8xf32, #tpu.memory_space<hbm>>, %arg8: memref<2x10240x8xf32, #tpu.memory_space<hbm>>, %arg9: memref<2x10240x8xf32, #tpu.memory_space<hbm>>, %arg10: memref<10240x8xf32, #tpu.memory_space<vmem_shared>>, %arg11: memref<128xi32, #tpu.memory_space<vmem>>, %arg12: memref<128xi32, #tpu.memory_space<vmem>>, %arg13: memref<128x8xf32, #tpu.memory_space<vmem>>, %arg14: memref<!tpu.dma_semaphore, #tpu.memory_space<semaphore_mem>>, %arg15: memref<!tpu.dma_semaphore, #tpu.memory_space<semaphore_mem>>) attributes {dimension_semantics = [#tpu.dimension_semantics<core_parallel>, #tpu.dimension_semantics<subcore_parallel>], iteration_bounds = array<i64: 2, 16>, scalar_prefetch = 0 : i64, scratch_operands = 6 : i64, tpu.core_type = #tpu.core_type<sc_vector_subcore>, window_params = [{transform_indices = #map}, {transform_indices = #map}, {transform_indices = #map}, {transform_indices = #map1}, {transform_indices = #map1}, {transform_indices = #map2}, {transform_indices = #map2}, {transform_indices = #map2}]} {
    %mul3A = arith.constant 16 : i32
    %mul3A_0 = arith.muli %arg0, %mul3A : i32
    %add3A = arith.addi %mul3A_0, %arg1 : i32
    %mul3A_1 = arith.constant 3328 : i32
    %mul3A_2 = arith.muli %add3A, %mul3A_1 : i32
    "tpu.region"() ({
      %run_scoped3A = tpu.sem_alloc : memref<!tpu.dma_semaphore, #tpu.memory_space<semaphore_mem>>
      tpu.enqueue_dma source(%arg5 : memref<128x8xf32, #tpu.memory_space<hbm>>) target(%arg13 : memref<128x8xf32, #tpu.memory_space<vmem>>) target_semaphore(%run_scoped3A : memref<!tpu.dma_semaphore, #tpu.memory_space<semaphore_mem>>)
      tpu.wait_dma2 semaphore(%run_scoped3A : memref<!tpu.dma_semaphore, #tpu.memory_space<semaphore_mem>>) src(%arg5 : memref<128x8xf32, #tpu.memory_space<hbm>>) dst(%arg13 : memref<128x8xf32, #tpu.memory_space<vmem>>)
      tpu.yield
    }) : () -> ()
    %eq3A = arith.constant 0 : i32
    %eq3A_3 = arith.cmpi eq, %arg1, %eq3A : i32
    %convert_element_type3A = arith.extui %eq3A_3 : i1 to i32
    %cond3A = arith.constant 0 : i32
    %cond3A_4 = arith.cmpi ne, %convert_element_type3A, %cond3A : i32
    scf.if %cond3A_4 {
      "tpu.region"() ({
        %run_scoped3A = tpu.sem_alloc : memref<!tpu.dma_semaphore, #tpu.memory_space<semaphore_mem>>
        tpu.enqueue_dma source(%arg6 : memref<10240x8xf32, #tpu.memory_space<hbm>>) target(%arg10 : memref<10240x8xf32, #tpu.memory_space<vmem_shared>>) target_semaphore(%run_scoped3A : memref<!tpu.dma_semaphore, #tpu.memory_space<semaphore_mem>>)
        tpu.wait_dma2 semaphore(%run_scoped3A : memref<!tpu.dma_semaphore, #tpu.memory_space<semaphore_mem>>) src(%arg6 : memref<10240x8xf32, #tpu.memory_space<hbm>>) dst(%arg10 : memref<10240x8xf32, #tpu.memory_space<vmem_shared>>)
        tpu.yield
      }) : () -> ()
    } else {
    }
    %barrier3A = arith.constant 0 : index
    tpu.barrier barrier_id(%barrier3A)
    %add3A_5 = arith.constant 0 : i32
    %add3A_6 = arith.addi %mul3A_2, %add3A_5 : i32
    %multiple_of3A = tpu.assume_multiple %add3A_6, 128 : i32
    %dma_start3A = tpu.memref_slice %arg2[%multiple_of3A] : memref<106496xi32, #tpu.memory_space<hbm>> -> memref<128xi32, #tpu.memory_space<hbm>>
    %dma_start3A_7 = tpu.memref_slice %arg2[%multiple_of3A] : memref<106496xi32, #tpu.memory_space<hbm>> -> memref<128xi32, #tpu.memory_space<hbm>>
    tpu.enqueue_dma source(%dma_start3A_7 : memref<128xi32, #tpu.memory_space<hbm>>) target(%arg11 : memref<128xi32, #tpu.memory_space<vmem>>) target_semaphore(%arg14 : memref<!tpu.dma_semaphore, #tpu.memory_space<semaphore_mem>>)
    %add3A_8 = arith.constant 128 : i32
    %add3A_9 = arith.addi %mul3A_2, %add3A_8 : i32
    %multiple_of3A_10 = tpu.assume_multiple %add3A_9, 128 : i32
    %dma_start3A_11 = tpu.memref_slice %arg2[%multiple_of3A_10] : memref<106496xi32, #tpu.memory_space<hbm>> -> memref<128xi32, #tpu.memory_space<hbm>>
    %dma_start3A_12 = tpu.memref_slice %arg2[%multiple_of3A_10] : memref<106496xi32, #tpu.memory_space<hbm>> -> memref<128xi32, #tpu.memory_space<hbm>>
    tpu.enqueue_dma source(%dma_start3A_12 : memref<128xi32, #tpu.memory_space<hbm>>) target(%arg12 : memref<128xi32, #tpu.memory_space<vmem>>) target_semaphore(%arg15 : memref<!tpu.dma_semaphore, #tpu.memory_space<semaphore_mem>>)
    %scan3A = arith.constant 0 : i32
    %scan3A_13 = arith.constant 13 : i32
    %scan3A_14 = arith.addi %scan3A, %scan3A_13 : i32
    %scan3A_15 = arith.constant 1 : i32
    scf.for %scan3A_77 = %scan3A to %scan3A_14 step %scan3A_15  : i32 {
      %mul3A_78 = arith.constant 2 : i32
      %mul3A_79 = arith.muli %scan3A_77, %mul3A_78 : i32
      %add3A_80 = arith.constant 0 : i32
      %add3A_81 = arith.addi %add3A_80, %mul3A_79 : i32
      %add3A_82 = arith.constant 0 : i32
      %add3A_83 = arith.addi %add3A_81, %add3A_82 : i32
      %mul3A_84 = arith.constant 128 : i32
      %mul3A_85 = arith.muli %add3A_83, %mul3A_84 : i32
      %add3A_86 = arith.addi %mul3A_2, %mul3A_85 : i32
      %multiple_of3A_87 = tpu.assume_multiple %add3A_86, 128 : i32
      %dma_wait3A = tpu.memref_slice %arg2[%multiple_of3A_87] : memref<106496xi32, #tpu.memory_space<hbm>> -> memref<128xi32, #tpu.memory_space<hbm>>
      %dma_wait3A_88 = tpu.memref_slice %arg2[%multiple_of3A_87] : memref<106496xi32, #tpu.memory_space<hbm>> -> memref<128xi32, #tpu.memory_space<hbm>>
      tpu.wait_dma2 semaphore(%arg14 : memref<!tpu.dma_semaphore, #tpu.memory_space<semaphore_mem>>) src(%dma_wait3A_88 : memref<128xi32, #tpu.memory_space<hbm>>) dst(%arg11 : memref<128xi32, #tpu.memory_space<vmem>>)
      "tpu.region"() ({
        %run_scoped3A = tpu.sem_alloc : memref<!tpu.dma_semaphore, #tpu.memory_space<semaphore_mem>>
        %dma_start3A_110 = arith.constant 0 : i32
        %dma_start3A_111 = arith.constant 0 : i32
        %dma_start3A_112 = tpu.memref_slice %arg10[%dma_start3A_110, %dma_start3A_111] : memref<10240x8xf32, #tpu.memory_space<vmem_shared>> -> memref<10240x8xf32, #tpu.memory_space<vmem_shared>>
        tpu.enqueue_indirect_dma source(%arg13 : memref<128x8xf32, #tpu.memory_space<vmem>>) target(%dma_start3A_112 : memref<10240x8xf32, #tpu.memory_space<vmem_shared>>) offsets(%arg11 : memref<128xi32, #tpu.memory_space<vmem>>) semaphore(%run_scoped3A : memref<!tpu.dma_semaphore, #tpu.memory_space<semaphore_mem>>) {add = true}
        %dma_wait3A_113 = arith.constant 0 : i32
        %dma_wait3A_114 = arith.constant 0 : i32
        %dma_wait3A_115 = tpu.memref_slice %arg10[%dma_wait3A_113, %dma_wait3A_114] : memref<10240x8xf32, #tpu.memory_space<vmem_shared>> -> memref<10240x8xf32, #tpu.memory_space<vmem_shared>>
        tpu.wait_indirect_dma semaphore(%run_scoped3A : memref<!tpu.dma_semaphore, #tpu.memory_space<semaphore_mem>>) src(%arg13 : memref<128x8xf32, #tpu.memory_space<vmem>>) dst(%dma_wait3A_115 : memref<10240x8xf32, #tpu.memory_space<vmem_shared>>)
        tpu.yield
      }) : () -> ()
      %add3A_89 = arith.constant 2 : i32
      %add3A_90 = arith.addi %add3A_83, %add3A_89 : i32
      %lt3A = arith.constant 26 : i32
      %lt3A_91 = arith.cmpi slt, %add3A_90, %lt3A : i32
      %convert_element_type3A_92 = arith.extui %lt3A_91 : i1 to i32
      %cond3A_93 = arith.constant 0 : i32
      %cond3A_94 = arith.cmpi ne, %convert_element_type3A_92, %cond3A_93 : i32
      scf.if %cond3A_94 {
        %add3A_110 = arith.constant 2 : i32
        %add3A_111 = arith.addi %add3A_83, %add3A_110 : i32
        %mul3A_112 = arith.constant 128 : i32
        %mul3A_113 = arith.muli %add3A_111, %mul3A_112 : i32
        %add3A_114 = arith.addi %mul3A_2, %mul3A_113 : i32
        %multiple_of3A_115 = tpu.assume_multiple %add3A_114, 128 : i32
        %dma_start3A_116 = tpu.memref_slice %arg2[%multiple_of3A_115] : memref<106496xi32, #tpu.memory_space<hbm>> -> memref<128xi32, #tpu.memory_space<hbm>>
        %dma_start3A_117 = tpu.memref_slice %arg2[%multiple_of3A_115] : memref<106496xi32, #tpu.memory_space<hbm>> -> memref<128xi32, #tpu.memory_space<hbm>>
        tpu.enqueue_dma source(%dma_start3A_117 : memref<128xi32, #tpu.memory_space<hbm>>) target(%arg11 : memref<128xi32, #tpu.memory_space<vmem>>) target_semaphore(%arg14 : memref<!tpu.dma_semaphore, #tpu.memory_space<semaphore_mem>>)
      } else {
      }
      %add3A_95 = arith.constant 1 : i32
      %add3A_96 = arith.addi %add3A_81, %add3A_95 : i32
      %mul3A_97 = arith.constant 128 : i32
      %mul3A_98 = arith.muli %add3A_96, %mul3A_97 : i32
      %add3A_99 = arith.addi %mul3A_2, %mul3A_98 : i32
      %multiple_of3A_100 = tpu.assume_multiple %add3A_99, 128 : i32
      %dma_wait3A_101 = tpu.memref_slice %arg2[%multiple_of3A_100] : memref<106496xi32, #tpu.memory_space<hbm>> -> memref<128xi32, #tpu.memory_space<hbm>>
      %dma_wait3A_102 = tpu.memref_slice %arg2[%multiple_of3A_100] : memref<106496xi32, #tpu.memory_space<hbm>> -> memref<128xi32, #tpu.memory_space<hbm>>
      tpu.wait_dma2 semaphore(%arg15 : memref<!tpu.dma_semaphore, #tpu.memory_space<semaphore_mem>>) src(%dma_wait3A_102 : memref<128xi32, #tpu.memory_space<hbm>>) dst(%arg12 : memref<128xi32, #tpu.memory_space<vmem>>)
      "tpu.region"() ({
        %run_scoped3A = tpu.sem_alloc : memref<!tpu.dma_semaphore, #tpu.memory_space<semaphore_mem>>
        %dma_start3A_110 = arith.constant 0 : i32
        %dma_start3A_111 = arith.constant 0 : i32
        %dma_start3A_112 = tpu.memref_slice %arg10[%dma_start3A_110, %dma_start3A_111] : memref<10240x8xf32, #tpu.memory_space<vmem_shared>> -> memref<10240x8xf32, #tpu.memory_space<vmem_shared>>
        tpu.enqueue_indirect_dma source(%arg13 : memref<128x8xf32, #tpu.memory_space<vmem>>) target(%dma_start3A_112 : memref<10240x8xf32, #tpu.memory_space<vmem_shared>>) offsets(%arg12 : memref<128xi32, #tpu.memory_space<vmem>>) semaphore(%run_scoped3A : memref<!tpu.dma_semaphore, #tpu.memory_space<semaphore_mem>>) {add = true}
        %dma_wait3A_113 = arith.constant 0 : i32
        %dma_wait3A_114 = arith.constant 0 : i32
        %dma_wait3A_115 = tpu.memref_slice %arg10[%dma_wait3A_113, %dma_wait3A_114] : memref<10240x8xf32, #tpu.memory_space<vmem_shared>> -> memref<10240x8xf32, #tpu.memory_space<vmem_shared>>
        tpu.wait_indirect_dma semaphore(%run_scoped3A : memref<!tpu.dma_semaphore, #tpu.memory_space<semaphore_mem>>) src(%arg13 : memref<128x8xf32, #tpu.memory_space<vmem>>) dst(%dma_wait3A_115 : memref<10240x8xf32, #tpu.memory_space<vmem_shared>>)
        tpu.yield
      }) : () -> ()
      %add3A_103 = arith.constant 2 : i32
      %add3A_104 = arith.addi %add3A_96, %add3A_103 : i32
      %lt3A_105 = arith.constant 26 : i32
      %lt3A_106 = arith.cmpi slt, %add3A_104, %lt3A_105 : i32
      %convert_element_type3A_107 = arith.extui %lt3A_106 : i1 to i32
      %cond3A_108 = arith.constant 0 : i32
      %cond3A_109 = arith.cmpi ne, %convert_element_type3A_107, %cond3A_108 : i32
      scf.if %cond3A_109 {
        %add3A_110 = arith.constant 2 : i32
        %add3A_111 = arith.addi %add3A_96, %add3A_110 : i32
        %mul3A_112 = arith.constant 128 : i32
        %mul3A_113 = arith.muli %add3A_111, %mul3A_112 : i32
        %add3A_114 = arith.addi %mul3A_2, %mul3A_113 : i32
        %multiple_of3A_115 = tpu.assume_multiple %add3A_114, 128 : i32
        %dma_start3A_116 = tpu.memref_slice %arg2[%multiple_of3A_115] : memref<106496xi32, #tpu.memory_space<hbm>> -> memref<128xi32, #tpu.memory_space<hbm>>
        %dma_start3A_117 = tpu.memref_slice %arg2[%multiple_of3A_115] : memref<106496xi32, #tpu.memory_space<hbm>> -> memref<128xi32, #tpu.memory_space<hbm>>
        tpu.enqueue_dma source(%dma_start3A_117 : memref<128xi32, #tpu.memory_space<hbm>>) target(%arg12 : memref<128xi32, #tpu.memory_space<vmem>>) target_semaphore(%arg15 : memref<!tpu.dma_semaphore, #tpu.memory_space<semaphore_mem>>)
      } else {
      }
    }
    %scan3A_16 = arith.constant 13 : i32
    %barrier3A_17 = arith.constant 0 : index
    tpu.barrier barrier_id(%barrier3A_17)
    %eq3A_18 = arith.constant 0 : i32
    %eq3A_19 = arith.cmpi eq, %arg1, %eq3A_18 : i32
    %convert_element_type3A_20 = arith.extui %eq3A_19 : i1 to i32
    %cond3A_21 = arith.constant 0 : i32
    %cond3A_22 = arith.cmpi ne, %convert_element_type3A_20, %cond3A_21 : i32
    scf.if %cond3A_22 {
      "tpu.region"() ({
        %run_scoped3A = tpu.sem_alloc : memref<!tpu.dma_semaphore, #tpu.memory_space<semaphore_mem>>
        %dma_start3A_77 = arith.constant 0 : i32
        %dma_start3A_78 = arith.constant 0 : i32
        %dma_start3A_79 = tpu.memref_slice %arg7[%arg0, %dma_start3A_77, %dma_start3A_78] : memref<2x10240x8xf32, #tpu.memory_space<hbm>> -> memref<1x10240x8xf32, #tpu.memory_space<hbm>>
        %dma_start3A_80 = tpu.memref_squeeze %dma_start3A_79 : memref<1x10240x8xf32, #tpu.memory_space<hbm>> -> memref<10240x8xf32, #tpu.memory_space<hbm>>
        tpu.enqueue_dma source(%arg10 : memref<10240x8xf32, #tpu.memory_space<vmem_shared>>) target(%dma_start3A_80 : memref<10240x8xf32, #tpu.memory_space<hbm>>) target_semaphore(%run_scoped3A : memref<!tpu.dma_semaphore, #tpu.memory_space<semaphore_mem>>)
        %dma_wait3A = arith.constant 0 : i32
        %dma_wait3A_81 = arith.constant 0 : i32
        %dma_wait3A_82 = tpu.memref_slice %arg7[%arg0, %dma_wait3A, %dma_wait3A_81] : memref<2x10240x8xf32, #tpu.memory_space<hbm>> -> memref<1x10240x8xf32, #tpu.memory_space<hbm>>
        %dma_wait3A_83 = tpu.memref_squeeze %dma_wait3A_82 : memref<1x10240x8xf32, #tpu.memory_space<hbm>> -> memref<10240x8xf32, #tpu.memory_space<hbm>>
        tpu.wait_dma2 semaphore(%run_scoped3A : memref<!tpu.dma_semaphore, #tpu.memory_space<semaphore_mem>>) src(%arg10 : memref<10240x8xf32, #tpu.memory_space<vmem_shared>>) dst(%dma_wait3A_83 : memref<10240x8xf32, #tpu.memory_space<hbm>>)
        tpu.yield
      }) : () -> ()
    } else {
    }
    %eq3A_23 = arith.constant 0 : i32
    %eq3A_24 = arith.cmpi eq, %arg1, %eq3A_23 : i32
    %convert_element_type3A_25 = arith.extui %eq3A_24 : i1 to i32
    %cond3A_26 = arith.constant 0 : i32
    %cond3A_27 = arith.cmpi ne, %convert_element_type3A_25, %cond3A_26 : i32
    scf.if %cond3A_27 {
      "tpu.region"() ({
        %run_scoped3A = tpu.sem_alloc : memref<!tpu.dma_semaphore, #tpu.memory_space<semaphore_mem>>
        tpu.enqueue_dma source(%arg6 : memref<10240x8xf32, #tpu.memory_space<hbm>>) target(%arg10 : memref<10240x8xf32, #tpu.memory_space<vmem_shared>>) target_semaphore(%run_scoped3A : memref<!tpu.dma_semaphore, #tpu.memory_space<semaphore_mem>>)
        tpu.wait_dma2 semaphore(%run_scoped3A : memref<!tpu.dma_semaphore, #tpu.memory_space<semaphore_mem>>) src(%arg6 : memref<10240x8xf32, #tpu.memory_space<hbm>>) dst(%arg10 : memref<10240x8xf32, #tpu.memory_space<vmem_shared>>)
        tpu.yield
      }) : () -> ()
    } else {
    }
    %barrier3A_28 = arith.constant 0 : index
    tpu.barrier barrier_id(%barrier3A_28)
    %add3A_29 = arith.constant 0 : i32
    %add3A_30 = arith.addi %mul3A_2, %add3A_29 : i32
    %multiple_of3A_31 = tpu.assume_multiple %add3A_30, 128 : i32
    %dma_start3A_32 = tpu.memref_slice %arg3[%multiple_of3A_31] : memref<106496xi32, #tpu.memory_space<hbm>> -> memref<128xi32, #tpu.memory_space<hbm>>
    %dma_start3A_33 = tpu.memref_slice %arg3[%multiple_of3A_31] : memref<106496xi32, #tpu.memory_space<hbm>> -> memref<128xi32, #tpu.memory_space<hbm>>
    tpu.enqueue_dma source(%dma_start3A_33 : memref<128xi32, #tpu.memory_space<hbm>>) target(%arg11 : memref<128xi32, #tpu.memory_space<vmem>>) target_semaphore(%arg14 : memref<!tpu.dma_semaphore, #tpu.memory_space<semaphore_mem>>)
    %add3A_34 = arith.constant 128 : i32
    %add3A_35 = arith.addi %mul3A_2, %add3A_34 : i32
    %multiple_of3A_36 = tpu.assume_multiple %add3A_35, 128 : i32
    %dma_start3A_37 = tpu.memref_slice %arg3[%multiple_of3A_36] : memref<106496xi32, #tpu.memory_space<hbm>> -> memref<128xi32, #tpu.memory_space<hbm>>
    %dma_start3A_38 = tpu.memref_slice %arg3[%multiple_of3A_36] : memref<106496xi32, #tpu.memory_space<hbm>> -> memref<128xi32, #tpu.memory_space<hbm>>
    tpu.enqueue_dma source(%dma_start3A_38 : memref<128xi32, #tpu.memory_space<hbm>>) target(%arg12 : memref<128xi32, #tpu.memory_space<vmem>>) target_semaphore(%arg15 : memref<!tpu.dma_semaphore, #tpu.memory_space<semaphore_mem>>)
    %scan3A_39 = arith.constant 0 : i32
    %scan3A_40 = arith.constant 13 : i32
    %scan3A_41 = arith.addi %scan3A_39, %scan3A_40 : i32
    %scan3A_42 = arith.constant 1 : i32
    scf.for %scan3A_77 = %scan3A_39 to %scan3A_41 step %scan3A_42  : i32 {
      %mul3A_78 = arith.constant 2 : i32
      %mul3A_79 = arith.muli %scan3A_77, %mul3A_78 : i32
      %add3A_80 = arith.constant 0 : i32
      %add3A_81 = arith.addi %add3A_80, %mul3A_79 : i32
      %add3A_82 = arith.constant 0 : i32
      %add3A_83 = arith.addi %add3A_81, %add3A_82 : i32
      %mul3A_84 = arith.constant 128 : i32
      %mul3A_85 = arith.muli %add3A_83, %mul3A_84 : i32
      %add3A_86 = arith.addi %mul3A_2, %mul3A_85 : i32
      %multiple_of3A_87 = tpu.assume_multiple %add3A_86, 128 : i32
      %dma_wait3A = tpu.memref_slice %arg3[%multiple_of3A_87] : memref<106496xi32, #tpu.memory_space<hbm>> -> memref<128xi32, #tpu.memory_space<hbm>>
      %dma_wait3A_88 = tpu.memref_slice %arg3[%multiple_of3A_87] : memref<106496xi32, #tpu.memory_space<hbm>> -> memref<128xi32, #tpu.memory_space<hbm>>
      tpu.wait_dma2 semaphore(%arg14 : memref<!tpu.dma_semaphore, #tpu.memory_space<semaphore_mem>>) src(%dma_wait3A_88 : memref<128xi32, #tpu.memory_space<hbm>>) dst(%arg11 : memref<128xi32, #tpu.memory_space<vmem>>)
      "tpu.region"() ({
        %run_scoped3A = tpu.sem_alloc : memref<!tpu.dma_semaphore, #tpu.memory_space<semaphore_mem>>
        %dma_start3A_110 = arith.constant 0 : i32
        %dma_start3A_111 = arith.constant 0 : i32
        %dma_start3A_112 = tpu.memref_slice %arg10[%dma_start3A_110, %dma_start3A_111] : memref<10240x8xf32, #tpu.memory_space<vmem_shared>> -> memref<10240x8xf32, #tpu.memory_space<vmem_shared>>
        tpu.enqueue_indirect_dma source(%arg13 : memref<128x8xf32, #tpu.memory_space<vmem>>) target(%dma_start3A_112 : memref<10240x8xf32, #tpu.memory_space<vmem_shared>>) offsets(%arg11 : memref<128xi32, #tpu.memory_space<vmem>>) semaphore(%run_scoped3A : memref<!tpu.dma_semaphore, #tpu.memory_space<semaphore_mem>>) {add = true}
        %dma_wait3A_113 = arith.constant 0 : i32
        %dma_wait3A_114 = arith.constant 0 : i32
        %dma_wait3A_115 = tpu.memref_slice %arg10[%dma_wait3A_113, %dma_wait3A_114] : memref<10240x8xf32, #tpu.memory_space<vmem_shared>> -> memref<10240x8xf32, #tpu.memory_space<vmem_shared>>
        tpu.wait_indirect_dma semaphore(%run_scoped3A : memref<!tpu.dma_semaphore, #tpu.memory_space<semaphore_mem>>) src(%arg13 : memref<128x8xf32, #tpu.memory_space<vmem>>) dst(%dma_wait3A_115 : memref<10240x8xf32, #tpu.memory_space<vmem_shared>>)
        tpu.yield
      }) : () -> ()
      %add3A_89 = arith.constant 2 : i32
      %add3A_90 = arith.addi %add3A_83, %add3A_89 : i32
      %lt3A = arith.constant 26 : i32
      %lt3A_91 = arith.cmpi slt, %add3A_90, %lt3A : i32
      %convert_element_type3A_92 = arith.extui %lt3A_91 : i1 to i32
      %cond3A_93 = arith.constant 0 : i32
      %cond3A_94 = arith.cmpi ne, %convert_element_type3A_92, %cond3A_93 : i32
      scf.if %cond3A_94 {
        %add3A_110 = arith.constant 2 : i32
        %add3A_111 = arith.addi %add3A_83, %add3A_110 : i32
        %mul3A_112 = arith.constant 128 : i32
        %mul3A_113 = arith.muli %add3A_111, %mul3A_112 : i32
        %add3A_114 = arith.addi %mul3A_2, %mul3A_113 : i32
        %multiple_of3A_115 = tpu.assume_multiple %add3A_114, 128 : i32
        %dma_start3A_116 = tpu.memref_slice %arg3[%multiple_of3A_115] : memref<106496xi32, #tpu.memory_space<hbm>> -> memref<128xi32, #tpu.memory_space<hbm>>
        %dma_start3A_117 = tpu.memref_slice %arg3[%multiple_of3A_115] : memref<106496xi32, #tpu.memory_space<hbm>> -> memref<128xi32, #tpu.memory_space<hbm>>
        tpu.enqueue_dma source(%dma_start3A_117 : memref<128xi32, #tpu.memory_space<hbm>>) target(%arg11 : memref<128xi32, #tpu.memory_space<vmem>>) target_semaphore(%arg14 : memref<!tpu.dma_semaphore, #tpu.memory_space<semaphore_mem>>)
      } else {
      }
      %add3A_95 = arith.constant 1 : i32
      %add3A_96 = arith.addi %add3A_81, %add3A_95 : i32
      %mul3A_97 = arith.constant 128 : i32
      %mul3A_98 = arith.muli %add3A_96, %mul3A_97 : i32
      %add3A_99 = arith.addi %mul3A_2, %mul3A_98 : i32
      %multiple_of3A_100 = tpu.assume_multiple %add3A_99, 128 : i32
      %dma_wait3A_101 = tpu.memref_slice %arg3[%multiple_of3A_100] : memref<106496xi32, #tpu.memory_space<hbm>> -> memref<128xi32, #tpu.memory_space<hbm>>
      %dma_wait3A_102 = tpu.memref_slice %arg3[%multiple_of3A_100] : memref<106496xi32, #tpu.memory_space<hbm>> -> memref<128xi32, #tpu.memory_space<hbm>>
      tpu.wait_dma2 semaphore(%arg15 : memref<!tpu.dma_semaphore, #tpu.memory_space<semaphore_mem>>) src(%dma_wait3A_102 : memref<128xi32, #tpu.memory_space<hbm>>) dst(%arg12 : memref<128xi32, #tpu.memory_space<vmem>>)
      "tpu.region"() ({
        %run_scoped3A = tpu.sem_alloc : memref<!tpu.dma_semaphore, #tpu.memory_space<semaphore_mem>>
        %dma_start3A_110 = arith.constant 0 : i32
        %dma_start3A_111 = arith.constant 0 : i32
        %dma_start3A_112 = tpu.memref_slice %arg10[%dma_start3A_110, %dma_start3A_111] : memref<10240x8xf32, #tpu.memory_space<vmem_shared>> -> memref<10240x8xf32, #tpu.memory_space<vmem_shared>>
        tpu.enqueue_indirect_dma source(%arg13 : memref<128x8xf32, #tpu.memory_space<vmem>>) target(%dma_start3A_112 : memref<10240x8xf32, #tpu.memory_space<vmem_shared>>) offsets(%arg12 : memref<128xi32, #tpu.memory_space<vmem>>) semaphore(%run_scoped3A : memref<!tpu.dma_semaphore, #tpu.memory_space<semaphore_mem>>) {add = true}
        %dma_wait3A_113 = arith.constant 0 : i32
        %dma_wait3A_114 = arith.constant 0 : i32
        %dma_wait3A_115 = tpu.memref_slice %arg10[%dma_wait3A_113, %dma_wait3A_114] : memref<10240x8xf32, #tpu.memory_space<vmem_shared>> -> memref<10240x8xf32, #tpu.memory_space<vmem_shared>>
        tpu.wait_indirect_dma semaphore(%run_scoped3A : memref<!tpu.dma_semaphore, #tpu.memory_space<semaphore_mem>>) src(%arg13 : memref<128x8xf32, #tpu.memory_space<vmem>>) dst(%dma_wait3A_115 : memref<10240x8xf32, #tpu.memory_space<vmem_shared>>)
        tpu.yield
      }) : () -> ()
      %add3A_103 = arith.constant 2 : i32
      %add3A_104 = arith.addi %add3A_96, %add3A_103 : i32
      %lt3A_105 = arith.constant 26 : i32
      %lt3A_106 = arith.cmpi slt, %add3A_104, %lt3A_105 : i32
      %convert_element_type3A_107 = arith.extui %lt3A_106 : i1 to i32
      %cond3A_108 = arith.constant 0 : i32
      %cond3A_109 = arith.cmpi ne, %convert_element_type3A_107, %cond3A_108 : i32
      scf.if %cond3A_109 {
        %add3A_110 = arith.constant 2 : i32
        %add3A_111 = arith.addi %add3A_96, %add3A_110 : i32
        %mul3A_112 = arith.constant 128 : i32
        %mul3A_113 = arith.muli %add3A_111, %mul3A_112 : i32
        %add3A_114 = arith.addi %mul3A_2, %mul3A_113 : i32
        %multiple_of3A_115 = tpu.assume_multiple %add3A_114, 128 : i32
        %dma_start3A_116 = tpu.memref_slice %arg3[%multiple_of3A_115] : memref<106496xi32, #tpu.memory_space<hbm>> -> memref<128xi32, #tpu.memory_space<hbm>>
        %dma_start3A_117 = tpu.memref_slice %arg3[%multiple_of3A_115] : memref<106496xi32, #tpu.memory_space<hbm>> -> memref<128xi32, #tpu.memory_space<hbm>>
        tpu.enqueue_dma source(%dma_start3A_117 : memref<128xi32, #tpu.memory_space<hbm>>) target(%arg12 : memref<128xi32, #tpu.memory_space<vmem>>) target_semaphore(%arg15 : memref<!tpu.dma_semaphore, #tpu.memory_space<semaphore_mem>>)
      } else {
      }
    }
    %scan3A_43 = arith.constant 13 : i32
    %barrier3A_44 = arith.constant 0 : index
    tpu.barrier barrier_id(%barrier3A_44)
    %eq3A_45 = arith.constant 0 : i32
    %eq3A_46 = arith.cmpi eq, %arg1, %eq3A_45 : i32
    %convert_element_type3A_47 = arith.extui %eq3A_46 : i1 to i32
    %cond3A_48 = arith.constant 0 : i32
    %cond3A_49 = arith.cmpi ne, %convert_element_type3A_47, %cond3A_48 : i32
    scf.if %cond3A_49 {
      "tpu.region"() ({
        %run_scoped3A = tpu.sem_alloc : memref<!tpu.dma_semaphore, #tpu.memory_space<semaphore_mem>>
        %dma_start3A_77 = arith.constant 0 : i32
        %dma_start3A_78 = arith.constant 0 : i32
        %dma_start3A_79 = tpu.memref_slice %arg8[%arg0, %dma_start3A_77, %dma_start3A_78] : memref<2x10240x8xf32, #tpu.memory_space<hbm>> -> memref<1x10240x8xf32, #tpu.memory_space<hbm>>
        %dma_start3A_80 = tpu.memref_squeeze %dma_start3A_79 : memref<1x10240x8xf32, #tpu.memory_space<hbm>> -> memref<10240x8xf32, #tpu.memory_space<hbm>>
        tpu.enqueue_dma source(%arg10 : memref<10240x8xf32, #tpu.memory_space<vmem_shared>>) target(%dma_start3A_80 : memref<10240x8xf32, #tpu.memory_space<hbm>>) target_semaphore(%run_scoped3A : memref<!tpu.dma_semaphore, #tpu.memory_space<semaphore_mem>>)
        %dma_wait3A = arith.constant 0 : i32
        %dma_wait3A_81 = arith.constant 0 : i32
        %dma_wait3A_82 = tpu.memref_slice %arg8[%arg0, %dma_wait3A, %dma_wait3A_81] : memref<2x10240x8xf32, #tpu.memory_space<hbm>> -> memref<1x10240x8xf32, #tpu.memory_space<hbm>>
        %dma_wait3A_83 = tpu.memref_squeeze %dma_wait3A_82 : memref<1x10240x8xf32, #tpu.memory_space<hbm>> -> memref<10240x8xf32, #tpu.memory_space<hbm>>
        tpu.wait_dma2 semaphore(%run_scoped3A : memref<!tpu.dma_semaphore, #tpu.memory_space<semaphore_mem>>) src(%arg10 : memref<10240x8xf32, #tpu.memory_space<vmem_shared>>) dst(%dma_wait3A_83 : memref<10240x8xf32, #tpu.memory_space<hbm>>)
        tpu.yield
      }) : () -> ()
    } else {
    }
    %eq3A_50 = arith.constant 0 : i32
    %eq3A_51 = arith.cmpi eq, %arg1, %eq3A_50 : i32
    %convert_element_type3A_52 = arith.extui %eq3A_51 : i1 to i32
    %cond3A_53 = arith.constant 0 : i32
    %cond3A_54 = arith.cmpi ne, %convert_element_type3A_52, %cond3A_53 : i32
    scf.if %cond3A_54 {
      "tpu.region"() ({
        %run_scoped3A = tpu.sem_alloc : memref<!tpu.dma_semaphore, #tpu.memory_space<semaphore_mem>>
        tpu.enqueue_dma source(%arg6 : memref<10240x8xf32, #tpu.memory_space<hbm>>) target(%arg10 : memref<10240x8xf32, #tpu.memory_space<vmem_shared>>) target_semaphore(%run_scoped3A : memref<!tpu.dma_semaphore, #tpu.memory_space<semaphore_mem>>)
        tpu.wait_dma2 semaphore(%run_scoped3A : memref<!tpu.dma_semaphore, #tpu.memory_space<semaphore_mem>>) src(%arg6 : memref<10240x8xf32, #tpu.memory_space<hbm>>) dst(%arg10 : memref<10240x8xf32, #tpu.memory_space<vmem_shared>>)
        tpu.yield
      }) : () -> ()
    } else {
    }
    %barrier3A_55 = arith.constant 0 : index
    tpu.barrier barrier_id(%barrier3A_55)
    %add3A_56 = arith.constant 0 : i32
    %add3A_57 = arith.addi %mul3A_2, %add3A_56 : i32
    %multiple_of3A_58 = tpu.assume_multiple %add3A_57, 128 : i32
    %dma_start3A_59 = tpu.memref_slice %arg4[%multiple_of3A_58] : memref<106496xi32, #tpu.memory_space<hbm>> -> memref<128xi32, #tpu.memory_space<hbm>>
    %dma_start3A_60 = tpu.memref_slice %arg4[%multiple_of3A_58] : memref<106496xi32, #tpu.memory_space<hbm>> -> memref<128xi32, #tpu.memory_space<hbm>>
    tpu.enqueue_dma source(%dma_start3A_60 : memref<128xi32, #tpu.memory_space<hbm>>) target(%arg11 : memref<128xi32, #tpu.memory_space<vmem>>) target_semaphore(%arg14 : memref<!tpu.dma_semaphore, #tpu.memory_space<semaphore_mem>>)
    %add3A_61 = arith.constant 128 : i32
    %add3A_62 = arith.addi %mul3A_2, %add3A_61 : i32
    %multiple_of3A_63 = tpu.assume_multiple %add3A_62, 128 : i32
    %dma_start3A_64 = tpu.memref_slice %arg4[%multiple_of3A_63] : memref<106496xi32, #tpu.memory_space<hbm>> -> memref<128xi32, #tpu.memory_space<hbm>>
    %dma_start3A_65 = tpu.memref_slice %arg4[%multiple_of3A_63] : memref<106496xi32, #tpu.memory_space<hbm>> -> memref<128xi32, #tpu.memory_space<hbm>>
    tpu.enqueue_dma source(%dma_start3A_65 : memref<128xi32, #tpu.memory_space<hbm>>) target(%arg12 : memref<128xi32, #tpu.memory_space<vmem>>) target_semaphore(%arg15 : memref<!tpu.dma_semaphore, #tpu.memory_space<semaphore_mem>>)
    %scan3A_66 = arith.constant 0 : i32
    %scan3A_67 = arith.constant 13 : i32
    %scan3A_68 = arith.addi %scan3A_66, %scan3A_67 : i32
    %scan3A_69 = arith.constant 1 : i32
    scf.for %scan3A_77 = %scan3A_66 to %scan3A_68 step %scan3A_69  : i32 {
      %mul3A_78 = arith.constant 2 : i32
      %mul3A_79 = arith.muli %scan3A_77, %mul3A_78 : i32
      %add3A_80 = arith.constant 0 : i32
      %add3A_81 = arith.addi %add3A_80, %mul3A_79 : i32
      %add3A_82 = arith.constant 0 : i32
      %add3A_83 = arith.addi %add3A_81, %add3A_82 : i32
      %mul3A_84 = arith.constant 128 : i32
      %mul3A_85 = arith.muli %add3A_83, %mul3A_84 : i32
      %add3A_86 = arith.addi %mul3A_2, %mul3A_85 : i32
      %multiple_of3A_87 = tpu.assume_multiple %add3A_86, 128 : i32
      %dma_wait3A = tpu.memref_slice %arg4[%multiple_of3A_87] : memref<106496xi32, #tpu.memory_space<hbm>> -> memref<128xi32, #tpu.memory_space<hbm>>
      %dma_wait3A_88 = tpu.memref_slice %arg4[%multiple_of3A_87] : memref<106496xi32, #tpu.memory_space<hbm>> -> memref<128xi32, #tpu.memory_space<hbm>>
      tpu.wait_dma2 semaphore(%arg14 : memref<!tpu.dma_semaphore, #tpu.memory_space<semaphore_mem>>) src(%dma_wait3A_88 : memref<128xi32, #tpu.memory_space<hbm>>) dst(%arg11 : memref<128xi32, #tpu.memory_space<vmem>>)
      "tpu.region"() ({
        %run_scoped3A = tpu.sem_alloc : memref<!tpu.dma_semaphore, #tpu.memory_space<semaphore_mem>>
        %dma_start3A_110 = arith.constant 0 : i32
        %dma_start3A_111 = arith.constant 0 : i32
        %dma_start3A_112 = tpu.memref_slice %arg10[%dma_start3A_110, %dma_start3A_111] : memref<10240x8xf32, #tpu.memory_space<vmem_shared>> -> memref<10240x8xf32, #tpu.memory_space<vmem_shared>>
        tpu.enqueue_indirect_dma source(%arg13 : memref<128x8xf32, #tpu.memory_space<vmem>>) target(%dma_start3A_112 : memref<10240x8xf32, #tpu.memory_space<vmem_shared>>) offsets(%arg11 : memref<128xi32, #tpu.memory_space<vmem>>) semaphore(%run_scoped3A : memref<!tpu.dma_semaphore, #tpu.memory_space<semaphore_mem>>) {add = true}
        %dma_wait3A_113 = arith.constant 0 : i32
        %dma_wait3A_114 = arith.constant 0 : i32
        %dma_wait3A_115 = tpu.memref_slice %arg10[%dma_wait3A_113, %dma_wait3A_114] : memref<10240x8xf32, #tpu.memory_space<vmem_shared>> -> memref<10240x8xf32, #tpu.memory_space<vmem_shared>>
        tpu.wait_indirect_dma semaphore(%run_scoped3A : memref<!tpu.dma_semaphore, #tpu.memory_space<semaphore_mem>>) src(%arg13 : memref<128x8xf32, #tpu.memory_space<vmem>>) dst(%dma_wait3A_115 : memref<10240x8xf32, #tpu.memory_space<vmem_shared>>)
        tpu.yield
      }) : () -> ()
      %add3A_89 = arith.constant 2 : i32
      %add3A_90 = arith.addi %add3A_83, %add3A_89 : i32
      %lt3A = arith.constant 26 : i32
      %lt3A_91 = arith.cmpi slt, %add3A_90, %lt3A : i32
      %convert_element_type3A_92 = arith.extui %lt3A_91 : i1 to i32
      %cond3A_93 = arith.constant 0 : i32
      %cond3A_94 = arith.cmpi ne, %convert_element_type3A_92, %cond3A_93 : i32
      scf.if %cond3A_94 {
        %add3A_110 = arith.constant 2 : i32
        %add3A_111 = arith.addi %add3A_83, %add3A_110 : i32
        %mul3A_112 = arith.constant 128 : i32
        %mul3A_113 = arith.muli %add3A_111, %mul3A_112 : i32
        %add3A_114 = arith.addi %mul3A_2, %mul3A_113 : i32
        %multiple_of3A_115 = tpu.assume_multiple %add3A_114, 128 : i32
        %dma_start3A_116 = tpu.memref_slice %arg4[%multiple_of3A_115] : memref<106496xi32, #tpu.memory_space<hbm>> -> memref<128xi32, #tpu.memory_space<hbm>>
        %dma_start3A_117 = tpu.memref_slice %arg4[%multiple_of3A_115] : memref<106496xi32, #tpu.memory_space<hbm>> -> memref<128xi32, #tpu.memory_space<hbm>>
        tpu.enqueue_dma source(%dma_start3A_117 : memref<128xi32, #tpu.memory_space<hbm>>) target(%arg11 : memref<128xi32, #tpu.memory_space<vmem>>) target_semaphore(%arg14 : memref<!tpu.dma_semaphore, #tpu.memory_space<semaphore_mem>>)
      } else {
      }
      %add3A_95 = arith.constant 1 : i32
      %add3A_96 = arith.addi %add3A_81, %add3A_95 : i32
      %mul3A_97 = arith.constant 128 : i32
      %mul3A_98 = arith.muli %add3A_96, %mul3A_97 : i32
      %add3A_99 = arith.addi %mul3A_2, %mul3A_98 : i32
      %multiple_of3A_100 = tpu.assume_multiple %add3A_99, 128 : i32
      %dma_wait3A_101 = tpu.memref_slice %arg4[%multiple_of3A_100] : memref<106496xi32, #tpu.memory_space<hbm>> -> memref<128xi32, #tpu.memory_space<hbm>>
      %dma_wait3A_102 = tpu.memref_slice %arg4[%multiple_of3A_100] : memref<106496xi32, #tpu.memory_space<hbm>> -> memref<128xi32, #tpu.memory_space<hbm>>
      tpu.wait_dma2 semaphore(%arg15 : memref<!tpu.dma_semaphore, #tpu.memory_space<semaphore_mem>>) src(%dma_wait3A_102 : memref<128xi32, #tpu.memory_space<hbm>>) dst(%arg12 : memref<128xi32, #tpu.memory_space<vmem>>)
      "tpu.region"() ({
        %run_scoped3A = tpu.sem_alloc : memref<!tpu.dma_semaphore, #tpu.memory_space<semaphore_mem>>
        %dma_start3A_110 = arith.constant 0 : i32
        %dma_start3A_111 = arith.constant 0 : i32
        %dma_start3A_112 = tpu.memref_slice %arg10[%dma_start3A_110, %dma_start3A_111] : memref<10240x8xf32, #tpu.memory_space<vmem_shared>> -> memref<10240x8xf32, #tpu.memory_space<vmem_shared>>
        tpu.enqueue_indirect_dma source(%arg13 : memref<128x8xf32, #tpu.memory_space<vmem>>) target(%dma_start3A_112 : memref<10240x8xf32, #tpu.memory_space<vmem_shared>>) offsets(%arg12 : memref<128xi32, #tpu.memory_space<vmem>>) semaphore(%run_scoped3A : memref<!tpu.dma_semaphore, #tpu.memory_space<semaphore_mem>>) {add = true}
        %dma_wait3A_113 = arith.constant 0 : i32
        %dma_wait3A_114 = arith.constant 0 : i32
        %dma_wait3A_115 = tpu.memref_slice %arg10[%dma_wait3A_113, %dma_wait3A_114] : memref<10240x8xf32, #tpu.memory_space<vmem_shared>> -> memref<10240x8xf32, #tpu.memory_space<vmem_shared>>
        tpu.wait_indirect_dma semaphore(%run_scoped3A : memref<!tpu.dma_semaphore, #tpu.memory_space<semaphore_mem>>) src(%arg13 : memref<128x8xf32, #tpu.memory_space<vmem>>) dst(%dma_wait3A_115 : memref<10240x8xf32, #tpu.memory_space<vmem_shared>>)
        tpu.yield
      }) : () -> ()
      %add3A_103 = arith.constant 2 : i32
      %add3A_104 = arith.addi %add3A_96, %add3A_103 : i32
      %lt3A_105 = arith.constant 26 : i32
      %lt3A_106 = arith.cmpi slt, %add3A_104, %lt3A_105 : i32
      %convert_element_type3A_107 = arith.extui %lt3A_106 : i1 to i32
      %cond3A_108 = arith.constant 0 : i32
      %cond3A_109 = arith.cmpi ne, %convert_element_type3A_107, %cond3A_108 : i32
      scf.if %cond3A_109 {
        %add3A_110 = arith.constant 2 : i32
        %add3A_111 = arith.addi %add3A_96, %add3A_110 : i32
        %mul3A_112 = arith.constant 128 : i32
        %mul3A_113 = arith.muli %add3A_111, %mul3A_112 : i32
        %add3A_114 = arith.addi %mul3A_2, %mul3A_113 : i32
        %multiple_of3A_115 = tpu.assume_multiple %add3A_114, 128 : i32
        %dma_start3A_116 = tpu.memref_slice %arg4[%multiple_of3A_115] : memref<106496xi32, #tpu.memory_space<hbm>> -> memref<128xi32, #tpu.memory_space<hbm>>
        %dma_start3A_117 = tpu.memref_slice %arg4[%multiple_of3A_115] : memref<106496xi32, #tpu.memory_space<hbm>> -> memref<128xi32, #tpu.memory_space<hbm>>
        tpu.enqueue_dma source(%dma_start3A_117 : memref<128xi32, #tpu.memory_space<hbm>>) target(%arg12 : memref<128xi32, #tpu.memory_space<vmem>>) target_semaphore(%arg15 : memref<!tpu.dma_semaphore, #tpu.memory_space<semaphore_mem>>)
      } else {
      }
    }
    %scan3A_70 = arith.constant 13 : i32
    %barrier3A_71 = arith.constant 0 : index
    tpu.barrier barrier_id(%barrier3A_71)
    %eq3A_72 = arith.constant 0 : i32
    %eq3A_73 = arith.cmpi eq, %arg1, %eq3A_72 : i32
    %convert_element_type3A_74 = arith.extui %eq3A_73 : i1 to i32
    %cond3A_75 = arith.constant 0 : i32
    %cond3A_76 = arith.cmpi ne, %convert_element_type3A_74, %cond3A_75 : i32
    scf.if %cond3A_76 {
      "tpu.region"() ({
        %run_scoped3A = tpu.sem_alloc : memref<!tpu.dma_semaphore, #tpu.memory_space<semaphore_mem>>
        %dma_start3A_77 = arith.constant 0 : i32
        %dma_start3A_78 = arith.constant 0 : i32
        %dma_start3A_79 = tpu.memref_slice %arg9[%arg0, %dma_start3A_77, %dma_start3A_78] : memref<2x10240x8xf32, #tpu.memory_space<hbm>> -> memref<1x10240x8xf32, #tpu.memory_space<hbm>>
        %dma_start3A_80 = tpu.memref_squeeze %dma_start3A_79 : memref<1x10240x8xf32, #tpu.memory_space<hbm>> -> memref<10240x8xf32, #tpu.memory_space<hbm>>
        tpu.enqueue_dma source(%arg10 : memref<10240x8xf32, #tpu.memory_space<vmem_shared>>) target(%dma_start3A_80 : memref<10240x8xf32, #tpu.memory_space<hbm>>) target_semaphore(%run_scoped3A : memref<!tpu.dma_semaphore, #tpu.memory_space<semaphore_mem>>)
        %dma_wait3A = arith.constant 0 : i32
        %dma_wait3A_81 = arith.constant 0 : i32
        %dma_wait3A_82 = tpu.memref_slice %arg9[%arg0, %dma_wait3A, %dma_wait3A_81] : memref<2x10240x8xf32, #tpu.memory_space<hbm>> -> memref<1x10240x8xf32, #tpu.memory_space<hbm>>
        %dma_wait3A_83 = tpu.memref_squeeze %dma_wait3A_82 : memref<1x10240x8xf32, #tpu.memory_space<hbm>> -> memref<10240x8xf32, #tpu.memory_space<hbm>>
        tpu.wait_dma2 semaphore(%run_scoped3A : memref<!tpu.dma_semaphore, #tpu.memory_space<semaphore_mem>>) src(%arg10 : memref<10240x8xf32, #tpu.memory_space<vmem_shared>>) dst(%dma_wait3A_83 : memref<10240x8xf32, #tpu.memory_space<hbm>>)
        tpu.yield
      }) : () -> ()
    } else {
    }
    return
  }
}

#map = affine_map<(d0, d1) -> (0, 0)>
#map1 = affine_map<(d0, d1) -> (0)>
module attributes {stable_mosaic.version = 14 : i64} {
  func.func @body(%arg0: i32, %arg1: i32, %arg2: memref<10240x64xf32, #tpu.memory_space<hbm>>, %arg3: memref<10240x64xf32, #tpu.memory_space<hbm>>, %arg4: memref<10240x64xf32, #tpu.memory_space<hbm>>, %arg5: memref<106496xi32, #tpu.memory_space<hbm>>, %arg6: memref<106496xi32, #tpu.memory_space<hbm>>, %arg7: memref<106496xi32, #tpu.memory_space<hbm>>, %arg8: memref<106496xi32, #tpu.memory_space<hbm>>, %arg9: memref<106496xi32, #tpu.memory_space<hbm>>, %arg10: memref<106496xi32, #tpu.memory_space<hbm>>, %arg11: memref<128x64xf32, #tpu.memory_space<hbm>>, %arg12: memref<20480x64xf32, #tpu.memory_space<hbm>>, %arg13: memref<20480x64xf32, #tpu.memory_space<hbm>>, %arg14: memref<20480x64xf32, #tpu.memory_space<hbm>>, %arg15: memref<10240x64xf32, #tpu.memory_space<vmem_shared>>, %arg16: memref<128xi32, #tpu.memory_space<vmem>>, %arg17: memref<128xi32, #tpu.memory_space<vmem>>, %arg18: memref<128xi32, #tpu.memory_space<vmem>>, %arg19: memref<128xi32, #tpu.memory_space<vmem>>, %arg20: memref<128x64xf32, #tpu.memory_space<vmem>>, %arg21: memref<128x64xf32, #tpu.memory_space<vmem>>, %arg22: memref<!tpu.dma_semaphore, #tpu.memory_space<semaphore_mem>>, %arg23: memref<!tpu.dma_semaphore, #tpu.memory_space<semaphore_mem>>, %arg24: memref<!tpu.dma_semaphore, #tpu.memory_space<semaphore_mem>>, %arg25: memref<!tpu.dma_semaphore, #tpu.memory_space<semaphore_mem>>, %arg26: memref<!tpu.dma_semaphore, #tpu.memory_space<semaphore_mem>>, %arg27: memref<!tpu.dma_semaphore, #tpu.memory_space<semaphore_mem>>) attributes {dimension_semantics = [#tpu.dimension_semantics<core_parallel>, #tpu.dimension_semantics<subcore_parallel>], iteration_bounds = array<i64: 2, 16>, scalar_prefetch = 0 : i64, scratch_operands = 13 : i64, tpu.core_type = #tpu.core_type<sc_vector_subcore>, window_params = [{transform_indices = #map}, {transform_indices = #map}, {transform_indices = #map}, {transform_indices = #map1}, {transform_indices = #map1}, {transform_indices = #map1}, {transform_indices = #map1}, {transform_indices = #map1}, {transform_indices = #map1}, {transform_indices = #map}, {transform_indices = #map}, {transform_indices = #map}, {transform_indices = #map}]} {
    %mul3A = arith.constant 16 : i32
    %mul3A_0 = arith.muli %arg0, %mul3A : i32
    %add3A = arith.addi %mul3A_0, %arg1 : i32
    %mul3A_1 = arith.constant 3328 : i32
    %mul3A_2 = arith.muli %add3A, %mul3A_1 : i32
    %mul3A_3 = arith.constant 640 : i32
    %mul3A_4 = arith.muli %arg1, %mul3A_3 : i32
    %mul3A_5 = arith.constant 10240 : i32
    %mul3A_6 = arith.muli %arg0, %mul3A_5 : i32
    %mul3A_7 = arith.constant 640 : i32
    %mul3A_8 = arith.muli %arg1, %mul3A_7 : i32
    %add3A_9 = arith.addi %mul3A_6, %mul3A_8 : i32
    "tpu.region"() ({
      %run_scoped3A = tpu.sem_alloc : memref<!tpu.dma_semaphore, #tpu.memory_space<semaphore_mem>>
      tpu.enqueue_dma source(%arg11 : memref<128x64xf32, #tpu.memory_space<hbm>>) target(%arg20 : memref<128x64xf32, #tpu.memory_space<vmem>>) target_semaphore(%run_scoped3A : memref<!tpu.dma_semaphore, #tpu.memory_space<semaphore_mem>>)
      tpu.wait_dma2 semaphore(%run_scoped3A : memref<!tpu.dma_semaphore, #tpu.memory_space<semaphore_mem>>) src(%arg11 : memref<128x64xf32, #tpu.memory_space<hbm>>) dst(%arg20 : memref<128x64xf32, #tpu.memory_space<vmem>>)
      tpu.yield
    }) : () -> ()
    %add3A_10 = arith.constant 0 : i32
    %add3A_11 = arith.addi %mul3A_4, %add3A_10 : i32
    "tpu.region"() ({
      %run_scoped3A = tpu.sem_alloc : memref<!tpu.dma_semaphore, #tpu.memory_space<semaphore_mem>>
      %dma_start3A_338 = arith.constant 0 : i32
      %dma_start3A_339 = tpu.memref_slice %arg15[%add3A_11, %dma_start3A_338] : memref<10240x64xf32, #tpu.memory_space<vmem_shared>> -> memref<128x64xf32, #tpu.memory_space<vmem_shared>>
      %dma_start3A_340 = arith.constant 0 : i32
      %dma_start3A_341 = tpu.memref_slice %arg15[%add3A_11, %dma_start3A_340] : memref<10240x64xf32, #tpu.memory_space<vmem_shared>> -> memref<128x64xf32, #tpu.memory_space<vmem_shared>>
      tpu.enqueue_dma source(%arg20 : memref<128x64xf32, #tpu.memory_space<vmem>>) target(%dma_start3A_341 : memref<128x64xf32, #tpu.memory_space<vmem_shared>>) target_semaphore(%run_scoped3A : memref<!tpu.dma_semaphore, #tpu.memory_space<semaphore_mem>>)
      %dma_wait3A_342 = arith.constant 0 : i32
      %dma_wait3A_343 = tpu.memref_slice %arg15[%add3A_11, %dma_wait3A_342] : memref<10240x64xf32, #tpu.memory_space<vmem_shared>> -> memref<128x64xf32, #tpu.memory_space<vmem_shared>>
      %dma_wait3A_344 = arith.constant 0 : i32
      %dma_wait3A_345 = tpu.memref_slice %arg15[%add3A_11, %dma_wait3A_344] : memref<10240x64xf32, #tpu.memory_space<vmem_shared>> -> memref<128x64xf32, #tpu.memory_space<vmem_shared>>
      tpu.wait_dma2 semaphore(%run_scoped3A : memref<!tpu.dma_semaphore, #tpu.memory_space<semaphore_mem>>) src(%arg20 : memref<128x64xf32, #tpu.memory_space<vmem>>) dst(%dma_wait3A_345 : memref<128x64xf32, #tpu.memory_space<vmem_shared>>)
      tpu.yield
    }) : () -> ()
    %add3A_12 = arith.constant 128 : i32
    %add3A_13 = arith.addi %mul3A_4, %add3A_12 : i32
    "tpu.region"() ({
      %run_scoped3A = tpu.sem_alloc : memref<!tpu.dma_semaphore, #tpu.memory_space<semaphore_mem>>
      %dma_start3A_338 = arith.constant 0 : i32
      %dma_start3A_339 = tpu.memref_slice %arg15[%add3A_13, %dma_start3A_338] : memref<10240x64xf32, #tpu.memory_space<vmem_shared>> -> memref<128x64xf32, #tpu.memory_space<vmem_shared>>
      %dma_start3A_340 = arith.constant 0 : i32
      %dma_start3A_341 = tpu.memref_slice %arg15[%add3A_13, %dma_start3A_340] : memref<10240x64xf32, #tpu.memory_space<vmem_shared>> -> memref<128x64xf32, #tpu.memory_space<vmem_shared>>
      tpu.enqueue_dma source(%arg20 : memref<128x64xf32, #tpu.memory_space<vmem>>) target(%dma_start3A_341 : memref<128x64xf32, #tpu.memory_space<vmem_shared>>) target_semaphore(%run_scoped3A : memref<!tpu.dma_semaphore, #tpu.memory_space<semaphore_mem>>)
      %dma_wait3A_342 = arith.constant 0 : i32
      %dma_wait3A_343 = tpu.memref_slice %arg15[%add3A_13, %dma_wait3A_342] : memref<10240x64xf32, #tpu.memory_space<vmem_shared>> -> memref<128x64xf32, #tpu.memory_space<vmem_shared>>
      %dma_wait3A_344 = arith.constant 0 : i32
      %dma_wait3A_345 = tpu.memref_slice %arg15[%add3A_13, %dma_wait3A_344] : memref<10240x64xf32, #tpu.memory_space<vmem_shared>> -> memref<128x64xf32, #tpu.memory_space<vmem_shared>>
      tpu.wait_dma2 semaphore(%run_scoped3A : memref<!tpu.dma_semaphore, #tpu.memory_space<semaphore_mem>>) src(%arg20 : memref<128x64xf32, #tpu.memory_space<vmem>>) dst(%dma_wait3A_345 : memref<128x64xf32, #tpu.memory_space<vmem_shared>>)
      tpu.yield
    }) : () -> ()
    %add3A_14 = arith.constant 256 : i32
    %add3A_15 = arith.addi %mul3A_4, %add3A_14 : i32
    "tpu.region"() ({
      %run_scoped3A = tpu.sem_alloc : memref<!tpu.dma_semaphore, #tpu.memory_space<semaphore_mem>>
      %dma_start3A_338 = arith.constant 0 : i32
      %dma_start3A_339 = tpu.memref_slice %arg15[%add3A_15, %dma_start3A_338] : memref<10240x64xf32, #tpu.memory_space<vmem_shared>> -> memref<128x64xf32, #tpu.memory_space<vmem_shared>>
      %dma_start3A_340 = arith.constant 0 : i32
      %dma_start3A_341 = tpu.memref_slice %arg15[%add3A_15, %dma_start3A_340] : memref<10240x64xf32, #tpu.memory_space<vmem_shared>> -> memref<128x64xf32, #tpu.memory_space<vmem_shared>>
      tpu.enqueue_dma source(%arg20 : memref<128x64xf32, #tpu.memory_space<vmem>>) target(%dma_start3A_341 : memref<128x64xf32, #tpu.memory_space<vmem_shared>>) target_semaphore(%run_scoped3A : memref<!tpu.dma_semaphore, #tpu.memory_space<semaphore_mem>>)
      %dma_wait3A_342 = arith.constant 0 : i32
      %dma_wait3A_343 = tpu.memref_slice %arg15[%add3A_15, %dma_wait3A_342] : memref<10240x64xf32, #tpu.memory_space<vmem_shared>> -> memref<128x64xf32, #tpu.memory_space<vmem_shared>>
      %dma_wait3A_344 = arith.constant 0 : i32
      %dma_wait3A_345 = tpu.memref_slice %arg15[%add3A_15, %dma_wait3A_344] : memref<10240x64xf32, #tpu.memory_space<vmem_shared>> -> memref<128x64xf32, #tpu.memory_space<vmem_shared>>
      tpu.wait_dma2 semaphore(%run_scoped3A : memref<!tpu.dma_semaphore, #tpu.memory_space<semaphore_mem>>) src(%arg20 : memref<128x64xf32, #tpu.memory_space<vmem>>) dst(%dma_wait3A_345 : memref<128x64xf32, #tpu.memory_space<vmem_shared>>)
      tpu.yield
    }) : () -> ()
    %add3A_16 = arith.constant 384 : i32
    %add3A_17 = arith.addi %mul3A_4, %add3A_16 : i32
    "tpu.region"() ({
      %run_scoped3A = tpu.sem_alloc : memref<!tpu.dma_semaphore, #tpu.memory_space<semaphore_mem>>
      %dma_start3A_338 = arith.constant 0 : i32
      %dma_start3A_339 = tpu.memref_slice %arg15[%add3A_17, %dma_start3A_338] : memref<10240x64xf32, #tpu.memory_space<vmem_shared>> -> memref<128x64xf32, #tpu.memory_space<vmem_shared>>
      %dma_start3A_340 = arith.constant 0 : i32
      %dma_start3A_341 = tpu.memref_slice %arg15[%add3A_17, %dma_start3A_340] : memref<10240x64xf32, #tpu.memory_space<vmem_shared>> -> memref<128x64xf32, #tpu.memory_space<vmem_shared>>
      tpu.enqueue_dma source(%arg20 : memref<128x64xf32, #tpu.memory_space<vmem>>) target(%dma_start3A_341 : memref<128x64xf32, #tpu.memory_space<vmem_shared>>) target_semaphore(%run_scoped3A : memref<!tpu.dma_semaphore, #tpu.memory_space<semaphore_mem>>)
      %dma_wait3A_342 = arith.constant 0 : i32
      %dma_wait3A_343 = tpu.memref_slice %arg15[%add3A_17, %dma_wait3A_342] : memref<10240x64xf32, #tpu.memory_space<vmem_shared>> -> memref<128x64xf32, #tpu.memory_space<vmem_shared>>
      %dma_wait3A_344 = arith.constant 0 : i32
      %dma_wait3A_345 = tpu.memref_slice %arg15[%add3A_17, %dma_wait3A_344] : memref<10240x64xf32, #tpu.memory_space<vmem_shared>> -> memref<128x64xf32, #tpu.memory_space<vmem_shared>>
      tpu.wait_dma2 semaphore(%run_scoped3A : memref<!tpu.dma_semaphore, #tpu.memory_space<semaphore_mem>>) src(%arg20 : memref<128x64xf32, #tpu.memory_space<vmem>>) dst(%dma_wait3A_345 : memref<128x64xf32, #tpu.memory_space<vmem_shared>>)
      tpu.yield
    }) : () -> ()
    %add3A_18 = arith.constant 512 : i32
    %add3A_19 = arith.addi %mul3A_4, %add3A_18 : i32
    "tpu.region"() ({
      %run_scoped3A = tpu.sem_alloc : memref<!tpu.dma_semaphore, #tpu.memory_space<semaphore_mem>>
      %dma_start3A_338 = arith.constant 0 : i32
      %dma_start3A_339 = tpu.memref_slice %arg15[%add3A_19, %dma_start3A_338] : memref<10240x64xf32, #tpu.memory_space<vmem_shared>> -> memref<128x64xf32, #tpu.memory_space<vmem_shared>>
      %dma_start3A_340 = arith.constant 0 : i32
      %dma_start3A_341 = tpu.memref_slice %arg15[%add3A_19, %dma_start3A_340] : memref<10240x64xf32, #tpu.memory_space<vmem_shared>> -> memref<128x64xf32, #tpu.memory_space<vmem_shared>>
      tpu.enqueue_dma source(%arg20 : memref<128x64xf32, #tpu.memory_space<vmem>>) target(%dma_start3A_341 : memref<128x64xf32, #tpu.memory_space<vmem_shared>>) target_semaphore(%run_scoped3A : memref<!tpu.dma_semaphore, #tpu.memory_space<semaphore_mem>>)
      %dma_wait3A_342 = arith.constant 0 : i32
      %dma_wait3A_343 = tpu.memref_slice %arg15[%add3A_19, %dma_wait3A_342] : memref<10240x64xf32, #tpu.memory_space<vmem_shared>> -> memref<128x64xf32, #tpu.memory_space<vmem_shared>>
      %dma_wait3A_344 = arith.constant 0 : i32
      %dma_wait3A_345 = tpu.memref_slice %arg15[%add3A_19, %dma_wait3A_344] : memref<10240x64xf32, #tpu.memory_space<vmem_shared>> -> memref<128x64xf32, #tpu.memory_space<vmem_shared>>
      tpu.wait_dma2 semaphore(%run_scoped3A : memref<!tpu.dma_semaphore, #tpu.memory_space<semaphore_mem>>) src(%arg20 : memref<128x64xf32, #tpu.memory_space<vmem>>) dst(%dma_wait3A_345 : memref<128x64xf32, #tpu.memory_space<vmem_shared>>)
      tpu.yield
    }) : () -> ()
    %barrier3A = arith.constant 0 : index
    tpu.barrier barrier_id(%barrier3A)
    %add3A_20 = arith.constant 0 : i32
    %add3A_21 = arith.addi %mul3A_2, %add3A_20 : i32
    %multiple_of3A = tpu.assume_multiple %add3A_21, 128 : i32
    %dma_start3A = tpu.memref_slice %arg5[%multiple_of3A] : memref<106496xi32, #tpu.memory_space<hbm>> -> memref<128xi32, #tpu.memory_space<hbm>>
    %dma_start3A_22 = tpu.memref_slice %arg5[%multiple_of3A] : memref<106496xi32, #tpu.memory_space<hbm>> -> memref<128xi32, #tpu.memory_space<hbm>>
    tpu.enqueue_dma source(%dma_start3A_22 : memref<128xi32, #tpu.memory_space<hbm>>) target(%arg16 : memref<128xi32, #tpu.memory_space<vmem>>) target_semaphore(%arg22 : memref<!tpu.dma_semaphore, #tpu.memory_space<semaphore_mem>>)
    %dma_start3A_23 = tpu.memref_slice %arg6[%multiple_of3A] : memref<106496xi32, #tpu.memory_space<hbm>> -> memref<128xi32, #tpu.memory_space<hbm>>
    %dma_start3A_24 = tpu.memref_slice %arg6[%multiple_of3A] : memref<106496xi32, #tpu.memory_space<hbm>> -> memref<128xi32, #tpu.memory_space<hbm>>
    tpu.enqueue_dma source(%dma_start3A_24 : memref<128xi32, #tpu.memory_space<hbm>>) target(%arg18 : memref<128xi32, #tpu.memory_space<vmem>>) target_semaphore(%arg22 : memref<!tpu.dma_semaphore, #tpu.memory_space<semaphore_mem>>)
    %add3A_25 = arith.constant 0 : i32
    %add3A_26 = arith.addi %mul3A_2, %add3A_25 : i32
    %multiple_of3A_27 = tpu.assume_multiple %add3A_26, 128 : i32
    %dma_wait3A = tpu.memref_slice %arg5[%multiple_of3A_27] : memref<106496xi32, #tpu.memory_space<hbm>> -> memref<128xi32, #tpu.memory_space<hbm>>
    %dma_wait3A_28 = tpu.memref_slice %arg5[%multiple_of3A_27] : memref<106496xi32, #tpu.memory_space<hbm>> -> memref<128xi32, #tpu.memory_space<hbm>>
    tpu.wait_dma2 semaphore(%arg22 : memref<!tpu.dma_semaphore, #tpu.memory_space<semaphore_mem>>) src(%dma_wait3A_28 : memref<128xi32, #tpu.memory_space<hbm>>) dst(%arg16 : memref<128xi32, #tpu.memory_space<vmem>>)
    %dma_wait3A_29 = tpu.memref_slice %arg6[%multiple_of3A_27] : memref<106496xi32, #tpu.memory_space<hbm>> -> memref<128xi32, #tpu.memory_space<hbm>>
    %dma_wait3A_30 = tpu.memref_slice %arg6[%multiple_of3A_27] : memref<106496xi32, #tpu.memory_space<hbm>> -> memref<128xi32, #tpu.memory_space<hbm>>
    tpu.wait_dma2 semaphore(%arg22 : memref<!tpu.dma_semaphore, #tpu.memory_space<semaphore_mem>>) src(%dma_wait3A_30 : memref<128xi32, #tpu.memory_space<hbm>>) dst(%arg18 : memref<128xi32, #tpu.memory_space<vmem>>)
    %dma_start3A_31 = arith.constant 0 : i32
    %dma_start3A_32 = arith.constant 0 : i32
    %dma_start3A_33 = tpu.memref_slice %arg2[%dma_start3A_31, %dma_start3A_32] : memref<10240x64xf32, #tpu.memory_space<hbm>> -> memref<10240x64xf32, #tpu.memory_space<hbm>>
    tpu.enqueue_indirect_dma source(%dma_start3A_33 : memref<10240x64xf32, #tpu.memory_space<hbm>>) target(%arg20 : memref<128x64xf32, #tpu.memory_space<vmem>>) offsets(%arg16 : memref<128xi32, #tpu.memory_space<vmem>>) semaphore(%arg24 : memref<!tpu.dma_semaphore, #tpu.memory_space<semaphore_mem>>)
    %add3A_34 = arith.constant 128 : i32
    %add3A_35 = arith.addi %mul3A_2, %add3A_34 : i32
    %multiple_of3A_36 = tpu.assume_multiple %add3A_35, 128 : i32
    %dma_start3A_37 = tpu.memref_slice %arg5[%multiple_of3A_36] : memref<106496xi32, #tpu.memory_space<hbm>> -> memref<128xi32, #tpu.memory_space<hbm>>
    %dma_start3A_38 = tpu.memref_slice %arg5[%multiple_of3A_36] : memref<106496xi32, #tpu.memory_space<hbm>> -> memref<128xi32, #tpu.memory_space<hbm>>
    tpu.enqueue_dma source(%dma_start3A_38 : memref<128xi32, #tpu.memory_space<hbm>>) target(%arg17 : memref<128xi32, #tpu.memory_space<vmem>>) target_semaphore(%arg23 : memref<!tpu.dma_semaphore, #tpu.memory_space<semaphore_mem>>)
    %dma_start3A_39 = tpu.memref_slice %arg6[%multiple_of3A_36] : memref<106496xi32, #tpu.memory_space<hbm>> -> memref<128xi32, #tpu.memory_space<hbm>>
    %dma_start3A_40 = tpu.memref_slice %arg6[%multiple_of3A_36] : memref<106496xi32, #tpu.memory_space<hbm>> -> memref<128xi32, #tpu.memory_space<hbm>>
    tpu.enqueue_dma source(%dma_start3A_40 : memref<128xi32, #tpu.memory_space<hbm>>) target(%arg19 : memref<128xi32, #tpu.memory_space<vmem>>) target_semaphore(%arg23 : memref<!tpu.dma_semaphore, #tpu.memory_space<semaphore_mem>>)
    %scan3A = arith.constant 0 : i32
    %scan3A_41 = arith.constant 13 : i32
    %scan3A_42 = arith.addi %scan3A, %scan3A_41 : i32
    %scan3A_43 = arith.constant 1 : i32
    scf.for %scan3A_338 = %scan3A to %scan3A_42 step %scan3A_43  : i32 {
      %mul3A_339 = arith.constant 2 : i32
      %mul3A_340 = arith.muli %scan3A_338, %mul3A_339 : i32
      %add3A_341 = arith.constant 0 : i32
      %add3A_342 = arith.addi %add3A_341, %mul3A_340 : i32
      %add3A_343 = arith.constant 0 : i32
      %add3A_344 = arith.addi %add3A_342, %add3A_343 : i32
      %add3A_345 = arith.constant 1 : i32
      %add3A_346 = arith.addi %add3A_344, %add3A_345 : i32
      %lt3A = arith.constant 26 : i32
      %lt3A_347 = arith.cmpi slt, %add3A_346, %lt3A : i32
      %convert_element_type3A = arith.extui %lt3A_347 : i1 to i32
      %cond3A = arith.constant 0 : i32
      %cond3A_348 = arith.cmpi ne, %convert_element_type3A, %cond3A : i32
      scf.if %cond3A_348 {
        %add3A_378 = arith.constant 1 : i32
        %add3A_379 = arith.addi %add3A_344, %add3A_378 : i32
        %mul3A_380 = arith.constant 128 : i32
        %mul3A_381 = arith.muli %add3A_379, %mul3A_380 : i32
        %add3A_382 = arith.addi %mul3A_2, %mul3A_381 : i32
        %multiple_of3A_383 = tpu.assume_multiple %add3A_382, 128 : i32
        %dma_wait3A_384 = tpu.memref_slice %arg5[%multiple_of3A_383] : memref<106496xi32, #tpu.memory_space<hbm>> -> memref<128xi32, #tpu.memory_space<hbm>>
        %dma_wait3A_385 = tpu.memref_slice %arg5[%multiple_of3A_383] : memref<106496xi32, #tpu.memory_space<hbm>> -> memref<128xi32, #tpu.memory_space<hbm>>
        tpu.wait_dma2 semaphore(%arg23 : memref<!tpu.dma_semaphore, #tpu.memory_space<semaphore_mem>>) src(%dma_wait3A_385 : memref<128xi32, #tpu.memory_space<hbm>>) dst(%arg17 : memref<128xi32, #tpu.memory_space<vmem>>)
        %dma_wait3A_386 = tpu.memref_slice %arg6[%multiple_of3A_383] : memref<106496xi32, #tpu.memory_space<hbm>> -> memref<128xi32, #tpu.memory_space<hbm>>
        %dma_wait3A_387 = tpu.memref_slice %arg6[%multiple_of3A_383] : memref<106496xi32, #tpu.memory_space<hbm>> -> memref<128xi32, #tpu.memory_space<hbm>>
        tpu.wait_dma2 semaphore(%arg23 : memref<!tpu.dma_semaphore, #tpu.memory_space<semaphore_mem>>) src(%dma_wait3A_387 : memref<128xi32, #tpu.memory_space<hbm>>) dst(%arg19 : memref<128xi32, #tpu.memory_space<vmem>>)
        %dma_start3A_388 = arith.constant 0 : i32
        %dma_start3A_389 = arith.constant 0 : i32
        %dma_start3A_390 = tpu.memref_slice %arg2[%dma_start3A_388, %dma_start3A_389] : memref<10240x64xf32, #tpu.memory_space<hbm>> -> memref<10240x64xf32, #tpu.memory_space<hbm>>
        tpu.enqueue_indirect_dma source(%dma_start3A_390 : memref<10240x64xf32, #tpu.memory_space<hbm>>) target(%arg21 : memref<128x64xf32, #tpu.memory_space<vmem>>) offsets(%arg17 : memref<128xi32, #tpu.memory_space<vmem>>) semaphore(%arg25 : memref<!tpu.dma_semaphore, #tpu.memory_space<semaphore_mem>>)
      } else {
      }
      %dma_wait3A_349 = arith.constant 0 : i32
      %dma_wait3A_350 = arith.constant 0 : i32
      %dma_wait3A_351 = tpu.memref_slice %arg2[%dma_wait3A_349, %dma_wait3A_350] : memref<10240x64xf32, #tpu.memory_space<hbm>> -> memref<10240x64xf32, #tpu.memory_space<hbm>>
      tpu.wait_indirect_dma semaphore(%arg24 : memref<!tpu.dma_semaphore, #tpu.memory_space<semaphore_mem>>) src(%dma_wait3A_351 : memref<10240x64xf32, #tpu.memory_space<hbm>>) dst(%arg20 : memref<128x64xf32, #tpu.memory_space<vmem>>)
      "tpu.region"() ({
        %run_scoped3A = tpu.sem_alloc : memref<!tpu.dma_semaphore, #tpu.memory_space<semaphore_mem>>
        %dma_start3A_378 = arith.constant 0 : i32
        %dma_start3A_379 = arith.constant 0 : i32
        %dma_start3A_380 = tpu.memref_slice %arg15[%dma_start3A_378, %dma_start3A_379] : memref<10240x64xf32, #tpu.memory_space<vmem_shared>> -> memref<10240x64xf32, #tpu.memory_space<vmem_shared>>
        tpu.enqueue_indirect_dma source(%arg20 : memref<128x64xf32, #tpu.memory_space<vmem>>) target(%dma_start3A_380 : memref<10240x64xf32, #tpu.memory_space<vmem_shared>>) offsets(%arg18 : memref<128xi32, #tpu.memory_space<vmem>>) semaphore(%run_scoped3A : memref<!tpu.dma_semaphore, #tpu.memory_space<semaphore_mem>>) {add = true}
        %dma_wait3A_381 = arith.constant 0 : i32
        %dma_wait3A_382 = arith.constant 0 : i32
        %dma_wait3A_383 = tpu.memref_slice %arg15[%dma_wait3A_381, %dma_wait3A_382] : memref<10240x64xf32, #tpu.memory_space<vmem_shared>> -> memref<10240x64xf32, #tpu.memory_space<vmem_shared>>
        tpu.wait_indirect_dma semaphore(%run_scoped3A : memref<!tpu.dma_semaphore, #tpu.memory_space<semaphore_mem>>) src(%arg20 : memref<128x64xf32, #tpu.memory_space<vmem>>) dst(%dma_wait3A_383 : memref<10240x64xf32, #tpu.memory_space<vmem_shared>>)
        tpu.yield
      }) : () -> ()
      %add3A_352 = arith.constant 2 : i32
      %add3A_353 = arith.addi %add3A_344, %add3A_352 : i32
      %lt3A_354 = arith.constant 26 : i32
      %lt3A_355 = arith.cmpi slt, %add3A_353, %lt3A_354 : i32
      %convert_element_type3A_356 = arith.extui %lt3A_355 : i1 to i32
      %cond3A_357 = arith.constant 0 : i32
      %cond3A_358 = arith.cmpi ne, %convert_element_type3A_356, %cond3A_357 : i32
      scf.if %cond3A_358 {
        %add3A_378 = arith.constant 2 : i32
        %add3A_379 = arith.addi %add3A_344, %add3A_378 : i32
        %mul3A_380 = arith.constant 128 : i32
        %mul3A_381 = arith.muli %add3A_379, %mul3A_380 : i32
        %add3A_382 = arith.addi %mul3A_2, %mul3A_381 : i32
        %multiple_of3A_383 = tpu.assume_multiple %add3A_382, 128 : i32
        %dma_start3A_384 = tpu.memref_slice %arg5[%multiple_of3A_383] : memref<106496xi32, #tpu.memory_space<hbm>> -> memref<128xi32, #tpu.memory_space<hbm>>
        %dma_start3A_385 = tpu.memref_slice %arg5[%multiple_of3A_383] : memref<106496xi32, #tpu.memory_space<hbm>> -> memref<128xi32, #tpu.memory_space<hbm>>
        tpu.enqueue_dma source(%dma_start3A_385 : memref<128xi32, #tpu.memory_space<hbm>>) target(%arg16 : memref<128xi32, #tpu.memory_space<vmem>>) target_semaphore(%arg22 : memref<!tpu.dma_semaphore, #tpu.memory_space<semaphore_mem>>)
        %dma_start3A_386 = tpu.memref_slice %arg6[%multiple_of3A_383] : memref<106496xi32, #tpu.memory_space<hbm>> -> memref<128xi32, #tpu.memory_space<hbm>>
        %dma_start3A_387 = tpu.memref_slice %arg6[%multiple_of3A_383] : memref<106496xi32, #tpu.memory_space<hbm>> -> memref<128xi32, #tpu.memory_space<hbm>>
        tpu.enqueue_dma source(%dma_start3A_387 : memref<128xi32, #tpu.memory_space<hbm>>) target(%arg18 : memref<128xi32, #tpu.memory_space<vmem>>) target_semaphore(%arg22 : memref<!tpu.dma_semaphore, #tpu.memory_space<semaphore_mem>>)
      } else {
      }
      %add3A_359 = arith.constant 1 : i32
      %add3A_360 = arith.addi %add3A_342, %add3A_359 : i32
      %add3A_361 = arith.constant 1 : i32
      %add3A_362 = arith.addi %add3A_360, %add3A_361 : i32
      %lt3A_363 = arith.constant 26 : i32
      %lt3A_364 = arith.cmpi slt, %add3A_362, %lt3A_363 : i32
      %convert_element_type3A_365 = arith.extui %lt3A_364 : i1 to i32
      %cond3A_366 = arith.constant 0 : i32
      %cond3A_367 = arith.cmpi ne, %convert_element_type3A_365, %cond3A_366 : i32
      scf.if %cond3A_367 {
        %add3A_378 = arith.constant 1 : i32
        %add3A_379 = arith.addi %add3A_360, %add3A_378 : i32
        %mul3A_380 = arith.constant 128 : i32
        %mul3A_381 = arith.muli %add3A_379, %mul3A_380 : i32
        %add3A_382 = arith.addi %mul3A_2, %mul3A_381 : i32
        %multiple_of3A_383 = tpu.assume_multiple %add3A_382, 128 : i32
        %dma_wait3A_384 = tpu.memref_slice %arg5[%multiple_of3A_383] : memref<106496xi32, #tpu.memory_space<hbm>> -> memref<128xi32, #tpu.memory_space<hbm>>
        %dma_wait3A_385 = tpu.memref_slice %arg5[%multiple_of3A_383] : memref<106496xi32, #tpu.memory_space<hbm>> -> memref<128xi32, #tpu.memory_space<hbm>>
        tpu.wait_dma2 semaphore(%arg22 : memref<!tpu.dma_semaphore, #tpu.memory_space<semaphore_mem>>) src(%dma_wait3A_385 : memref<128xi32, #tpu.memory_space<hbm>>) dst(%arg16 : memref<128xi32, #tpu.memory_space<vmem>>)
        %dma_wait3A_386 = tpu.memref_slice %arg6[%multiple_of3A_383] : memref<106496xi32, #tpu.memory_space<hbm>> -> memref<128xi32, #tpu.memory_space<hbm>>
        %dma_wait3A_387 = tpu.memref_slice %arg6[%multiple_of3A_383] : memref<106496xi32, #tpu.memory_space<hbm>> -> memref<128xi32, #tpu.memory_space<hbm>>
        tpu.wait_dma2 semaphore(%arg22 : memref<!tpu.dma_semaphore, #tpu.memory_space<semaphore_mem>>) src(%dma_wait3A_387 : memref<128xi32, #tpu.memory_space<hbm>>) dst(%arg18 : memref<128xi32, #tpu.memory_space<vmem>>)
        %dma_start3A_388 = arith.constant 0 : i32
        %dma_start3A_389 = arith.constant 0 : i32
        %dma_start3A_390 = tpu.memref_slice %arg2[%dma_start3A_388, %dma_start3A_389] : memref<10240x64xf32, #tpu.memory_space<hbm>> -> memref<10240x64xf32, #tpu.memory_space<hbm>>
        tpu.enqueue_indirect_dma source(%dma_start3A_390 : memref<10240x64xf32, #tpu.memory_space<hbm>>) target(%arg20 : memref<128x64xf32, #tpu.memory_space<vmem>>) offsets(%arg16 : memref<128xi32, #tpu.memory_space<vmem>>) semaphore(%arg24 : memref<!tpu.dma_semaphore, #tpu.memory_space<semaphore_mem>>)
      } else {
      }
      %dma_wait3A_368 = arith.constant 0 : i32
      %dma_wait3A_369 = arith.constant 0 : i32
      %dma_wait3A_370 = tpu.memref_slice %arg2[%dma_wait3A_368, %dma_wait3A_369] : memref<10240x64xf32, #tpu.memory_space<hbm>> -> memref<10240x64xf32, #tpu.memory_space<hbm>>
      tpu.wait_indirect_dma semaphore(%arg25 : memref<!tpu.dma_semaphore, #tpu.memory_space<semaphore_mem>>) src(%dma_wait3A_370 : memref<10240x64xf32, #tpu.memory_space<hbm>>) dst(%arg21 : memref<128x64xf32, #tpu.memory_space<vmem>>)
      "tpu.region"() ({
        %run_scoped3A = tpu.sem_alloc : memref<!tpu.dma_semaphore, #tpu.memory_space<semaphore_mem>>
        %dma_start3A_378 = arith.constant 0 : i32
        %dma_start3A_379 = arith.constant 0 : i32
        %dma_start3A_380 = tpu.memref_slice %arg15[%dma_start3A_378, %dma_start3A_379] : memref<10240x64xf32, #tpu.memory_space<vmem_shared>> -> memref<10240x64xf32, #tpu.memory_space<vmem_shared>>
        tpu.enqueue_indirect_dma source(%arg21 : memref<128x64xf32, #tpu.memory_space<vmem>>) target(%dma_start3A_380 : memref<10240x64xf32, #tpu.memory_space<vmem_shared>>) offsets(%arg19 : memref<128xi32, #tpu.memory_space<vmem>>) semaphore(%run_scoped3A : memref<!tpu.dma_semaphore, #tpu.memory_space<semaphore_mem>>) {add = true}
        %dma_wait3A_381 = arith.constant 0 : i32
        %dma_wait3A_382 = arith.constant 0 : i32
        %dma_wait3A_383 = tpu.memref_slice %arg15[%dma_wait3A_381, %dma_wait3A_382] : memref<10240x64xf32, #tpu.memory_space<vmem_shared>> -> memref<10240x64xf32, #tpu.memory_space<vmem_shared>>
        tpu.wait_indirect_dma semaphore(%run_scoped3A : memref<!tpu.dma_semaphore, #tpu.memory_space<semaphore_mem>>) src(%arg21 : memref<128x64xf32, #tpu.memory_space<vmem>>) dst(%dma_wait3A_383 : memref<10240x64xf32, #tpu.memory_space<vmem_shared>>)
        tpu.yield
      }) : () -> ()
      %add3A_371 = arith.constant 2 : i32
      %add3A_372 = arith.addi %add3A_360, %add3A_371 : i32
      %lt3A_373 = arith.constant 26 : i32
      %lt3A_374 = arith.cmpi slt, %add3A_372, %lt3A_373 : i32
      %convert_element_type3A_375 = arith.extui %lt3A_374 : i1 to i32
      %cond3A_376 = arith.constant 0 : i32
      %cond3A_377 = arith.cmpi ne, %convert_element_type3A_375, %cond3A_376 : i32
      scf.if %cond3A_377 {
        %add3A_378 = arith.constant 2 : i32
        %add3A_379 = arith.addi %add3A_360, %add3A_378 : i32
        %mul3A_380 = arith.constant 128 : i32
        %mul3A_381 = arith.muli %add3A_379, %mul3A_380 : i32
        %add3A_382 = arith.addi %mul3A_2, %mul3A_381 : i32
        %multiple_of3A_383 = tpu.assume_multiple %add3A_382, 128 : i32
        %dma_start3A_384 = tpu.memref_slice %arg5[%multiple_of3A_383] : memref<106496xi32, #tpu.memory_space<hbm>> -> memref<128xi32, #tpu.memory_space<hbm>>
        %dma_start3A_385 = tpu.memref_slice %arg5[%multiple_of3A_383] : memref<106496xi32, #tpu.memory_space<hbm>> -> memref<128xi32, #tpu.memory_space<hbm>>
        tpu.enqueue_dma source(%dma_start3A_385 : memref<128xi32, #tpu.memory_space<hbm>>) target(%arg17 : memref<128xi32, #tpu.memory_space<vmem>>) target_semaphore(%arg23 : memref<!tpu.dma_semaphore, #tpu.memory_space<semaphore_mem>>)
        %dma_start3A_386 = tpu.memref_slice %arg6[%multiple_of3A_383] : memref<106496xi32, #tpu.memory_space<hbm>> -> memref<128xi32, #tpu.memory_space<hbm>>
        %dma_start3A_387 = tpu.memref_slice %arg6[%multiple_of3A_383] : memref<106496xi32, #tpu.memory_space<hbm>> -> memref<128xi32, #tpu.memory_space<hbm>>
        tpu.enqueue_dma source(%dma_start3A_387 : memref<128xi32, #tpu.memory_space<hbm>>) target(%arg19 : memref<128xi32, #tpu.memory_space<vmem>>) target_semaphore(%arg23 : memref<!tpu.dma_semaphore, #tpu.memory_space<semaphore_mem>>)
      } else {
      }
    }
    %scan3A_44 = arith.constant 13 : i32
    %barrier3A_45 = arith.constant 0 : index
    tpu.barrier barrier_id(%barrier3A_45)
    %add3A_46 = arith.constant 0 : i32
    %add3A_47 = arith.addi %mul3A_4, %add3A_46 : i32
    "tpu.region"() ({
      %run_scoped3A = tpu.sem_alloc : memref<!tpu.dma_semaphore, #tpu.memory_space<semaphore_mem>>
      %dma_start3A_338 = arith.constant 0 : i32
      %dma_start3A_339 = tpu.memref_slice %arg15[%add3A_47, %dma_start3A_338] : memref<10240x64xf32, #tpu.memory_space<vmem_shared>> -> memref<128x64xf32, #tpu.memory_space<vmem_shared>>
      %dma_start3A_340 = arith.constant 0 : i32
      %dma_start3A_341 = tpu.memref_slice %arg15[%add3A_47, %dma_start3A_340] : memref<10240x64xf32, #tpu.memory_space<vmem_shared>> -> memref<128x64xf32, #tpu.memory_space<vmem_shared>>
      tpu.enqueue_dma source(%dma_start3A_341 : memref<128x64xf32, #tpu.memory_space<vmem_shared>>) target(%arg20 : memref<128x64xf32, #tpu.memory_space<vmem>>) target_semaphore(%run_scoped3A : memref<!tpu.dma_semaphore, #tpu.memory_space<semaphore_mem>>)
      %dma_wait3A_342 = arith.constant 0 : i32
      %dma_wait3A_343 = tpu.memref_slice %arg15[%add3A_47, %dma_wait3A_342] : memref<10240x64xf32, #tpu.memory_space<vmem_shared>> -> memref<128x64xf32, #tpu.memory_space<vmem_shared>>
      %dma_wait3A_344 = arith.constant 0 : i32
      %dma_wait3A_345 = tpu.memref_slice %arg15[%add3A_47, %dma_wait3A_344] : memref<10240x64xf32, #tpu.memory_space<vmem_shared>> -> memref<128x64xf32, #tpu.memory_space<vmem_shared>>
      tpu.wait_dma2 semaphore(%run_scoped3A : memref<!tpu.dma_semaphore, #tpu.memory_space<semaphore_mem>>) src(%dma_wait3A_345 : memref<128x64xf32, #tpu.memory_space<vmem_shared>>) dst(%arg20 : memref<128x64xf32, #tpu.memory_space<vmem>>)
      tpu.yield
    }) : () -> ()
    %add3A_48 = arith.constant 0 : i32
    %add3A_49 = arith.addi %add3A_9, %add3A_48 : i32
    %dma_start3A_50 = arith.constant 0 : i32
    %dma_start3A_51 = tpu.memref_slice %arg12[%add3A_49, %dma_start3A_50] : memref<20480x64xf32, #tpu.memory_space<hbm>> -> memref<128x64xf32, #tpu.memory_space<hbm>>
    %dma_start3A_52 = arith.constant 0 : i32
    %dma_start3A_53 = tpu.memref_slice %arg12[%add3A_49, %dma_start3A_52] : memref<20480x64xf32, #tpu.memory_space<hbm>> -> memref<128x64xf32, #tpu.memory_space<hbm>>
    tpu.enqueue_dma source(%arg20 : memref<128x64xf32, #tpu.memory_space<vmem>>) target(%dma_start3A_53 : memref<128x64xf32, #tpu.memory_space<hbm>>) target_semaphore(%arg26 : memref<!tpu.dma_semaphore, #tpu.memory_space<semaphore_mem>>)
    %add3A_54 = arith.constant 128 : i32
    %add3A_55 = arith.addi %mul3A_4, %add3A_54 : i32
    "tpu.region"() ({
      %run_scoped3A = tpu.sem_alloc : memref<!tpu.dma_semaphore, #tpu.memory_space<semaphore_mem>>
      %dma_start3A_338 = arith.constant 0 : i32
      %dma_start3A_339 = tpu.memref_slice %arg15[%add3A_55, %dma_start3A_338] : memref<10240x64xf32, #tpu.memory_space<vmem_shared>> -> memref<128x64xf32, #tpu.memory_space<vmem_shared>>
      %dma_start3A_340 = arith.constant 0 : i32
      %dma_start3A_341 = tpu.memref_slice %arg15[%add3A_55, %dma_start3A_340] : memref<10240x64xf32, #tpu.memory_space<vmem_shared>> -> memref<128x64xf32, #tpu.memory_space<vmem_shared>>
      tpu.enqueue_dma source(%dma_start3A_341 : memref<128x64xf32, #tpu.memory_space<vmem_shared>>) target(%arg21 : memref<128x64xf32, #tpu.memory_space<vmem>>) target_semaphore(%run_scoped3A : memref<!tpu.dma_semaphore, #tpu.memory_space<semaphore_mem>>)
      %dma_wait3A_342 = arith.constant 0 : i32
      %dma_wait3A_343 = tpu.memref_slice %arg15[%add3A_55, %dma_wait3A_342] : memref<10240x64xf32, #tpu.memory_space<vmem_shared>> -> memref<128x64xf32, #tpu.memory_space<vmem_shared>>
      %dma_wait3A_344 = arith.constant 0 : i32
      %dma_wait3A_345 = tpu.memref_slice %arg15[%add3A_55, %dma_wait3A_344] : memref<10240x64xf32, #tpu.memory_space<vmem_shared>> -> memref<128x64xf32, #tpu.memory_space<vmem_shared>>
      tpu.wait_dma2 semaphore(%run_scoped3A : memref<!tpu.dma_semaphore, #tpu.memory_space<semaphore_mem>>) src(%dma_wait3A_345 : memref<128x64xf32, #tpu.memory_space<vmem_shared>>) dst(%arg21 : memref<128x64xf32, #tpu.memory_space<vmem>>)
      tpu.yield
    }) : () -> ()
    %add3A_56 = arith.constant 128 : i32
    %add3A_57 = arith.addi %add3A_9, %add3A_56 : i32
    %dma_start3A_58 = arith.constant 0 : i32
    %dma_start3A_59 = tpu.memref_slice %arg12[%add3A_57, %dma_start3A_58] : memref<20480x64xf32, #tpu.memory_space<hbm>> -> memref<128x64xf32, #tpu.memory_space<hbm>>
    %dma_start3A_60 = arith.constant 0 : i32
    %dma_start3A_61 = tpu.memref_slice %arg12[%add3A_57, %dma_start3A_60] : memref<20480x64xf32, #tpu.memory_space<hbm>> -> memref<128x64xf32, #tpu.memory_space<hbm>>
    tpu.enqueue_dma source(%arg21 : memref<128x64xf32, #tpu.memory_space<vmem>>) target(%dma_start3A_61 : memref<128x64xf32, #tpu.memory_space<hbm>>) target_semaphore(%arg27 : memref<!tpu.dma_semaphore, #tpu.memory_space<semaphore_mem>>)
    %add3A_62 = arith.constant 0 : i32
    %add3A_63 = arith.addi %add3A_9, %add3A_62 : i32
    %dma_wait3A_64 = arith.constant 0 : i32
    %dma_wait3A_65 = tpu.memref_slice %arg12[%add3A_63, %dma_wait3A_64] : memref<20480x64xf32, #tpu.memory_space<hbm>> -> memref<128x64xf32, #tpu.memory_space<hbm>>
    %dma_wait3A_66 = arith.constant 0 : i32
    %dma_wait3A_67 = tpu.memref_slice %arg12[%add3A_63, %dma_wait3A_66] : memref<20480x64xf32, #tpu.memory_space<hbm>> -> memref<128x64xf32, #tpu.memory_space<hbm>>
    tpu.wait_dma2 semaphore(%arg26 : memref<!tpu.dma_semaphore, #tpu.memory_space<semaphore_mem>>) src(%arg20 : memref<128x64xf32, #tpu.memory_space<vmem>>) dst(%dma_wait3A_67 : memref<128x64xf32, #tpu.memory_space<hbm>>)
    %add3A_68 = arith.constant 256 : i32
    %add3A_69 = arith.addi %mul3A_4, %add3A_68 : i32
    "tpu.region"() ({
      %run_scoped3A = tpu.sem_alloc : memref<!tpu.dma_semaphore, #tpu.memory_space<semaphore_mem>>
      %dma_start3A_338 = arith.constant 0 : i32
      %dma_start3A_339 = tpu.memref_slice %arg15[%add3A_69, %dma_start3A_338] : memref<10240x64xf32, #tpu.memory_space<vmem_shared>> -> memref<128x64xf32, #tpu.memory_space<vmem_shared>>
      %dma_start3A_340 = arith.constant 0 : i32
      %dma_start3A_341 = tpu.memref_slice %arg15[%add3A_69, %dma_start3A_340] : memref<10240x64xf32, #tpu.memory_space<vmem_shared>> -> memref<128x64xf32, #tpu.memory_space<vmem_shared>>
      tpu.enqueue_dma source(%dma_start3A_341 : memref<128x64xf32, #tpu.memory_space<vmem_shared>>) target(%arg20 : memref<128x64xf32, #tpu.memory_space<vmem>>) target_semaphore(%run_scoped3A : memref<!tpu.dma_semaphore, #tpu.memory_space<semaphore_mem>>)
      %dma_wait3A_342 = arith.constant 0 : i32
      %dma_wait3A_343 = tpu.memref_slice %arg15[%add3A_69, %dma_wait3A_342] : memref<10240x64xf32, #tpu.memory_space<vmem_shared>> -> memref<128x64xf32, #tpu.memory_space<vmem_shared>>
      %dma_wait3A_344 = arith.constant 0 : i32
      %dma_wait3A_345 = tpu.memref_slice %arg15[%add3A_69, %dma_wait3A_344] : memref<10240x64xf32, #tpu.memory_space<vmem_shared>> -> memref<128x64xf32, #tpu.memory_space<vmem_shared>>
      tpu.wait_dma2 semaphore(%run_scoped3A : memref<!tpu.dma_semaphore, #tpu.memory_space<semaphore_mem>>) src(%dma_wait3A_345 : memref<128x64xf32, #tpu.memory_space<vmem_shared>>) dst(%arg20 : memref<128x64xf32, #tpu.memory_space<vmem>>)
      tpu.yield
    }) : () -> ()
    %add3A_70 = arith.constant 256 : i32
    %add3A_71 = arith.addi %add3A_9, %add3A_70 : i32
    %dma_start3A_72 = arith.constant 0 : i32
    %dma_start3A_73 = tpu.memref_slice %arg12[%add3A_71, %dma_start3A_72] : memref<20480x64xf32, #tpu.memory_space<hbm>> -> memref<128x64xf32, #tpu.memory_space<hbm>>
    %dma_start3A_74 = arith.constant 0 : i32
    %dma_start3A_75 = tpu.memref_slice %arg12[%add3A_71, %dma_start3A_74] : memref<20480x64xf32, #tpu.memory_space<hbm>> -> memref<128x64xf32, #tpu.memory_space<hbm>>
    tpu.enqueue_dma source(%arg20 : memref<128x64xf32, #tpu.memory_space<vmem>>) target(%dma_start3A_75 : memref<128x64xf32, #tpu.memory_space<hbm>>) target_semaphore(%arg26 : memref<!tpu.dma_semaphore, #tpu.memory_space<semaphore_mem>>)
    %add3A_76 = arith.constant 128 : i32
    %add3A_77 = arith.addi %add3A_9, %add3A_76 : i32
    %dma_wait3A_78 = arith.constant 0 : i32
    %dma_wait3A_79 = tpu.memref_slice %arg12[%add3A_77, %dma_wait3A_78] : memref<20480x64xf32, #tpu.memory_space<hbm>> -> memref<128x64xf32, #tpu.memory_space<hbm>>
    %dma_wait3A_80 = arith.constant 0 : i32
    %dma_wait3A_81 = tpu.memref_slice %arg12[%add3A_77, %dma_wait3A_80] : memref<20480x64xf32, #tpu.memory_space<hbm>> -> memref<128x64xf32, #tpu.memory_space<hbm>>
    tpu.wait_dma2 semaphore(%arg27 : memref<!tpu.dma_semaphore, #tpu.memory_space<semaphore_mem>>) src(%arg21 : memref<128x64xf32, #tpu.memory_space<vmem>>) dst(%dma_wait3A_81 : memref<128x64xf32, #tpu.memory_space<hbm>>)
    %add3A_82 = arith.constant 384 : i32
    %add3A_83 = arith.addi %mul3A_4, %add3A_82 : i32
    "tpu.region"() ({
      %run_scoped3A = tpu.sem_alloc : memref<!tpu.dma_semaphore, #tpu.memory_space<semaphore_mem>>
      %dma_start3A_338 = arith.constant 0 : i32
      %dma_start3A_339 = tpu.memref_slice %arg15[%add3A_83, %dma_start3A_338] : memref<10240x64xf32, #tpu.memory_space<vmem_shared>> -> memref<128x64xf32, #tpu.memory_space<vmem_shared>>
      %dma_start3A_340 = arith.constant 0 : i32
      %dma_start3A_341 = tpu.memref_slice %arg15[%add3A_83, %dma_start3A_340] : memref<10240x64xf32, #tpu.memory_space<vmem_shared>> -> memref<128x64xf32, #tpu.memory_space<vmem_shared>>
      tpu.enqueue_dma source(%dma_start3A_341 : memref<128x64xf32, #tpu.memory_space<vmem_shared>>) target(%arg21 : memref<128x64xf32, #tpu.memory_space<vmem>>) target_semaphore(%run_scoped3A : memref<!tpu.dma_semaphore, #tpu.memory_space<semaphore_mem>>)
      %dma_wait3A_342 = arith.constant 0 : i32
      %dma_wait3A_343 = tpu.memref_slice %arg15[%add3A_83, %dma_wait3A_342] : memref<10240x64xf32, #tpu.memory_space<vmem_shared>> -> memref<128x64xf32, #tpu.memory_space<vmem_shared>>
      %dma_wait3A_344 = arith.constant 0 : i32
      %dma_wait3A_345 = tpu.memref_slice %arg15[%add3A_83, %dma_wait3A_344] : memref<10240x64xf32, #tpu.memory_space<vmem_shared>> -> memref<128x64xf32, #tpu.memory_space<vmem_shared>>
      tpu.wait_dma2 semaphore(%run_scoped3A : memref<!tpu.dma_semaphore, #tpu.memory_space<semaphore_mem>>) src(%dma_wait3A_345 : memref<128x64xf32, #tpu.memory_space<vmem_shared>>) dst(%arg21 : memref<128x64xf32, #tpu.memory_space<vmem>>)
      tpu.yield
    }) : () -> ()
    %add3A_84 = arith.constant 384 : i32
    %add3A_85 = arith.addi %add3A_9, %add3A_84 : i32
    %dma_start3A_86 = arith.constant 0 : i32
    %dma_start3A_87 = tpu.memref_slice %arg12[%add3A_85, %dma_start3A_86] : memref<20480x64xf32, #tpu.memory_space<hbm>> -> memref<128x64xf32, #tpu.memory_space<hbm>>
    %dma_start3A_88 = arith.constant 0 : i32
    %dma_start3A_89 = tpu.memref_slice %arg12[%add3A_85, %dma_start3A_88] : memref<20480x64xf32, #tpu.memory_space<hbm>> -> memref<128x64xf32, #tpu.memory_space<hbm>>
    tpu.enqueue_dma source(%arg21 : memref<128x64xf32, #tpu.memory_space<vmem>>) target(%dma_start3A_89 : memref<128x64xf32, #tpu.memory_space<hbm>>) target_semaphore(%arg27 : memref<!tpu.dma_semaphore, #tpu.memory_space<semaphore_mem>>)
    %add3A_90 = arith.constant 256 : i32
    %add3A_91 = arith.addi %add3A_9, %add3A_90 : i32
    %dma_wait3A_92 = arith.constant 0 : i32
    %dma_wait3A_93 = tpu.memref_slice %arg12[%add3A_91, %dma_wait3A_92] : memref<20480x64xf32, #tpu.memory_space<hbm>> -> memref<128x64xf32, #tpu.memory_space<hbm>>
    %dma_wait3A_94 = arith.constant 0 : i32
    %dma_wait3A_95 = tpu.memref_slice %arg12[%add3A_91, %dma_wait3A_94] : memref<20480x64xf32, #tpu.memory_space<hbm>> -> memref<128x64xf32, #tpu.memory_space<hbm>>
    tpu.wait_dma2 semaphore(%arg26 : memref<!tpu.dma_semaphore, #tpu.memory_space<semaphore_mem>>) src(%arg20 : memref<128x64xf32, #tpu.memory_space<vmem>>) dst(%dma_wait3A_95 : memref<128x64xf32, #tpu.memory_space<hbm>>)
    %add3A_96 = arith.constant 512 : i32
    %add3A_97 = arith.addi %mul3A_4, %add3A_96 : i32
    "tpu.region"() ({
      %run_scoped3A = tpu.sem_alloc : memref<!tpu.dma_semaphore, #tpu.memory_space<semaphore_mem>>
      %dma_start3A_338 = arith.constant 0 : i32
      %dma_start3A_339 = tpu.memref_slice %arg15[%add3A_97, %dma_start3A_338] : memref<10240x64xf32, #tpu.memory_space<vmem_shared>> -> memref<128x64xf32, #tpu.memory_space<vmem_shared>>
      %dma_start3A_340 = arith.constant 0 : i32
      %dma_start3A_341 = tpu.memref_slice %arg15[%add3A_97, %dma_start3A_340] : memref<10240x64xf32, #tpu.memory_space<vmem_shared>> -> memref<128x64xf32, #tpu.memory_space<vmem_shared>>
      tpu.enqueue_dma source(%dma_start3A_341 : memref<128x64xf32, #tpu.memory_space<vmem_shared>>) target(%arg20 : memref<128x64xf32, #tpu.memory_space<vmem>>) target_semaphore(%run_scoped3A : memref<!tpu.dma_semaphore, #tpu.memory_space<semaphore_mem>>)
      %dma_wait3A_342 = arith.constant 0 : i32
      %dma_wait3A_343 = tpu.memref_slice %arg15[%add3A_97, %dma_wait3A_342] : memref<10240x64xf32, #tpu.memory_space<vmem_shared>> -> memref<128x64xf32, #tpu.memory_space<vmem_shared>>
      %dma_wait3A_344 = arith.constant 0 : i32
      %dma_wait3A_345 = tpu.memref_slice %arg15[%add3A_97, %dma_wait3A_344] : memref<10240x64xf32, #tpu.memory_space<vmem_shared>> -> memref<128x64xf32, #tpu.memory_space<vmem_shared>>
      tpu.wait_dma2 semaphore(%run_scoped3A : memref<!tpu.dma_semaphore, #tpu.memory_space<semaphore_mem>>) src(%dma_wait3A_345 : memref<128x64xf32, #tpu.memory_space<vmem_shared>>) dst(%arg20 : memref<128x64xf32, #tpu.memory_space<vmem>>)
      tpu.yield
    }) : () -> ()
    %add3A_98 = arith.constant 512 : i32
    %add3A_99 = arith.addi %add3A_9, %add3A_98 : i32
    %dma_start3A_100 = arith.constant 0 : i32
    %dma_start3A_101 = tpu.memref_slice %arg12[%add3A_99, %dma_start3A_100] : memref<20480x64xf32, #tpu.memory_space<hbm>> -> memref<128x64xf32, #tpu.memory_space<hbm>>
    %dma_start3A_102 = arith.constant 0 : i32
    %dma_start3A_103 = tpu.memref_slice %arg12[%add3A_99, %dma_start3A_102] : memref<20480x64xf32, #tpu.memory_space<hbm>> -> memref<128x64xf32, #tpu.memory_space<hbm>>
    tpu.enqueue_dma source(%arg20 : memref<128x64xf32, #tpu.memory_space<vmem>>) target(%dma_start3A_103 : memref<128x64xf32, #tpu.memory_space<hbm>>) target_semaphore(%arg26 : memref<!tpu.dma_semaphore, #tpu.memory_space<semaphore_mem>>)
    %add3A_104 = arith.constant 384 : i32
    %add3A_105 = arith.addi %add3A_9, %add3A_104 : i32
    %dma_wait3A_106 = arith.constant 0 : i32
    %dma_wait3A_107 = tpu.memref_slice %arg12[%add3A_105, %dma_wait3A_106] : memref<20480x64xf32, #tpu.memory_space<hbm>> -> memref<128x64xf32, #tpu.memory_space<hbm>>
    %dma_wait3A_108 = arith.constant 0 : i32
    %dma_wait3A_109 = tpu.memref_slice %arg12[%add3A_105, %dma_wait3A_108] : memref<20480x64xf32, #tpu.memory_space<hbm>> -> memref<128x64xf32, #tpu.memory_space<hbm>>
    tpu.wait_dma2 semaphore(%arg27 : memref<!tpu.dma_semaphore, #tpu.memory_space<semaphore_mem>>) src(%arg21 : memref<128x64xf32, #tpu.memory_space<vmem>>) dst(%dma_wait3A_109 : memref<128x64xf32, #tpu.memory_space<hbm>>)
    %add3A_110 = arith.constant 512 : i32
    %add3A_111 = arith.addi %add3A_9, %add3A_110 : i32
    %dma_wait3A_112 = arith.constant 0 : i32
    %dma_wait3A_113 = tpu.memref_slice %arg12[%add3A_111, %dma_wait3A_112] : memref<20480x64xf32, #tpu.memory_space<hbm>> -> memref<128x64xf32, #tpu.memory_space<hbm>>
    %dma_wait3A_114 = arith.constant 0 : i32
    %dma_wait3A_115 = tpu.memref_slice %arg12[%add3A_111, %dma_wait3A_114] : memref<20480x64xf32, #tpu.memory_space<hbm>> -> memref<128x64xf32, #tpu.memory_space<hbm>>
    tpu.wait_dma2 semaphore(%arg26 : memref<!tpu.dma_semaphore, #tpu.memory_space<semaphore_mem>>) src(%arg20 : memref<128x64xf32, #tpu.memory_space<vmem>>) dst(%dma_wait3A_115 : memref<128x64xf32, #tpu.memory_space<hbm>>)
    "tpu.region"() ({
      %run_scoped3A = tpu.sem_alloc : memref<!tpu.dma_semaphore, #tpu.memory_space<semaphore_mem>>
      tpu.enqueue_dma source(%arg11 : memref<128x64xf32, #tpu.memory_space<hbm>>) target(%arg20 : memref<128x64xf32, #tpu.memory_space<vmem>>) target_semaphore(%run_scoped3A : memref<!tpu.dma_semaphore, #tpu.memory_space<semaphore_mem>>)
      tpu.wait_dma2 semaphore(%run_scoped3A : memref<!tpu.dma_semaphore, #tpu.memory_space<semaphore_mem>>) src(%arg11 : memref<128x64xf32, #tpu.memory_space<hbm>>) dst(%arg20 : memref<128x64xf32, #tpu.memory_space<vmem>>)
      tpu.yield
    }) : () -> ()
    %add3A_116 = arith.constant 0 : i32
    %add3A_117 = arith.addi %mul3A_4, %add3A_116 : i32
    "tpu.region"() ({
      %run_scoped3A = tpu.sem_alloc : memref<!tpu.dma_semaphore, #tpu.memory_space<semaphore_mem>>
      %dma_start3A_338 = arith.constant 0 : i32
      %dma_start3A_339 = tpu.memref_slice %arg15[%add3A_117, %dma_start3A_338] : memref<10240x64xf32, #tpu.memory_space<vmem_shared>> -> memref<128x64xf32, #tpu.memory_space<vmem_shared>>
      %dma_start3A_340 = arith.constant 0 : i32
      %dma_start3A_341 = tpu.memref_slice %arg15[%add3A_117, %dma_start3A_340] : memref<10240x64xf32, #tpu.memory_space<vmem_shared>> -> memref<128x64xf32, #tpu.memory_space<vmem_shared>>
      tpu.enqueue_dma source(%arg20 : memref<128x64xf32, #tpu.memory_space<vmem>>) target(%dma_start3A_341 : memref<128x64xf32, #tpu.memory_space<vmem_shared>>) target_semaphore(%run_scoped3A : memref<!tpu.dma_semaphore, #tpu.memory_space<semaphore_mem>>)
      %dma_wait3A_342 = arith.constant 0 : i32
      %dma_wait3A_343 = tpu.memref_slice %arg15[%add3A_117, %dma_wait3A_342] : memref<10240x64xf32, #tpu.memory_space<vmem_shared>> -> memref<128x64xf32, #tpu.memory_space<vmem_shared>>
      %dma_wait3A_344 = arith.constant 0 : i32
      %dma_wait3A_345 = tpu.memref_slice %arg15[%add3A_117, %dma_wait3A_344] : memref<10240x64xf32, #tpu.memory_space<vmem_shared>> -> memref<128x64xf32, #tpu.memory_space<vmem_shared>>
      tpu.wait_dma2 semaphore(%run_scoped3A : memref<!tpu.dma_semaphore, #tpu.memory_space<semaphore_mem>>) src(%arg20 : memref<128x64xf32, #tpu.memory_space<vmem>>) dst(%dma_wait3A_345 : memref<128x64xf32, #tpu.memory_space<vmem_shared>>)
      tpu.yield
    }) : () -> ()
    %add3A_118 = arith.constant 128 : i32
    %add3A_119 = arith.addi %mul3A_4, %add3A_118 : i32
    "tpu.region"() ({
      %run_scoped3A = tpu.sem_alloc : memref<!tpu.dma_semaphore, #tpu.memory_space<semaphore_mem>>
      %dma_start3A_338 = arith.constant 0 : i32
      %dma_start3A_339 = tpu.memref_slice %arg15[%add3A_119, %dma_start3A_338] : memref<10240x64xf32, #tpu.memory_space<vmem_shared>> -> memref<128x64xf32, #tpu.memory_space<vmem_shared>>
      %dma_start3A_340 = arith.constant 0 : i32
      %dma_start3A_341 = tpu.memref_slice %arg15[%add3A_119, %dma_start3A_340] : memref<10240x64xf32, #tpu.memory_space<vmem_shared>> -> memref<128x64xf32, #tpu.memory_space<vmem_shared>>
      tpu.enqueue_dma source(%arg20 : memref<128x64xf32, #tpu.memory_space<vmem>>) target(%dma_start3A_341 : memref<128x64xf32, #tpu.memory_space<vmem_shared>>) target_semaphore(%run_scoped3A : memref<!tpu.dma_semaphore, #tpu.memory_space<semaphore_mem>>)
      %dma_wait3A_342 = arith.constant 0 : i32
      %dma_wait3A_343 = tpu.memref_slice %arg15[%add3A_119, %dma_wait3A_342] : memref<10240x64xf32, #tpu.memory_space<vmem_shared>> -> memref<128x64xf32, #tpu.memory_space<vmem_shared>>
      %dma_wait3A_344 = arith.constant 0 : i32
      %dma_wait3A_345 = tpu.memref_slice %arg15[%add3A_119, %dma_wait3A_344] : memref<10240x64xf32, #tpu.memory_space<vmem_shared>> -> memref<128x64xf32, #tpu.memory_space<vmem_shared>>
      tpu.wait_dma2 semaphore(%run_scoped3A : memref<!tpu.dma_semaphore, #tpu.memory_space<semaphore_mem>>) src(%arg20 : memref<128x64xf32, #tpu.memory_space<vmem>>) dst(%dma_wait3A_345 : memref<128x64xf32, #tpu.memory_space<vmem_shared>>)
      tpu.yield
    }) : () -> ()
    %add3A_120 = arith.constant 256 : i32
    %add3A_121 = arith.addi %mul3A_4, %add3A_120 : i32
    "tpu.region"() ({
      %run_scoped3A = tpu.sem_alloc : memref<!tpu.dma_semaphore, #tpu.memory_space<semaphore_mem>>
      %dma_start3A_338 = arith.constant 0 : i32
      %dma_start3A_339 = tpu.memref_slice %arg15[%add3A_121, %dma_start3A_338] : memref<10240x64xf32, #tpu.memory_space<vmem_shared>> -> memref<128x64xf32, #tpu.memory_space<vmem_shared>>
      %dma_start3A_340 = arith.constant 0 : i32
      %dma_start3A_341 = tpu.memref_slice %arg15[%add3A_121, %dma_start3A_340] : memref<10240x64xf32, #tpu.memory_space<vmem_shared>> -> memref<128x64xf32, #tpu.memory_space<vmem_shared>>
      tpu.enqueue_dma source(%arg20 : memref<128x64xf32, #tpu.memory_space<vmem>>) target(%dma_start3A_341 : memref<128x64xf32, #tpu.memory_space<vmem_shared>>) target_semaphore(%run_scoped3A : memref<!tpu.dma_semaphore, #tpu.memory_space<semaphore_mem>>)
      %dma_wait3A_342 = arith.constant 0 : i32
      %dma_wait3A_343 = tpu.memref_slice %arg15[%add3A_121, %dma_wait3A_342] : memref<10240x64xf32, #tpu.memory_space<vmem_shared>> -> memref<128x64xf32, #tpu.memory_space<vmem_shared>>
      %dma_wait3A_344 = arith.constant 0 : i32
      %dma_wait3A_345 = tpu.memref_slice %arg15[%add3A_121, %dma_wait3A_344] : memref<10240x64xf32, #tpu.memory_space<vmem_shared>> -> memref<128x64xf32, #tpu.memory_space<vmem_shared>>
      tpu.wait_dma2 semaphore(%run_scoped3A : memref<!tpu.dma_semaphore, #tpu.memory_space<semaphore_mem>>) src(%arg20 : memref<128x64xf32, #tpu.memory_space<vmem>>) dst(%dma_wait3A_345 : memref<128x64xf32, #tpu.memory_space<vmem_shared>>)
      tpu.yield
    }) : () -> ()
    %add3A_122 = arith.constant 384 : i32
    %add3A_123 = arith.addi %mul3A_4, %add3A_122 : i32
    "tpu.region"() ({
      %run_scoped3A = tpu.sem_alloc : memref<!tpu.dma_semaphore, #tpu.memory_space<semaphore_mem>>
      %dma_start3A_338 = arith.constant 0 : i32
      %dma_start3A_339 = tpu.memref_slice %arg15[%add3A_123, %dma_start3A_338] : memref<10240x64xf32, #tpu.memory_space<vmem_shared>> -> memref<128x64xf32, #tpu.memory_space<vmem_shared>>
      %dma_start3A_340 = arith.constant 0 : i32
      %dma_start3A_341 = tpu.memref_slice %arg15[%add3A_123, %dma_start3A_340] : memref<10240x64xf32, #tpu.memory_space<vmem_shared>> -> memref<128x64xf32, #tpu.memory_space<vmem_shared>>
      tpu.enqueue_dma source(%arg20 : memref<128x64xf32, #tpu.memory_space<vmem>>) target(%dma_start3A_341 : memref<128x64xf32, #tpu.memory_space<vmem_shared>>) target_semaphore(%run_scoped3A : memref<!tpu.dma_semaphore, #tpu.memory_space<semaphore_mem>>)
      %dma_wait3A_342 = arith.constant 0 : i32
      %dma_wait3A_343 = tpu.memref_slice %arg15[%add3A_123, %dma_wait3A_342] : memref<10240x64xf32, #tpu.memory_space<vmem_shared>> -> memref<128x64xf32, #tpu.memory_space<vmem_shared>>
      %dma_wait3A_344 = arith.constant 0 : i32
      %dma_wait3A_345 = tpu.memref_slice %arg15[%add3A_123, %dma_wait3A_344] : memref<10240x64xf32, #tpu.memory_space<vmem_shared>> -> memref<128x64xf32, #tpu.memory_space<vmem_shared>>
      tpu.wait_dma2 semaphore(%run_scoped3A : memref<!tpu.dma_semaphore, #tpu.memory_space<semaphore_mem>>) src(%arg20 : memref<128x64xf32, #tpu.memory_space<vmem>>) dst(%dma_wait3A_345 : memref<128x64xf32, #tpu.memory_space<vmem_shared>>)
      tpu.yield
    }) : () -> ()
    %add3A_124 = arith.constant 512 : i32
    %add3A_125 = arith.addi %mul3A_4, %add3A_124 : i32
    "tpu.region"() ({
      %run_scoped3A = tpu.sem_alloc : memref<!tpu.dma_semaphore, #tpu.memory_space<semaphore_mem>>
      %dma_start3A_338 = arith.constant 0 : i32
      %dma_start3A_339 = tpu.memref_slice %arg15[%add3A_125, %dma_start3A_338] : memref<10240x64xf32, #tpu.memory_space<vmem_shared>> -> memref<128x64xf32, #tpu.memory_space<vmem_shared>>
      %dma_start3A_340 = arith.constant 0 : i32
      %dma_start3A_341 = tpu.memref_slice %arg15[%add3A_125, %dma_start3A_340] : memref<10240x64xf32, #tpu.memory_space<vmem_shared>> -> memref<128x64xf32, #tpu.memory_space<vmem_shared>>
      tpu.enqueue_dma source(%arg20 : memref<128x64xf32, #tpu.memory_space<vmem>>) target(%dma_start3A_341 : memref<128x64xf32, #tpu.memory_space<vmem_shared>>) target_semaphore(%run_scoped3A : memref<!tpu.dma_semaphore, #tpu.memory_space<semaphore_mem>>)
      %dma_wait3A_342 = arith.constant 0 : i32
      %dma_wait3A_343 = tpu.memref_slice %arg15[%add3A_125, %dma_wait3A_342] : memref<10240x64xf32, #tpu.memory_space<vmem_shared>> -> memref<128x64xf32, #tpu.memory_space<vmem_shared>>
      %dma_wait3A_344 = arith.constant 0 : i32
      %dma_wait3A_345 = tpu.memref_slice %arg15[%add3A_125, %dma_wait3A_344] : memref<10240x64xf32, #tpu.memory_space<vmem_shared>> -> memref<128x64xf32, #tpu.memory_space<vmem_shared>>
      tpu.wait_dma2 semaphore(%run_scoped3A : memref<!tpu.dma_semaphore, #tpu.memory_space<semaphore_mem>>) src(%arg20 : memref<128x64xf32, #tpu.memory_space<vmem>>) dst(%dma_wait3A_345 : memref<128x64xf32, #tpu.memory_space<vmem_shared>>)
      tpu.yield
    }) : () -> ()
    %barrier3A_126 = arith.constant 0 : index
    tpu.barrier barrier_id(%barrier3A_126)
    %add3A_127 = arith.constant 0 : i32
    %add3A_128 = arith.addi %mul3A_2, %add3A_127 : i32
    %multiple_of3A_129 = tpu.assume_multiple %add3A_128, 128 : i32
    %dma_start3A_130 = tpu.memref_slice %arg7[%multiple_of3A_129] : memref<106496xi32, #tpu.memory_space<hbm>> -> memref<128xi32, #tpu.memory_space<hbm>>
    %dma_start3A_131 = tpu.memref_slice %arg7[%multiple_of3A_129] : memref<106496xi32, #tpu.memory_space<hbm>> -> memref<128xi32, #tpu.memory_space<hbm>>
    tpu.enqueue_dma source(%dma_start3A_131 : memref<128xi32, #tpu.memory_space<hbm>>) target(%arg16 : memref<128xi32, #tpu.memory_space<vmem>>) target_semaphore(%arg22 : memref<!tpu.dma_semaphore, #tpu.memory_space<semaphore_mem>>)
    %dma_start3A_132 = tpu.memref_slice %arg8[%multiple_of3A_129] : memref<106496xi32, #tpu.memory_space<hbm>> -> memref<128xi32, #tpu.memory_space<hbm>>
    %dma_start3A_133 = tpu.memref_slice %arg8[%multiple_of3A_129] : memref<106496xi32, #tpu.memory_space<hbm>> -> memref<128xi32, #tpu.memory_space<hbm>>
    tpu.enqueue_dma source(%dma_start3A_133 : memref<128xi32, #tpu.memory_space<hbm>>) target(%arg18 : memref<128xi32, #tpu.memory_space<vmem>>) target_semaphore(%arg22 : memref<!tpu.dma_semaphore, #tpu.memory_space<semaphore_mem>>)
    %add3A_134 = arith.constant 0 : i32
    %add3A_135 = arith.addi %mul3A_2, %add3A_134 : i32
    %multiple_of3A_136 = tpu.assume_multiple %add3A_135, 128 : i32
    %dma_wait3A_137 = tpu.memref_slice %arg7[%multiple_of3A_136] : memref<106496xi32, #tpu.memory_space<hbm>> -> memref<128xi32, #tpu.memory_space<hbm>>
    %dma_wait3A_138 = tpu.memref_slice %arg7[%multiple_of3A_136] : memref<106496xi32, #tpu.memory_space<hbm>> -> memref<128xi32, #tpu.memory_space<hbm>>
    tpu.wait_dma2 semaphore(%arg22 : memref<!tpu.dma_semaphore, #tpu.memory_space<semaphore_mem>>) src(%dma_wait3A_138 : memref<128xi32, #tpu.memory_space<hbm>>) dst(%arg16 : memref<128xi32, #tpu.memory_space<vmem>>)
    %dma_wait3A_139 = tpu.memref_slice %arg8[%multiple_of3A_136] : memref<106496xi32, #tpu.memory_space<hbm>> -> memref<128xi32, #tpu.memory_space<hbm>>
    %dma_wait3A_140 = tpu.memref_slice %arg8[%multiple_of3A_136] : memref<106496xi32, #tpu.memory_space<hbm>> -> memref<128xi32, #tpu.memory_space<hbm>>
    tpu.wait_dma2 semaphore(%arg22 : memref<!tpu.dma_semaphore, #tpu.memory_space<semaphore_mem>>) src(%dma_wait3A_140 : memref<128xi32, #tpu.memory_space<hbm>>) dst(%arg18 : memref<128xi32, #tpu.memory_space<vmem>>)
    %dma_start3A_141 = arith.constant 0 : i32
    %dma_start3A_142 = arith.constant 0 : i32
    %dma_start3A_143 = tpu.memref_slice %arg3[%dma_start3A_141, %dma_start3A_142] : memref<10240x64xf32, #tpu.memory_space<hbm>> -> memref<10240x64xf32, #tpu.memory_space<hbm>>
    tpu.enqueue_indirect_dma source(%dma_start3A_143 : memref<10240x64xf32, #tpu.memory_space<hbm>>) target(%arg20 : memref<128x64xf32, #tpu.memory_space<vmem>>) offsets(%arg16 : memref<128xi32, #tpu.memory_space<vmem>>) semaphore(%arg24 : memref<!tpu.dma_semaphore, #tpu.memory_space<semaphore_mem>>)
    %add3A_144 = arith.constant 128 : i32
    %add3A_145 = arith.addi %mul3A_2, %add3A_144 : i32
    %multiple_of3A_146 = tpu.assume_multiple %add3A_145, 128 : i32
    %dma_start3A_147 = tpu.memref_slice %arg7[%multiple_of3A_146] : memref<106496xi32, #tpu.memory_space<hbm>> -> memref<128xi32, #tpu.memory_space<hbm>>
    %dma_start3A_148 = tpu.memref_slice %arg7[%multiple_of3A_146] : memref<106496xi32, #tpu.memory_space<hbm>> -> memref<128xi32, #tpu.memory_space<hbm>>
    tpu.enqueue_dma source(%dma_start3A_148 : memref<128xi32, #tpu.memory_space<hbm>>) target(%arg17 : memref<128xi32, #tpu.memory_space<vmem>>) target_semaphore(%arg23 : memref<!tpu.dma_semaphore, #tpu.memory_space<semaphore_mem>>)
    %dma_start3A_149 = tpu.memref_slice %arg8[%multiple_of3A_146] : memref<106496xi32, #tpu.memory_space<hbm>> -> memref<128xi32, #tpu.memory_space<hbm>>
    %dma_start3A_150 = tpu.memref_slice %arg8[%multiple_of3A_146] : memref<106496xi32, #tpu.memory_space<hbm>> -> memref<128xi32, #tpu.memory_space<hbm>>
    tpu.enqueue_dma source(%dma_start3A_150 : memref<128xi32, #tpu.memory_space<hbm>>) target(%arg19 : memref<128xi32, #tpu.memory_space<vmem>>) target_semaphore(%arg23 : memref<!tpu.dma_semaphore, #tpu.memory_space<semaphore_mem>>)
    %scan3A_151 = arith.constant 0 : i32
    %scan3A_152 = arith.constant 13 : i32
    %scan3A_153 = arith.addi %scan3A_151, %scan3A_152 : i32
    %scan3A_154 = arith.constant 1 : i32
    scf.for %scan3A_338 = %scan3A_151 to %scan3A_153 step %scan3A_154  : i32 {
      %mul3A_339 = arith.constant 2 : i32
      %mul3A_340 = arith.muli %scan3A_338, %mul3A_339 : i32
      %add3A_341 = arith.constant 0 : i32
      %add3A_342 = arith.addi %add3A_341, %mul3A_340 : i32
      %add3A_343 = arith.constant 0 : i32
      %add3A_344 = arith.addi %add3A_342, %add3A_343 : i32
      %add3A_345 = arith.constant 1 : i32
      %add3A_346 = arith.addi %add3A_344, %add3A_345 : i32
      %lt3A = arith.constant 26 : i32
      %lt3A_347 = arith.cmpi slt, %add3A_346, %lt3A : i32
      %convert_element_type3A = arith.extui %lt3A_347 : i1 to i32
      %cond3A = arith.constant 0 : i32
      %cond3A_348 = arith.cmpi ne, %convert_element_type3A, %cond3A : i32
      scf.if %cond3A_348 {
        %add3A_378 = arith.constant 1 : i32
        %add3A_379 = arith.addi %add3A_344, %add3A_378 : i32
        %mul3A_380 = arith.constant 128 : i32
        %mul3A_381 = arith.muli %add3A_379, %mul3A_380 : i32
        %add3A_382 = arith.addi %mul3A_2, %mul3A_381 : i32
        %multiple_of3A_383 = tpu.assume_multiple %add3A_382, 128 : i32
        %dma_wait3A_384 = tpu.memref_slice %arg7[%multiple_of3A_383] : memref<106496xi32, #tpu.memory_space<hbm>> -> memref<128xi32, #tpu.memory_space<hbm>>
        %dma_wait3A_385 = tpu.memref_slice %arg7[%multiple_of3A_383] : memref<106496xi32, #tpu.memory_space<hbm>> -> memref<128xi32, #tpu.memory_space<hbm>>
        tpu.wait_dma2 semaphore(%arg23 : memref<!tpu.dma_semaphore, #tpu.memory_space<semaphore_mem>>) src(%dma_wait3A_385 : memref<128xi32, #tpu.memory_space<hbm>>) dst(%arg17 : memref<128xi32, #tpu.memory_space<vmem>>)
        %dma_wait3A_386 = tpu.memref_slice %arg8[%multiple_of3A_383] : memref<106496xi32, #tpu.memory_space<hbm>> -> memref<128xi32, #tpu.memory_space<hbm>>
        %dma_wait3A_387 = tpu.memref_slice %arg8[%multiple_of3A_383] : memref<106496xi32, #tpu.memory_space<hbm>> -> memref<128xi32, #tpu.memory_space<hbm>>
        tpu.wait_dma2 semaphore(%arg23 : memref<!tpu.dma_semaphore, #tpu.memory_space<semaphore_mem>>) src(%dma_wait3A_387 : memref<128xi32, #tpu.memory_space<hbm>>) dst(%arg19 : memref<128xi32, #tpu.memory_space<vmem>>)
        %dma_start3A_388 = arith.constant 0 : i32
        %dma_start3A_389 = arith.constant 0 : i32
        %dma_start3A_390 = tpu.memref_slice %arg3[%dma_start3A_388, %dma_start3A_389] : memref<10240x64xf32, #tpu.memory_space<hbm>> -> memref<10240x64xf32, #tpu.memory_space<hbm>>
        tpu.enqueue_indirect_dma source(%dma_start3A_390 : memref<10240x64xf32, #tpu.memory_space<hbm>>) target(%arg21 : memref<128x64xf32, #tpu.memory_space<vmem>>) offsets(%arg17 : memref<128xi32, #tpu.memory_space<vmem>>) semaphore(%arg25 : memref<!tpu.dma_semaphore, #tpu.memory_space<semaphore_mem>>)
      } else {
      }
      %dma_wait3A_349 = arith.constant 0 : i32
      %dma_wait3A_350 = arith.constant 0 : i32
      %dma_wait3A_351 = tpu.memref_slice %arg3[%dma_wait3A_349, %dma_wait3A_350] : memref<10240x64xf32, #tpu.memory_space<hbm>> -> memref<10240x64xf32, #tpu.memory_space<hbm>>
      tpu.wait_indirect_dma semaphore(%arg24 : memref<!tpu.dma_semaphore, #tpu.memory_space<semaphore_mem>>) src(%dma_wait3A_351 : memref<10240x64xf32, #tpu.memory_space<hbm>>) dst(%arg20 : memref<128x64xf32, #tpu.memory_space<vmem>>)
      "tpu.region"() ({
        %run_scoped3A = tpu.sem_alloc : memref<!tpu.dma_semaphore, #tpu.memory_space<semaphore_mem>>
        %dma_start3A_378 = arith.constant 0 : i32
        %dma_start3A_379 = arith.constant 0 : i32
        %dma_start3A_380 = tpu.memref_slice %arg15[%dma_start3A_378, %dma_start3A_379] : memref<10240x64xf32, #tpu.memory_space<vmem_shared>> -> memref<10240x64xf32, #tpu.memory_space<vmem_shared>>
        tpu.enqueue_indirect_dma source(%arg20 : memref<128x64xf32, #tpu.memory_space<vmem>>) target(%dma_start3A_380 : memref<10240x64xf32, #tpu.memory_space<vmem_shared>>) offsets(%arg18 : memref<128xi32, #tpu.memory_space<vmem>>) semaphore(%run_scoped3A : memref<!tpu.dma_semaphore, #tpu.memory_space<semaphore_mem>>) {add = true}
        %dma_wait3A_381 = arith.constant 0 : i32
        %dma_wait3A_382 = arith.constant 0 : i32
        %dma_wait3A_383 = tpu.memref_slice %arg15[%dma_wait3A_381, %dma_wait3A_382] : memref<10240x64xf32, #tpu.memory_space<vmem_shared>> -> memref<10240x64xf32, #tpu.memory_space<vmem_shared>>
        tpu.wait_indirect_dma semaphore(%run_scoped3A : memref<!tpu.dma_semaphore, #tpu.memory_space<semaphore_mem>>) src(%arg20 : memref<128x64xf32, #tpu.memory_space<vmem>>) dst(%dma_wait3A_383 : memref<10240x64xf32, #tpu.memory_space<vmem_shared>>)
        tpu.yield
      }) : () -> ()
      %add3A_352 = arith.constant 2 : i32
      %add3A_353 = arith.addi %add3A_344, %add3A_352 : i32
      %lt3A_354 = arith.constant 26 : i32
      %lt3A_355 = arith.cmpi slt, %add3A_353, %lt3A_354 : i32
      %convert_element_type3A_356 = arith.extui %lt3A_355 : i1 to i32
      %cond3A_357 = arith.constant 0 : i32
      %cond3A_358 = arith.cmpi ne, %convert_element_type3A_356, %cond3A_357 : i32
      scf.if %cond3A_358 {
        %add3A_378 = arith.constant 2 : i32
        %add3A_379 = arith.addi %add3A_344, %add3A_378 : i32
        %mul3A_380 = arith.constant 128 : i32
        %mul3A_381 = arith.muli %add3A_379, %mul3A_380 : i32
        %add3A_382 = arith.addi %mul3A_2, %mul3A_381 : i32
        %multiple_of3A_383 = tpu.assume_multiple %add3A_382, 128 : i32
        %dma_start3A_384 = tpu.memref_slice %arg7[%multiple_of3A_383] : memref<106496xi32, #tpu.memory_space<hbm>> -> memref<128xi32, #tpu.memory_space<hbm>>
        %dma_start3A_385 = tpu.memref_slice %arg7[%multiple_of3A_383] : memref<106496xi32, #tpu.memory_space<hbm>> -> memref<128xi32, #tpu.memory_space<hbm>>
        tpu.enqueue_dma source(%dma_start3A_385 : memref<128xi32, #tpu.memory_space<hbm>>) target(%arg16 : memref<128xi32, #tpu.memory_space<vmem>>) target_semaphore(%arg22 : memref<!tpu.dma_semaphore, #tpu.memory_space<semaphore_mem>>)
        %dma_start3A_386 = tpu.memref_slice %arg8[%multiple_of3A_383] : memref<106496xi32, #tpu.memory_space<hbm>> -> memref<128xi32, #tpu.memory_space<hbm>>
        %dma_start3A_387 = tpu.memref_slice %arg8[%multiple_of3A_383] : memref<106496xi32, #tpu.memory_space<hbm>> -> memref<128xi32, #tpu.memory_space<hbm>>
        tpu.enqueue_dma source(%dma_start3A_387 : memref<128xi32, #tpu.memory_space<hbm>>) target(%arg18 : memref<128xi32, #tpu.memory_space<vmem>>) target_semaphore(%arg22 : memref<!tpu.dma_semaphore, #tpu.memory_space<semaphore_mem>>)
      } else {
      }
      %add3A_359 = arith.constant 1 : i32
      %add3A_360 = arith.addi %add3A_342, %add3A_359 : i32
      %add3A_361 = arith.constant 1 : i32
      %add3A_362 = arith.addi %add3A_360, %add3A_361 : i32
      %lt3A_363 = arith.constant 26 : i32
      %lt3A_364 = arith.cmpi slt, %add3A_362, %lt3A_363 : i32
      %convert_element_type3A_365 = arith.extui %lt3A_364 : i1 to i32
      %cond3A_366 = arith.constant 0 : i32
      %cond3A_367 = arith.cmpi ne, %convert_element_type3A_365, %cond3A_366 : i32
      scf.if %cond3A_367 {
        %add3A_378 = arith.constant 1 : i32
        %add3A_379 = arith.addi %add3A_360, %add3A_378 : i32
        %mul3A_380 = arith.constant 128 : i32
        %mul3A_381 = arith.muli %add3A_379, %mul3A_380 : i32
        %add3A_382 = arith.addi %mul3A_2, %mul3A_381 : i32
        %multiple_of3A_383 = tpu.assume_multiple %add3A_382, 128 : i32
        %dma_wait3A_384 = tpu.memref_slice %arg7[%multiple_of3A_383] : memref<106496xi32, #tpu.memory_space<hbm>> -> memref<128xi32, #tpu.memory_space<hbm>>
        %dma_wait3A_385 = tpu.memref_slice %arg7[%multiple_of3A_383] : memref<106496xi32, #tpu.memory_space<hbm>> -> memref<128xi32, #tpu.memory_space<hbm>>
        tpu.wait_dma2 semaphore(%arg22 : memref<!tpu.dma_semaphore, #tpu.memory_space<semaphore_mem>>) src(%dma_wait3A_385 : memref<128xi32, #tpu.memory_space<hbm>>) dst(%arg16 : memref<128xi32, #tpu.memory_space<vmem>>)
        %dma_wait3A_386 = tpu.memref_slice %arg8[%multiple_of3A_383] : memref<106496xi32, #tpu.memory_space<hbm>> -> memref<128xi32, #tpu.memory_space<hbm>>
        %dma_wait3A_387 = tpu.memref_slice %arg8[%multiple_of3A_383] : memref<106496xi32, #tpu.memory_space<hbm>> -> memref<128xi32, #tpu.memory_space<hbm>>
        tpu.wait_dma2 semaphore(%arg22 : memref<!tpu.dma_semaphore, #tpu.memory_space<semaphore_mem>>) src(%dma_wait3A_387 : memref<128xi32, #tpu.memory_space<hbm>>) dst(%arg18 : memref<128xi32, #tpu.memory_space<vmem>>)
        %dma_start3A_388 = arith.constant 0 : i32
        %dma_start3A_389 = arith.constant 0 : i32
        %dma_start3A_390 = tpu.memref_slice %arg3[%dma_start3A_388, %dma_start3A_389] : memref<10240x64xf32, #tpu.memory_space<hbm>> -> memref<10240x64xf32, #tpu.memory_space<hbm>>
        tpu.enqueue_indirect_dma source(%dma_start3A_390 : memref<10240x64xf32, #tpu.memory_space<hbm>>) target(%arg20 : memref<128x64xf32, #tpu.memory_space<vmem>>) offsets(%arg16 : memref<128xi32, #tpu.memory_space<vmem>>) semaphore(%arg24 : memref<!tpu.dma_semaphore, #tpu.memory_space<semaphore_mem>>)
      } else {
      }
      %dma_wait3A_368 = arith.constant 0 : i32
      %dma_wait3A_369 = arith.constant 0 : i32
      %dma_wait3A_370 = tpu.memref_slice %arg3[%dma_wait3A_368, %dma_wait3A_369] : memref<10240x64xf32, #tpu.memory_space<hbm>> -> memref<10240x64xf32, #tpu.memory_space<hbm>>
      tpu.wait_indirect_dma semaphore(%arg25 : memref<!tpu.dma_semaphore, #tpu.memory_space<semaphore_mem>>) src(%dma_wait3A_370 : memref<10240x64xf32, #tpu.memory_space<hbm>>) dst(%arg21 : memref<128x64xf32, #tpu.memory_space<vmem>>)
      "tpu.region"() ({
        %run_scoped3A = tpu.sem_alloc : memref<!tpu.dma_semaphore, #tpu.memory_space<semaphore_mem>>
        %dma_start3A_378 = arith.constant 0 : i32
        %dma_start3A_379 = arith.constant 0 : i32
        %dma_start3A_380 = tpu.memref_slice %arg15[%dma_start3A_378, %dma_start3A_379] : memref<10240x64xf32, #tpu.memory_space<vmem_shared>> -> memref<10240x64xf32, #tpu.memory_space<vmem_shared>>
        tpu.enqueue_indirect_dma source(%arg21 : memref<128x64xf32, #tpu.memory_space<vmem>>) target(%dma_start3A_380 : memref<10240x64xf32, #tpu.memory_space<vmem_shared>>) offsets(%arg19 : memref<128xi32, #tpu.memory_space<vmem>>) semaphore(%run_scoped3A : memref<!tpu.dma_semaphore, #tpu.memory_space<semaphore_mem>>) {add = true}
        %dma_wait3A_381 = arith.constant 0 : i32
        %dma_wait3A_382 = arith.constant 0 : i32
        %dma_wait3A_383 = tpu.memref_slice %arg15[%dma_wait3A_381, %dma_wait3A_382] : memref<10240x64xf32, #tpu.memory_space<vmem_shared>> -> memref<10240x64xf32, #tpu.memory_space<vmem_shared>>
        tpu.wait_indirect_dma semaphore(%run_scoped3A : memref<!tpu.dma_semaphore, #tpu.memory_space<semaphore_mem>>) src(%arg21 : memref<128x64xf32, #tpu.memory_space<vmem>>) dst(%dma_wait3A_383 : memref<10240x64xf32, #tpu.memory_space<vmem_shared>>)
        tpu.yield
      }) : () -> ()
      %add3A_371 = arith.constant 2 : i32
      %add3A_372 = arith.addi %add3A_360, %add3A_371 : i32
      %lt3A_373 = arith.constant 26 : i32
      %lt3A_374 = arith.cmpi slt, %add3A_372, %lt3A_373 : i32
      %convert_element_type3A_375 = arith.extui %lt3A_374 : i1 to i32
      %cond3A_376 = arith.constant 0 : i32
      %cond3A_377 = arith.cmpi ne, %convert_element_type3A_375, %cond3A_376 : i32
      scf.if %cond3A_377 {
        %add3A_378 = arith.constant 2 : i32
        %add3A_379 = arith.addi %add3A_360, %add3A_378 : i32
        %mul3A_380 = arith.constant 128 : i32
        %mul3A_381 = arith.muli %add3A_379, %mul3A_380 : i32
        %add3A_382 = arith.addi %mul3A_2, %mul3A_381 : i32
        %multiple_of3A_383 = tpu.assume_multiple %add3A_382, 128 : i32
        %dma_start3A_384 = tpu.memref_slice %arg7[%multiple_of3A_383] : memref<106496xi32, #tpu.memory_space<hbm>> -> memref<128xi32, #tpu.memory_space<hbm>>
        %dma_start3A_385 = tpu.memref_slice %arg7[%multiple_of3A_383] : memref<106496xi32, #tpu.memory_space<hbm>> -> memref<128xi32, #tpu.memory_space<hbm>>
        tpu.enqueue_dma source(%dma_start3A_385 : memref<128xi32, #tpu.memory_space<hbm>>) target(%arg17 : memref<128xi32, #tpu.memory_space<vmem>>) target_semaphore(%arg23 : memref<!tpu.dma_semaphore, #tpu.memory_space<semaphore_mem>>)
        %dma_start3A_386 = tpu.memref_slice %arg8[%multiple_of3A_383] : memref<106496xi32, #tpu.memory_space<hbm>> -> memref<128xi32, #tpu.memory_space<hbm>>
        %dma_start3A_387 = tpu.memref_slice %arg8[%multiple_of3A_383] : memref<106496xi32, #tpu.memory_space<hbm>> -> memref<128xi32, #tpu.memory_space<hbm>>
        tpu.enqueue_dma source(%dma_start3A_387 : memref<128xi32, #tpu.memory_space<hbm>>) target(%arg19 : memref<128xi32, #tpu.memory_space<vmem>>) target_semaphore(%arg23 : memref<!tpu.dma_semaphore, #tpu.memory_space<semaphore_mem>>)
      } else {
      }
    }
    %scan3A_155 = arith.constant 13 : i32
    %barrier3A_156 = arith.constant 0 : index
    tpu.barrier barrier_id(%barrier3A_156)
    %add3A_157 = arith.constant 0 : i32
    %add3A_158 = arith.addi %mul3A_4, %add3A_157 : i32
    "tpu.region"() ({
      %run_scoped3A = tpu.sem_alloc : memref<!tpu.dma_semaphore, #tpu.memory_space<semaphore_mem>>
      %dma_start3A_338 = arith.constant 0 : i32
      %dma_start3A_339 = tpu.memref_slice %arg15[%add3A_158, %dma_start3A_338] : memref<10240x64xf32, #tpu.memory_space<vmem_shared>> -> memref<128x64xf32, #tpu.memory_space<vmem_shared>>
      %dma_start3A_340 = arith.constant 0 : i32
      %dma_start3A_341 = tpu.memref_slice %arg15[%add3A_158, %dma_start3A_340] : memref<10240x64xf32, #tpu.memory_space<vmem_shared>> -> memref<128x64xf32, #tpu.memory_space<vmem_shared>>
      tpu.enqueue_dma source(%dma_start3A_341 : memref<128x64xf32, #tpu.memory_space<vmem_shared>>) target(%arg20 : memref<128x64xf32, #tpu.memory_space<vmem>>) target_semaphore(%run_scoped3A : memref<!tpu.dma_semaphore, #tpu.memory_space<semaphore_mem>>)
      %dma_wait3A_342 = arith.constant 0 : i32
      %dma_wait3A_343 = tpu.memref_slice %arg15[%add3A_158, %dma_wait3A_342] : memref<10240x64xf32, #tpu.memory_space<vmem_shared>> -> memref<128x64xf32, #tpu.memory_space<vmem_shared>>
      %dma_wait3A_344 = arith.constant 0 : i32
      %dma_wait3A_345 = tpu.memref_slice %arg15[%add3A_158, %dma_wait3A_344] : memref<10240x64xf32, #tpu.memory_space<vmem_shared>> -> memref<128x64xf32, #tpu.memory_space<vmem_shared>>
      tpu.wait_dma2 semaphore(%run_scoped3A : memref<!tpu.dma_semaphore, #tpu.memory_space<semaphore_mem>>) src(%dma_wait3A_345 : memref<128x64xf32, #tpu.memory_space<vmem_shared>>) dst(%arg20 : memref<128x64xf32, #tpu.memory_space<vmem>>)
      tpu.yield
    }) : () -> ()
    %add3A_159 = arith.constant 0 : i32
    %add3A_160 = arith.addi %add3A_9, %add3A_159 : i32
    %dma_start3A_161 = arith.constant 0 : i32
    %dma_start3A_162 = tpu.memref_slice %arg13[%add3A_160, %dma_start3A_161] : memref<20480x64xf32, #tpu.memory_space<hbm>> -> memref<128x64xf32, #tpu.memory_space<hbm>>
    %dma_start3A_163 = arith.constant 0 : i32
    %dma_start3A_164 = tpu.memref_slice %arg13[%add3A_160, %dma_start3A_163] : memref<20480x64xf32, #tpu.memory_space<hbm>> -> memref<128x64xf32, #tpu.memory_space<hbm>>
    tpu.enqueue_dma source(%arg20 : memref<128x64xf32, #tpu.memory_space<vmem>>) target(%dma_start3A_164 : memref<128x64xf32, #tpu.memory_space<hbm>>) target_semaphore(%arg26 : memref<!tpu.dma_semaphore, #tpu.memory_space<semaphore_mem>>)
    %add3A_165 = arith.constant 128 : i32
    %add3A_166 = arith.addi %mul3A_4, %add3A_165 : i32
    "tpu.region"() ({
      %run_scoped3A = tpu.sem_alloc : memref<!tpu.dma_semaphore, #tpu.memory_space<semaphore_mem>>
      %dma_start3A_338 = arith.constant 0 : i32
      %dma_start3A_339 = tpu.memref_slice %arg15[%add3A_166, %dma_start3A_338] : memref<10240x64xf32, #tpu.memory_space<vmem_shared>> -> memref<128x64xf32, #tpu.memory_space<vmem_shared>>
      %dma_start3A_340 = arith.constant 0 : i32
      %dma_start3A_341 = tpu.memref_slice %arg15[%add3A_166, %dma_start3A_340] : memref<10240x64xf32, #tpu.memory_space<vmem_shared>> -> memref<128x64xf32, #tpu.memory_space<vmem_shared>>
      tpu.enqueue_dma source(%dma_start3A_341 : memref<128x64xf32, #tpu.memory_space<vmem_shared>>) target(%arg21 : memref<128x64xf32, #tpu.memory_space<vmem>>) target_semaphore(%run_scoped3A : memref<!tpu.dma_semaphore, #tpu.memory_space<semaphore_mem>>)
      %dma_wait3A_342 = arith.constant 0 : i32
      %dma_wait3A_343 = tpu.memref_slice %arg15[%add3A_166, %dma_wait3A_342] : memref<10240x64xf32, #tpu.memory_space<vmem_shared>> -> memref<128x64xf32, #tpu.memory_space<vmem_shared>>
      %dma_wait3A_344 = arith.constant 0 : i32
      %dma_wait3A_345 = tpu.memref_slice %arg15[%add3A_166, %dma_wait3A_344] : memref<10240x64xf32, #tpu.memory_space<vmem_shared>> -> memref<128x64xf32, #tpu.memory_space<vmem_shared>>
      tpu.wait_dma2 semaphore(%run_scoped3A : memref<!tpu.dma_semaphore, #tpu.memory_space<semaphore_mem>>) src(%dma_wait3A_345 : memref<128x64xf32, #tpu.memory_space<vmem_shared>>) dst(%arg21 : memref<128x64xf32, #tpu.memory_space<vmem>>)
      tpu.yield
    }) : () -> ()
    %add3A_167 = arith.constant 128 : i32
    %add3A_168 = arith.addi %add3A_9, %add3A_167 : i32
    %dma_start3A_169 = arith.constant 0 : i32
    %dma_start3A_170 = tpu.memref_slice %arg13[%add3A_168, %dma_start3A_169] : memref<20480x64xf32, #tpu.memory_space<hbm>> -> memref<128x64xf32, #tpu.memory_space<hbm>>
    %dma_start3A_171 = arith.constant 0 : i32
    %dma_start3A_172 = tpu.memref_slice %arg13[%add3A_168, %dma_start3A_171] : memref<20480x64xf32, #tpu.memory_space<hbm>> -> memref<128x64xf32, #tpu.memory_space<hbm>>
    tpu.enqueue_dma source(%arg21 : memref<128x64xf32, #tpu.memory_space<vmem>>) target(%dma_start3A_172 : memref<128x64xf32, #tpu.memory_space<hbm>>) target_semaphore(%arg27 : memref<!tpu.dma_semaphore, #tpu.memory_space<semaphore_mem>>)
    %add3A_173 = arith.constant 0 : i32
    %add3A_174 = arith.addi %add3A_9, %add3A_173 : i32
    %dma_wait3A_175 = arith.constant 0 : i32
    %dma_wait3A_176 = tpu.memref_slice %arg13[%add3A_174, %dma_wait3A_175] : memref<20480x64xf32, #tpu.memory_space<hbm>> -> memref<128x64xf32, #tpu.memory_space<hbm>>
    %dma_wait3A_177 = arith.constant 0 : i32
    %dma_wait3A_178 = tpu.memref_slice %arg13[%add3A_174, %dma_wait3A_177] : memref<20480x64xf32, #tpu.memory_space<hbm>> -> memref<128x64xf32, #tpu.memory_space<hbm>>
    tpu.wait_dma2 semaphore(%arg26 : memref<!tpu.dma_semaphore, #tpu.memory_space<semaphore_mem>>) src(%arg20 : memref<128x64xf32, #tpu.memory_space<vmem>>) dst(%dma_wait3A_178 : memref<128x64xf32, #tpu.memory_space<hbm>>)
    %add3A_179 = arith.constant 256 : i32
    %add3A_180 = arith.addi %mul3A_4, %add3A_179 : i32
    "tpu.region"() ({
      %run_scoped3A = tpu.sem_alloc : memref<!tpu.dma_semaphore, #tpu.memory_space<semaphore_mem>>
      %dma_start3A_338 = arith.constant 0 : i32
      %dma_start3A_339 = tpu.memref_slice %arg15[%add3A_180, %dma_start3A_338] : memref<10240x64xf32, #tpu.memory_space<vmem_shared>> -> memref<128x64xf32, #tpu.memory_space<vmem_shared>>
      %dma_start3A_340 = arith.constant 0 : i32
      %dma_start3A_341 = tpu.memref_slice %arg15[%add3A_180, %dma_start3A_340] : memref<10240x64xf32, #tpu.memory_space<vmem_shared>> -> memref<128x64xf32, #tpu.memory_space<vmem_shared>>
      tpu.enqueue_dma source(%dma_start3A_341 : memref<128x64xf32, #tpu.memory_space<vmem_shared>>) target(%arg20 : memref<128x64xf32, #tpu.memory_space<vmem>>) target_semaphore(%run_scoped3A : memref<!tpu.dma_semaphore, #tpu.memory_space<semaphore_mem>>)
      %dma_wait3A_342 = arith.constant 0 : i32
      %dma_wait3A_343 = tpu.memref_slice %arg15[%add3A_180, %dma_wait3A_342] : memref<10240x64xf32, #tpu.memory_space<vmem_shared>> -> memref<128x64xf32, #tpu.memory_space<vmem_shared>>
      %dma_wait3A_344 = arith.constant 0 : i32
      %dma_wait3A_345 = tpu.memref_slice %arg15[%add3A_180, %dma_wait3A_344] : memref<10240x64xf32, #tpu.memory_space<vmem_shared>> -> memref<128x64xf32, #tpu.memory_space<vmem_shared>>
      tpu.wait_dma2 semaphore(%run_scoped3A : memref<!tpu.dma_semaphore, #tpu.memory_space<semaphore_mem>>) src(%dma_wait3A_345 : memref<128x64xf32, #tpu.memory_space<vmem_shared>>) dst(%arg20 : memref<128x64xf32, #tpu.memory_space<vmem>>)
      tpu.yield
    }) : () -> ()
    %add3A_181 = arith.constant 256 : i32
    %add3A_182 = arith.addi %add3A_9, %add3A_181 : i32
    %dma_start3A_183 = arith.constant 0 : i32
    %dma_start3A_184 = tpu.memref_slice %arg13[%add3A_182, %dma_start3A_183] : memref<20480x64xf32, #tpu.memory_space<hbm>> -> memref<128x64xf32, #tpu.memory_space<hbm>>
    %dma_start3A_185 = arith.constant 0 : i32
    %dma_start3A_186 = tpu.memref_slice %arg13[%add3A_182, %dma_start3A_185] : memref<20480x64xf32, #tpu.memory_space<hbm>> -> memref<128x64xf32, #tpu.memory_space<hbm>>
    tpu.enqueue_dma source(%arg20 : memref<128x64xf32, #tpu.memory_space<vmem>>) target(%dma_start3A_186 : memref<128x64xf32, #tpu.memory_space<hbm>>) target_semaphore(%arg26 : memref<!tpu.dma_semaphore, #tpu.memory_space<semaphore_mem>>)
    %add3A_187 = arith.constant 128 : i32
    %add3A_188 = arith.addi %add3A_9, %add3A_187 : i32
    %dma_wait3A_189 = arith.constant 0 : i32
    %dma_wait3A_190 = tpu.memref_slice %arg13[%add3A_188, %dma_wait3A_189] : memref<20480x64xf32, #tpu.memory_space<hbm>> -> memref<128x64xf32, #tpu.memory_space<hbm>>
    %dma_wait3A_191 = arith.constant 0 : i32
    %dma_wait3A_192 = tpu.memref_slice %arg13[%add3A_188, %dma_wait3A_191] : memref<20480x64xf32, #tpu.memory_space<hbm>> -> memref<128x64xf32, #tpu.memory_space<hbm>>
    tpu.wait_dma2 semaphore(%arg27 : memref<!tpu.dma_semaphore, #tpu.memory_space<semaphore_mem>>) src(%arg21 : memref<128x64xf32, #tpu.memory_space<vmem>>) dst(%dma_wait3A_192 : memref<128x64xf32, #tpu.memory_space<hbm>>)
    %add3A_193 = arith.constant 384 : i32
    %add3A_194 = arith.addi %mul3A_4, %add3A_193 : i32
    "tpu.region"() ({
      %run_scoped3A = tpu.sem_alloc : memref<!tpu.dma_semaphore, #tpu.memory_space<semaphore_mem>>
      %dma_start3A_338 = arith.constant 0 : i32
      %dma_start3A_339 = tpu.memref_slice %arg15[%add3A_194, %dma_start3A_338] : memref<10240x64xf32, #tpu.memory_space<vmem_shared>> -> memref<128x64xf32, #tpu.memory_space<vmem_shared>>
      %dma_start3A_340 = arith.constant 0 : i32
      %dma_start3A_341 = tpu.memref_slice %arg15[%add3A_194, %dma_start3A_340] : memref<10240x64xf32, #tpu.memory_space<vmem_shared>> -> memref<128x64xf32, #tpu.memory_space<vmem_shared>>
      tpu.enqueue_dma source(%dma_start3A_341 : memref<128x64xf32, #tpu.memory_space<vmem_shared>>) target(%arg21 : memref<128x64xf32, #tpu.memory_space<vmem>>) target_semaphore(%run_scoped3A : memref<!tpu.dma_semaphore, #tpu.memory_space<semaphore_mem>>)
      %dma_wait3A_342 = arith.constant 0 : i32
      %dma_wait3A_343 = tpu.memref_slice %arg15[%add3A_194, %dma_wait3A_342] : memref<10240x64xf32, #tpu.memory_space<vmem_shared>> -> memref<128x64xf32, #tpu.memory_space<vmem_shared>>
      %dma_wait3A_344 = arith.constant 0 : i32
      %dma_wait3A_345 = tpu.memref_slice %arg15[%add3A_194, %dma_wait3A_344] : memref<10240x64xf32, #tpu.memory_space<vmem_shared>> -> memref<128x64xf32, #tpu.memory_space<vmem_shared>>
      tpu.wait_dma2 semaphore(%run_scoped3A : memref<!tpu.dma_semaphore, #tpu.memory_space<semaphore_mem>>) src(%dma_wait3A_345 : memref<128x64xf32, #tpu.memory_space<vmem_shared>>) dst(%arg21 : memref<128x64xf32, #tpu.memory_space<vmem>>)
      tpu.yield
    }) : () -> ()
    %add3A_195 = arith.constant 384 : i32
    %add3A_196 = arith.addi %add3A_9, %add3A_195 : i32
    %dma_start3A_197 = arith.constant 0 : i32
    %dma_start3A_198 = tpu.memref_slice %arg13[%add3A_196, %dma_start3A_197] : memref<20480x64xf32, #tpu.memory_space<hbm>> -> memref<128x64xf32, #tpu.memory_space<hbm>>
    %dma_start3A_199 = arith.constant 0 : i32
    %dma_start3A_200 = tpu.memref_slice %arg13[%add3A_196, %dma_start3A_199] : memref<20480x64xf32, #tpu.memory_space<hbm>> -> memref<128x64xf32, #tpu.memory_space<hbm>>
    tpu.enqueue_dma source(%arg21 : memref<128x64xf32, #tpu.memory_space<vmem>>) target(%dma_start3A_200 : memref<128x64xf32, #tpu.memory_space<hbm>>) target_semaphore(%arg27 : memref<!tpu.dma_semaphore, #tpu.memory_space<semaphore_mem>>)
    %add3A_201 = arith.constant 256 : i32
    %add3A_202 = arith.addi %add3A_9, %add3A_201 : i32
    %dma_wait3A_203 = arith.constant 0 : i32
    %dma_wait3A_204 = tpu.memref_slice %arg13[%add3A_202, %dma_wait3A_203] : memref<20480x64xf32, #tpu.memory_space<hbm>> -> memref<128x64xf32, #tpu.memory_space<hbm>>
    %dma_wait3A_205 = arith.constant 0 : i32
    %dma_wait3A_206 = tpu.memref_slice %arg13[%add3A_202, %dma_wait3A_205] : memref<20480x64xf32, #tpu.memory_space<hbm>> -> memref<128x64xf32, #tpu.memory_space<hbm>>
    tpu.wait_dma2 semaphore(%arg26 : memref<!tpu.dma_semaphore, #tpu.memory_space<semaphore_mem>>) src(%arg20 : memref<128x64xf32, #tpu.memory_space<vmem>>) dst(%dma_wait3A_206 : memref<128x64xf32, #tpu.memory_space<hbm>>)
    %add3A_207 = arith.constant 512 : i32
    %add3A_208 = arith.addi %mul3A_4, %add3A_207 : i32
    "tpu.region"() ({
      %run_scoped3A = tpu.sem_alloc : memref<!tpu.dma_semaphore, #tpu.memory_space<semaphore_mem>>
      %dma_start3A_338 = arith.constant 0 : i32
      %dma_start3A_339 = tpu.memref_slice %arg15[%add3A_208, %dma_start3A_338] : memref<10240x64xf32, #tpu.memory_space<vmem_shared>> -> memref<128x64xf32, #tpu.memory_space<vmem_shared>>
      %dma_start3A_340 = arith.constant 0 : i32
      %dma_start3A_341 = tpu.memref_slice %arg15[%add3A_208, %dma_start3A_340] : memref<10240x64xf32, #tpu.memory_space<vmem_shared>> -> memref<128x64xf32, #tpu.memory_space<vmem_shared>>
      tpu.enqueue_dma source(%dma_start3A_341 : memref<128x64xf32, #tpu.memory_space<vmem_shared>>) target(%arg20 : memref<128x64xf32, #tpu.memory_space<vmem>>) target_semaphore(%run_scoped3A : memref<!tpu.dma_semaphore, #tpu.memory_space<semaphore_mem>>)
      %dma_wait3A_342 = arith.constant 0 : i32
      %dma_wait3A_343 = tpu.memref_slice %arg15[%add3A_208, %dma_wait3A_342] : memref<10240x64xf32, #tpu.memory_space<vmem_shared>> -> memref<128x64xf32, #tpu.memory_space<vmem_shared>>
      %dma_wait3A_344 = arith.constant 0 : i32
      %dma_wait3A_345 = tpu.memref_slice %arg15[%add3A_208, %dma_wait3A_344] : memref<10240x64xf32, #tpu.memory_space<vmem_shared>> -> memref<128x64xf32, #tpu.memory_space<vmem_shared>>
      tpu.wait_dma2 semaphore(%run_scoped3A : memref<!tpu.dma_semaphore, #tpu.memory_space<semaphore_mem>>) src(%dma_wait3A_345 : memref<128x64xf32, #tpu.memory_space<vmem_shared>>) dst(%arg20 : memref<128x64xf32, #tpu.memory_space<vmem>>)
      tpu.yield
    }) : () -> ()
    %add3A_209 = arith.constant 512 : i32
    %add3A_210 = arith.addi %add3A_9, %add3A_209 : i32
    %dma_start3A_211 = arith.constant 0 : i32
    %dma_start3A_212 = tpu.memref_slice %arg13[%add3A_210, %dma_start3A_211] : memref<20480x64xf32, #tpu.memory_space<hbm>> -> memref<128x64xf32, #tpu.memory_space<hbm>>
    %dma_start3A_213 = arith.constant 0 : i32
    %dma_start3A_214 = tpu.memref_slice %arg13[%add3A_210, %dma_start3A_213] : memref<20480x64xf32, #tpu.memory_space<hbm>> -> memref<128x64xf32, #tpu.memory_space<hbm>>
    tpu.enqueue_dma source(%arg20 : memref<128x64xf32, #tpu.memory_space<vmem>>) target(%dma_start3A_214 : memref<128x64xf32, #tpu.memory_space<hbm>>) target_semaphore(%arg26 : memref<!tpu.dma_semaphore, #tpu.memory_space<semaphore_mem>>)
    %add3A_215 = arith.constant 384 : i32
    %add3A_216 = arith.addi %add3A_9, %add3A_215 : i32
    %dma_wait3A_217 = arith.constant 0 : i32
    %dma_wait3A_218 = tpu.memref_slice %arg13[%add3A_216, %dma_wait3A_217] : memref<20480x64xf32, #tpu.memory_space<hbm>> -> memref<128x64xf32, #tpu.memory_space<hbm>>
    %dma_wait3A_219 = arith.constant 0 : i32
    %dma_wait3A_220 = tpu.memref_slice %arg13[%add3A_216, %dma_wait3A_219] : memref<20480x64xf32, #tpu.memory_space<hbm>> -> memref<128x64xf32, #tpu.memory_space<hbm>>
    tpu.wait_dma2 semaphore(%arg27 : memref<!tpu.dma_semaphore, #tpu.memory_space<semaphore_mem>>) src(%arg21 : memref<128x64xf32, #tpu.memory_space<vmem>>) dst(%dma_wait3A_220 : memref<128x64xf32, #tpu.memory_space<hbm>>)
    %add3A_221 = arith.constant 512 : i32
    %add3A_222 = arith.addi %add3A_9, %add3A_221 : i32
    %dma_wait3A_223 = arith.constant 0 : i32
    %dma_wait3A_224 = tpu.memref_slice %arg13[%add3A_222, %dma_wait3A_223] : memref<20480x64xf32, #tpu.memory_space<hbm>> -> memref<128x64xf32, #tpu.memory_space<hbm>>
    %dma_wait3A_225 = arith.constant 0 : i32
    %dma_wait3A_226 = tpu.memref_slice %arg13[%add3A_222, %dma_wait3A_225] : memref<20480x64xf32, #tpu.memory_space<hbm>> -> memref<128x64xf32, #tpu.memory_space<hbm>>
    tpu.wait_dma2 semaphore(%arg26 : memref<!tpu.dma_semaphore, #tpu.memory_space<semaphore_mem>>) src(%arg20 : memref<128x64xf32, #tpu.memory_space<vmem>>) dst(%dma_wait3A_226 : memref<128x64xf32, #tpu.memory_space<hbm>>)
    "tpu.region"() ({
      %run_scoped3A = tpu.sem_alloc : memref<!tpu.dma_semaphore, #tpu.memory_space<semaphore_mem>>
      tpu.enqueue_dma source(%arg11 : memref<128x64xf32, #tpu.memory_space<hbm>>) target(%arg20 : memref<128x64xf32, #tpu.memory_space<vmem>>) target_semaphore(%run_scoped3A : memref<!tpu.dma_semaphore, #tpu.memory_space<semaphore_mem>>)
      tpu.wait_dma2 semaphore(%run_scoped3A : memref<!tpu.dma_semaphore, #tpu.memory_space<semaphore_mem>>) src(%arg11 : memref<128x64xf32, #tpu.memory_space<hbm>>) dst(%arg20 : memref<128x64xf32, #tpu.memory_space<vmem>>)
      tpu.yield
    }) : () -> ()
    %add3A_227 = arith.constant 0 : i32
    %add3A_228 = arith.addi %mul3A_4, %add3A_227 : i32
    "tpu.region"() ({
      %run_scoped3A = tpu.sem_alloc : memref<!tpu.dma_semaphore, #tpu.memory_space<semaphore_mem>>
      %dma_start3A_338 = arith.constant 0 : i32
      %dma_start3A_339 = tpu.memref_slice %arg15[%add3A_228, %dma_start3A_338] : memref<10240x64xf32, #tpu.memory_space<vmem_shared>> -> memref<128x64xf32, #tpu.memory_space<vmem_shared>>
      %dma_start3A_340 = arith.constant 0 : i32
      %dma_start3A_341 = tpu.memref_slice %arg15[%add3A_228, %dma_start3A_340] : memref<10240x64xf32, #tpu.memory_space<vmem_shared>> -> memref<128x64xf32, #tpu.memory_space<vmem_shared>>
      tpu.enqueue_dma source(%arg20 : memref<128x64xf32, #tpu.memory_space<vmem>>) target(%dma_start3A_341 : memref<128x64xf32, #tpu.memory_space<vmem_shared>>) target_semaphore(%run_scoped3A : memref<!tpu.dma_semaphore, #tpu.memory_space<semaphore_mem>>)
      %dma_wait3A_342 = arith.constant 0 : i32
      %dma_wait3A_343 = tpu.memref_slice %arg15[%add3A_228, %dma_wait3A_342] : memref<10240x64xf32, #tpu.memory_space<vmem_shared>> -> memref<128x64xf32, #tpu.memory_space<vmem_shared>>
      %dma_wait3A_344 = arith.constant 0 : i32
      %dma_wait3A_345 = tpu.memref_slice %arg15[%add3A_228, %dma_wait3A_344] : memref<10240x64xf32, #tpu.memory_space<vmem_shared>> -> memref<128x64xf32, #tpu.memory_space<vmem_shared>>
      tpu.wait_dma2 semaphore(%run_scoped3A : memref<!tpu.dma_semaphore, #tpu.memory_space<semaphore_mem>>) src(%arg20 : memref<128x64xf32, #tpu.memory_space<vmem>>) dst(%dma_wait3A_345 : memref<128x64xf32, #tpu.memory_space<vmem_shared>>)
      tpu.yield
    }) : () -> ()
    %add3A_229 = arith.constant 128 : i32
    %add3A_230 = arith.addi %mul3A_4, %add3A_229 : i32
    "tpu.region"() ({
      %run_scoped3A = tpu.sem_alloc : memref<!tpu.dma_semaphore, #tpu.memory_space<semaphore_mem>>
      %dma_start3A_338 = arith.constant 0 : i32
      %dma_start3A_339 = tpu.memref_slice %arg15[%add3A_230, %dma_start3A_338] : memref<10240x64xf32, #tpu.memory_space<vmem_shared>> -> memref<128x64xf32, #tpu.memory_space<vmem_shared>>
      %dma_start3A_340 = arith.constant 0 : i32
      %dma_start3A_341 = tpu.memref_slice %arg15[%add3A_230, %dma_start3A_340] : memref<10240x64xf32, #tpu.memory_space<vmem_shared>> -> memref<128x64xf32, #tpu.memory_space<vmem_shared>>
      tpu.enqueue_dma source(%arg20 : memref<128x64xf32, #tpu.memory_space<vmem>>) target(%dma_start3A_341 : memref<128x64xf32, #tpu.memory_space<vmem_shared>>) target_semaphore(%run_scoped3A : memref<!tpu.dma_semaphore, #tpu.memory_space<semaphore_mem>>)
      %dma_wait3A_342 = arith.constant 0 : i32
      %dma_wait3A_343 = tpu.memref_slice %arg15[%add3A_230, %dma_wait3A_342] : memref<10240x64xf32, #tpu.memory_space<vmem_shared>> -> memref<128x64xf32, #tpu.memory_space<vmem_shared>>
      %dma_wait3A_344 = arith.constant 0 : i32
      %dma_wait3A_345 = tpu.memref_slice %arg15[%add3A_230, %dma_wait3A_344] : memref<10240x64xf32, #tpu.memory_space<vmem_shared>> -> memref<128x64xf32, #tpu.memory_space<vmem_shared>>
      tpu.wait_dma2 semaphore(%run_scoped3A : memref<!tpu.dma_semaphore, #tpu.memory_space<semaphore_mem>>) src(%arg20 : memref<128x64xf32, #tpu.memory_space<vmem>>) dst(%dma_wait3A_345 : memref<128x64xf32, #tpu.memory_space<vmem_shared>>)
      tpu.yield
    }) : () -> ()
    %add3A_231 = arith.constant 256 : i32
    %add3A_232 = arith.addi %mul3A_4, %add3A_231 : i32
    "tpu.region"() ({
      %run_scoped3A = tpu.sem_alloc : memref<!tpu.dma_semaphore, #tpu.memory_space<semaphore_mem>>
      %dma_start3A_338 = arith.constant 0 : i32
      %dma_start3A_339 = tpu.memref_slice %arg15[%add3A_232, %dma_start3A_338] : memref<10240x64xf32, #tpu.memory_space<vmem_shared>> -> memref<128x64xf32, #tpu.memory_space<vmem_shared>>
      %dma_start3A_340 = arith.constant 0 : i32
      %dma_start3A_341 = tpu.memref_slice %arg15[%add3A_232, %dma_start3A_340] : memref<10240x64xf32, #tpu.memory_space<vmem_shared>> -> memref<128x64xf32, #tpu.memory_space<vmem_shared>>
      tpu.enqueue_dma source(%arg20 : memref<128x64xf32, #tpu.memory_space<vmem>>) target(%dma_start3A_341 : memref<128x64xf32, #tpu.memory_space<vmem_shared>>) target_semaphore(%run_scoped3A : memref<!tpu.dma_semaphore, #tpu.memory_space<semaphore_mem>>)
      %dma_wait3A_342 = arith.constant 0 : i32
      %dma_wait3A_343 = tpu.memref_slice %arg15[%add3A_232, %dma_wait3A_342] : memref<10240x64xf32, #tpu.memory_space<vmem_shared>> -> memref<128x64xf32, #tpu.memory_space<vmem_shared>>
      %dma_wait3A_344 = arith.constant 0 : i32
      %dma_wait3A_345 = tpu.memref_slice %arg15[%add3A_232, %dma_wait3A_344] : memref<10240x64xf32, #tpu.memory_space<vmem_shared>> -> memref<128x64xf32, #tpu.memory_space<vmem_shared>>
      tpu.wait_dma2 semaphore(%run_scoped3A : memref<!tpu.dma_semaphore, #tpu.memory_space<semaphore_mem>>) src(%arg20 : memref<128x64xf32, #tpu.memory_space<vmem>>) dst(%dma_wait3A_345 : memref<128x64xf32, #tpu.memory_space<vmem_shared>>)
      tpu.yield
    }) : () -> ()
    %add3A_233 = arith.constant 384 : i32
    %add3A_234 = arith.addi %mul3A_4, %add3A_233 : i32
    "tpu.region"() ({
      %run_scoped3A = tpu.sem_alloc : memref<!tpu.dma_semaphore, #tpu.memory_space<semaphore_mem>>
      %dma_start3A_338 = arith.constant 0 : i32
      %dma_start3A_339 = tpu.memref_slice %arg15[%add3A_234, %dma_start3A_338] : memref<10240x64xf32, #tpu.memory_space<vmem_shared>> -> memref<128x64xf32, #tpu.memory_space<vmem_shared>>
      %dma_start3A_340 = arith.constant 0 : i32
      %dma_start3A_341 = tpu.memref_slice %arg15[%add3A_234, %dma_start3A_340] : memref<10240x64xf32, #tpu.memory_space<vmem_shared>> -> memref<128x64xf32, #tpu.memory_space<vmem_shared>>
      tpu.enqueue_dma source(%arg20 : memref<128x64xf32, #tpu.memory_space<vmem>>) target(%dma_start3A_341 : memref<128x64xf32, #tpu.memory_space<vmem_shared>>) target_semaphore(%run_scoped3A : memref<!tpu.dma_semaphore, #tpu.memory_space<semaphore_mem>>)
      %dma_wait3A_342 = arith.constant 0 : i32
      %dma_wait3A_343 = tpu.memref_slice %arg15[%add3A_234, %dma_wait3A_342] : memref<10240x64xf32, #tpu.memory_space<vmem_shared>> -> memref<128x64xf32, #tpu.memory_space<vmem_shared>>
      %dma_wait3A_344 = arith.constant 0 : i32
      %dma_wait3A_345 = tpu.memref_slice %arg15[%add3A_234, %dma_wait3A_344] : memref<10240x64xf32, #tpu.memory_space<vmem_shared>> -> memref<128x64xf32, #tpu.memory_space<vmem_shared>>
      tpu.wait_dma2 semaphore(%run_scoped3A : memref<!tpu.dma_semaphore, #tpu.memory_space<semaphore_mem>>) src(%arg20 : memref<128x64xf32, #tpu.memory_space<vmem>>) dst(%dma_wait3A_345 : memref<128x64xf32, #tpu.memory_space<vmem_shared>>)
      tpu.yield
    }) : () -> ()
    %add3A_235 = arith.constant 512 : i32
    %add3A_236 = arith.addi %mul3A_4, %add3A_235 : i32
    "tpu.region"() ({
      %run_scoped3A = tpu.sem_alloc : memref<!tpu.dma_semaphore, #tpu.memory_space<semaphore_mem>>
      %dma_start3A_338 = arith.constant 0 : i32
      %dma_start3A_339 = tpu.memref_slice %arg15[%add3A_236, %dma_start3A_338] : memref<10240x64xf32, #tpu.memory_space<vmem_shared>> -> memref<128x64xf32, #tpu.memory_space<vmem_shared>>
      %dma_start3A_340 = arith.constant 0 : i32
      %dma_start3A_341 = tpu.memref_slice %arg15[%add3A_236, %dma_start3A_340] : memref<10240x64xf32, #tpu.memory_space<vmem_shared>> -> memref<128x64xf32, #tpu.memory_space<vmem_shared>>
      tpu.enqueue_dma source(%arg20 : memref<128x64xf32, #tpu.memory_space<vmem>>) target(%dma_start3A_341 : memref<128x64xf32, #tpu.memory_space<vmem_shared>>) target_semaphore(%run_scoped3A : memref<!tpu.dma_semaphore, #tpu.memory_space<semaphore_mem>>)
      %dma_wait3A_342 = arith.constant 0 : i32
      %dma_wait3A_343 = tpu.memref_slice %arg15[%add3A_236, %dma_wait3A_342] : memref<10240x64xf32, #tpu.memory_space<vmem_shared>> -> memref<128x64xf32, #tpu.memory_space<vmem_shared>>
      %dma_wait3A_344 = arith.constant 0 : i32
      %dma_wait3A_345 = tpu.memref_slice %arg15[%add3A_236, %dma_wait3A_344] : memref<10240x64xf32, #tpu.memory_space<vmem_shared>> -> memref<128x64xf32, #tpu.memory_space<vmem_shared>>
      tpu.wait_dma2 semaphore(%run_scoped3A : memref<!tpu.dma_semaphore, #tpu.memory_space<semaphore_mem>>) src(%arg20 : memref<128x64xf32, #tpu.memory_space<vmem>>) dst(%dma_wait3A_345 : memref<128x64xf32, #tpu.memory_space<vmem_shared>>)
      tpu.yield
    }) : () -> ()
    %barrier3A_237 = arith.constant 0 : index
    tpu.barrier barrier_id(%barrier3A_237)
    %add3A_238 = arith.constant 0 : i32
    %add3A_239 = arith.addi %mul3A_2, %add3A_238 : i32
    %multiple_of3A_240 = tpu.assume_multiple %add3A_239, 128 : i32
    %dma_start3A_241 = tpu.memref_slice %arg9[%multiple_of3A_240] : memref<106496xi32, #tpu.memory_space<hbm>> -> memref<128xi32, #tpu.memory_space<hbm>>
    %dma_start3A_242 = tpu.memref_slice %arg9[%multiple_of3A_240] : memref<106496xi32, #tpu.memory_space<hbm>> -> memref<128xi32, #tpu.memory_space<hbm>>
    tpu.enqueue_dma source(%dma_start3A_242 : memref<128xi32, #tpu.memory_space<hbm>>) target(%arg16 : memref<128xi32, #tpu.memory_space<vmem>>) target_semaphore(%arg22 : memref<!tpu.dma_semaphore, #tpu.memory_space<semaphore_mem>>)
    %dma_start3A_243 = tpu.memref_slice %arg10[%multiple_of3A_240] : memref<106496xi32, #tpu.memory_space<hbm>> -> memref<128xi32, #tpu.memory_space<hbm>>
    %dma_start3A_244 = tpu.memref_slice %arg10[%multiple_of3A_240] : memref<106496xi32, #tpu.memory_space<hbm>> -> memref<128xi32, #tpu.memory_space<hbm>>
    tpu.enqueue_dma source(%dma_start3A_244 : memref<128xi32, #tpu.memory_space<hbm>>) target(%arg18 : memref<128xi32, #tpu.memory_space<vmem>>) target_semaphore(%arg22 : memref<!tpu.dma_semaphore, #tpu.memory_space<semaphore_mem>>)
    %add3A_245 = arith.constant 0 : i32
    %add3A_246 = arith.addi %mul3A_2, %add3A_245 : i32
    %multiple_of3A_247 = tpu.assume_multiple %add3A_246, 128 : i32
    %dma_wait3A_248 = tpu.memref_slice %arg9[%multiple_of3A_247] : memref<106496xi32, #tpu.memory_space<hbm>> -> memref<128xi32, #tpu.memory_space<hbm>>
    %dma_wait3A_249 = tpu.memref_slice %arg9[%multiple_of3A_247] : memref<106496xi32, #tpu.memory_space<hbm>> -> memref<128xi32, #tpu.memory_space<hbm>>
    tpu.wait_dma2 semaphore(%arg22 : memref<!tpu.dma_semaphore, #tpu.memory_space<semaphore_mem>>) src(%dma_wait3A_249 : memref<128xi32, #tpu.memory_space<hbm>>) dst(%arg16 : memref<128xi32, #tpu.memory_space<vmem>>)
    %dma_wait3A_250 = tpu.memref_slice %arg10[%multiple_of3A_247] : memref<106496xi32, #tpu.memory_space<hbm>> -> memref<128xi32, #tpu.memory_space<hbm>>
    %dma_wait3A_251 = tpu.memref_slice %arg10[%multiple_of3A_247] : memref<106496xi32, #tpu.memory_space<hbm>> -> memref<128xi32, #tpu.memory_space<hbm>>
    tpu.wait_dma2 semaphore(%arg22 : memref<!tpu.dma_semaphore, #tpu.memory_space<semaphore_mem>>) src(%dma_wait3A_251 : memref<128xi32, #tpu.memory_space<hbm>>) dst(%arg18 : memref<128xi32, #tpu.memory_space<vmem>>)
    %dma_start3A_252 = arith.constant 0 : i32
    %dma_start3A_253 = arith.constant 0 : i32
    %dma_start3A_254 = tpu.memref_slice %arg4[%dma_start3A_252, %dma_start3A_253] : memref<10240x64xf32, #tpu.memory_space<hbm>> -> memref<10240x64xf32, #tpu.memory_space<hbm>>
    tpu.enqueue_indirect_dma source(%dma_start3A_254 : memref<10240x64xf32, #tpu.memory_space<hbm>>) target(%arg20 : memref<128x64xf32, #tpu.memory_space<vmem>>) offsets(%arg16 : memref<128xi32, #tpu.memory_space<vmem>>) semaphore(%arg24 : memref<!tpu.dma_semaphore, #tpu.memory_space<semaphore_mem>>)
    %add3A_255 = arith.constant 128 : i32
    %add3A_256 = arith.addi %mul3A_2, %add3A_255 : i32
    %multiple_of3A_257 = tpu.assume_multiple %add3A_256, 128 : i32
    %dma_start3A_258 = tpu.memref_slice %arg9[%multiple_of3A_257] : memref<106496xi32, #tpu.memory_space<hbm>> -> memref<128xi32, #tpu.memory_space<hbm>>
    %dma_start3A_259 = tpu.memref_slice %arg9[%multiple_of3A_257] : memref<106496xi32, #tpu.memory_space<hbm>> -> memref<128xi32, #tpu.memory_space<hbm>>
    tpu.enqueue_dma source(%dma_start3A_259 : memref<128xi32, #tpu.memory_space<hbm>>) target(%arg17 : memref<128xi32, #tpu.memory_space<vmem>>) target_semaphore(%arg23 : memref<!tpu.dma_semaphore, #tpu.memory_space<semaphore_mem>>)
    %dma_start3A_260 = tpu.memref_slice %arg10[%multiple_of3A_257] : memref<106496xi32, #tpu.memory_space<hbm>> -> memref<128xi32, #tpu.memory_space<hbm>>
    %dma_start3A_261 = tpu.memref_slice %arg10[%multiple_of3A_257] : memref<106496xi32, #tpu.memory_space<hbm>> -> memref<128xi32, #tpu.memory_space<hbm>>
    tpu.enqueue_dma source(%dma_start3A_261 : memref<128xi32, #tpu.memory_space<hbm>>) target(%arg19 : memref<128xi32, #tpu.memory_space<vmem>>) target_semaphore(%arg23 : memref<!tpu.dma_semaphore, #tpu.memory_space<semaphore_mem>>)
    %scan3A_262 = arith.constant 0 : i32
    %scan3A_263 = arith.constant 13 : i32
    %scan3A_264 = arith.addi %scan3A_262, %scan3A_263 : i32
    %scan3A_265 = arith.constant 1 : i32
    scf.for %scan3A_338 = %scan3A_262 to %scan3A_264 step %scan3A_265  : i32 {
      %mul3A_339 = arith.constant 2 : i32
      %mul3A_340 = arith.muli %scan3A_338, %mul3A_339 : i32
      %add3A_341 = arith.constant 0 : i32
      %add3A_342 = arith.addi %add3A_341, %mul3A_340 : i32
      %add3A_343 = arith.constant 0 : i32
      %add3A_344 = arith.addi %add3A_342, %add3A_343 : i32
      %add3A_345 = arith.constant 1 : i32
      %add3A_346 = arith.addi %add3A_344, %add3A_345 : i32
      %lt3A = arith.constant 26 : i32
      %lt3A_347 = arith.cmpi slt, %add3A_346, %lt3A : i32
      %convert_element_type3A = arith.extui %lt3A_347 : i1 to i32
      %cond3A = arith.constant 0 : i32
      %cond3A_348 = arith.cmpi ne, %convert_element_type3A, %cond3A : i32
      scf.if %cond3A_348 {
        %add3A_378 = arith.constant 1 : i32
        %add3A_379 = arith.addi %add3A_344, %add3A_378 : i32
        %mul3A_380 = arith.constant 128 : i32
        %mul3A_381 = arith.muli %add3A_379, %mul3A_380 : i32
        %add3A_382 = arith.addi %mul3A_2, %mul3A_381 : i32
        %multiple_of3A_383 = tpu.assume_multiple %add3A_382, 128 : i32
        %dma_wait3A_384 = tpu.memref_slice %arg9[%multiple_of3A_383] : memref<106496xi32, #tpu.memory_space<hbm>> -> memref<128xi32, #tpu.memory_space<hbm>>
        %dma_wait3A_385 = tpu.memref_slice %arg9[%multiple_of3A_383] : memref<106496xi32, #tpu.memory_space<hbm>> -> memref<128xi32, #tpu.memory_space<hbm>>
        tpu.wait_dma2 semaphore(%arg23 : memref<!tpu.dma_semaphore, #tpu.memory_space<semaphore_mem>>) src(%dma_wait3A_385 : memref<128xi32, #tpu.memory_space<hbm>>) dst(%arg17 : memref<128xi32, #tpu.memory_space<vmem>>)
        %dma_wait3A_386 = tpu.memref_slice %arg10[%multiple_of3A_383] : memref<106496xi32, #tpu.memory_space<hbm>> -> memref<128xi32, #tpu.memory_space<hbm>>
        %dma_wait3A_387 = tpu.memref_slice %arg10[%multiple_of3A_383] : memref<106496xi32, #tpu.memory_space<hbm>> -> memref<128xi32, #tpu.memory_space<hbm>>
        tpu.wait_dma2 semaphore(%arg23 : memref<!tpu.dma_semaphore, #tpu.memory_space<semaphore_mem>>) src(%dma_wait3A_387 : memref<128xi32, #tpu.memory_space<hbm>>) dst(%arg19 : memref<128xi32, #tpu.memory_space<vmem>>)
        %dma_start3A_388 = arith.constant 0 : i32
        %dma_start3A_389 = arith.constant 0 : i32
        %dma_start3A_390 = tpu.memref_slice %arg4[%dma_start3A_388, %dma_start3A_389] : memref<10240x64xf32, #tpu.memory_space<hbm>> -> memref<10240x64xf32, #tpu.memory_space<hbm>>
        tpu.enqueue_indirect_dma source(%dma_start3A_390 : memref<10240x64xf32, #tpu.memory_space<hbm>>) target(%arg21 : memref<128x64xf32, #tpu.memory_space<vmem>>) offsets(%arg17 : memref<128xi32, #tpu.memory_space<vmem>>) semaphore(%arg25 : memref<!tpu.dma_semaphore, #tpu.memory_space<semaphore_mem>>)
      } else {
      }
      %dma_wait3A_349 = arith.constant 0 : i32
      %dma_wait3A_350 = arith.constant 0 : i32
      %dma_wait3A_351 = tpu.memref_slice %arg4[%dma_wait3A_349, %dma_wait3A_350] : memref<10240x64xf32, #tpu.memory_space<hbm>> -> memref<10240x64xf32, #tpu.memory_space<hbm>>
      tpu.wait_indirect_dma semaphore(%arg24 : memref<!tpu.dma_semaphore, #tpu.memory_space<semaphore_mem>>) src(%dma_wait3A_351 : memref<10240x64xf32, #tpu.memory_space<hbm>>) dst(%arg20 : memref<128x64xf32, #tpu.memory_space<vmem>>)
      "tpu.region"() ({
        %run_scoped3A = tpu.sem_alloc : memref<!tpu.dma_semaphore, #tpu.memory_space<semaphore_mem>>
        %dma_start3A_378 = arith.constant 0 : i32
        %dma_start3A_379 = arith.constant 0 : i32
        %dma_start3A_380 = tpu.memref_slice %arg15[%dma_start3A_378, %dma_start3A_379] : memref<10240x64xf32, #tpu.memory_space<vmem_shared>> -> memref<10240x64xf32, #tpu.memory_space<vmem_shared>>
        tpu.enqueue_indirect_dma source(%arg20 : memref<128x64xf32, #tpu.memory_space<vmem>>) target(%dma_start3A_380 : memref<10240x64xf32, #tpu.memory_space<vmem_shared>>) offsets(%arg18 : memref<128xi32, #tpu.memory_space<vmem>>) semaphore(%run_scoped3A : memref<!tpu.dma_semaphore, #tpu.memory_space<semaphore_mem>>) {add = true}
        %dma_wait3A_381 = arith.constant 0 : i32
        %dma_wait3A_382 = arith.constant 0 : i32
        %dma_wait3A_383 = tpu.memref_slice %arg15[%dma_wait3A_381, %dma_wait3A_382] : memref<10240x64xf32, #tpu.memory_space<vmem_shared>> -> memref<10240x64xf32, #tpu.memory_space<vmem_shared>>
        tpu.wait_indirect_dma semaphore(%run_scoped3A : memref<!tpu.dma_semaphore, #tpu.memory_space<semaphore_mem>>) src(%arg20 : memref<128x64xf32, #tpu.memory_space<vmem>>) dst(%dma_wait3A_383 : memref<10240x64xf32, #tpu.memory_space<vmem_shared>>)
        tpu.yield
      }) : () -> ()
      %add3A_352 = arith.constant 2 : i32
      %add3A_353 = arith.addi %add3A_344, %add3A_352 : i32
      %lt3A_354 = arith.constant 26 : i32
      %lt3A_355 = arith.cmpi slt, %add3A_353, %lt3A_354 : i32
      %convert_element_type3A_356 = arith.extui %lt3A_355 : i1 to i32
      %cond3A_357 = arith.constant 0 : i32
      %cond3A_358 = arith.cmpi ne, %convert_element_type3A_356, %cond3A_357 : i32
      scf.if %cond3A_358 {
        %add3A_378 = arith.constant 2 : i32
        %add3A_379 = arith.addi %add3A_344, %add3A_378 : i32
        %mul3A_380 = arith.constant 128 : i32
        %mul3A_381 = arith.muli %add3A_379, %mul3A_380 : i32
        %add3A_382 = arith.addi %mul3A_2, %mul3A_381 : i32
        %multiple_of3A_383 = tpu.assume_multiple %add3A_382, 128 : i32
        %dma_start3A_384 = tpu.memref_slice %arg9[%multiple_of3A_383] : memref<106496xi32, #tpu.memory_space<hbm>> -> memref<128xi32, #tpu.memory_space<hbm>>
        %dma_start3A_385 = tpu.memref_slice %arg9[%multiple_of3A_383] : memref<106496xi32, #tpu.memory_space<hbm>> -> memref<128xi32, #tpu.memory_space<hbm>>
        tpu.enqueue_dma source(%dma_start3A_385 : memref<128xi32, #tpu.memory_space<hbm>>) target(%arg16 : memref<128xi32, #tpu.memory_space<vmem>>) target_semaphore(%arg22 : memref<!tpu.dma_semaphore, #tpu.memory_space<semaphore_mem>>)
        %dma_start3A_386 = tpu.memref_slice %arg10[%multiple_of3A_383] : memref<106496xi32, #tpu.memory_space<hbm>> -> memref<128xi32, #tpu.memory_space<hbm>>
        %dma_start3A_387 = tpu.memref_slice %arg10[%multiple_of3A_383] : memref<106496xi32, #tpu.memory_space<hbm>> -> memref<128xi32, #tpu.memory_space<hbm>>
        tpu.enqueue_dma source(%dma_start3A_387 : memref<128xi32, #tpu.memory_space<hbm>>) target(%arg18 : memref<128xi32, #tpu.memory_space<vmem>>) target_semaphore(%arg22 : memref<!tpu.dma_semaphore, #tpu.memory_space<semaphore_mem>>)
      } else {
      }
      %add3A_359 = arith.constant 1 : i32
      %add3A_360 = arith.addi %add3A_342, %add3A_359 : i32
      %add3A_361 = arith.constant 1 : i32
      %add3A_362 = arith.addi %add3A_360, %add3A_361 : i32
      %lt3A_363 = arith.constant 26 : i32
      %lt3A_364 = arith.cmpi slt, %add3A_362, %lt3A_363 : i32
      %convert_element_type3A_365 = arith.extui %lt3A_364 : i1 to i32
      %cond3A_366 = arith.constant 0 : i32
      %cond3A_367 = arith.cmpi ne, %convert_element_type3A_365, %cond3A_366 : i32
      scf.if %cond3A_367 {
        %add3A_378 = arith.constant 1 : i32
        %add3A_379 = arith.addi %add3A_360, %add3A_378 : i32
        %mul3A_380 = arith.constant 128 : i32
        %mul3A_381 = arith.muli %add3A_379, %mul3A_380 : i32
        %add3A_382 = arith.addi %mul3A_2, %mul3A_381 : i32
        %multiple_of3A_383 = tpu.assume_multiple %add3A_382, 128 : i32
        %dma_wait3A_384 = tpu.memref_slice %arg9[%multiple_of3A_383] : memref<106496xi32, #tpu.memory_space<hbm>> -> memref<128xi32, #tpu.memory_space<hbm>>
        %dma_wait3A_385 = tpu.memref_slice %arg9[%multiple_of3A_383] : memref<106496xi32, #tpu.memory_space<hbm>> -> memref<128xi32, #tpu.memory_space<hbm>>
        tpu.wait_dma2 semaphore(%arg22 : memref<!tpu.dma_semaphore, #tpu.memory_space<semaphore_mem>>) src(%dma_wait3A_385 : memref<128xi32, #tpu.memory_space<hbm>>) dst(%arg16 : memref<128xi32, #tpu.memory_space<vmem>>)
        %dma_wait3A_386 = tpu.memref_slice %arg10[%multiple_of3A_383] : memref<106496xi32, #tpu.memory_space<hbm>> -> memref<128xi32, #tpu.memory_space<hbm>>
        %dma_wait3A_387 = tpu.memref_slice %arg10[%multiple_of3A_383] : memref<106496xi32, #tpu.memory_space<hbm>> -> memref<128xi32, #tpu.memory_space<hbm>>
        tpu.wait_dma2 semaphore(%arg22 : memref<!tpu.dma_semaphore, #tpu.memory_space<semaphore_mem>>) src(%dma_wait3A_387 : memref<128xi32, #tpu.memory_space<hbm>>) dst(%arg18 : memref<128xi32, #tpu.memory_space<vmem>>)
        %dma_start3A_388 = arith.constant 0 : i32
        %dma_start3A_389 = arith.constant 0 : i32
        %dma_start3A_390 = tpu.memref_slice %arg4[%dma_start3A_388, %dma_start3A_389] : memref<10240x64xf32, #tpu.memory_space<hbm>> -> memref<10240x64xf32, #tpu.memory_space<hbm>>
        tpu.enqueue_indirect_dma source(%dma_start3A_390 : memref<10240x64xf32, #tpu.memory_space<hbm>>) target(%arg20 : memref<128x64xf32, #tpu.memory_space<vmem>>) offsets(%arg16 : memref<128xi32, #tpu.memory_space<vmem>>) semaphore(%arg24 : memref<!tpu.dma_semaphore, #tpu.memory_space<semaphore_mem>>)
      } else {
      }
      %dma_wait3A_368 = arith.constant 0 : i32
      %dma_wait3A_369 = arith.constant 0 : i32
      %dma_wait3A_370 = tpu.memref_slice %arg4[%dma_wait3A_368, %dma_wait3A_369] : memref<10240x64xf32, #tpu.memory_space<hbm>> -> memref<10240x64xf32, #tpu.memory_space<hbm>>
      tpu.wait_indirect_dma semaphore(%arg25 : memref<!tpu.dma_semaphore, #tpu.memory_space<semaphore_mem>>) src(%dma_wait3A_370 : memref<10240x64xf32, #tpu.memory_space<hbm>>) dst(%arg21 : memref<128x64xf32, #tpu.memory_space<vmem>>)
      "tpu.region"() ({
        %run_scoped3A = tpu.sem_alloc : memref<!tpu.dma_semaphore, #tpu.memory_space<semaphore_mem>>
        %dma_start3A_378 = arith.constant 0 : i32
        %dma_start3A_379 = arith.constant 0 : i32
        %dma_start3A_380 = tpu.memref_slice %arg15[%dma_start3A_378, %dma_start3A_379] : memref<10240x64xf32, #tpu.memory_space<vmem_shared>> -> memref<10240x64xf32, #tpu.memory_space<vmem_shared>>
        tpu.enqueue_indirect_dma source(%arg21 : memref<128x64xf32, #tpu.memory_space<vmem>>) target(%dma_start3A_380 : memref<10240x64xf32, #tpu.memory_space<vmem_shared>>) offsets(%arg19 : memref<128xi32, #tpu.memory_space<vmem>>) semaphore(%run_scoped3A : memref<!tpu.dma_semaphore, #tpu.memory_space<semaphore_mem>>) {add = true}
        %dma_wait3A_381 = arith.constant 0 : i32
        %dma_wait3A_382 = arith.constant 0 : i32
        %dma_wait3A_383 = tpu.memref_slice %arg15[%dma_wait3A_381, %dma_wait3A_382] : memref<10240x64xf32, #tpu.memory_space<vmem_shared>> -> memref<10240x64xf32, #tpu.memory_space<vmem_shared>>
        tpu.wait_indirect_dma semaphore(%run_scoped3A : memref<!tpu.dma_semaphore, #tpu.memory_space<semaphore_mem>>) src(%arg21 : memref<128x64xf32, #tpu.memory_space<vmem>>) dst(%dma_wait3A_383 : memref<10240x64xf32, #tpu.memory_space<vmem_shared>>)
        tpu.yield
      }) : () -> ()
      %add3A_371 = arith.constant 2 : i32
      %add3A_372 = arith.addi %add3A_360, %add3A_371 : i32
      %lt3A_373 = arith.constant 26 : i32
      %lt3A_374 = arith.cmpi slt, %add3A_372, %lt3A_373 : i32
      %convert_element_type3A_375 = arith.extui %lt3A_374 : i1 to i32
      %cond3A_376 = arith.constant 0 : i32
      %cond3A_377 = arith.cmpi ne, %convert_element_type3A_375, %cond3A_376 : i32
      scf.if %cond3A_377 {
        %add3A_378 = arith.constant 2 : i32
        %add3A_379 = arith.addi %add3A_360, %add3A_378 : i32
        %mul3A_380 = arith.constant 128 : i32
        %mul3A_381 = arith.muli %add3A_379, %mul3A_380 : i32
        %add3A_382 = arith.addi %mul3A_2, %mul3A_381 : i32
        %multiple_of3A_383 = tpu.assume_multiple %add3A_382, 128 : i32
        %dma_start3A_384 = tpu.memref_slice %arg9[%multiple_of3A_383] : memref<106496xi32, #tpu.memory_space<hbm>> -> memref<128xi32, #tpu.memory_space<hbm>>
        %dma_start3A_385 = tpu.memref_slice %arg9[%multiple_of3A_383] : memref<106496xi32, #tpu.memory_space<hbm>> -> memref<128xi32, #tpu.memory_space<hbm>>
        tpu.enqueue_dma source(%dma_start3A_385 : memref<128xi32, #tpu.memory_space<hbm>>) target(%arg17 : memref<128xi32, #tpu.memory_space<vmem>>) target_semaphore(%arg23 : memref<!tpu.dma_semaphore, #tpu.memory_space<semaphore_mem>>)
        %dma_start3A_386 = tpu.memref_slice %arg10[%multiple_of3A_383] : memref<106496xi32, #tpu.memory_space<hbm>> -> memref<128xi32, #tpu.memory_space<hbm>>
        %dma_start3A_387 = tpu.memref_slice %arg10[%multiple_of3A_383] : memref<106496xi32, #tpu.memory_space<hbm>> -> memref<128xi32, #tpu.memory_space<hbm>>
        tpu.enqueue_dma source(%dma_start3A_387 : memref<128xi32, #tpu.memory_space<hbm>>) target(%arg19 : memref<128xi32, #tpu.memory_space<vmem>>) target_semaphore(%arg23 : memref<!tpu.dma_semaphore, #tpu.memory_space<semaphore_mem>>)
      } else {
      }
    }
    %scan3A_266 = arith.constant 13 : i32
    %barrier3A_267 = arith.constant 0 : index
    tpu.barrier barrier_id(%barrier3A_267)
    %add3A_268 = arith.constant 0 : i32
    %add3A_269 = arith.addi %mul3A_4, %add3A_268 : i32
    "tpu.region"() ({
      %run_scoped3A = tpu.sem_alloc : memref<!tpu.dma_semaphore, #tpu.memory_space<semaphore_mem>>
      %dma_start3A_338 = arith.constant 0 : i32
      %dma_start3A_339 = tpu.memref_slice %arg15[%add3A_269, %dma_start3A_338] : memref<10240x64xf32, #tpu.memory_space<vmem_shared>> -> memref<128x64xf32, #tpu.memory_space<vmem_shared>>
      %dma_start3A_340 = arith.constant 0 : i32
      %dma_start3A_341 = tpu.memref_slice %arg15[%add3A_269, %dma_start3A_340] : memref<10240x64xf32, #tpu.memory_space<vmem_shared>> -> memref<128x64xf32, #tpu.memory_space<vmem_shared>>
      tpu.enqueue_dma source(%dma_start3A_341 : memref<128x64xf32, #tpu.memory_space<vmem_shared>>) target(%arg20 : memref<128x64xf32, #tpu.memory_space<vmem>>) target_semaphore(%run_scoped3A : memref<!tpu.dma_semaphore, #tpu.memory_space<semaphore_mem>>)
      %dma_wait3A_342 = arith.constant 0 : i32
      %dma_wait3A_343 = tpu.memref_slice %arg15[%add3A_269, %dma_wait3A_342] : memref<10240x64xf32, #tpu.memory_space<vmem_shared>> -> memref<128x64xf32, #tpu.memory_space<vmem_shared>>
      %dma_wait3A_344 = arith.constant 0 : i32
      %dma_wait3A_345 = tpu.memref_slice %arg15[%add3A_269, %dma_wait3A_344] : memref<10240x64xf32, #tpu.memory_space<vmem_shared>> -> memref<128x64xf32, #tpu.memory_space<vmem_shared>>
      tpu.wait_dma2 semaphore(%run_scoped3A : memref<!tpu.dma_semaphore, #tpu.memory_space<semaphore_mem>>) src(%dma_wait3A_345 : memref<128x64xf32, #tpu.memory_space<vmem_shared>>) dst(%arg20 : memref<128x64xf32, #tpu.memory_space<vmem>>)
      tpu.yield
    }) : () -> ()
    %add3A_270 = arith.constant 0 : i32
    %add3A_271 = arith.addi %add3A_9, %add3A_270 : i32
    %dma_start3A_272 = arith.constant 0 : i32
    %dma_start3A_273 = tpu.memref_slice %arg14[%add3A_271, %dma_start3A_272] : memref<20480x64xf32, #tpu.memory_space<hbm>> -> memref<128x64xf32, #tpu.memory_space<hbm>>
    %dma_start3A_274 = arith.constant 0 : i32
    %dma_start3A_275 = tpu.memref_slice %arg14[%add3A_271, %dma_start3A_274] : memref<20480x64xf32, #tpu.memory_space<hbm>> -> memref<128x64xf32, #tpu.memory_space<hbm>>
    tpu.enqueue_dma source(%arg20 : memref<128x64xf32, #tpu.memory_space<vmem>>) target(%dma_start3A_275 : memref<128x64xf32, #tpu.memory_space<hbm>>) target_semaphore(%arg26 : memref<!tpu.dma_semaphore, #tpu.memory_space<semaphore_mem>>)
    %add3A_276 = arith.constant 128 : i32
    %add3A_277 = arith.addi %mul3A_4, %add3A_276 : i32
    "tpu.region"() ({
      %run_scoped3A = tpu.sem_alloc : memref<!tpu.dma_semaphore, #tpu.memory_space<semaphore_mem>>
      %dma_start3A_338 = arith.constant 0 : i32
      %dma_start3A_339 = tpu.memref_slice %arg15[%add3A_277, %dma_start3A_338] : memref<10240x64xf32, #tpu.memory_space<vmem_shared>> -> memref<128x64xf32, #tpu.memory_space<vmem_shared>>
      %dma_start3A_340 = arith.constant 0 : i32
      %dma_start3A_341 = tpu.memref_slice %arg15[%add3A_277, %dma_start3A_340] : memref<10240x64xf32, #tpu.memory_space<vmem_shared>> -> memref<128x64xf32, #tpu.memory_space<vmem_shared>>
      tpu.enqueue_dma source(%dma_start3A_341 : memref<128x64xf32, #tpu.memory_space<vmem_shared>>) target(%arg21 : memref<128x64xf32, #tpu.memory_space<vmem>>) target_semaphore(%run_scoped3A : memref<!tpu.dma_semaphore, #tpu.memory_space<semaphore_mem>>)
      %dma_wait3A_342 = arith.constant 0 : i32
      %dma_wait3A_343 = tpu.memref_slice %arg15[%add3A_277, %dma_wait3A_342] : memref<10240x64xf32, #tpu.memory_space<vmem_shared>> -> memref<128x64xf32, #tpu.memory_space<vmem_shared>>
      %dma_wait3A_344 = arith.constant 0 : i32
      %dma_wait3A_345 = tpu.memref_slice %arg15[%add3A_277, %dma_wait3A_344] : memref<10240x64xf32, #tpu.memory_space<vmem_shared>> -> memref<128x64xf32, #tpu.memory_space<vmem_shared>>
      tpu.wait_dma2 semaphore(%run_scoped3A : memref<!tpu.dma_semaphore, #tpu.memory_space<semaphore_mem>>) src(%dma_wait3A_345 : memref<128x64xf32, #tpu.memory_space<vmem_shared>>) dst(%arg21 : memref<128x64xf32, #tpu.memory_space<vmem>>)
      tpu.yield
    }) : () -> ()
    %add3A_278 = arith.constant 128 : i32
    %add3A_279 = arith.addi %add3A_9, %add3A_278 : i32
    %dma_start3A_280 = arith.constant 0 : i32
    %dma_start3A_281 = tpu.memref_slice %arg14[%add3A_279, %dma_start3A_280] : memref<20480x64xf32, #tpu.memory_space<hbm>> -> memref<128x64xf32, #tpu.memory_space<hbm>>
    %dma_start3A_282 = arith.constant 0 : i32
    %dma_start3A_283 = tpu.memref_slice %arg14[%add3A_279, %dma_start3A_282] : memref<20480x64xf32, #tpu.memory_space<hbm>> -> memref<128x64xf32, #tpu.memory_space<hbm>>
    tpu.enqueue_dma source(%arg21 : memref<128x64xf32, #tpu.memory_space<vmem>>) target(%dma_start3A_283 : memref<128x64xf32, #tpu.memory_space<hbm>>) target_semaphore(%arg27 : memref<!tpu.dma_semaphore, #tpu.memory_space<semaphore_mem>>)
    %add3A_284 = arith.constant 0 : i32
    %add3A_285 = arith.addi %add3A_9, %add3A_284 : i32
    %dma_wait3A_286 = arith.constant 0 : i32
    %dma_wait3A_287 = tpu.memref_slice %arg14[%add3A_285, %dma_wait3A_286] : memref<20480x64xf32, #tpu.memory_space<hbm>> -> memref<128x64xf32, #tpu.memory_space<hbm>>
    %dma_wait3A_288 = arith.constant 0 : i32
    %dma_wait3A_289 = tpu.memref_slice %arg14[%add3A_285, %dma_wait3A_288] : memref<20480x64xf32, #tpu.memory_space<hbm>> -> memref<128x64xf32, #tpu.memory_space<hbm>>
    tpu.wait_dma2 semaphore(%arg26 : memref<!tpu.dma_semaphore, #tpu.memory_space<semaphore_mem>>) src(%arg20 : memref<128x64xf32, #tpu.memory_space<vmem>>) dst(%dma_wait3A_289 : memref<128x64xf32, #tpu.memory_space<hbm>>)
    %add3A_290 = arith.constant 256 : i32
    %add3A_291 = arith.addi %mul3A_4, %add3A_290 : i32
    "tpu.region"() ({
      %run_scoped3A = tpu.sem_alloc : memref<!tpu.dma_semaphore, #tpu.memory_space<semaphore_mem>>
      %dma_start3A_338 = arith.constant 0 : i32
      %dma_start3A_339 = tpu.memref_slice %arg15[%add3A_291, %dma_start3A_338] : memref<10240x64xf32, #tpu.memory_space<vmem_shared>> -> memref<128x64xf32, #tpu.memory_space<vmem_shared>>
      %dma_start3A_340 = arith.constant 0 : i32
      %dma_start3A_341 = tpu.memref_slice %arg15[%add3A_291, %dma_start3A_340] : memref<10240x64xf32, #tpu.memory_space<vmem_shared>> -> memref<128x64xf32, #tpu.memory_space<vmem_shared>>
      tpu.enqueue_dma source(%dma_start3A_341 : memref<128x64xf32, #tpu.memory_space<vmem_shared>>) target(%arg20 : memref<128x64xf32, #tpu.memory_space<vmem>>) target_semaphore(%run_scoped3A : memref<!tpu.dma_semaphore, #tpu.memory_space<semaphore_mem>>)
      %dma_wait3A_342 = arith.constant 0 : i32
      %dma_wait3A_343 = tpu.memref_slice %arg15[%add3A_291, %dma_wait3A_342] : memref<10240x64xf32, #tpu.memory_space<vmem_shared>> -> memref<128x64xf32, #tpu.memory_space<vmem_shared>>
      %dma_wait3A_344 = arith.constant 0 : i32
      %dma_wait3A_345 = tpu.memref_slice %arg15[%add3A_291, %dma_wait3A_344] : memref<10240x64xf32, #tpu.memory_space<vmem_shared>> -> memref<128x64xf32, #tpu.memory_space<vmem_shared>>
      tpu.wait_dma2 semaphore(%run_scoped3A : memref<!tpu.dma_semaphore, #tpu.memory_space<semaphore_mem>>) src(%dma_wait3A_345 : memref<128x64xf32, #tpu.memory_space<vmem_shared>>) dst(%arg20 : memref<128x64xf32, #tpu.memory_space<vmem>>)
      tpu.yield
    }) : () -> ()
    %add3A_292 = arith.constant 256 : i32
    %add3A_293 = arith.addi %add3A_9, %add3A_292 : i32
    %dma_start3A_294 = arith.constant 0 : i32
    %dma_start3A_295 = tpu.memref_slice %arg14[%add3A_293, %dma_start3A_294] : memref<20480x64xf32, #tpu.memory_space<hbm>> -> memref<128x64xf32, #tpu.memory_space<hbm>>
    %dma_start3A_296 = arith.constant 0 : i32
    %dma_start3A_297 = tpu.memref_slice %arg14[%add3A_293, %dma_start3A_296] : memref<20480x64xf32, #tpu.memory_space<hbm>> -> memref<128x64xf32, #tpu.memory_space<hbm>>
    tpu.enqueue_dma source(%arg20 : memref<128x64xf32, #tpu.memory_space<vmem>>) target(%dma_start3A_297 : memref<128x64xf32, #tpu.memory_space<hbm>>) target_semaphore(%arg26 : memref<!tpu.dma_semaphore, #tpu.memory_space<semaphore_mem>>)
    %add3A_298 = arith.constant 128 : i32
    %add3A_299 = arith.addi %add3A_9, %add3A_298 : i32
    %dma_wait3A_300 = arith.constant 0 : i32
    %dma_wait3A_301 = tpu.memref_slice %arg14[%add3A_299, %dma_wait3A_300] : memref<20480x64xf32, #tpu.memory_space<hbm>> -> memref<128x64xf32, #tpu.memory_space<hbm>>
    %dma_wait3A_302 = arith.constant 0 : i32
    %dma_wait3A_303 = tpu.memref_slice %arg14[%add3A_299, %dma_wait3A_302] : memref<20480x64xf32, #tpu.memory_space<hbm>> -> memref<128x64xf32, #tpu.memory_space<hbm>>
    tpu.wait_dma2 semaphore(%arg27 : memref<!tpu.dma_semaphore, #tpu.memory_space<semaphore_mem>>) src(%arg21 : memref<128x64xf32, #tpu.memory_space<vmem>>) dst(%dma_wait3A_303 : memref<128x64xf32, #tpu.memory_space<hbm>>)
    %add3A_304 = arith.constant 384 : i32
    %add3A_305 = arith.addi %mul3A_4, %add3A_304 : i32
    "tpu.region"() ({
      %run_scoped3A = tpu.sem_alloc : memref<!tpu.dma_semaphore, #tpu.memory_space<semaphore_mem>>
      %dma_start3A_338 = arith.constant 0 : i32
      %dma_start3A_339 = tpu.memref_slice %arg15[%add3A_305, %dma_start3A_338] : memref<10240x64xf32, #tpu.memory_space<vmem_shared>> -> memref<128x64xf32, #tpu.memory_space<vmem_shared>>
      %dma_start3A_340 = arith.constant 0 : i32
      %dma_start3A_341 = tpu.memref_slice %arg15[%add3A_305, %dma_start3A_340] : memref<10240x64xf32, #tpu.memory_space<vmem_shared>> -> memref<128x64xf32, #tpu.memory_space<vmem_shared>>
      tpu.enqueue_dma source(%dma_start3A_341 : memref<128x64xf32, #tpu.memory_space<vmem_shared>>) target(%arg21 : memref<128x64xf32, #tpu.memory_space<vmem>>) target_semaphore(%run_scoped3A : memref<!tpu.dma_semaphore, #tpu.memory_space<semaphore_mem>>)
      %dma_wait3A_342 = arith.constant 0 : i32
      %dma_wait3A_343 = tpu.memref_slice %arg15[%add3A_305, %dma_wait3A_342] : memref<10240x64xf32, #tpu.memory_space<vmem_shared>> -> memref<128x64xf32, #tpu.memory_space<vmem_shared>>
      %dma_wait3A_344 = arith.constant 0 : i32
      %dma_wait3A_345 = tpu.memref_slice %arg15[%add3A_305, %dma_wait3A_344] : memref<10240x64xf32, #tpu.memory_space<vmem_shared>> -> memref<128x64xf32, #tpu.memory_space<vmem_shared>>
      tpu.wait_dma2 semaphore(%run_scoped3A : memref<!tpu.dma_semaphore, #tpu.memory_space<semaphore_mem>>) src(%dma_wait3A_345 : memref<128x64xf32, #tpu.memory_space<vmem_shared>>) dst(%arg21 : memref<128x64xf32, #tpu.memory_space<vmem>>)
      tpu.yield
    }) : () -> ()
    %add3A_306 = arith.constant 384 : i32
    %add3A_307 = arith.addi %add3A_9, %add3A_306 : i32
    %dma_start3A_308 = arith.constant 0 : i32
    %dma_start3A_309 = tpu.memref_slice %arg14[%add3A_307, %dma_start3A_308] : memref<20480x64xf32, #tpu.memory_space<hbm>> -> memref<128x64xf32, #tpu.memory_space<hbm>>
    %dma_start3A_310 = arith.constant 0 : i32
    %dma_start3A_311 = tpu.memref_slice %arg14[%add3A_307, %dma_start3A_310] : memref<20480x64xf32, #tpu.memory_space<hbm>> -> memref<128x64xf32, #tpu.memory_space<hbm>>
    tpu.enqueue_dma source(%arg21 : memref<128x64xf32, #tpu.memory_space<vmem>>) target(%dma_start3A_311 : memref<128x64xf32, #tpu.memory_space<hbm>>) target_semaphore(%arg27 : memref<!tpu.dma_semaphore, #tpu.memory_space<semaphore_mem>>)
    %add3A_312 = arith.constant 256 : i32
    %add3A_313 = arith.addi %add3A_9, %add3A_312 : i32
    %dma_wait3A_314 = arith.constant 0 : i32
    %dma_wait3A_315 = tpu.memref_slice %arg14[%add3A_313, %dma_wait3A_314] : memref<20480x64xf32, #tpu.memory_space<hbm>> -> memref<128x64xf32, #tpu.memory_space<hbm>>
    %dma_wait3A_316 = arith.constant 0 : i32
    %dma_wait3A_317 = tpu.memref_slice %arg14[%add3A_313, %dma_wait3A_316] : memref<20480x64xf32, #tpu.memory_space<hbm>> -> memref<128x64xf32, #tpu.memory_space<hbm>>
    tpu.wait_dma2 semaphore(%arg26 : memref<!tpu.dma_semaphore, #tpu.memory_space<semaphore_mem>>) src(%arg20 : memref<128x64xf32, #tpu.memory_space<vmem>>) dst(%dma_wait3A_317 : memref<128x64xf32, #tpu.memory_space<hbm>>)
    %add3A_318 = arith.constant 512 : i32
    %add3A_319 = arith.addi %mul3A_4, %add3A_318 : i32
    "tpu.region"() ({
      %run_scoped3A = tpu.sem_alloc : memref<!tpu.dma_semaphore, #tpu.memory_space<semaphore_mem>>
      %dma_start3A_338 = arith.constant 0 : i32
      %dma_start3A_339 = tpu.memref_slice %arg15[%add3A_319, %dma_start3A_338] : memref<10240x64xf32, #tpu.memory_space<vmem_shared>> -> memref<128x64xf32, #tpu.memory_space<vmem_shared>>
      %dma_start3A_340 = arith.constant 0 : i32
      %dma_start3A_341 = tpu.memref_slice %arg15[%add3A_319, %dma_start3A_340] : memref<10240x64xf32, #tpu.memory_space<vmem_shared>> -> memref<128x64xf32, #tpu.memory_space<vmem_shared>>
      tpu.enqueue_dma source(%dma_start3A_341 : memref<128x64xf32, #tpu.memory_space<vmem_shared>>) target(%arg20 : memref<128x64xf32, #tpu.memory_space<vmem>>) target_semaphore(%run_scoped3A : memref<!tpu.dma_semaphore, #tpu.memory_space<semaphore_mem>>)
      %dma_wait3A_342 = arith.constant 0 : i32
      %dma_wait3A_343 = tpu.memref_slice %arg15[%add3A_319, %dma_wait3A_342] : memref<10240x64xf32, #tpu.memory_space<vmem_shared>> -> memref<128x64xf32, #tpu.memory_space<vmem_shared>>
      %dma_wait3A_344 = arith.constant 0 : i32
      %dma_wait3A_345 = tpu.memref_slice %arg15[%add3A_319, %dma_wait3A_344] : memref<10240x64xf32, #tpu.memory_space<vmem_shared>> -> memref<128x64xf32, #tpu.memory_space<vmem_shared>>
      tpu.wait_dma2 semaphore(%run_scoped3A : memref<!tpu.dma_semaphore, #tpu.memory_space<semaphore_mem>>) src(%dma_wait3A_345 : memref<128x64xf32, #tpu.memory_space<vmem_shared>>) dst(%arg20 : memref<128x64xf32, #tpu.memory_space<vmem>>)
      tpu.yield
    }) : () -> ()
    %add3A_320 = arith.constant 512 : i32
    %add3A_321 = arith.addi %add3A_9, %add3A_320 : i32
    %dma_start3A_322 = arith.constant 0 : i32
    %dma_start3A_323 = tpu.memref_slice %arg14[%add3A_321, %dma_start3A_322] : memref<20480x64xf32, #tpu.memory_space<hbm>> -> memref<128x64xf32, #tpu.memory_space<hbm>>
    %dma_start3A_324 = arith.constant 0 : i32
    %dma_start3A_325 = tpu.memref_slice %arg14[%add3A_321, %dma_start3A_324] : memref<20480x64xf32, #tpu.memory_space<hbm>> -> memref<128x64xf32, #tpu.memory_space<hbm>>
    tpu.enqueue_dma source(%arg20 : memref<128x64xf32, #tpu.memory_space<vmem>>) target(%dma_start3A_325 : memref<128x64xf32, #tpu.memory_space<hbm>>) target_semaphore(%arg26 : memref<!tpu.dma_semaphore, #tpu.memory_space<semaphore_mem>>)
    %add3A_326 = arith.constant 384 : i32
    %add3A_327 = arith.addi %add3A_9, %add3A_326 : i32
    %dma_wait3A_328 = arith.constant 0 : i32
    %dma_wait3A_329 = tpu.memref_slice %arg14[%add3A_327, %dma_wait3A_328] : memref<20480x64xf32, #tpu.memory_space<hbm>> -> memref<128x64xf32, #tpu.memory_space<hbm>>
    %dma_wait3A_330 = arith.constant 0 : i32
    %dma_wait3A_331 = tpu.memref_slice %arg14[%add3A_327, %dma_wait3A_330] : memref<20480x64xf32, #tpu.memory_space<hbm>> -> memref<128x64xf32, #tpu.memory_space<hbm>>
    tpu.wait_dma2 semaphore(%arg27 : memref<!tpu.dma_semaphore, #tpu.memory_space<semaphore_mem>>) src(%arg21 : memref<128x64xf32, #tpu.memory_space<vmem>>) dst(%dma_wait3A_331 : memref<128x64xf32, #tpu.memory_space<hbm>>)
    %add3A_332 = arith.constant 512 : i32
    %add3A_333 = arith.addi %add3A_9, %add3A_332 : i32
    %dma_wait3A_334 = arith.constant 0 : i32
    %dma_wait3A_335 = tpu.memref_slice %arg14[%add3A_333, %dma_wait3A_334] : memref<20480x64xf32, #tpu.memory_space<hbm>> -> memref<128x64xf32, #tpu.memory_space<hbm>>
    %dma_wait3A_336 = arith.constant 0 : i32
    %dma_wait3A_337 = tpu.memref_slice %arg14[%add3A_333, %dma_wait3A_336] : memref<20480x64xf32, #tpu.memory_space<hbm>> -> memref<128x64xf32, #tpu.memory_space<hbm>>
    tpu.wait_dma2 semaphore(%arg26 : memref<!tpu.dma_semaphore, #tpu.memory_space<semaphore_mem>>) src(%arg20 : memref<128x64xf32, #tpu.memory_space<vmem>>) dst(%dma_wait3A_337 : memref<128x64xf32, #tpu.memory_space<hbm>>)
    return
  }
}

module attributes {stable_mosaic.version = 14 : i64} {
  func.func @_mm3_body(%arg0: i32, %arg1: memref<1280x128xf32, #tpu.memory_space<vmem>>, %arg2: memref<1280x128xf32, #tpu.memory_space<vmem>>, %arg3: memref<128x128xf32, #tpu.memory_space<vmem>>, %arg4: memref<128x128xf32, #tpu.memory_space<vmem>>, %arg5: memref<128x128xf32, #tpu.memory_space<vmem>>, %arg6: memref<1280x128xf32, #tpu.memory_space<vmem>>, %arg7: memref<1280x128xf32, #tpu.memory_space<vmem>>, %arg8: memref<1280x128xf32, #tpu.memory_space<vmem>>) attributes {dimension_semantics = [#tpu.dimension_semantics<arbitrary>], iteration_bounds = array<i64: 8>, scalar_prefetch = 0 : i64, scratch_operands = 0 : i64, tpu.core_type = #tpu.core_type<tc>, window_params = [{transform_indices = @transform_0, window_bounds = array<i64: 1280, 128>}, {transform_indices = @transform_1, window_bounds = array<i64: 1280, 128>}, {pipeline_mode = #tpu.pipeline_mode<synchronous>, transform_indices = @transform_2, window_bounds = array<i64: 128, 128>}, {pipeline_mode = #tpu.pipeline_mode<synchronous>, transform_indices = @transform_3, window_bounds = array<i64: 128, 128>}, {pipeline_mode = #tpu.pipeline_mode<synchronous>, transform_indices = @transform_4, window_bounds = array<i64: 128, 128>}, {transform_indices = @transform_5, window_bounds = array<i64: 1280, 128>}, {transform_indices = @transform_6, window_bounds = array<i64: 1280, 128>}, {transform_indices = @transform_7, window_bounds = array<i64: 1280, 128>}]} {
    %get3A = arith.constant 0 : index
    %get3A_0 = arith.constant 0 : index
    %get3A_1 = vector.load %arg1[%get3A, %get3A_0] : memref<1280x128xf32, #tpu.memory_space<vmem>>, vector<1280x128xf32>
    %get3A_2 = arith.constant 0 : index
    %get3A_3 = arith.constant 0 : index
    %get3A_4 = vector.load %arg3[%get3A_2, %get3A_3] : memref<128x128xf32, #tpu.memory_space<vmem>>, vector<128x128xf32>
    %dot_general3A = arith.constant dense<0.000000e+00> : vector<1280x128xf32>
    %dot_general3A_5 = tpu.matmul %get3A_1, %get3A_4, %dot_general3A {dimension_numbers = #tpu.dot_dimension_numbers<[1], [0], [0], [1], [0, 0, 1, 1], [], []>, precision = #tpu.contract_precision<fp32>, transpose_lhs_hint = false} : vector<1280x128xf32>, vector<128x128xf32>, vector<1280x128xf32> -> vector<1280x128xf32>
    %swap3A = arith.constant 0 : index
    %swap3A_6 = arith.constant 0 : index
    %swap3A_7 = vector.load %arg6[%swap3A, %swap3A_6] : memref<1280x128xf32, #tpu.memory_space<vmem>>, vector<1280x128xf32>
    tpu.vector_store %arg6[%swap3A, %swap3A_6], %dot_general3A_5 {strides = array<i32>} : memref<1280x128xf32, #tpu.memory_space<vmem>>, vector<1280x128xf32>,
    %get3A_8 = arith.constant 0 : index
    %get3A_9 = arith.constant 0 : index
    %get3A_10 = vector.load %arg4[%get3A_8, %get3A_9] : memref<128x128xf32, #tpu.memory_space<vmem>>, vector<128x128xf32>
    %dot_general3A_11 = arith.constant dense<0.000000e+00> : vector<1280x128xf32>
    %dot_general3A_12 = tpu.matmul %get3A_1, %get3A_10, %dot_general3A_11 {dimension_numbers = #tpu.dot_dimension_numbers<[1], [0], [0], [1], [0, 0, 1, 1], [], []>, precision = #tpu.contract_precision<fp32>, transpose_lhs_hint = false} : vector<1280x128xf32>, vector<128x128xf32>, vector<1280x128xf32> -> vector<1280x128xf32>
    %swap3A_13 = arith.constant 0 : index
    %swap3A_14 = arith.constant 0 : index
    %swap3A_15 = vector.load %arg7[%swap3A_13, %swap3A_14] : memref<1280x128xf32, #tpu.memory_space<vmem>>, vector<1280x128xf32>
    tpu.vector_store %arg7[%swap3A_13, %swap3A_14], %dot_general3A_12 {strides = array<i32>} : memref<1280x128xf32, #tpu.memory_space<vmem>>, vector<1280x128xf32>,
    %get3A_16 = arith.constant 0 : index
    %get3A_17 = arith.constant 0 : index
    %get3A_18 = vector.load %arg2[%get3A_16, %get3A_17] : memref<1280x128xf32, #tpu.memory_space<vmem>>, vector<1280x128xf32>
    %get3A_19 = arith.constant 0 : index
    %get3A_20 = arith.constant 0 : index
    %get3A_21 = vector.load %arg5[%get3A_19, %get3A_20] : memref<128x128xf32, #tpu.memory_space<vmem>>, vector<128x128xf32>
    %dot_general3A_22 = arith.constant dense<0.000000e+00> : vector<1280x128xf32>
    %dot_general3A_23 = tpu.matmul %get3A_18, %get3A_21, %dot_general3A_22 {dimension_numbers = #tpu.dot_dimension_numbers<[1], [0], [0], [1], [0, 0, 1, 1], [], []>, precision = #tpu.contract_precision<fp32>, transpose_lhs_hint = false} : vector<1280x128xf32>, vector<128x128xf32>, vector<1280x128xf32> -> vector<1280x128xf32>
    %swap3A_24 = arith.constant 0 : index
    %swap3A_25 = arith.constant 0 : index
    %swap3A_26 = vector.load %arg8[%swap3A_24, %swap3A_25] : memref<1280x128xf32, #tpu.memory_space<vmem>>, vector<1280x128xf32>
    tpu.vector_store %arg8[%swap3A_24, %swap3A_25], %dot_general3A_23 {strides = array<i32>} : memref<1280x128xf32, #tpu.memory_space<vmem>>, vector<1280x128xf32>,
    return
  }
  func.func @transform_0(%arg0: i32) -> (i32, i32) {
    %c0_i32 = arith.constant 0 : i32
    %c0_i32_0 = arith.constant 0 : i32
    return %arg0, %c0_i32 : i32, i32
  }
  func.func @transform_1(%arg0: i32) -> (i32, i32) {
    %c0_i32 = arith.constant 0 : i32
    %c0_i32_0 = arith.constant 0 : i32
    return %arg0, %c0_i32 : i32, i32
  }
  func.func @transform_2(%arg0: i32) -> (i32, i32) {
    %c0_i32 = arith.constant 0 : i32
    %c0_i32_0 = arith.constant 0 : i32
    %c0_i32_1 = arith.constant 0 : i32
    return %c0_i32, %c0_i32_0 : i32, i32
  }
  func.func @transform_3(%arg0: i32) -> (i32, i32) {
    %c0_i32 = arith.constant 0 : i32
    %c0_i32_0 = arith.constant 0 : i32
    %c0_i32_1 = arith.constant 0 : i32
    return %c0_i32, %c0_i32_0 : i32, i32
  }
  func.func @transform_4(%arg0: i32) -> (i32, i32) {
    %c0_i32 = arith.constant 0 : i32
    %c0_i32_0 = arith.constant 0 : i32
    %c0_i32_1 = arith.constant 0 : i32
    return %c0_i32, %c0_i32_0 : i32, i32
  }
  func.func @transform_5(%arg0: i32) -> (i32, i32) {
    %c0_i32 = arith.constant 0 : i32
    %c0_i32_0 = arith.constant 0 : i32
    return %arg0, %c0_i32 : i32, i32
  }
  func.func @transform_6(%arg0: i32) -> (i32, i32) {
    %c0_i32 = arith.constant 0 : i32
    %c0_i32_0 = arith.constant 0 : i32
    return %arg0, %c0_i32 : i32, i32
  }
  func.func @transform_7(%arg0: i32) -> (i32, i32) {
    %c0_i32 = arith.constant 0 : i32
    %c0_i32_0 = arith.constant 0 : i32
    return %arg0, %c0_i32 : i32, i32
  }
}

module attributes {stable_mosaic.version = 14 : i64} {
  func.func @_comb1_body(%arg0: i32, %arg1: memref<2x1280x128xf32, #tpu.memory_space<vmem>>, %arg2: memref<2x1280x128xf32, #tpu.memory_space<vmem>>, %arg3: memref<2x1280x128xf32, #tpu.memory_space<vmem>>, %arg4: memref<2x1280x8xf32, #tpu.memory_space<vmem>>, %arg5: memref<2x1280x8xf32, #tpu.memory_space<vmem>>, %arg6: memref<2x1280x8xf32, #tpu.memory_space<vmem>>, %arg7: memref<1x128xf32, #tpu.memory_space<vmem>>, %arg8: memref<1x128xf32, #tpu.memory_space<vmem>>, %arg9: memref<1x128xf32, #tpu.memory_space<vmem>>, %arg10: memref<128x64xf32, #tpu.memory_space<vmem>>, %arg11: memref<128x64xf32, #tpu.memory_space<vmem>>, %arg12: memref<128x64xf32, #tpu.memory_space<vmem>>, %arg13: memref<1280x64xf32, #tpu.memory_space<vmem>>, %arg14: memref<1280x64xf32, #tpu.memory_space<vmem>>, %arg15: memref<1280x64xf32, #tpu.memory_space<vmem>>) attributes {dimension_semantics = [#tpu.dimension_semantics<arbitrary>], iteration_bounds = array<i64: 8>, scalar_prefetch = 0 : i64, scratch_operands = 0 : i64, tpu.core_type = #tpu.core_type<tc>, window_params = [{transform_indices = @transform_0, window_bounds = array<i64: 2, 1280, 128>}, {transform_indices = @transform_1, window_bounds = array<i64: 2, 1280, 128>}, {transform_indices = @transform_2, window_bounds = array<i64: 2, 1280, 128>}, {transform_indices = @transform_3, window_bounds = array<i64: 2, 1280, 8>}, {transform_indices = @transform_4, window_bounds = array<i64: 2, 1280, 8>}, {transform_indices = @transform_5, window_bounds = array<i64: 2, 1280, 8>}, {pipeline_mode = #tpu.pipeline_mode<synchronous>, transform_indices = @transform_6, window_bounds = array<i64: 1, 128>}, {pipeline_mode = #tpu.pipeline_mode<synchronous>, transform_indices = @transform_7, window_bounds = array<i64: 1, 128>}, {pipeline_mode = #tpu.pipeline_mode<synchronous>, transform_indices = @transform_8, window_bounds = array<i64: 1, 128>}, {pipeline_mode = #tpu.pipeline_mode<synchronous>, transform_indices = @transform_9, window_bounds = array<i64: 128, 64>}, {pipeline_mode = #tpu.pipeline_mode<synchronous>, transform_indices = @transform_10, window_bounds = array<i64: 128, 64>}, {pipeline_mode = #tpu.pipeline_mode<synchronous>, transform_indices = @transform_11, window_bounds = array<i64: 128, 64>}, {transform_indices = @transform_12, window_bounds = array<i64: 1280, 64>}, {transform_indices = @transform_13, window_bounds = array<i64: 1280, 64>}, {transform_indices = @transform_14, window_bounds = array<i64: 1280, 64>}]} {
    %get3A = arith.constant 0 : index
    %get3A_0 = arith.constant 0 : index
    %get3A_1 = arith.constant 0 : index
    %get3A_2 = vector.load %arg1[%get3A, %get3A_0, %get3A_1] : memref<2x1280x128xf32, #tpu.memory_space<vmem>>, vector<1x1280x128xf32>
    %get3A_3 = vector.shape_cast %get3A_2 : vector<1x1280x128xf32> to vector<1280x128xf32>
    %get3A_4 = arith.constant 1 : index
    %get3A_5 = arith.constant 0 : index
    %get3A_6 = arith.constant 0 : index
    %get3A_7 = vector.load %arg1[%get3A_4, %get3A_5, %get3A_6] : memref<2x1280x128xf32, #tpu.memory_space<vmem>>, vector<1x1280x128xf32>
    %get3A_8 = vector.shape_cast %get3A_7 : vector<1x1280x128xf32> to vector<1280x128xf32>
    %add3A = arith.addf %get3A_3, %get3A_8 : vector<1280x128xf32>
    %get3A_9 = arith.constant 0 : index
    %get3A_10 = arith.constant 0 : index
    %get3A_11 = arith.constant 0 : index
    %get3A_12 = vector.load %arg4[%get3A_9, %get3A_10, %get3A_11] : memref<2x1280x8xf32, #tpu.memory_space<vmem>>, vector<1x1280x8xf32>
    %get3A_13 = vector.shape_cast %get3A_12 : vector<1x1280x8xf32> to vector<1280x8xf32>
    %slice3A = vector.extract_strided_slice %get3A_13 {offsets = [0, 0], sizes = [1280, 1], strides = [1, 1]} : vector<1280x8xf32> to vector<1280x1xf32>
    %get3A_14 = arith.constant 1 : index
    %get3A_15 = arith.constant 0 : index
    %get3A_16 = arith.constant 0 : index
    %get3A_17 = vector.load %arg4[%get3A_14, %get3A_15, %get3A_16] : memref<2x1280x8xf32, #tpu.memory_space<vmem>>, vector<1x1280x8xf32>
    %get3A_18 = vector.shape_cast %get3A_17 : vector<1x1280x8xf32> to vector<1280x8xf32>
    %slice3A_19 = vector.extract_strided_slice %get3A_18 {offsets = [0, 0], sizes = [1280, 1], strides = [1, 1]} : vector<1280x8xf32> to vector<1280x1xf32>
    %add3A_20 = arith.addf %slice3A, %slice3A_19 : vector<1280x1xf32>
    %gt3A = arith.constant 0.000000e+00 : f32
    %gt3A_21 = vector.broadcast %gt3A : f32 to vector<1280x1xf32>
    %gt3A_22 = arith.cmpf ogt, %add3A_20, %gt3A_21 : vector<1280x1xf32>
    %max3A = arith.constant 1.000000e+00 : f32
    %max3A_23 = vector.broadcast %max3A : f32 to vector<1280x1xf32>
    %max3A_24 = arith.maximumf %add3A_20, %max3A_23 : vector<1280x1xf32>
    %div3A = vector.broadcast %max3A_24 : vector<1280x1xf32> to vector<1280x128xf32>
    %div3A_25 = arith.divf %add3A, %div3A : vector<1280x128xf32>
    %get3A_26 = arith.constant 0 : index
    %get3A_27 = arith.constant 0 : index
    %get3A_28 = vector.load %arg7[%get3A_26, %get3A_27] : memref<1x128xf32, #tpu.memory_space<vmem>>, vector<1x128xf32>
    %add3A_29 = vector.broadcast %get3A_28 : vector<1x128xf32> to vector<1280x128xf32>
    %add3A_30 = arith.addf %div3A_25, %add3A_29 : vector<1280x128xf32>
    %jit3A = arith.constant 0.000000e+00 : f32
    %broadcast_in_dim3A = vector.shape_cast %gt3A_22 : vector<1280x1xi1> to vector<1280x1xi1>
    %broadcast_in_dim3A_31 = vector.broadcast %broadcast_in_dim3A : vector<1280x1xi1> to vector<1280x128xi1>
    %broadcast_in_dim3A_32 = vector.broadcast %jit3A : f32 to vector<1280x128xf32>
    %select_n3A = arith.select %broadcast_in_dim3A_31, %add3A_30, %broadcast_in_dim3A_32 : vector<1280x128xi1>, vector<1280x128xf32>
    %get3A_33 = arith.constant 0 : index
    %get3A_34 = arith.constant 0 : index
    %get3A_35 = arith.constant 0 : index
    %get3A_36 = vector.load %arg2[%get3A_33, %get3A_34, %get3A_35] : memref<2x1280x128xf32, #tpu.memory_space<vmem>>, vector<1x1280x128xf32>
    %get3A_37 = vector.shape_cast %get3A_36 : vector<1x1280x128xf32> to vector<1280x128xf32>
    %get3A_38 = arith.constant 1 : index
    %get3A_39 = arith.constant 0 : index
    %get3A_40 = arith.constant 0 : index
    %get3A_41 = vector.load %arg2[%get3A_38, %get3A_39, %get3A_40] : memref<2x1280x128xf32, #tpu.memory_space<vmem>>, vector<1x1280x128xf32>
    %get3A_42 = vector.shape_cast %get3A_41 : vector<1x1280x128xf32> to vector<1280x128xf32>
    %add3A_43 = arith.addf %get3A_37, %get3A_42 : vector<1280x128xf32>
    %get3A_44 = arith.constant 0 : index
    %get3A_45 = arith.constant 0 : index
    %get3A_46 = arith.constant 0 : index
    %get3A_47 = vector.load %arg5[%get3A_44, %get3A_45, %get3A_46] : memref<2x1280x8xf32, #tpu.memory_space<vmem>>, vector<1x1280x8xf32>
    %get3A_48 = vector.shape_cast %get3A_47 : vector<1x1280x8xf32> to vector<1280x8xf32>
    %slice3A_49 = vector.extract_strided_slice %get3A_48 {offsets = [0, 0], sizes = [1280, 1], strides = [1, 1]} : vector<1280x8xf32> to vector<1280x1xf32>
    %get3A_50 = arith.constant 1 : index
    %get3A_51 = arith.constant 0 : index
    %get3A_52 = arith.constant 0 : index
    %get3A_53 = vector.load %arg5[%get3A_50, %get3A_51, %get3A_52] : memref<2x1280x8xf32, #tpu.memory_space<vmem>>, vector<1x1280x8xf32>
    %get3A_54 = vector.shape_cast %get3A_53 : vector<1x1280x8xf32> to vector<1280x8xf32>
    %slice3A_55 = vector.extract_strided_slice %get3A_54 {offsets = [0, 0], sizes = [1280, 1], strides = [1, 1]} : vector<1280x8xf32> to vector<1280x1xf32>
    %add3A_56 = arith.addf %slice3A_49, %slice3A_55 : vector<1280x1xf32>
    %gt3A_57 = arith.constant 0.000000e+00 : f32
    %gt3A_58 = vector.broadcast %gt3A_57 : f32 to vector<1280x1xf32>
    %gt3A_59 = arith.cmpf ogt, %add3A_56, %gt3A_58 : vector<1280x1xf32>
    %max3A_60 = arith.constant 1.000000e+00 : f32
    %max3A_61 = vector.broadcast %max3A_60 : f32 to vector<1280x1xf32>
    %max3A_62 = arith.maximumf %add3A_56, %max3A_61 : vector<1280x1xf32>
    %div3A_63 = vector.broadcast %max3A_62 : vector<1280x1xf32> to vector<1280x128xf32>
    %div3A_64 = arith.divf %add3A_43, %div3A_63 : vector<1280x128xf32>
    %get3A_65 = arith.constant 0 : index
    %get3A_66 = arith.constant 0 : index
    %get3A_67 = vector.load %arg8[%get3A_65, %get3A_66] : memref<1x128xf32, #tpu.memory_space<vmem>>, vector<1x128xf32>
    %add3A_68 = vector.broadcast %get3A_67 : vector<1x128xf32> to vector<1280x128xf32>
    %add3A_69 = arith.addf %div3A_64, %add3A_68 : vector<1280x128xf32>
    %jit3A_70 = arith.constant 0.000000e+00 : f32
    %broadcast_in_dim3A_71 = vector.shape_cast %gt3A_59 : vector<1280x1xi1> to vector<1280x1xi1>
    %broadcast_in_dim3A_72 = vector.broadcast %broadcast_in_dim3A_71 : vector<1280x1xi1> to vector<1280x128xi1>
    %broadcast_in_dim3A_73 = vector.broadcast %jit3A_70 : f32 to vector<1280x128xf32>
    %select_n3A_74 = arith.select %broadcast_in_dim3A_72, %add3A_69, %broadcast_in_dim3A_73 : vector<1280x128xi1>, vector<1280x128xf32>
    %add3A_75 = arith.addf %select_n3A, %select_n3A_74 : vector<1280x128xf32>
    %ge3A = arith.constant 0.000000e+00 : f32
    %ge3A_76 = vector.broadcast %ge3A : f32 to vector<1280x128xf32>
    %ge3A_77 = arith.cmpf oge, %add3A_75, %ge3A_76 : vector<1280x128xf32>
    %mul3A = arith.constant 0.00999999977 : f32
    %mul3A_78 = vector.broadcast %mul3A : f32 to vector<1280x128xf32>
    %mul3A_79 = arith.mulf %mul3A_78, %add3A_75 : vector<1280x128xf32>
    %select_n3A_80 = arith.select %ge3A_77, %add3A_75, %mul3A_79 : vector<1280x128xi1>, vector<1280x128xf32>
    %get3A_81 = arith.constant 0 : index
    %get3A_82 = arith.constant 0 : index
    %get3A_83 = arith.constant 0 : index
    %get3A_84 = vector.load %arg3[%get3A_81, %get3A_82, %get3A_83] : memref<2x1280x128xf32, #tpu.memory_space<vmem>>, vector<1x1280x128xf32>
    %get3A_85 = vector.shape_cast %get3A_84 : vector<1x1280x128xf32> to vector<1280x128xf32>
    %get3A_86 = arith.constant 1 : index
    %get3A_87 = arith.constant 0 : index
    %get3A_88 = arith.constant 0 : index
    %get3A_89 = vector.load %arg3[%get3A_86, %get3A_87, %get3A_88] : memref<2x1280x128xf32, #tpu.memory_space<vmem>>, vector<1x1280x128xf32>
    %get3A_90 = vector.shape_cast %get3A_89 : vector<1x1280x128xf32> to vector<1280x128xf32>
    %add3A_91 = arith.addf %get3A_85, %get3A_90 : vector<1280x128xf32>
    %get3A_92 = arith.constant 0 : index
    %get3A_93 = arith.constant 0 : index
    %get3A_94 = arith.constant 0 : index
    %get3A_95 = vector.load %arg6[%get3A_92, %get3A_93, %get3A_94] : memref<2x1280x8xf32, #tpu.memory_space<vmem>>, vector<1x1280x8xf32>
    %get3A_96 = vector.shape_cast %get3A_95 : vector<1x1280x8xf32> to vector<1280x8xf32>
    %slice3A_97 = vector.extract_strided_slice %get3A_96 {offsets = [0, 0], sizes = [1280, 1], strides = [1, 1]} : vector<1280x8xf32> to vector<1280x1xf32>
    %get3A_98 = arith.constant 1 : index
    %get3A_99 = arith.constant 0 : index
    %get3A_100 = arith.constant 0 : index
    %get3A_101 = vector.load %arg6[%get3A_98, %get3A_99, %get3A_100] : memref<2x1280x8xf32, #tpu.memory_space<vmem>>, vector<1x1280x8xf32>
    %get3A_102 = vector.shape_cast %get3A_101 : vector<1x1280x8xf32> to vector<1280x8xf32>
    %slice3A_103 = vector.extract_strided_slice %get3A_102 {offsets = [0, 0], sizes = [1280, 1], strides = [1, 1]} : vector<1280x8xf32> to vector<1280x1xf32>
    %add3A_104 = arith.addf %slice3A_97, %slice3A_103 : vector<1280x1xf32>
    %gt3A_105 = arith.constant 0.000000e+00 : f32
    %gt3A_106 = vector.broadcast %gt3A_105 : f32 to vector<1280x1xf32>
    %gt3A_107 = arith.cmpf ogt, %add3A_104, %gt3A_106 : vector<1280x1xf32>
    %max3A_108 = arith.constant 1.000000e+00 : f32
    %max3A_109 = vector.broadcast %max3A_108 : f32 to vector<1280x1xf32>
    %max3A_110 = arith.maximumf %add3A_104, %max3A_109 : vector<1280x1xf32>
    %div3A_111 = vector.broadcast %max3A_110 : vector<1280x1xf32> to vector<1280x128xf32>
    %div3A_112 = arith.divf %add3A_91, %div3A_111 : vector<1280x128xf32>
    %get3A_113 = arith.constant 0 : index
    %get3A_114 = arith.constant 0 : index
    %get3A_115 = vector.load %arg9[%get3A_113, %get3A_114] : memref<1x128xf32, #tpu.memory_space<vmem>>, vector<1x128xf32>
    %add3A_116 = vector.broadcast %get3A_115 : vector<1x128xf32> to vector<1280x128xf32>
    %add3A_117 = arith.addf %div3A_112, %add3A_116 : vector<1280x128xf32>
    %jit3A_118 = arith.constant 0.000000e+00 : f32
    %broadcast_in_dim3A_119 = vector.shape_cast %gt3A_107 : vector<1280x1xi1> to vector<1280x1xi1>
    %broadcast_in_dim3A_120 = vector.broadcast %broadcast_in_dim3A_119 : vector<1280x1xi1> to vector<1280x128xi1>
    %broadcast_in_dim3A_121 = vector.broadcast %jit3A_118 : f32 to vector<1280x128xf32>
    %select_n3A_122 = arith.select %broadcast_in_dim3A_120, %add3A_117, %broadcast_in_dim3A_121 : vector<1280x128xi1>, vector<1280x128xf32>
    %ge3A_123 = arith.constant 0.000000e+00 : f32
    %ge3A_124 = vector.broadcast %ge3A_123 : f32 to vector<1280x128xf32>
    %ge3A_125 = arith.cmpf oge, %select_n3A_122, %ge3A_124 : vector<1280x128xf32>
    %mul3A_126 = arith.constant 0.00999999977 : f32
    %mul3A_127 = vector.broadcast %mul3A_126 : f32 to vector<1280x128xf32>
    %mul3A_128 = arith.mulf %mul3A_127, %select_n3A_122 : vector<1280x128xf32>
    %select_n3A_129 = arith.select %ge3A_125, %select_n3A_122, %mul3A_128 : vector<1280x128xi1>, vector<1280x128xf32>
    %get3A_130 = arith.constant 0 : index
    %get3A_131 = arith.constant 0 : index
    %get3A_132 = vector.load %arg10[%get3A_130, %get3A_131] : memref<128x64xf32, #tpu.memory_space<vmem>>, vector<128x64xf32>
    %dot_general3A = arith.constant dense<0.000000e+00> : vector<1280x64xf32>
    %dot_general3A_133 = tpu.matmul %select_n3A_80, %get3A_132, %dot_general3A {dimension_numbers = #tpu.dot_dimension_numbers<[1], [0], [0], [1], [0, 0, 1, 1], [], []>, precision = #tpu.contract_precision<fp32>, transpose_lhs_hint = false} : vector<1280x128xf32>, vector<128x64xf32>, vector<1280x64xf32> -> vector<1280x64xf32>
    %swap3A = arith.constant 0 : index
    %swap3A_134 = arith.constant 0 : index
    %swap3A_135 = vector.load %arg13[%swap3A, %swap3A_134] : memref<1280x64xf32, #tpu.memory_space<vmem>>, vector<1280x64xf32>
    tpu.vector_store %arg13[%swap3A, %swap3A_134], %dot_general3A_133 {strides = array<i32>} : memref<1280x64xf32, #tpu.memory_space<vmem>>, vector<1280x64xf32>,
    %get3A_136 = arith.constant 0 : index
    %get3A_137 = arith.constant 0 : index
    %get3A_138 = vector.load %arg11[%get3A_136, %get3A_137] : memref<128x64xf32, #tpu.memory_space<vmem>>, vector<128x64xf32>
    %dot_general3A_139 = arith.constant dense<0.000000e+00> : vector<1280x64xf32>
    %dot_general3A_140 = tpu.matmul %select_n3A_80, %get3A_138, %dot_general3A_139 {dimension_numbers = #tpu.dot_dimension_numbers<[1], [0], [0], [1], [0, 0, 1, 1], [], []>, precision = #tpu.contract_precision<fp32>, transpose_lhs_hint = false} : vector<1280x128xf32>, vector<128x64xf32>, vector<1280x64xf32> -> vector<1280x64xf32>
    %swap3A_141 = arith.constant 0 : index
    %swap3A_142 = arith.constant 0 : index
    %swap3A_143 = vector.load %arg14[%swap3A_141, %swap3A_142] : memref<1280x64xf32, #tpu.memory_space<vmem>>, vector<1280x64xf32>
    tpu.vector_store %arg14[%swap3A_141, %swap3A_142], %dot_general3A_140 {strides = array<i32>} : memref<1280x64xf32, #tpu.memory_space<vmem>>, vector<1280x64xf32>,
    %get3A_144 = arith.constant 0 : index
    %get3A_145 = arith.constant 0 : index
    %get3A_146 = vector.load %arg12[%get3A_144, %get3A_145] : memref<128x64xf32, #tpu.memory_space<vmem>>, vector<128x64xf32>
    %dot_general3A_147 = arith.constant dense<0.000000e+00> : vector<1280x64xf32>
    %dot_general3A_148 = tpu.matmul %select_n3A_129, %get3A_146, %dot_general3A_147 {dimension_numbers = #tpu.dot_dimension_numbers<[1], [0], [0], [1], [0, 0, 1, 1], [], []>, precision = #tpu.contract_precision<fp32>, transpose_lhs_hint = false} : vector<1280x128xf32>, vector<128x64xf32>, vector<1280x64xf32> -> vector<1280x64xf32>
    %swap3A_149 = arith.constant 0 : index
    %swap3A_150 = arith.constant 0 : index
    %swap3A_151 = vector.load %arg15[%swap3A_149, %swap3A_150] : memref<1280x64xf32, #tpu.memory_space<vmem>>, vector<1280x64xf32>
    tpu.vector_store %arg15[%swap3A_149, %swap3A_150], %dot_general3A_148 {strides = array<i32>} : memref<1280x64xf32, #tpu.memory_space<vmem>>, vector<1280x64xf32>,
    return
  }
  func.func @transform_0(%arg0: i32) -> (i32, i32, i32) {
    %c0_i32 = arith.constant 0 : i32
    %c0_i32_0 = arith.constant 0 : i32
    %c0_i32_1 = arith.constant 0 : i32
    return %c0_i32, %arg0, %c0_i32_0 : i32, i32, i32
  }
  func.func @transform_1(%arg0: i32) -> (i32, i32, i32) {
    %c0_i32 = arith.constant 0 : i32
    %c0_i32_0 = arith.constant 0 : i32
    %c0_i32_1 = arith.constant 0 : i32
    return %c0_i32, %arg0, %c0_i32_0 : i32, i32, i32
  }
  func.func @transform_2(%arg0: i32) -> (i32, i32, i32) {
    %c0_i32 = arith.constant 0 : i32
    %c0_i32_0 = arith.constant 0 : i32
    %c0_i32_1 = arith.constant 0 : i32
    return %c0_i32, %arg0, %c0_i32_0 : i32, i32, i32
  }
  func.func @transform_3(%arg0: i32) -> (i32, i32, i32) {
    %c0_i32 = arith.constant 0 : i32
    %c0_i32_0 = arith.constant 0 : i32
    %c0_i32_1 = arith.constant 0 : i32
    return %c0_i32, %arg0, %c0_i32_0 : i32, i32, i32
  }
  func.func @transform_4(%arg0: i32) -> (i32, i32, i32) {
    %c0_i32 = arith.constant 0 : i32
    %c0_i32_0 = arith.constant 0 : i32
    %c0_i32_1 = arith.constant 0 : i32
    return %c0_i32, %arg0, %c0_i32_0 : i32, i32, i32
  }
  func.func @transform_5(%arg0: i32) -> (i32, i32, i32) {
    %c0_i32 = arith.constant 0 : i32
    %c0_i32_0 = arith.constant 0 : i32
    %c0_i32_1 = arith.constant 0 : i32
    return %c0_i32, %arg0, %c0_i32_0 : i32, i32, i32
  }
  func.func @transform_6(%arg0: i32) -> (i32, i32) {
    %c0_i32 = arith.constant 0 : i32
    %c0_i32_0 = arith.constant 0 : i32
    %c0_i32_1 = arith.constant 0 : i32
    return %c0_i32, %c0_i32_0 : i32, i32
  }
  func.func @transform_7(%arg0: i32) -> (i32, i32) {
    %c0_i32 = arith.constant 0 : i32
    %c0_i32_0 = arith.constant 0 : i32
    %c0_i32_1 = arith.constant 0 : i32
    return %c0_i32, %c0_i32_0 : i32, i32
  }
  func.func @transform_8(%arg0: i32) -> (i32, i32) {
    %c0_i32 = arith.constant 0 : i32
    %c0_i32_0 = arith.constant 0 : i32
    %c0_i32_1 = arith.constant 0 : i32
    return %c0_i32, %c0_i32_0 : i32, i32
  }
  func.func @transform_9(%arg0: i32) -> (i32, i32) {
    %c0_i32 = arith.constant 0 : i32
    %c0_i32_0 = arith.constant 0 : i32
    %c0_i32_1 = arith.constant 0 : i32
    return %c0_i32, %c0_i32_0 : i32, i32
  }
  func.func @transform_10(%arg0: i32) -> (i32, i32) {
    %c0_i32 = arith.constant 0 : i32
    %c0_i32_0 = arith.constant 0 : i32
    %c0_i32_1 = arith.constant 0 : i32
    return %c0_i32, %c0_i32_0 : i32, i32
  }
  func.func @transform_11(%arg0: i32) -> (i32, i32) {
    %c0_i32 = arith.constant 0 : i32
    %c0_i32_0 = arith.constant 0 : i32
    %c0_i32_1 = arith.constant 0 : i32
    return %c0_i32, %c0_i32_0 : i32, i32
  }
  func.func @transform_12(%arg0: i32) -> (i32, i32) {
    %c0_i32 = arith.constant 0 : i32
    %c0_i32_0 = arith.constant 0 : i32
    return %arg0, %c0_i32 : i32, i32
  }
  func.func @transform_13(%arg0: i32) -> (i32, i32) {
    %c0_i32 = arith.constant 0 : i32
    %c0_i32_0 = arith.constant 0 : i32
    return %arg0, %c0_i32 : i32, i32
  }
  func.func @transform_14(%arg0: i32) -> (i32, i32) {
    %c0_i32 = arith.constant 0 : i32
    %c0_i32_0 = arith.constant 0 : i32
    return %arg0, %c0_i32 : i32, i32
  }
}

module attributes {stable_mosaic.version = 14 : i64} {
  func.func @_comb2_body(%arg0: i32, %arg1: memref<2x1000x128xf32, #tpu.memory_space<vmem>>, %arg2: memref<2x1000x128xf32, #tpu.memory_space<vmem>>, %arg3: memref<2x1000x128xf32, #tpu.memory_space<vmem>>, %arg4: memref<2x1000x16xf32, #tpu.memory_space<vmem>>, %arg5: memref<2x1000x16xf32, #tpu.memory_space<vmem>>, %arg6: memref<2x1000x16xf32, #tpu.memory_space<vmem>>, %arg7: memref<1x64xf32, #tpu.memory_space<vmem>>, %arg8: memref<1x64xf32, #tpu.memory_space<vmem>>, %arg9: memref<1x64xf32, #tpu.memory_space<vmem>>, %arg10: memref<1000x128xf32, #tpu.memory_space<vmem>>, %arg11: memref<1000x128xf32, #tpu.memory_space<vmem>>) attributes {dimension_semantics = [#tpu.dimension_semantics<arbitrary>], iteration_bounds = array<i64: 5>, scalar_prefetch = 0 : i64, scratch_operands = 0 : i64, tpu.core_type = #tpu.core_type<tc>, window_params = [{transform_indices = @transform_0, window_bounds = array<i64: 2, 1000, 128>}, {transform_indices = @transform_1, window_bounds = array<i64: 2, 1000, 128>}, {transform_indices = @transform_2, window_bounds = array<i64: 2, 1000, 128>}, {transform_indices = @transform_3, window_bounds = array<i64: 2, 1000, 16>}, {transform_indices = @transform_4, window_bounds = array<i64: 2, 1000, 16>}, {transform_indices = @transform_5, window_bounds = array<i64: 2, 1000, 16>}, {pipeline_mode = #tpu.pipeline_mode<synchronous>, transform_indices = @transform_6, window_bounds = array<i64: 1, 64>}, {pipeline_mode = #tpu.pipeline_mode<synchronous>, transform_indices = @transform_7, window_bounds = array<i64: 1, 64>}, {pipeline_mode = #tpu.pipeline_mode<synchronous>, transform_indices = @transform_8, window_bounds = array<i64: 1, 64>}, {transform_indices = @transform_9, window_bounds = array<i64: 1000, 128>}, {transform_indices = @transform_10, window_bounds = array<i64: 1000, 128>}]} {
    %get3A = arith.constant 0 : index
    %get3A_0 = arith.constant 0 : index
    %get3A_1 = arith.constant 0 : index
    %get3A_2 = vector.load %arg1[%get3A, %get3A_0, %get3A_1] : memref<2x1000x128xf32, #tpu.memory_space<vmem>>, vector<1x1000x128xf32>
    %get3A_3 = vector.shape_cast %get3A_2 : vector<1x1000x128xf32> to vector<1000x128xf32>
    %get3A_4 = arith.constant 1 : index
    %get3A_5 = arith.constant 0 : index
    %get3A_6 = arith.constant 0 : index
    %get3A_7 = vector.load %arg1[%get3A_4, %get3A_5, %get3A_6] : memref<2x1000x128xf32, #tpu.memory_space<vmem>>, vector<1x1000x128xf32>
    %get3A_8 = vector.shape_cast %get3A_7 : vector<1x1000x128xf32> to vector<1000x128xf32>
    %add3A = arith.addf %get3A_3, %get3A_8 : vector<1000x128xf32>
    %get3A_9 = arith.constant 0 : index
    %get3A_10 = arith.constant 0 : index
    %get3A_11 = arith.constant 0 : index
    %get3A_12 = vector.load %arg4[%get3A_9, %get3A_10, %get3A_11] : memref<2x1000x16xf32, #tpu.memory_space<vmem>>, vector<1x1000x16xf32>
    %get3A_13 = vector.shape_cast %get3A_12 : vector<1x1000x16xf32> to vector<1000x16xf32>
    %get3A_14 = arith.constant 1 : index
    %get3A_15 = arith.constant 0 : index
    %get3A_16 = arith.constant 0 : index
    %get3A_17 = vector.load %arg4[%get3A_14, %get3A_15, %get3A_16] : memref<2x1000x16xf32, #tpu.memory_space<vmem>>, vector<1x1000x16xf32>
    %get3A_18 = vector.shape_cast %get3A_17 : vector<1x1000x16xf32> to vector<1000x16xf32>
    %add3A_19 = arith.addf %get3A_13, %get3A_18 : vector<1000x16xf32>
    %slice3A = vector.extract_strided_slice %add3A_19 {offsets = [0, 0], sizes = [1000, 1], strides = [1, 1]} : vector<1000x16xf32> to vector<1000x1xf32>
    %slice3A_20 = vector.extract_strided_slice %add3A {offsets = [0, 0], sizes = [1000, 64], strides = [1, 1]} : vector<1000x128xf32> to vector<1000x64xf32>
    %gt3A = arith.constant 0.000000e+00 : f32
    %gt3A_21 = vector.broadcast %gt3A : f32 to vector<1000x1xf32>
    %gt3A_22 = arith.cmpf ogt, %slice3A, %gt3A_21 : vector<1000x1xf32>
    %max3A = arith.constant 1.000000e+00 : f32
    %max3A_23 = vector.broadcast %max3A : f32 to vector<1000x1xf32>
    %max3A_24 = arith.maximumf %slice3A, %max3A_23 : vector<1000x1xf32>
    %div3A = vector.broadcast %max3A_24 : vector<1000x1xf32> to vector<1000x64xf32>
    %div3A_25 = arith.divf %slice3A_20, %div3A : vector<1000x64xf32>
    %get3A_26 = arith.constant 0 : index
    %get3A_27 = arith.constant 0 : index
    %get3A_28 = vector.load %arg7[%get3A_26, %get3A_27] : memref<1x64xf32, #tpu.memory_space<vmem>>, vector<1x64xf32>
    %add3A_29 = vector.broadcast %get3A_28 : vector<1x64xf32> to vector<1000x64xf32>
    %add3A_30 = arith.addf %div3A_25, %add3A_29 : vector<1000x64xf32>
    %jit3A = arith.constant 0.000000e+00 : f32
    %broadcast_in_dim3A = vector.shape_cast %gt3A_22 : vector<1000x1xi1> to vector<1000x1xi1>
    %broadcast_in_dim3A_31 = vector.broadcast %broadcast_in_dim3A : vector<1000x1xi1> to vector<1000x64xi1>
    %broadcast_in_dim3A_32 = vector.broadcast %jit3A : f32 to vector<1000x64xf32>
    %select_n3A = arith.select %broadcast_in_dim3A_31, %add3A_30, %broadcast_in_dim3A_32 : vector<1000x64xi1>, vector<1000x64xf32>
    %get3A_33 = arith.constant 0 : index
    %get3A_34 = arith.constant 0 : index
    %get3A_35 = arith.constant 0 : index
    %get3A_36 = vector.load %arg2[%get3A_33, %get3A_34, %get3A_35] : memref<2x1000x128xf32, #tpu.memory_space<vmem>>, vector<1x1000x128xf32>
    %get3A_37 = vector.shape_cast %get3A_36 : vector<1x1000x128xf32> to vector<1000x128xf32>
    %get3A_38 = arith.constant 1 : index
    %get3A_39 = arith.constant 0 : index
    %get3A_40 = arith.constant 0 : index
    %get3A_41 = vector.load %arg2[%get3A_38, %get3A_39, %get3A_40] : memref<2x1000x128xf32, #tpu.memory_space<vmem>>, vector<1x1000x128xf32>
    %get3A_42 = vector.shape_cast %get3A_41 : vector<1x1000x128xf32> to vector<1000x128xf32>
    %add3A_43 = arith.addf %get3A_37, %get3A_42 : vector<1000x128xf32>
    %get3A_44 = arith.constant 0 : index
    %get3A_45 = arith.constant 0 : index
    %get3A_46 = arith.constant 0 : index
    %get3A_47 = vector.load %arg5[%get3A_44, %get3A_45, %get3A_46] : memref<2x1000x16xf32, #tpu.memory_space<vmem>>, vector<1x1000x16xf32>
    %get3A_48 = vector.shape_cast %get3A_47 : vector<1x1000x16xf32> to vector<1000x16xf32>
    %get3A_49 = arith.constant 1 : index
    %get3A_50 = arith.constant 0 : index
    %get3A_51 = arith.constant 0 : index
    %get3A_52 = vector.load %arg5[%get3A_49, %get3A_50, %get3A_51] : memref<2x1000x16xf32, #tpu.memory_space<vmem>>, vector<1x1000x16xf32>
    %get3A_53 = vector.shape_cast %get3A_52 : vector<1x1000x16xf32> to vector<1000x16xf32>
    %add3A_54 = arith.addf %get3A_48, %get3A_53 : vector<1000x16xf32>
    %slice3A_55 = vector.extract_strided_slice %add3A_54 {offsets = [0, 0], sizes = [1000, 1], strides = [1, 1]} : vector<1000x16xf32> to vector<1000x1xf32>
    %slice3A_56 = vector.extract_strided_slice %add3A_43 {offsets = [0, 0], sizes = [1000, 64], strides = [1, 1]} : vector<1000x128xf32> to vector<1000x64xf32>
    %gt3A_57 = arith.constant 0.000000e+00 : f32
    %gt3A_58 = vector.broadcast %gt3A_57 : f32 to vector<1000x1xf32>
    %gt3A_59 = arith.cmpf ogt, %slice3A_55, %gt3A_58 : vector<1000x1xf32>
    %max3A_60 = arith.constant 1.000000e+00 : f32
    %max3A_61 = vector.broadcast %max3A_60 : f32 to vector<1000x1xf32>
    %max3A_62 = arith.maximumf %slice3A_55, %max3A_61 : vector<1000x1xf32>
    %div3A_63 = vector.broadcast %max3A_62 : vector<1000x1xf32> to vector<1000x64xf32>
    %div3A_64 = arith.divf %slice3A_56, %div3A_63 : vector<1000x64xf32>
    %get3A_65 = arith.constant 0 : index
    %get3A_66 = arith.constant 0 : index
    %get3A_67 = vector.load %arg8[%get3A_65, %get3A_66] : memref<1x64xf32, #tpu.memory_space<vmem>>, vector<1x64xf32>
    %add3A_68 = vector.broadcast %get3A_67 : vector<1x64xf32> to vector<1000x64xf32>
    %add3A_69 = arith.addf %div3A_64, %add3A_68 : vector<1000x64xf32>
    %jit3A_70 = arith.constant 0.000000e+00 : f32
    %broadcast_in_dim3A_71 = vector.shape_cast %gt3A_59 : vector<1000x1xi1> to vector<1000x1xi1>
    %broadcast_in_dim3A_72 = vector.broadcast %broadcast_in_dim3A_71 : vector<1000x1xi1> to vector<1000x64xi1>
    %broadcast_in_dim3A_73 = vector.broadcast %jit3A_70 : f32 to vector<1000x64xf32>
    %select_n3A_74 = arith.select %broadcast_in_dim3A_72, %add3A_69, %broadcast_in_dim3A_73 : vector<1000x64xi1>, vector<1000x64xf32>
    %add3A_75 = arith.addf %select_n3A, %select_n3A_74 : vector<1000x64xf32>
    %get3A_76 = arith.constant 0 : index
    %get3A_77 = arith.constant 0 : index
    %get3A_78 = arith.constant 0 : index
    %get3A_79 = vector.load %arg1[%get3A_76, %get3A_77, %get3A_78] : memref<2x1000x128xf32, #tpu.memory_space<vmem>>, vector<1x1000x128xf32>
    %get3A_80 = vector.shape_cast %get3A_79 : vector<1x1000x128xf32> to vector<1000x128xf32>
    %get3A_81 = arith.constant 1 : index
    %get3A_82 = arith.constant 0 : index
    %get3A_83 = arith.constant 0 : index
    %get3A_84 = vector.load %arg1[%get3A_81, %get3A_82, %get3A_83] : memref<2x1000x128xf32, #tpu.memory_space<vmem>>, vector<1x1000x128xf32>
    %get3A_85 = vector.shape_cast %get3A_84 : vector<1x1000x128xf32> to vector<1000x128xf32>
    %add3A_86 = arith.addf %get3A_80, %get3A_85 : vector<1000x128xf32>
    %get3A_87 = arith.constant 0 : index
    %get3A_88 = arith.constant 0 : index
    %get3A_89 = arith.constant 0 : index
    %get3A_90 = vector.load %arg4[%get3A_87, %get3A_88, %get3A_89] : memref<2x1000x16xf32, #tpu.memory_space<vmem>>, vector<1x1000x16xf32>
    %get3A_91 = vector.shape_cast %get3A_90 : vector<1x1000x16xf32> to vector<1000x16xf32>
    %get3A_92 = arith.constant 1 : index
    %get3A_93 = arith.constant 0 : index
    %get3A_94 = arith.constant 0 : index
    %get3A_95 = vector.load %arg4[%get3A_92, %get3A_93, %get3A_94] : memref<2x1000x16xf32, #tpu.memory_space<vmem>>, vector<1x1000x16xf32>
    %get3A_96 = vector.shape_cast %get3A_95 : vector<1x1000x16xf32> to vector<1000x16xf32>
    %add3A_97 = arith.addf %get3A_91, %get3A_96 : vector<1000x16xf32>
    %slice3A_98 = vector.extract_strided_slice %add3A_97 {offsets = [0, 8], sizes = [1000, 1], strides = [1, 1]} : vector<1000x16xf32> to vector<1000x1xf32>
    %slice3A_99 = vector.extract_strided_slice %add3A_86 {offsets = [0, 64], sizes = [1000, 64], strides = [1, 1]} : vector<1000x128xf32> to vector<1000x64xf32>
    %gt3A_100 = arith.constant 0.000000e+00 : f32
    %gt3A_101 = vector.broadcast %gt3A_100 : f32 to vector<1000x1xf32>
    %gt3A_102 = arith.cmpf ogt, %slice3A_98, %gt3A_101 : vector<1000x1xf32>
    %max3A_103 = arith.constant 1.000000e+00 : f32
    %max3A_104 = vector.broadcast %max3A_103 : f32 to vector<1000x1xf32>
    %max3A_105 = arith.maximumf %slice3A_98, %max3A_104 : vector<1000x1xf32>
    %div3A_106 = vector.broadcast %max3A_105 : vector<1000x1xf32> to vector<1000x64xf32>
    %div3A_107 = arith.divf %slice3A_99, %div3A_106 : vector<1000x64xf32>
    %get3A_108 = arith.constant 0 : index
    %get3A_109 = arith.constant 0 : index
    %get3A_110 = vector.load %arg7[%get3A_108, %get3A_109] : memref<1x64xf32, #tpu.memory_space<vmem>>, vector<1x64xf32>
    %add3A_111 = vector.broadcast %get3A_110 : vector<1x64xf32> to vector<1000x64xf32>
    %add3A_112 = arith.addf %div3A_107, %add3A_111 : vector<1000x64xf32>
    %jit3A_113 = arith.constant 0.000000e+00 : f32
    %broadcast_in_dim3A_114 = vector.shape_cast %gt3A_102 : vector<1000x1xi1> to vector<1000x1xi1>
    %broadcast_in_dim3A_115 = vector.broadcast %broadcast_in_dim3A_114 : vector<1000x1xi1> to vector<1000x64xi1>
    %broadcast_in_dim3A_116 = vector.broadcast %jit3A_113 : f32 to vector<1000x64xf32>
    %select_n3A_117 = arith.select %broadcast_in_dim3A_115, %add3A_112, %broadcast_in_dim3A_116 : vector<1000x64xi1>, vector<1000x64xf32>
    %get3A_118 = arith.constant 0 : index
    %get3A_119 = arith.constant 0 : index
    %get3A_120 = arith.constant 0 : index
    %get3A_121 = vector.load %arg2[%get3A_118, %get3A_119, %get3A_120] : memref<2x1000x128xf32, #tpu.memory_space<vmem>>, vector<1x1000x128xf32>
    %get3A_122 = vector.shape_cast %get3A_121 : vector<1x1000x128xf32> to vector<1000x128xf32>
    %get3A_123 = arith.constant 1 : index
    %get3A_124 = arith.constant 0 : index
    %get3A_125 = arith.constant 0 : index
    %get3A_126 = vector.load %arg2[%get3A_123, %get3A_124, %get3A_125] : memref<2x1000x128xf32, #tpu.memory_space<vmem>>, vector<1x1000x128xf32>
    %get3A_127 = vector.shape_cast %get3A_126 : vector<1x1000x128xf32> to vector<1000x128xf32>
    %add3A_128 = arith.addf %get3A_122, %get3A_127 : vector<1000x128xf32>
    %get3A_129 = arith.constant 0 : index
    %get3A_130 = arith.constant 0 : index
    %get3A_131 = arith.constant 0 : index
    %get3A_132 = vector.load %arg5[%get3A_129, %get3A_130, %get3A_131] : memref<2x1000x16xf32, #tpu.memory_space<vmem>>, vector<1x1000x16xf32>
    %get3A_133 = vector.shape_cast %get3A_132 : vector<1x1000x16xf32> to vector<1000x16xf32>
    %get3A_134 = arith.constant 1 : index
    %get3A_135 = arith.constant 0 : index
    %get3A_136 = arith.constant 0 : index
    %get3A_137 = vector.load %arg5[%get3A_134, %get3A_135, %get3A_136] : memref<2x1000x16xf32, #tpu.memory_space<vmem>>, vector<1x1000x16xf32>
    %get3A_138 = vector.shape_cast %get3A_137 : vector<1x1000x16xf32> to vector<1000x16xf32>
    %add3A_139 = arith.addf %get3A_133, %get3A_138 : vector<1000x16xf32>
    %slice3A_140 = vector.extract_strided_slice %add3A_139 {offsets = [0, 8], sizes = [1000, 1], strides = [1, 1]} : vector<1000x16xf32> to vector<1000x1xf32>
    %slice3A_141 = vector.extract_strided_slice %add3A_128 {offsets = [0, 64], sizes = [1000, 64], strides = [1, 1]} : vector<1000x128xf32> to vector<1000x64xf32>
    %gt3A_142 = arith.constant 0.000000e+00 : f32
    %gt3A_143 = vector.broadcast %gt3A_142 : f32 to vector<1000x1xf32>
    %gt3A_144 = arith.cmpf ogt, %slice3A_140, %gt3A_143 : vector<1000x1xf32>
    %max3A_145 = arith.constant 1.000000e+00 : f32
    %max3A_146 = vector.broadcast %max3A_145 : f32 to vector<1000x1xf32>
    %max3A_147 = arith.maximumf %slice3A_140, %max3A_146 : vector<1000x1xf32>
    %div3A_148 = vector.broadcast %max3A_147 : vector<1000x1xf32> to vector<1000x64xf32>
    %div3A_149 = arith.divf %slice3A_141, %div3A_148 : vector<1000x64xf32>
    %get3A_150 = arith.constant 0 : index
    %get3A_151 = arith.constant 0 : index
    %get3A_152 = vector.load %arg8[%get3A_150, %get3A_151] : memref<1x64xf32, #tpu.memory_space<vmem>>, vector<1x64xf32>
    %add3A_153 = vector.broadcast %get3A_152 : vector<1x64xf32> to vector<1000x64xf32>
    %add3A_154 = arith.addf %div3A_149, %add3A_153 : vector<1000x64xf32>
    %jit3A_155 = arith.constant 0.000000e+00 : f32
    %broadcast_in_dim3A_156 = vector.shape_cast %gt3A_144 : vector<1000x1xi1> to vector<1000x1xi1>
    %broadcast_in_dim3A_157 = vector.broadcast %broadcast_in_dim3A_156 : vector<1000x1xi1> to vector<1000x64xi1>
    %broadcast_in_dim3A_158 = vector.broadcast %jit3A_155 : f32 to vector<1000x64xf32>
    %select_n3A_159 = arith.select %broadcast_in_dim3A_157, %add3A_154, %broadcast_in_dim3A_158 : vector<1000x64xi1>, vector<1000x64xf32>
    %add3A_160 = arith.addf %select_n3A_117, %select_n3A_159 : vector<1000x64xf32>
    %get3A_161 = arith.constant 0 : index
    %get3A_162 = arith.constant 0 : index
    %get3A_163 = arith.constant 0 : index
    %get3A_164 = vector.load %arg3[%get3A_161, %get3A_162, %get3A_163] : memref<2x1000x128xf32, #tpu.memory_space<vmem>>, vector<1x1000x128xf32>
    %get3A_165 = vector.shape_cast %get3A_164 : vector<1x1000x128xf32> to vector<1000x128xf32>
    %get3A_166 = arith.constant 1 : index
    %get3A_167 = arith.constant 0 : index
    %get3A_168 = arith.constant 0 : index
    %get3A_169 = vector.load %arg3[%get3A_166, %get3A_167, %get3A_168] : memref<2x1000x128xf32, #tpu.memory_space<vmem>>, vector<1x1000x128xf32>
    %get3A_170 = vector.shape_cast %get3A_169 : vector<1x1000x128xf32> to vector<1000x128xf32>
    %add3A_171 = arith.addf %get3A_165, %get3A_170 : vector<1000x128xf32>
    %get3A_172 = arith.constant 0 : index
    %get3A_173 = arith.constant 0 : index
    %get3A_174 = arith.constant 0 : index
    %get3A_175 = vector.load %arg6[%get3A_172, %get3A_173, %get3A_174] : memref<2x1000x16xf32, #tpu.memory_space<vmem>>, vector<1x1000x16xf32>
    %get3A_176 = vector.shape_cast %get3A_175 : vector<1x1000x16xf32> to vector<1000x16xf32>
    %get3A_177 = arith.constant 1 : index
    %get3A_178 = arith.constant 0 : index
    %get3A_179 = arith.constant 0 : index
    %get3A_180 = vector.load %arg6[%get3A_177, %get3A_178, %get3A_179] : memref<2x1000x16xf32, #tpu.memory_space<vmem>>, vector<1x1000x16xf32>
    %get3A_181 = vector.shape_cast %get3A_180 : vector<1x1000x16xf32> to vector<1000x16xf32>
    %add3A_182 = arith.addf %get3A_176, %get3A_181 : vector<1000x16xf32>
    %slice3A_183 = vector.extract_strided_slice %add3A_182 {offsets = [0, 0], sizes = [1000, 1], strides = [1, 1]} : vector<1000x16xf32> to vector<1000x1xf32>
    %slice3A_184 = vector.extract_strided_slice %add3A_171 {offsets = [0, 0], sizes = [1000, 64], strides = [1, 1]} : vector<1000x128xf32> to vector<1000x64xf32>
    %gt3A_185 = arith.constant 0.000000e+00 : f32
    %gt3A_186 = vector.broadcast %gt3A_185 : f32 to vector<1000x1xf32>
    %gt3A_187 = arith.cmpf ogt, %slice3A_183, %gt3A_186 : vector<1000x1xf32>
    %max3A_188 = arith.constant 1.000000e+00 : f32
    %max3A_189 = vector.broadcast %max3A_188 : f32 to vector<1000x1xf32>
    %max3A_190 = arith.maximumf %slice3A_183, %max3A_189 : vector<1000x1xf32>
    %div3A_191 = vector.broadcast %max3A_190 : vector<1000x1xf32> to vector<1000x64xf32>
    %div3A_192 = arith.divf %slice3A_184, %div3A_191 : vector<1000x64xf32>
    %get3A_193 = arith.constant 0 : index
    %get3A_194 = arith.constant 0 : index
    %get3A_195 = vector.load %arg9[%get3A_193, %get3A_194] : memref<1x64xf32, #tpu.memory_space<vmem>>, vector<1x64xf32>
    %add3A_196 = vector.broadcast %get3A_195 : vector<1x64xf32> to vector<1000x64xf32>
    %add3A_197 = arith.addf %div3A_192, %add3A_196 : vector<1000x64xf32>
    %jit3A_198 = arith.constant 0.000000e+00 : f32
    %broadcast_in_dim3A_199 = vector.shape_cast %gt3A_187 : vector<1000x1xi1> to vector<1000x1xi1>
    %broadcast_in_dim3A_200 = vector.broadcast %broadcast_in_dim3A_199 : vector<1000x1xi1> to vector<1000x64xi1>
    %broadcast_in_dim3A_201 = vector.broadcast %jit3A_198 : f32 to vector<1000x64xf32>
    %select_n3A_202 = arith.select %broadcast_in_dim3A_200, %add3A_197, %broadcast_in_dim3A_201 : vector<1000x64xi1>, vector<1000x64xf32>
    %get3A_203 = arith.constant 0 : index
    %get3A_204 = arith.constant 0 : index
    %get3A_205 = arith.constant 0 : index
    %get3A_206 = vector.load %arg3[%get3A_203, %get3A_204, %get3A_205] : memref<2x1000x128xf32, #tpu.memory_space<vmem>>, vector<1x1000x128xf32>
    %get3A_207 = vector.shape_cast %get3A_206 : vector<1x1000x128xf32> to vector<1000x128xf32>
    %get3A_208 = arith.constant 1 : index
    %get3A_209 = arith.constant 0 : index
    %get3A_210 = arith.constant 0 : index
    %get3A_211 = vector.load %arg3[%get3A_208, %get3A_209, %get3A_210] : memref<2x1000x128xf32, #tpu.memory_space<vmem>>, vector<1x1000x128xf32>
    %get3A_212 = vector.shape_cast %get3A_211 : vector<1x1000x128xf32> to vector<1000x128xf32>
    %add3A_213 = arith.addf %get3A_207, %get3A_212 : vector<1000x128xf32>
    %get3A_214 = arith.constant 0 : index
    %get3A_215 = arith.constant 0 : index
    %get3A_216 = arith.constant 0 : index
    %get3A_217 = vector.load %arg6[%get3A_214, %get3A_215, %get3A_216] : memref<2x1000x16xf32, #tpu.memory_space<vmem>>, vector<1x1000x16xf32>
    %get3A_218 = vector.shape_cast %get3A_217 : vector<1x1000x16xf32> to vector<1000x16xf32>
    %get3A_219 = arith.constant 1 : index
    %get3A_220 = arith.constant 0 : index
    %get3A_221 = arith.constant 0 : index
    %get3A_222 = vector.load %arg6[%get3A_219, %get3A_220, %get3A_221] : memref<2x1000x16xf32, #tpu.memory_space<vmem>>, vector<1x1000x16xf32>
    %get3A_223 = vector.shape_cast %get3A_222 : vector<1x1000x16xf32> to vector<1000x16xf32>
    %add3A_224 = arith.addf %get3A_218, %get3A_223 : vector<1000x16xf32>
    %slice3A_225 = vector.extract_strided_slice %add3A_224 {offsets = [0, 8], sizes = [1000, 1], strides = [1, 1]} : vector<1000x16xf32> to vector<1000x1xf32>
    %slice3A_226 = vector.extract_strided_slice %add3A_213 {offsets = [0, 64], sizes = [1000, 64], strides = [1, 1]} : vector<1000x128xf32> to vector<1000x64xf32>
    %gt3A_227 = arith.constant 0.000000e+00 : f32
    %gt3A_228 = vector.broadcast %gt3A_227 : f32 to vector<1000x1xf32>
    %gt3A_229 = arith.cmpf ogt, %slice3A_225, %gt3A_228 : vector<1000x1xf32>
    %max3A_230 = arith.constant 1.000000e+00 : f32
    %max3A_231 = vector.broadcast %max3A_230 : f32 to vector<1000x1xf32>
    %max3A_232 = arith.maximumf %slice3A_225, %max3A_231 : vector<1000x1xf32>
    %div3A_233 = vector.broadcast %max3A_232 : vector<1000x1xf32> to vector<1000x64xf32>
    %div3A_234 = arith.divf %slice3A_226, %div3A_233 : vector<1000x64xf32>
    %get3A_235 = arith.constant 0 : index
    %get3A_236 = arith.constant 0 : index
    %get3A_237 = vector.load %arg9[%get3A_235, %get3A_236] : memref<1x64xf32, #tpu.memory_space<vmem>>, vector<1x64xf32>
    %add3A_238 = vector.broadcast %get3A_237 : vector<1x64xf32> to vector<1000x64xf32>
    %add3A_239 = arith.addf %div3A_234, %add3A_238 : vector<1000x64xf32>
    %jit3A_240 = arith.constant 0.000000e+00 : f32
    %broadcast_in_dim3A_241 = vector.shape_cast %gt3A_229 : vector<1000x1xi1> to vector<1000x1xi1>
    %broadcast_in_dim3A_242 = vector.broadcast %broadcast_in_dim3A_241 : vector<1000x1xi1> to vector<1000x64xi1>
    %broadcast_in_dim3A_243 = vector.broadcast %jit3A_240 : f32 to vector<1000x64xf32>
    %select_n3A_244 = arith.select %broadcast_in_dim3A_242, %add3A_239, %broadcast_in_dim3A_243 : vector<1000x64xi1>, vector<1000x64xf32>
    %concatenate3A = tpu.concatenate %add3A_75, %add3A_160 in 1 : vector<1000x64xf32>, vector<1000x64xf32> -> vector<1000x128xf32>
    %swap3A = arith.constant 0 : index
    %swap3A_245 = arith.constant 0 : index
    %swap3A_246 = vector.load %arg10[%swap3A, %swap3A_245] : memref<1000x128xf32, #tpu.memory_space<vmem>>, vector<1000x128xf32>
    tpu.vector_store %arg10[%swap3A, %swap3A_245], %concatenate3A {strides = array<i32>} : memref<1000x128xf32, #tpu.memory_space<vmem>>, vector<1000x128xf32>,
    %concatenate3A_247 = tpu.concatenate %select_n3A_202, %select_n3A_244 in 1 : vector<1000x64xf32>, vector<1000x64xf32> -> vector<1000x128xf32>
    %swap3A_248 = arith.constant 0 : index
    %swap3A_249 = arith.constant 0 : index
    %swap3A_250 = vector.load %arg11[%swap3A_248, %swap3A_249] : memref<1000x128xf32, #tpu.memory_space<vmem>>, vector<1000x128xf32>
    tpu.vector_store %arg11[%swap3A_248, %swap3A_249], %concatenate3A_247 {strides = array<i32>} : memref<1000x128xf32, #tpu.memory_space<vmem>>, vector<1000x128xf32>,
    return
  }
  func.func @transform_0(%arg0: i32) -> (i32, i32, i32) {
    %c0_i32 = arith.constant 0 : i32
    %c0_i32_0 = arith.constant 0 : i32
    %c0_i32_1 = arith.constant 0 : i32
    return %c0_i32, %arg0, %c0_i32_0 : i32, i32, i32
  }
  func.func @transform_1(%arg0: i32) -> (i32, i32, i32) {
    %c0_i32 = arith.constant 0 : i32
    %c0_i32_0 = arith.constant 0 : i32
    %c0_i32_1 = arith.constant 0 : i32
    return %c0_i32, %arg0, %c0_i32_0 : i32, i32, i32
  }
  func.func @transform_2(%arg0: i32) -> (i32, i32, i32) {
    %c0_i32 = arith.constant 0 : i32
    %c0_i32_0 = arith.constant 0 : i32
    %c0_i32_1 = arith.constant 0 : i32
    return %c0_i32, %arg0, %c0_i32_0 : i32, i32, i32
  }
  func.func @transform_3(%arg0: i32) -> (i32, i32, i32) {
    %c0_i32 = arith.constant 0 : i32
    %c0_i32_0 = arith.constant 0 : i32
    %c0_i32_1 = arith.constant 0 : i32
    return %c0_i32, %arg0, %c0_i32_0 : i32, i32, i32
  }
  func.func @transform_4(%arg0: i32) -> (i32, i32, i32) {
    %c0_i32 = arith.constant 0 : i32
    %c0_i32_0 = arith.constant 0 : i32
    %c0_i32_1 = arith.constant 0 : i32
    return %c0_i32, %arg0, %c0_i32_0 : i32, i32, i32
  }
  func.func @transform_5(%arg0: i32) -> (i32, i32, i32) {
    %c0_i32 = arith.constant 0 : i32
    %c0_i32_0 = arith.constant 0 : i32
    %c0_i32_1 = arith.constant 0 : i32
    return %c0_i32, %arg0, %c0_i32_0 : i32, i32, i32
  }
  func.func @transform_6(%arg0: i32) -> (i32, i32) {
    %c0_i32 = arith.constant 0 : i32
    %c0_i32_0 = arith.constant 0 : i32
    %c0_i32_1 = arith.constant 0 : i32
    return %c0_i32, %c0_i32_0 : i32, i32
  }
  func.func @transform_7(%arg0: i32) -> (i32, i32) {
    %c0_i32 = arith.constant 0 : i32
    %c0_i32_0 = arith.constant 0 : i32
    %c0_i32_1 = arith.constant 0 : i32
    return %c0_i32, %c0_i32_0 : i32, i32
  }
  func.func @transform_8(%arg0: i32) -> (i32, i32) {
    %c0_i32 = arith.constant 0 : i32
    %c0_i32_0 = arith.constant 0 : i32
    %c0_i32_1 = arith.constant 0 : i32
    return %c0_i32, %c0_i32_0 : i32, i32
  }
  func.func @transform_9(%arg0: i32) -> (i32, i32) {
    %c0_i32 = arith.constant 0 : i32
    %c0_i32_0 = arith.constant 0 : i32
    return %arg0, %c0_i32 : i32, i32
  }
  func.func @transform_10(%arg0: i32) -> (i32, i32) {
    %c0_i32 = arith.constant 0 : i32
    %c0_i32_0 = arith.constant 0 : i32
    return %arg0, %c0_i32 : i32, i32
  }
}

</mosaic_0001>

<sc_bundles>
// kernel: kernel.11.cloned.1.call-start
scs
__scs_entry_jumppad:
0x0: {  	(pc) =	sbr.rel $0x88, $3  }
0x1: {  	(tag) =	ssettag $0x0;
	lr =	simm.s32 $0x1  }
0x2: {  	[smem:$0x3F90] =	sst lr;
	_ =	strace $0xD0000000  }
0x3: {  	_ = 	snop  }
0x4: {  	_ = 	snop  }
0x5: {  	_ = 	snop  }
0x6: {  	_ = 	snop  }
0x7: {  	_ = 	snop  }
__scs_overlays_trampoline_lowered:
0x8: {  	[smem:$0x3F9F] =	sst s0  }
0x9: {  	[smem:$0x3FA0] =	sst s1  }
0xa: {  	[smem:$0x3FA1] =	sst s2  }
0xb: {  	[smem:$0x3FA2] =	sst s3  }
0xc: {  	[smem:$0x3FA3] =	sst s4  }
0xd: {  	[smem:$0x3FA4] =	sst s5  }
0xe: {  	[smem:$0x3FA5] =	sst s6  }
0xf: {  	[smem:$0x3FA6] =	sst s7  }
0x10: {  	[smem:$0x3FA7] =	sst s8  }
0x11: {  	[smem:$0x3FA8] =	sst s9;
	s0 =	simm.s32 @!p0 $0x0  }
0x12: {  	s1 =	sld [smem:$0x3F8E];
	s0 =	simm.s32 @p0 $0x1  }
0x13: {  	[smem:$0x3FA9] =	sst s0;
	s0 =	simm.s32 @!p1 $0x0  }
0x14: {  	s2 =	sld [smem:$0x3F8D];
	s0 =	simm.s32 @p1 $0x1  }
0x15: {  	[smem:$0x3FAA] =	sst s0;
	s0 =	simm.s32 @!p2 $0x0  }
0x16: {  	s3 =	sld [smem:$0x3FDB];
	s0 =	simm.s32 @p2 $0x1  }
0x17: {  	s4 =	simm.s32 $0x1BF5;
	[smem:$0x3FAC] =	sst s0  }
0x18: {  	s0 =	sld [smem:$0x3F8F];
	_ =	swait.ge [sflag:s4], $0x0  }
0x19: {  	s7 =	sld [smem:$0x3F90]  }
0x1a: {  	s8 =	sadd.s32 $0xFFFFE003, lr  }
0x1b: {  	s9 =	sadd.s32 $0xFFFFFEF7, lr;
	s5 =	simm.s32 $0xFFFFFFFF;
	p2 =	slt.u32 s8, $0xFFFFF086  }
0x1c: {  	p1 =	slt.u32 s9, $0xF7A;
	s5 =	simm.s32 @!p2 $0x0  }
0x1d: {  	s5 =	simm.s32 @p1 $0x1;
	p0 =	seq.s32 s7, s2  }
0x1e: {  	s7 =	smul.u32 @!p0 $0xF7A, s2;
	p2 =	seq.s32 @!p0 s5, $0x0  }
0x1f: {  	s9 =	smul.u32 $0xF7A, s1;
	s8 =	simm.s32 @!p0 $0x1BF5;
	p2 =	por !p2, p0  }
0x20: {  	[sflag:s8] =	ssyncset.s32 @!p0 $0xFFFFF086;
	s6 =	sadd.s32 @!p0 s3, s7;
	s7 =	simm.s32 @!p0 $0x108  }
0x21: {  	s3 =	sadd.s32 s3, s9;
	s6 =	sadd.s32 @!p0 $0x88, s6;
	s7 =	simm.s32 @p2 $0x1082  }
0x22: {  	[simem:s7], [sflag:s8] =	dma.local @!p0 [hbm:s6], $0xF7A  }
0x23: {  	s9 =	sor.u32 $0xD0000000, s2;
	s6 =	simm.s32 $0x108;
	_ =	swait.ge @!p0 [sflag:s8], $0x0  }
0x24: {  	s3 =	sadd.s32 $0x88, s3;
	s6 =	simm.s32 @!p1 $0x1082;
	[sflag:s4] =	ssyncset.s32 $0xFFFFF086  }
0x25: {  	[simem:s6], [sflag:s4] =	dma.local [hbm:s3], $0xF7A  }
0x26: {  	[smem:$0x3F90] =	sst s1;
	(tag) =	ssettag s2;
	_ =	strace s9  }
0x27: {  	s1 =	sld [smem:$0x3FA0]  }
0x28: {  	s2 =	sld [smem:$0x3FA1]  }
0x29: {  	s4 =	sld [smem:$0x3FA3]  }
0x2a: {  	p0 =	seq.s32 s5, $0x0;
	s5 =	sld [smem:$0x3FA4]  }
0x2b: {  	s6 =	sld [smem:$0x3FA5]  }
0x2c: {  	s7 =	sld [smem:$0x3FA6]  }
0x2d: {  	s3 =	simm.s32 $0x108;
	s8 =	sld [smem:$0x3FA7]  }
0x2e: {  	s3 =	simm.s32 @!p0 $0x1082;
	s9 =	sld [smem:$0x3FA8]  }
0x2f: {  	lr =	sadd.s32 s0, s3;
	s0 =	sld [smem:$0x3F9F]  }
0x30: {  	s3 =	sld [smem:$0x3FA2]  }
0x31: {  	[smem:$0x3FAB] =	sst s10  }
0x32: {  	s10 =	sld [smem:$0x3FA9];
	_ =	sdelay $0x3  }
0x33: {  	p0 =	seq.s32 s10, $0x1;
	s10 =	sld [smem:$0x3FAB];
	_ =	sdelay $0x3  }
0x34: {  	[smem:$0x3FAB] =	sst s10  }
0x35: {  	s10 =	sld [smem:$0x3FAA];
	_ =	sdelay $0x3  }
0x36: {  	p1 =	seq.s32 s10, $0x1;
	s10 =	sld [smem:$0x3FAB];
	_ =	sdelay $0x3  }
0x37: {  	[smem:$0x3FAB] =	sst s10  }
0x38: {  	s10 =	sld [smem:$0x3FAC]  }
0x39: {  	_ = 	snop;
	(pc) =	sbr.ind lr, $3  }
0x3a: {  	_ = 	snop  }
0x3b: {  	_ = 	snop  }
0x3c: {  	p2 =	seq.s32 s10, $0x1;
	s10 =	sld [smem:$0x3FAB]  }
0x3d: {  	_ =	shalt  }
0x3e: {  	_ =	shalt  }
0x3f: {  	_ =	shalt  }
0x40: {  	_ =	shalt  }
0x41: {  	_ =	shalt  }
0x42: {  	_ =	shalt  }
0x43: {  	_ =	shalt  }
0x44: {  	_ =	shalt  }
0x45: {  	_ =	shalt  }
0x46: {  	_ =	shalt  }
0x47: {  	_ =	shalt  }
0x48: {  	_ =	shalt  }
0x49: {  	_ =	shalt  }
0x4a: {  	_ =	shalt  }
0x4b: {  	_ =	shalt  }
0x4c: {  	_ =	shalt  }
0x4d: {  	_ =	shalt  }
0x4e: {  	_ =	shalt  }
0x4f: {  	_ =	shalt  }
0x50: {  	_ =	shalt  }
0x51: {  	_ =	shalt  }
0x52: {  	_ =	shalt  }
0x53: {  	_ =	shalt  }
0x54: {  	_ =	shalt  }
0x55: {  	_ =	shalt  }
0x56: {  	_ =	shalt  }
0x57: {  	_ =	shalt  }
0x58: {  	_ =	shalt  }
0x59: {  	_ =	shalt  }
0x5a: {  	_ =	shalt  }
0x5b: {  	_ =	shalt  }
0x5c: {  	_ =	shalt  }
0x5d: {  	_ =	shalt  }
0x5e: {  	_ =	shalt  }
0x5f: {  	_ =	shalt  }
0x60: {  	_ =	shalt  }
0x61: {  	_ =	shalt  }
0x62: {  	_ =	shalt  }
0x63: {  	_ =	shalt  }
0x64: {  	_ =	shalt  }
0x65: {  	_ =	shalt  }
0x66: {  	_ =	shalt  }
0x67: {  	_ =	shalt  }
0x68: {  	_ =	shalt  }
0x69: {  	_ =	shalt  }
0x6a: {  	_ =	shalt  }
0x6b: {  	_ =	shalt  }
0x6c: {  	_ =	shalt  }
0x6d: {  	_ =	shalt  }
0x6e: {  	_ =	shalt  }
0x6f: {  	_ =	shalt  }
0x70: {  	_ =	shalt  }
0x71: {  	_ =	shalt  }
0x72: {  	_ =	shalt  }
0x73: {  	_ =	shalt  }
0x74: {  	_ =	shalt  }
0x75: {  	_ =	shalt  }
0x76: {  	_ =	shalt  }
0x77: {  	_ =	shalt  }
0x78: {  	_ =	shalt  }
0x79: {  	_ =	shalt  }
0x7a: {  	_ =	shalt  }
0x7b: {  	_ =	shalt  }
0x7c: {  	_ =	shalt  }
0x7d: {  	_ =	shalt  }
0x7e: {  	_ =	shalt  }
0x7f: {  	_ =	shalt  }
0x80: {  	_ =	shalt  }
0x81: {  	_ =	shalt  }
0x82: {  	_ =	shalt  }
0x83: {  	_ =	shalt  }
0x84: {  	_ =	shalt  }
0x85: {  	_ =	shalt  }
0x86: {  	_ =	shalt  }
0x87: {  	_ =	shalt  }
.Lfunc_end0:
.L_simem_size_0:
called_computation.1_lowered:
.L_overlay_start_0:
0x88: {  	s2 =	sld [smem:$0x3FD9]  }
0x89: {  	s3 =	sld [smem:$0x3FFE];
	_ =	sdelay $0x1  }
0x8a: {  	s1 =	srdreg.scid  }
0x8b: {  	s0 =	sand.u32 $0x1, s1  }
0x8c: {  	s17 =	sshll.u32 s0, $0xA;
	s2 =	sadd.s32 s3, s2  }
0x8d: {  	s2 =	sadd.s32 s2, s17  }
0x8e: {  	[smem:$0x3FB7] =	sst s2  }
0x8f: {  	_ = 	snop  }
0x90: {  	(tm) =	ssettm $0x1  }
0x91: {  	s18 =	sld [smem:$0x3FFB];
	_ =	sdelay $0x3  }
0x92: {  	_ =	strace s18  }
0x93: {  	s2 =	sld [smem:$0x3FFC];
	_ =	sdelay $0x3  }
0x94: {  	_ =	strace s2  }
0x95: {  	s2 =	sld [smem:$0x3FFD];
	_ =	sdelay $0x3  }
0x96: {  	_ =	strace s2  }
0x97: {  	_ =	strace $0x8FFFFFFF  }
0x98: {  	s19 =	sld [smem:$0x3FDB];
	_ =	sdelay $0x1  }
0x99: {  	s20 =	simm.s32 $_scs_section_size  }
0x9a: {  	s4 =	simm.s32 $_size__tile_overlayer_lowered;
	s5 =	simm.s32 $_tile_overlayer_lowered  }
0x9b: {  	s6 =	simm.s32 $0x1BFF;
	s21 =	sshll.u32 s5, $0x1;
	s3 =	sadd.s32 s20, s19  }
0x9c: {  	s22 =	simm.s32 $0x0;
	s4 =	sshll.u32 s4, $0x1;
	s5 =	sadd.s32 s21, s3  }
0x9d: {  	[timem:s22], [sflag:s6] =	dma.local [hbm:s5], s4  }
0x9e: {  	_ =	swait.ge [sflag:s6], s4  }
0x9f: {  	s4 =	ssub.s32 $0x0, s4;
	[sflag:s6] =	ssyncset.done $0x0  }
0xa0: {  	[sflag:s6] =	ssyncadd.s32 s4;
	_ =	sdelay $0x1  }
0xa1: {  	s23 =	simm.s32 $0x1B8B  }
0xa2: {  	_ =	swait.ge [sflag:s23], $0x1  }
0xa3: {  	[sflag:s23] =	ssyncset.done $0x0  }
0xa4: {  	[sflag:s23] =	ssyncadd.s32 $0xFFFFFFFF  }
0xa5: {  	s4 =	sld [smem:$0x0]  }
0xa6: {  	s5 =	sand.u32 $0xFFFFFFFE, s1  }
0xa7: {  	p0 =	sne.s32 s1, s5  }
0xa8: {  	s5 =	sshll.u32 @p0 s5, $0xE  }
0xa9: {  	s5 =	sadd.s32 @p0 $0x11B8D, s5;
	s6 =	sshll.u32 @p0 s4, $0x11  }
0xaa: {  	s5 =	sor.u32 @p0 s6, s5  }
0xab: {  	[sflag:s5] =	ssyncadd.remote.s32 @p0 $0x1;
	_ =	sdelay $0x1  }
0xac: {  	s5 =	simm.s32 @p0 $0x1B8D  }
0xad: {  	_ =	swait.eq @p0 [sflag:s5], $0x1  }
0xae: {  	[sflag:s5] =	ssyncadd.s32 @p0 $0xFFFFFFFF  }
0xaf: {  	s6 =	sshll.u32 @!p0 s1, $0xE  }
0xb0: {  	s6 =	sor.u32 @!p0 $0x4000, s6;
	s5 =	simm.s32 @!p0 $0x1B8D  }
0xb1: {  	s4 =	sshll.u32 @!p0 s4, $0x11;
	s6 =	sadd.s32 @!p0 $0x11B8D, s6;
	_ =	swait.eq @!p0 [sflag:s5], $0x1  }
0xb2: {  	s4 =	sor.u32 @!p0 s4, s6;
	[sflag:s5] =	ssyncadd.s32 @!p0 $0xFFFFFFFF  }
0xb3: {  	s25 =	simm.s32 $0x1B8E;
	s24 =	sld [smem:$0x3FFE];
	[sflag:s4] =	ssyncadd.remote.s32 @!p0 $0x1  }
0xb4: {  	s26 =	simm.s32 $execute0_lowered;
	[smem:$0x3FD2] =	sst s25  }
0xb5: {  	s5 =	sshll.u32 s26, $0x1;
	_ =	strace $0x80000049;
	[dreg:$0x1] =	wrdreg $0xFFFFFFFF  }
0xb6: {  	s28 =	simm.s32 $_size_execute0_lowered;
	s3 =	sadd.s32 s3, s5;
	[dreg:$0x0] =	wrdreg $0x0  }
0xb7: {  	s5 =	sshll.u32 s28, $0x1;
	[dreg:$0x2] =	wrdreg s3  }
0xb8: {  	[dreg:$0x3] =	wrdreg s5  }
0xb9: {  	[dreg:$0x4] =	wrdreg $0xC0  }
0xba: {  	_ =	task [dreg:s22], $0x5FFFF  }
0xbb: {  	[dreg:$0x1] =	wrdreg $0xFFFFFFFF  }
0xbc: {  	[dreg:$0x0] =	wrdreg $0x60  }
0xbd: {  	[dreg:$0x2] =	wrdreg s24  }
0xbe: {  	[dreg:$0x3] =	wrdreg $0x0  }
0xbf: {  	[dreg:$0x4] =	wrdreg $0xA  }
0xc0: {  	_ =	task.clear_ibuf [dreg:s22], $0x5FFFF;
	_ =	strace $0x90000049  }
0xc1: {  	s29 =	simm.s32 $0xA;
	_ =	strace $0x8000004B  }
0xc2: {  	_ =	swait.ge [sflag:s29], $0x1  }
0xc3: {  	[sflag:s29] =	ssyncadd.s32 $0xFFFFFFFF  }
0xc4: {  	_ =	strace $0x9000004B  }
0xc5: {  	_ =	sfence  }
0xc6: {  	s30 =	sld [smem:$0x0];
	_ =	sdelay $0x2  }
0xc7: {  	s31 =	sshll.u32 s1, $0xD;
	s1 =	sshrl.u32 s1, $0x2  }
0xc8: {  	s4 =	sand.u32 $0x4000, s31;
	s1 =	sadd.s32 s1, s30  }
0xc9: {  	s0 =	sor.u32 s4, s0;
	s1 =	sshll.u32 s1, $0x11  }
0xca: {  	s0 =	sor.u32 s1, s0  }
0xcb: {  	s0 =	sadd.s32 $0x8F2B, s0  }
0xcc: {  	[sflag:s0] =	ssyncadd.remote.s32 $0x1  }
0xcd: {  	_ =	sfence.sel $0xFFFF  }
0xce: {  	[dreg:$0x0] =	wrdreg $0xFFFFFFFF;
	(pc) =	sbr.abs _section_cstart, $3  }
0xcf: {  	[dreg:$0x1] =	wrdreg $0xFFFFFFFF  }
0xd0: {  	_ =	task.clear_ibuf [dreg:s22], $0x2FFFF;
	_ =	strace $0x9FFFFFFF  }
0xd1: {  	(tm) =	ssettm $0x7FFFFFFF  }
tec
execute0_lowered:
.L_overlay_start_1:
0x0: {  	(tag) =	ssettag $0x1  }
0x1: {  	s0 =	rddreg [dreg:$0x0]  }
0x2: {  	s2 =	rddreg [dreg:$0x1]  }
0x3: {  	s1 =	srdreg.scid;
	s15 =	stileid.u32;
	s3 =	simm.s32 $0x0  }
0x4: {  	s1 =	sand.u32 $0x1, s1;
	s5 =	smul.u32 $0x280, s15;
	[smem:$0x7FF] =	sst s3  }
0x5: {  	s7 =	sadd.s32 $0x97A00, s0;
	s6 =	smul.u32 $0x2800, s1;
	s9 =	ssub.s32 $0x2, s1  }
0x6: {  	s8 =	sadd.s32 $0xE7A00, s0;
	s17 =	sadd.s32 $0x137A00, s0;
	s10 =	sshrl.u32 s9, $0x1  }
0x7: {  	s5 =	sadd.s32 s5, s6;
	s9 =	ssub.s32 s9, s10;
	s10 =	sadd.s32 $0x4000, s0  }
0x8: {  	_ =	strace $0x8000004A;
	s5 =	sshll.u32 s5, $0x4;
	[dreg:$0x13] =	wrdreg s10  }
0x9: {  	s11 =	sadd.s32 $0x800, s5;
	s12 =	sadd.s32 s7, s5;
	s20 =	sadd.s32 $0x1000, s5  }
0xa: {  	s21 =	sadd.s32 $0x1800, s5;
	s22 =	sadd.s32 s8, s5;
	[dreg:$0x3] =	wrdreg s12  }
0xb: {  	s14 =	sadd.s32 $0x2000, s5;
	s5 =	sadd.s32 s17, s5;
	[dreg:$0x8] =	wrdreg s22  }
0xc: {  	s19 =	sadd.s32 s7, s11;
	[dreg:$0xd] =	wrdreg s5  }
0xd: {  	s13 =	sadd.s32 s7, s20;
	[dreg:$0x4] =	wrdreg s19  }
0xe: {  	s16 =	sadd.s32 s7, s21;
	[dreg:$0x5] =	wrdreg s13  }
0xf: {  	s7 =	sadd.s32 s7, s14;
	[dreg:$0x6] =	wrdreg s16  }
0x10: {  	s23 =	sadd.s32 s8, s11;
	[dreg:$0x7] =	wrdreg s7  }
0x11: {  	s24 =	sadd.s32 s8, s20;
	[dreg:$0x9] =	wrdreg s23  }
0x12: {  	s25 =	sadd.s32 s8, s21;
	[dreg:$0xa] =	wrdreg s24  }
0x13: {  	s26 =	sadd.s32 s8, s14;
	[dreg:$0xb] =	wrdreg s25  }
0x14: {  	s8 =	sadd.s32 s17, s11;
	[dreg:$0xc] =	wrdreg s26  }
0x15: {  	s11 =	sadd.s32 s17, s20;
	[dreg:$0xe] =	wrdreg s8  }
0x16: {  	s6 =	sadd.s32 s17, s14;
	[dreg:$0xf] =	wrdreg s11  }
0x17: {  	s13 =	sadd.s32 s17, s21;
	[dreg:$0x11] =	wrdreg s6  }
0x18: {  	s7 =	sadd.s32 $0x15600, s0;
	[dreg:$0x10] =	wrdreg s13  }
0x19: {  	s18 =	sshll.u32 s1, $0x4;
	s8 =	sadd.s32 $0xA800, s0;
	[dreg:$0x12] =	wrdreg s7  }
0x1a: {  	s14 =	smul.u32 $0x50000, s15;
	s25 =	sadd.s32 $0x18A00, s0;
	[dreg:$0x16] =	wrdreg s8  }
0x1b: {  	s16 =	sor.u32 s15, s18;
	s26 =	sadd.s32 $0x7400, s0;
	[dreg:$0x14] =	wrdreg s25  }
0x1c: {  	s23 =	sadd.s32 $0x97200, s0;
	s6 =	sshrl.u32 s14, $0x2;
	[dreg:$0x15] =	wrdreg s26  }
0x1d: {  	s5 =	smul.u32 $0xD00, s16;
	[dreg:$0x17] =	wrdreg s23;
	s11 =	sadd.s32 s6, s2  }
0x1e: {  	s4 =	sadd.s32 $0x1F200, s0;
	s6 =	sadd.s32 $0x8000, s11;
	[dreg:$0x18] =	wrdreg s11  }
0x1f: {  	s17 =	sshrl.u32 s5, $0x3;
	s28 =	sadd.s32 $0xC000, s11;
	[smem:$0x7FB] =	sst s6  }
0x20: {  	s1 =	smul.u32 $0xD000, s1;
	s5 =	sadd.s32 s7, s17;
	[smem:$0x7FC] =	sst s28  }
0x21: {  	s12 =	smul.u32 $0xD00, s15;
	s18 =	sadd.s32 s10, s17;
	[dreg:$0x19] =	wrdreg s5  }
0x22: {  	s20 =	sadd.s32 $0x47200, s0;
	s19 =	sadd.s32 s25, s17;
	[dreg:$0x1a] =	wrdreg s18  }
0x23: {  	s24 =	sadd.s32 $0x1BE00, s0;
	s22 =	sadd.s32 s26, s17;
	[dreg:$0x1b] =	wrdreg s19  }
0x24: {  	s1 =	sadd.s32 s12, s1;
	s12 =	sadd.s32 s24, s17;
	[dreg:$0x1c] =	wrdreg s22  }
0x25: {  	s21 =	sadd.s32 $0x6F200, s0;
	s0 =	sadd.s32 s8, s17;
	[dreg:$0x1d] =	wrdreg s12  }
0x26: {  	s5 =	sor.u32 $0x10, s17;
	[dreg:$0x1e] =	wrdreg s0;
	s19 =	smax.u32 s9, $0x1  }
0x27: {  	s17 =	sadd.s32 $0x180, s1;
	s1 =	sadd.s32 $0x100, s1;
	[smem:$0x7F7] =	sst s19  }
0x28: {  	s13 =	sadd.s32 s7, s5;
	[smem:$0x7F8] =	sst s1  }
0x29: {  	s29 =	simm.s32 $0x14180;
	s14 =	sadd.s32 s10, s5;
	[dreg:$0x1f] =	wrdreg s13  }
0x2a: {  	s30 =	simm.s32 $0x18200;
	s15 =	sadd.s32 s25, s5;
	[smem:$0x7F2] =	sst s14  }
0x2b: {  	s9 =	simm.s32 $0x7;
	s16 =	sadd.s32 s26, s5;
	[smem:$0x7F3] =	sst s15  }
0x2c: {  	s12 =	simm.s32 $0x1;
	s18 =	sadd.s32 s24, s5;
	[smem:$0x7F4] =	sst s16  }
0x2d: {  	s5 =	sadd.s32 s8, s5;
	s0 =	sshrl.u32 s17, $0x3;
	[smem:$0x7F5] =	sst s18  }
0x2e: {  	s1 =	simm.s32 $0x3;
	[smem:$0x7F6] =	sst s5;
	s22 =	sadd.s32 s0, s10  }
0x2f: {  	s17 =	sadd.s32 s0, s7;
	s18 =	sadd.s32 s0, s26;
	s19 =	sadd.s32 s0, s25  }
0x30: {  	s31 =	sadd.s32 s0, s8;
	s0 =	sadd.s32 s0, s24;
	s16 =	sadd.s32 $0x4000, s11  }
0x31: {  	s8 =	simm.s32 $0x14200;
	s10 =	simm.s32 $0x14000;
	s13 =	simm.s32 $0x80  }
0x32: {  	s14 =	simm.s32 $0x14080;
	s15 =	simm.s32 $0x2;
	[smem:$0x7F9] =	sst s22  }
0x33: {  	s5 =	simm.s32 $0x4;
	s22 =	sadd.s32 $0x10000, s11;
	[smem:$0x7FA] =	sst s16  }
0x34: {  	s7 =	simm.s32 $0x0;
	s11 =	simm.s32 $0x14100;
	[smem:$0x7FD] =	sst s22  }
.LBB2_1:
0x35: {  	[smem:$0x7F0] =	sst s7  }
0x36: {  	[tilespmem:s8], [sflag:$0x7] =	stream.linear.gather [hbm4b:s23+s3], $0x4000, $0x38;
	[tilespmem:$0x1C200] =	vst v63  }
0x37: {  	_ =	swait.ge [sflag:s9], $0x4000  }
0x38: {  	[sflag:s9] =	ssyncset.done $0x0  }
0x39: {  	s26 =	rddreg [dreg:$0x18];
	[sflag:s9] =	ssyncadd.s32 $0xFFFFC000  }
0x3a: {  	[spmem:s26] =	stream.linear.scatter [tilespmem:s8], [sflag:$0x7], $0x4000, $0x38;
	[tilespmem:$0x1C200] =	vst v63  }
0x3b: {  	_ =	swait.ge [sflag:s9], $0x4000  }
0x3c: {  	[sflag:s9] =	ssyncset.done $0x0  }
0x3d: {  	[sflag:s9] =	ssyncadd.s32 $0xFFFFC000  }
0x3e: {  	[spmem:s16] =	stream.linear.scatter [tilespmem:s8], [sflag:$0x7], $0x4000, $0x38;
	[tilespmem:$0x1C200] =	vst v63  }
0x3f: {  	_ =	swait.ge [sflag:s9], $0x4000  }
0x40: {  	[sflag:s9] =	ssyncset.done $0x0  }
0x41: {  	[sflag:s9] =	ssyncadd.s32 $0xFFFFC000  }
0x42: {  	[spmem:s6] =	stream.linear.scatter [tilespmem:s8], [sflag:$0x7], $0x4000, $0x38;
	[tilespmem:$0x1C200] =	vst v63  }
0x43: {  	_ =	swait.ge [sflag:s9], $0x4000  }
0x44: {  	[sflag:s9] =	ssyncset.done $0x0  }
0x45: {  	s25 =	smov.u32 s28;
	[sflag:s9] =	ssyncadd.s32 $0xFFFFC000  }
0x46: {  	[spmem:s25] =	stream.linear.scatter [tilespmem:s8], [sflag:$0x7], $0x4000, $0x38;
	[tilespmem:$0x1C200] =	vst v63  }
0x47: {  	_ =	swait.ge [sflag:s9], $0x4000  }
0x48: {  	[sflag:s9] =	ssyncset.done $0x0  }
0x49: {  	[sflag:s9] =	ssyncadd.s32 $0xFFFFC000  }
0x4a: {  	[spmem:s22] =	stream.linear.scatter [tilespmem:s8], [sflag:$0x7], $0x4000, $0x38;
	[tilespmem:$0x1C200] =	vst v63  }
0x4b: {  	_ =	swait.ge [sflag:s9], $0x4000  }
0x4c: {  	[sflag:s9] =	ssyncset.done $0x0  }
0x4d: {  	[sflag:s9] =	ssyncadd.s32 $0xFFFFC000  }
0x4e: {  	[bflag:$0x0] =	sbarrier.arrive $0xFFFF  }
0x4f: {  	s7 =	rddreg [dreg:$0x19]  }
0x50: {  	[tilespmem:s10], [sflag:$0x1] =	stream.linear.gather [hbm4b:s7+s3], $0x80, $0x38;
	[tilespmem:$0x1C200] =	vst v63  }
0x51: {  	s16 =	rddreg [dreg:$0x1a]  }
0x52: {  	[tilespmem:s11], [sflag:$0x1] =	stream.linear.gather [hbm4b:s16+s3], $0x80, $0x38;
	[tilespmem:$0x1C200] =	vst v63  }
0x53: {  	_ =	swait.ge [sflag:s12], $0x80  }
0x54: {  	[sflag:s12] =	ssyncset.done $0x0  }
0x55: {  	[sflag:s12] =	ssyncadd.s32 $0xFFFFFF80  }
0x56: {  	_ =	swait.ge [sflag:s12], $0x80  }
0x57: {  	[sflag:s12] =	ssyncset.done $0x0  }
0x58: {  	s22 =	rddreg [dreg:$0x1f];
	[sflag:s12] =	ssyncadd.s32 $0xFFFFFF80  }
0x59: {  	[tilespmem:s8], [sflag:$0x3] =	stream.indirect.gather [hbm4b:s4+s13], $0x80, s10, s13, $0xb8;
	[tilespmem:$0x1C200] =	vst v63  }
0x5a: {  	s23 =	sld [smem:$0x7F2]  }
0x5b: {  	[tilespmem:s14], [sflag:$0x2] =	stream.linear.gather [hbm4b:s22+s3], $0x80, $0x38;
	[tilespmem:$0x1C200] =	vst v63  }
0x5c: {  	_ = 	snop  }
0x5d: {  	[tilespmem:s29], [sflag:$0x2] =	stream.linear.gather [hbm4b:s23+s3], $0x80, $0x38;
	[tilespmem:$0x1C200] =	vst v63  }
0x5e: {  	_ =	swait.ge [sflag:s15], $0x80  }
0x5f: {  	[sflag:s15] =	ssyncset.done $0x0  }
0x60: {  	[sflag:s15] =	ssyncadd.s32 $0xFFFFFF80  }
0x61: {  	_ =	swait.ge [sflag:s15], $0x80  }
0x62: {  	[sflag:s15] =	ssyncset.done $0x0  }
0x63: {  	[sflag:s15] =	ssyncadd.s32 $0xFFFFFF80  }
0x64: {  	[tilespmem:s30], [sflag:$0x4] =	stream.indirect.gather [hbm4b:s4+s13], $0x80, s14, s13, $0xb8;
	[tilespmem:$0x1C200] =	vst v63  }
0x65: {  	_ =	swait.ge [sflag:s1], $0x4000  }
0x66: {  	[sflag:s1] =	ssyncset.done $0x0  }
0x67: {  	[sflag:s1] =	ssyncadd.s32 $0xFFFFC000  }
0x68: {  	[spmem:s2] =	stream.indirect.scatter.add.f32 [tilespmem:s8], [sflag:$0x7], $0x80, s11, s13, $0xb8;
	[tilespmem:$0x1C200] =	vst v63  }
0x69: {  	_ =	swait.ge [sflag:s9], $0x4000  }
0x6a: {  	s23 =	sld [smem:$0x7F8];
	_ =	sdelay $0x1  }
0x6b: {  	s28 =	smov.u32 s24  }
0x6c: {  	[sflag:s9] =	ssyncset.done $0x0;
	s25 =	rddreg [dreg:$0x12];
	s24 =	sshrl.u32 s23, $0x3  }
0x6d: {  	s26 =	rddreg [dreg:$0x13];
	[sflag:s9] =	ssyncadd.s32 $0xFFFFC000;
	s16 =	sadd.s32 s25, s24  }
0x6e: {  	[tilespmem:s10], [sflag:$0x1] =	stream.linear.gather [hbm4b:s16+s3], $0x80, $0x38;
	[tilespmem:$0x1C200] =	vst v63  }
0x6f: {  	[smem:$0x7F1] =	sst s24;
	s22 =	sadd.s32 s26, s24  }
0x70: {  	[tilespmem:s11], [sflag:$0x1] =	stream.linear.gather [hbm4b:s22+s3], $0x80, $0x38;
	[tilespmem:$0x1C200] =	vst v63  }
0x71: {  	_ =	swait.ge [sflag:s12], $0x80  }
0x72: {  	[sflag:s12] =	ssyncset.done $0x0  }
0x73: {  	[sflag:s12] =	ssyncadd.s32 $0xFFFFFF80  }
0x74: {  	_ =	swait.ge [sflag:s12], $0x80  }
0x75: {  	[sflag:s12] =	ssyncset.done $0x0  }
0x76: {  	[sflag:s12] =	ssyncadd.s32 $0xFFFFFF80  }
0x77: {  	[tilespmem:s8], [sflag:$0x3] =	stream.indirect.gather [hbm4b:s4+s13], $0x80, s10, s13, $0xb8;
	[tilespmem:$0x1C200] =	vst v63  }
0x78: {  	_ =	swait.ge [sflag:s5], $0x4000  }
0x79: {  	[sflag:s5] =	ssyncset.done $0x0  }
0x7a: {  	[sflag:s5] =	ssyncadd.s32 $0xFFFFC000  }
0x7b: {  	[spmem:s2] =	stream.indirect.scatter.add.f32 [tilespmem:s30], [sflag:$0x7], $0x80, s29, s13, $0xb8;
	[tilespmem:$0x1C200] =	vst v63  }
0x7c: {  	_ =	swait.ge [sflag:s9], $0x4000  }
0x7d: {  	[sflag:s9] =	ssyncset.done $0x0;
	s16 =	sld [smem:$0x7F9]  }
0x7e: {  	s24 =	sadd.s32 $0x0, s17;
	[sflag:s9] =	ssyncadd.s32 $0xFFFFC000  }
0x7f: {  	[tilespmem:s14], [sflag:$0x2] =	stream.linear.gather [hbm4b:s24+s3], $0x80, $0x38;
	[tilespmem:$0x1C200] =	vst v63  }
0x80: {  	s7 =	simm.s32 $0x20;
	s6 =	sadd.s32 $0x100, s23;
	s22 =	sadd.s32 $0x0, s16  }
.LBB2_2:
0x81: {  	[tilespmem:s29], [sflag:$0x2] =	stream.linear.gather [hbm4b:s22+s3], $0x80, $0x38;
	[tilespmem:$0x1C200] =	vst v63  }
0x82: {  	s22 =	smov.u32 s7  }
0x83: {  	p0 =	sne.s32 s7, $0x160;
	s7 =	sadd.s32 $0x20, s7;
	_ =	swait.ge [sflag:s15], $0x80  }
0x84: {  	[sflag:s15] =	ssyncset.done $0x0  }
0x85: {  	[sflag:s15] =	ssyncadd.s32 $0xFFFFFF80  }
0x86: {  	_ =	swait.ge [sflag:s15], $0x80  }
0x87: {  	[sflag:s15] =	ssyncset.done $0x0  }
0x88: {  	[sflag:s15] =	ssyncadd.s32 $0xFFFFFF80  }
0x89: {  	[tilespmem:s30], [sflag:$0x4] =	stream.indirect.gather [hbm4b:s4+s13], $0x80, s14, s13, $0xb8;
	[tilespmem:$0x1C200] =	vst v63  }
0x8a: {  	_ =	swait.ge [sflag:s1], $0x4000  }
0x8b: {  	[sflag:s1] =	ssyncset.done $0x0  }
0x8c: {  	[sflag:s1] =	ssyncadd.s32 $0xFFFFC000  }
0x8d: {  	[spmem:s2] =	stream.indirect.scatter.add.f32 [tilespmem:s8], [sflag:$0x7], $0x80, s11, s13, $0xb8;
	[tilespmem:$0x1C200] =	vst v63  }
0x8e: {  	_ =	swait.ge [sflag:s9], $0x4000  }
0x8f: {  	s23 =	sshrl.u32 s6, $0x3;
	[sflag:s9] =	ssyncset.done $0x0  }
0x90: {  	s24 =	sadd.s32 s25, s23;
	[sflag:s9] =	ssyncadd.s32 $0xFFFFC000  }
0x91: {  	[tilespmem:s10], [sflag:$0x1] =	stream.linear.gather [hbm4b:s24+s3], $0x80, $0x38;
	[tilespmem:$0x1C200] =	vst v63  }
0x92: {  	s23 =	sadd.s32 s26, s23  }
0x93: {  	[tilespmem:s11], [sflag:$0x1] =	stream.linear.gather [hbm4b:s23+s3], $0x80, $0x38;
	[tilespmem:$0x1C200] =	vst v63  }
0x94: {  	_ =	swait.ge [sflag:s12], $0x80  }
0x95: {  	[sflag:s12] =	ssyncset.done $0x0  }
0x96: {  	[sflag:s12] =	ssyncadd.s32 $0xFFFFFF80  }
0x97: {  	_ =	swait.ge [sflag:s12], $0x80  }
0x98: {  	[sflag:s12] =	ssyncset.done $0x0  }
0x99: {  	[sflag:s12] =	ssyncadd.s32 $0xFFFFFF80  }
0x9a: {  	[tilespmem:s8], [sflag:$0x3] =	stream.indirect.gather [hbm4b:s4+s13], $0x80, s10, s13, $0xb8;
	[tilespmem:$0x1C200] =	vst v63  }
0x9b: {  	_ =	swait.ge [sflag:s5], $0x4000  }
0x9c: {  	[sflag:s5] =	ssyncset.done $0x0  }
0x9d: {  	[sflag:s5] =	ssyncadd.s32 $0xFFFFC000  }
0x9e: {  	[spmem:s2] =	stream.indirect.scatter.add.f32 [tilespmem:s30], [sflag:$0x7], $0x80, s29, s13, $0xb8;
	[tilespmem:$0x1C200] =	vst v63  }
.Ltmp0:
0x9f: {  	_ =	swait.ge [sflag:s9], $0x4000;
	(pc) =	sbr.rel @p0 .LBB2_2-.Ltmp0, $4  }
0xa0: {  	[sflag:s9] =	ssyncset.done $0x0  }
0xa1: {  	s23 =	sadd.s32 s22, s17;
	[sflag:s9] =	ssyncadd.s32 $0xFFFFC000  }
0xa2: {  	[tilespmem:s14], [sflag:$0x2] =	stream.linear.gather [hbm4b:s23+s3], $0x80, $0x38;
	[tilespmem:$0x1C200] =	vst v63  }
0xa3: {  	s6 =	sadd.s32 $0x100, s6;
	s22 =	sadd.s32 s22, s16  }
0xa4: {  	[tilespmem:s29], [sflag:$0x2] =	stream.linear.gather [hbm4b:s22+s3], $0x80, $0x38;
	[tilespmem:$0x1C200] =	vst v63  }
0xa5: {  	_ =	swait.ge [sflag:s15], $0x80  }
0xa6: {  	[sflag:s15] =	ssyncset.done $0x0  }
0xa7: {  	[sflag:s15] =	ssyncadd.s32 $0xFFFFFF80  }
0xa8: {  	_ =	swait.ge [sflag:s15], $0x80  }
0xa9: {  	[sflag:s15] =	ssyncset.done $0x0  }
0xaa: {  	[sflag:s15] =	ssyncadd.s32 $0xFFFFFF80  }
0xab: {  	[tilespmem:s30], [sflag:$0x4] =	stream.indirect.gather [hbm4b:s4+s13], $0x80, s14, s13, $0xb8;
	[tilespmem:$0x1C200] =	vst v63  }
0xac: {  	_ =	swait.ge [sflag:s1], $0x4000  }
0xad: {  	[sflag:s1] =	ssyncset.done $0x0  }
0xae: {  	[sflag:s1] =	ssyncadd.s32 $0xFFFFC000  }
0xaf: {  	[spmem:s2] =	stream.indirect.scatter.add.f32 [tilespmem:s8], [sflag:$0x7], $0x80, s11, s13, $0xb8;
	[tilespmem:$0x1C200] =	vst v63  }
0xb0: {  	_ =	swait.ge [sflag:s9], $0x4000  }
0xb1: {  	[sflag:s9] =	ssyncset.done $0x0  }
0xb2: {  	[sflag:s9] =	ssyncadd.s32 $0xFFFFC000  }
0xb3: {  	_ =	swait.ge [sflag:s5], $0x4000  }
0xb4: {  	[sflag:s5] =	ssyncset.done $0x0  }
0xb5: {  	[sflag:s5] =	ssyncadd.s32 $0xFFFFC000  }
0xb6: {  	[spmem:s2] =	stream.indirect.scatter.add.f32 [tilespmem:s30], [sflag:$0x7], $0x80, s29, s13, $0xb8;
	[tilespmem:$0x1C200] =	vst v63  }
0xb7: {  	_ =	swait.ge [sflag:s9], $0x4000  }
0xb8: {  	[sflag:s9] =	ssyncset.done $0x0  }
0xb9: {  	[sflag:s9] =	ssyncadd.s32 $0xFFFFC000  }
0xba: {  	[bflag:$0x0] =	sbarrier.arrive $0xFFFF  }
0xbb: {  	s6 =	rddreg [dreg:$0x18]  }
0xbc: {  	[tilespmem:s8], [sflag:$0x7] =	stream.linear.gather [spmem:s6], $0x4000, $0x38;
	[tilespmem:$0x1C200] =	vst v63  }
0xbd: {  	_ =	swait.ge [sflag:s9], $0x4000  }
0xbe: {  	[sflag:s9] =	ssyncset.done $0x0;
	s7 =	rddreg [dreg:$0x3]  }
0xbf: {  	s22 =	simm.s32 $0x0;
	s6 =	sld [smem:$0x7FA];
	[sflag:s9] =	ssyncadd.s32 $0xFFFFC000  }
0xc0: {  	[hbm4b:s7+s22] =	stream.linear.scatter [tilespmem:s8], [sflag:$0x5], $0x4000, $0x38;
	[tilespmem:$0x1C200] =	vst v63  }
0xc1: {  	_ = 	snop  }
0xc2: {  	[tilespmem:s30], [sflag:$0x7] =	stream.linear.gather [spmem:s6], $0x4000, $0x38;
	[tilespmem:$0x1C200] =	vst v63  }
0xc3: {  	_ =	swait.ge [sflag:s9], $0x4000  }
0xc4: {  	[sflag:s9] =	ssyncset.done $0x0  }
0xc5: {  	s16 =	simm.s32 $0x5;
	s23 =	rddreg [dreg:$0x4];
	[sflag:s9] =	ssyncadd.s32 $0xFFFFC000  }
0xc6: {  	[hbm4b:s23+s22] =	stream.linear.scatter [tilespmem:s30], [sflag:$0x6], $0x4000, $0x38;
	[tilespmem:$0x1C200] =	vst v63  }
0xc7: {  	_ =	swait.ge [sflag:s16], $0x4000  }
0xc8: {  	s23 =	sld [smem:$0x7FB]  }
0xc9: {  	[sflag:s16] =	ssyncset.done $0x0  }
0xca: {  	[sflag:s16] =	ssyncadd.s32 $0xFFFFC000  }
0xcb: {  	[tilespmem:s8], [sflag:$0x7] =	stream.linear.gather [spmem:s23], $0x4000, $0x38;
	[tilespmem:$0x1C200] =	vst v63  }
0xcc: {  	_ =	swait.ge [sflag:s9], $0x4000  }
0xcd: {  	[sflag:s9] =	ssyncset.done $0x0  }
0xce: {  	s26 =	simm.s32 $0x6;
	s24 =	rddreg [dreg:$0x5];
	[sflag:s9] =	ssyncadd.s32 $0xFFFFC000  }
0xcf: {  	[hbm4b:s24+s22] =	stream.linear.scatter [tilespmem:s8], [sflag:$0x5], $0x4000, $0x38;
	[tilespmem:$0x1C200] =	vst v63  }
0xd0: {  	_ =	swait.ge [sflag:s26], $0x4000  }
0xd1: {  	s24 =	sld [smem:$0x7FC]  }
0xd2: {  	[sflag:s26] =	ssyncset.done $0x0  }
0xd3: {  	[sflag:s26] =	ssyncadd.s32 $0xFFFFC000  }
0xd4: {  	[tilespmem:s30], [sflag:$0x7] =	stream.linear.gather [spmem:s24], $0x4000, $0x38;
	[tilespmem:$0x1C200] =	vst v63  }
0xd5: {  	_ =	swait.ge [sflag:s9], $0x4000  }
0xd6: {  	[sflag:s9] =	ssyncset.done $0x0  }
0xd7: {  	s25 =	rddreg [dreg:$0x6];
	[sflag:s9] =	ssyncadd.s32 $0xFFFFC000  }
0xd8: {  	[hbm4b:s25+s22] =	stream.linear.scatter [tilespmem:s30], [sflag:$0x6], $0x4000, $0x38;
	[tilespmem:$0x1C200] =	vst v63  }
0xd9: {  	_ =	swait.ge [sflag:s16], $0x4000  }
0xda: {  	s25 =	sld [smem:$0x7FD]  }
0xdb: {  	[sflag:s16] =	ssyncset.done $0x0  }
0xdc: {  	[sflag:s16] =	ssyncadd.s32 $0xFFFFC000  }
0xdd: {  	[tilespmem:s8], [sflag:$0x7] =	stream.linear.gather [spmem:s25], $0x4000, $0x38;
	[tilespmem:$0x1C200] =	vst v63  }
0xde: {  	_ =	swait.ge [sflag:s9], $0x4000  }
0xdf: {  	[sflag:s9] =	ssyncset.done $0x0  }
0xe0: {  	s7 =	rddreg [dreg:$0x7];
	[sflag:s9] =	ssyncadd.s32 $0xFFFFC000  }
0xe1: {  	[hbm4b:s7+s22] =	stream.linear.scatter [tilespmem:s8], [sflag:$0x5], $0x4000, $0x38;
	[tilespmem:$0x1C200] =	vst v63  }
0xe2: {  	_ =	swait.ge [sflag:s26], $0x4000  }
0xe3: {  	[sflag:s26] =	ssyncset.done $0x0  }
0xe4: {  	[sflag:s26] =	ssyncadd.s32 $0xFFFFC000  }
0xe5: {  	_ =	swait.ge [sflag:s16], $0x4000  }
0xe6: {  	[sflag:s16] =	ssyncset.done $0x0  }
0xe7: {  	s26 =	rddreg [dreg:$0x17];
	[sflag:s16] =	ssyncadd.s32 $0xFFFFC000  }
0xe8: {  	[tilespmem:s8], [sflag:$0x7] =	stream.linear.gather [hbm4b:s26+s22], $0x4000, $0x38;
	[tilespmem:$0x1C200] =	vst v63  }
0xe9: {  	_ =	swait.ge [sflag:s9], $0x4000  }
0xea: {  	[sflag:s9] =	ssyncset.done $0x0  }
0xeb: {  	s16 =	rddreg [dreg:$0x18];
	[sflag:s9] =	ssyncadd.s32 $0xFFFFC000  }
0xec: {  	[spmem:s16] =	stream.linear.scatter [tilespmem:s8], [sflag:$0x7], $0x4000, $0x38;
	[tilespmem:$0x1C200] =	vst v63  }
0xed: {  	_ =	swait.ge [sflag:s9], $0x4000  }
0xee: {  	[sflag:s9] =	ssyncset.done $0x0  }
0xef: {  	[sflag:s9] =	ssyncadd.s32 $0xFFFFC000  }
0xf0: {  	[spmem:s6] =	stream.linear.scatter [tilespmem:s8], [sflag:$0x7], $0x4000, $0x38;
	[tilespmem:$0x1C200] =	vst v63  }
0xf1: {  	_ =	swait.ge [sflag:s9], $0x4000  }
0xf2: {  	[sflag:s9] =	ssyncset.done $0x0  }
0xf3: {  	[sflag:s9] =	ssyncadd.s32 $0xFFFFC000  }
0xf4: {  	[spmem:s23] =	stream.linear.scatter [tilespmem:s8], [sflag:$0x7], $0x4000, $0x38;
	[tilespmem:$0x1C200] =	vst v63  }
0xf5: {  	_ =	swait.ge [sflag:s9], $0x4000  }
0xf6: {  	[sflag:s9] =	ssyncset.done $0x0  }
0xf7: {  	[sflag:s9] =	ssyncadd.s32 $0xFFFFC000  }
0xf8: {  	[spmem:s24] =	stream.linear.scatter [tilespmem:s8], [sflag:$0x7], $0x4000, $0x38;
	[tilespmem:$0x1C200] =	vst v63  }
0xf9: {  	_ =	swait.ge [sflag:s9], $0x4000  }
0xfa: {  	[sflag:s9] =	ssyncset.done $0x0  }
0xfb: {  	[sflag:s9] =	ssyncadd.s32 $0xFFFFC000  }
0xfc: {  	[spmem:s25] =	stream.linear.scatter [tilespmem:s8], [sflag:$0x7], $0x4000, $0x38;
	[tilespmem:$0x1C200] =	vst v63  }
0xfd: {  	_ =	swait.ge [sflag:s9], $0x4000  }
0xfe: {  	[sflag:s9] =	ssyncset.done $0x0  }
0xff: {  	[sflag:s9] =	ssyncadd.s32 $0xFFFFC000  }
0x100: {  	[bflag:$0x0] =	sbarrier.arrive $0xFFFF  }
0x101: {  	s25 =	rddreg [dreg:$0x1b]  }
0x102: {  	[tilespmem:s10], [sflag:$0x1] =	stream.linear.gather [hbm4b:s25+s22], $0x80, $0x38;
	[tilespmem:$0x1C200] =	vst v63  }
0x103: {  	s26 =	rddreg [dreg:$0x1c]  }
0x104: {  	[tilespmem:s11], [sflag:$0x1] =	stream.linear.gather [hbm4b:s26+s22], $0x80, $0x38;
	[tilespmem:$0x1C200] =	vst v63  }
0x105: {  	_ =	swait.ge [sflag:s12], $0x80  }
0x106: {  	[sflag:s12] =	ssyncset.done $0x0  }
0x107: {  	[sflag:s12] =	ssyncadd.s32 $0xFFFFFF80  }
0x108: {  	_ =	swait.ge [sflag:s12], $0x80  }
0x109: {  	[sflag:s12] =	ssyncset.done $0x0  }
0x10a: {  	s16 =	smov.u32 s6;
	s6 =	sld [smem:$0x7F3];
	[sflag:s12] =	ssyncadd.s32 $0xFFFFFF80  }
0x10b: {  	[tilespmem:s8], [sflag:$0x3] =	stream.indirect.gather [hbm4b:s20+s13], $0x80, s10, s13, $0xb8;
	[tilespmem:$0x1C200] =	vst v63  }
0x10c: {  	s23 =	sld [smem:$0x7F4]  }
0x10d: {  	[tilespmem:s14], [sflag:$0x2] =	stream.linear.gather [hbm4b:s6+s22], $0x80, $0x38;
	[tilespmem:$0x1C200] =	vst v63  }
0x10e: {  	_ = 	snop  }
0x10f: {  	[tilespmem:s29], [sflag:$0x2] =	stream.linear.gather [hbm4b:s23+s22], $0x80, $0x38;
	[tilespmem:$0x1C200] =	vst v63  }
0x110: {  	_ =	swait.ge [sflag:s15], $0x80  }
0x111: {  	[sflag:s15] =	ssyncset.done $0x0  }
0x112: {  	[sflag:s15] =	ssyncadd.s32 $0xFFFFFF80  }
0x113: {  	_ =	swait.ge [sflag:s15], $0x80  }
0x114: {  	[sflag:s15] =	ssyncset.done $0x0  }
0x115: {  	[sflag:s15] =	ssyncadd.s32 $0xFFFFFF80  }
0x116: {  	[tilespmem:s30], [sflag:$0x4] =	stream.indirect.gather [hbm4b:s20+s13], $0x80, s14, s13, $0xb8;
	[tilespmem:$0x1C200] =	vst v63  }
0x117: {  	_ =	swait.ge [sflag:s1], $0x4000  }
0x118: {  	[sflag:s1] =	ssyncset.done $0x0  }
0x119: {  	[sflag:s1] =	ssyncadd.s32 $0xFFFFC000  }
0x11a: {  	[spmem:s2] =	stream.indirect.scatter.add.f32 [tilespmem:s8], [sflag:$0x7], $0x80, s11, s13, $0xb8;
	[tilespmem:$0x1C200] =	vst v63  }
0x11b: {  	_ =	swait.ge [sflag:s9], $0x4000  }
0x11c: {  	s24 =	sld [smem:$0x7F1];
	_ =	sdelay $0x1  }
0x11d: {  	[sflag:s9] =	ssyncset.done $0x0;
	s25 =	rddreg [dreg:$0x14]  }
0x11e: {  	[sflag:s9] =	ssyncadd.s32 $0xFFFFC000;
	s26 =	sadd.s32 s25, s24  }
0x11f: {  	[tilespmem:s10], [sflag:$0x1] =	stream.linear.gather [hbm4b:s26+s3], $0x80, $0x38;
	[tilespmem:$0x1C200] =	vst v63  }
0x120: {  	s26 =	rddreg [dreg:$0x15]  }
0x121: {  	s22 =	sadd.s32 s26, s24  }
0x122: {  	[tilespmem:s11], [sflag:$0x1] =	stream.linear.gather [hbm4b:s22+s3], $0x80, $0x38;
	[tilespmem:$0x1C200] =	vst v63  }
0x123: {  	_ =	swait.ge [sflag:s12], $0x80  }
0x124: {  	[sflag:s12] =	ssyncset.done $0x0  }
0x125: {  	[sflag:s12] =	ssyncadd.s32 $0xFFFFFF80  }
0x126: {  	_ =	swait.ge [sflag:s12], $0x80  }
0x127: {  	[sflag:s12] =	ssyncset.done $0x0  }
0x128: {  	[sflag:s12] =	ssyncadd.s32 $0xFFFFFF80  }
0x129: {  	[tilespmem:s8], [sflag:$0x3] =	stream.indirect.gather [hbm4b:s20+s13], $0x80, s10, s13, $0xb8;
	[tilespmem:$0x1C200] =	vst v63  }
0x12a: {  	_ =	swait.ge [sflag:s5], $0x4000  }
0x12b: {  	[sflag:s5] =	ssyncset.done $0x0  }
0x12c: {  	[sflag:s5] =	ssyncadd.s32 $0xFFFFC000  }
0x12d: {  	[spmem:s2] =	stream.indirect.scatter.add.f32 [tilespmem:s30], [sflag:$0x7], $0x80, s29, s13, $0xb8;
	[tilespmem:$0x1C200] =	vst v63  }
0x12e: {  	_ =	swait.ge [sflag:s9], $0x4000  }
0x12f: {  	[sflag:s9] =	ssyncset.done $0x0;
	s24 =	sld [smem:$0x7F8]  }
0x130: {  	s23 =	sadd.s32 $0x0, s19;
	[sflag:s9] =	ssyncadd.s32 $0xFFFFC000  }
0x131: {  	[tilespmem:s14], [sflag:$0x2] =	stream.linear.gather [hbm4b:s23+s3], $0x80, $0x38;
	[tilespmem:$0x1C200] =	vst v63  }
0x132: {  	s7 =	simm.s32 $0x20;
	s22 =	sadd.s32 $0x0, s18;
	s6 =	sadd.s32 $0x100, s24  }
.LBB2_4:
0x133: {  	[tilespmem:s29], [sflag:$0x2] =	stream.linear.gather [hbm4b:s22+s3], $0x80, $0x38;
	[tilespmem:$0x1C200] =	vst v63  }
0x134: {  	s22 =	smov.u32 s7  }
0x135: {  	p0 =	sne.s32 s7, $0x160;
	s7 =	sadd.s32 $0x20, s7;
	_ =	swait.ge [sflag:s15], $0x80  }
0x136: {  	[sflag:s15] =	ssyncset.done $0x0  }
0x137: {  	[sflag:s15] =	ssyncadd.s32 $0xFFFFFF80  }
0x138: {  	_ =	swait.ge [sflag:s15], $0x80  }
0x139: {  	[sflag:s15] =	ssyncset.done $0x0  }
0x13a: {  	[sflag:s15] =	ssyncadd.s32 $0xFFFFFF80  }
0x13b: {  	[tilespmem:s30], [sflag:$0x4] =	stream.indirect.gather [hbm4b:s20+s13], $0x80, s14, s13, $0xb8;
	[tilespmem:$0x1C200] =	vst v63  }
0x13c: {  	_ =	swait.ge [sflag:s1], $0x4000  }
0x13d: {  	[sflag:s1] =	ssyncset.done $0x0  }
0x13e: {  	[sflag:s1] =	ssyncadd.s32 $0xFFFFC000  }
0x13f: {  	[spmem:s2] =	stream.indirect.scatter.add.f32 [tilespmem:s8], [sflag:$0x7], $0x80, s11, s13, $0xb8;
	[tilespmem:$0x1C200] =	vst v63  }
0x140: {  	_ =	swait.ge [sflag:s9], $0x4000  }
0x141: {  	s23 =	sshrl.u32 s6, $0x3;
	[sflag:s9] =	ssyncset.done $0x0  }
0x142: {  	s24 =	sadd.s32 s25, s23;
	[sflag:s9] =	ssyncadd.s32 $0xFFFFC000  }
0x143: {  	[tilespmem:s10], [sflag:$0x1] =	stream.linear.gather [hbm4b:s24+s3], $0x80, $0x38;
	[tilespmem:$0x1C200] =	vst v63  }
0x144: {  	s23 =	sadd.s32 s26, s23  }
0x145: {  	[tilespmem:s11], [sflag:$0x1] =	stream.linear.gather [hbm4b:s23+s3], $0x80, $0x38;
	[tilespmem:$0x1C200] =	vst v63  }
0x146: {  	_ =	swait.ge [sflag:s12], $0x80  }
0x147: {  	[sflag:s12] =	ssyncset.done $0x0  }
0x148: {  	[sflag:s12] =	ssyncadd.s32 $0xFFFFFF80  }
0x149: {  	_ =	swait.ge [sflag:s12], $0x80  }
0x14a: {  	[sflag:s12] =	ssyncset.done $0x0  }
0x14b: {  	[sflag:s12] =	ssyncadd.s32 $0xFFFFFF80  }
0x14c: {  	[tilespmem:s8], [sflag:$0x3] =	stream.indirect.gather [hbm4b:s20+s13], $0x80, s10, s13, $0xb8;
	[tilespmem:$0x1C200] =	vst v63  }
0x14d: {  	_ =	swait.ge [sflag:s5], $0x4000  }
0x14e: {  	[sflag:s5] =	ssyncset.done $0x0  }
0x14f: {  	[sflag:s5] =	ssyncadd.s32 $0xFFFFC000  }
0x150: {  	[spmem:s2] =	stream.indirect.scatter.add.f32 [tilespmem:s30], [sflag:$0x7], $0x80, s29, s13, $0xb8;
	[tilespmem:$0x1C200] =	vst v63  }
.Ltmp1:
0x151: {  	_ =	swait.ge [sflag:s9], $0x4000;
	(pc) =	sbr.rel @p0 .LBB2_4-.Ltmp1, $4  }
0x152: {  	[sflag:s9] =	ssyncset.done $0x0  }
0x153: {  	s23 =	sadd.s32 s22, s19;
	[sflag:s9] =	ssyncadd.s32 $0xFFFFC000  }
0x154: {  	[tilespmem:s14], [sflag:$0x2] =	stream.linear.gather [hbm4b:s23+s3], $0x80, $0x38;
	[tilespmem:$0x1C200] =	vst v63  }
0x155: {  	s6 =	sadd.s32 $0x100, s6;
	s22 =	sadd.s32 s22, s18  }
0x156: {  	[tilespmem:s29], [sflag:$0x2] =	stream.linear.gather [hbm4b:s22+s3], $0x80, $0x38;
	[tilespmem:$0x1C200] =	vst v63  }
0x157: {  	_ =	swait.ge [sflag:s15], $0x80  }
0x158: {  	[sflag:s15] =	ssyncset.done $0x0  }
0x159: {  	[sflag:s15] =	ssyncadd.s32 $0xFFFFFF80  }
0x15a: {  	_ =	swait.ge [sflag:s15], $0x80  }
0x15b: {  	[sflag:s15] =	ssyncset.done $0x0  }
0x15c: {  	[sflag:s15] =	ssyncadd.s32 $0xFFFFFF80  }
0x15d: {  	[tilespmem:s30], [sflag:$0x4] =	stream.indirect.gather [hbm4b:s20+s13], $0x80, s14, s13, $0xb8;
	[tilespmem:$0x1C200] =	vst v63  }
0x15e: {  	_ =	swait.ge [sflag:s1], $0x4000  }
0x15f: {  	[sflag:s1] =	ssyncset.done $0x0  }
0x160: {  	[sflag:s1] =	ssyncadd.s32 $0xFFFFC000  }
0x161: {  	[spmem:s2] =	stream.indirect.scatter.add.f32 [tilespmem:s8], [sflag:$0x7], $0x80, s11, s13, $0xb8;
	[tilespmem:$0x1C200] =	vst v63  }
0x162: {  	_ =	swait.ge [sflag:s9], $0x4000  }
0x163: {  	[sflag:s9] =	ssyncset.done $0x0  }
0x164: {  	[sflag:s9] =	ssyncadd.s32 $0xFFFFC000  }
0x165: {  	_ =	swait.ge [sflag:s5], $0x4000  }
0x166: {  	[sflag:s5] =	ssyncset.done $0x0  }
0x167: {  	[sflag:s5] =	ssyncadd.s32 $0xFFFFC000  }
0x168: {  	[spmem:s2] =	stream.indirect.scatter.add.f32 [tilespmem:s30], [sflag:$0x7], $0x80, s29, s13, $0xb8;
	[tilespmem:$0x1C200] =	vst v63  }
0x169: {  	_ =	swait.ge [sflag:s9], $0x4000  }
0x16a: {  	[sflag:s9] =	ssyncset.done $0x0  }
0x16b: {  	[sflag:s9] =	ssyncadd.s32 $0xFFFFC000  }
0x16c: {  	[bflag:$0x0] =	sbarrier.arrive $0xFFFF  }
0x16d: {  	s6 =	rddreg [dreg:$0x18]  }
0x16e: {  	[tilespmem:s8], [sflag:$0x7] =	stream.linear.gather [spmem:s6], $0x4000, $0x38;
	[tilespmem:$0x1C200] =	vst v63  }
0x16f: {  	_ =	swait.ge [sflag:s9], $0x4000  }
0x170: {  	[sflag:s9] =	ssyncset.done $0x0  }
0x171: {  	s22 =	simm.s32 $0x0;
	s7 =	rddreg [dreg:$0x8];
	[sflag:s9] =	ssyncadd.s32 $0xFFFFC000  }
0x172: {  	[hbm4b:s7+s22] =	stream.linear.scatter [tilespmem:s8], [sflag:$0x5], $0x4000, $0x38;
	[tilespmem:$0x1C200] =	vst v63  }
0x173: {  	_ = 	snop  }
0x174: {  	[tilespmem:s30], [sflag:$0x7] =	stream.linear.gather [spmem:s16], $0x4000, $0x38;
	[tilespmem:$0x1C200] =	vst v63  }
0x175: {  	_ =	swait.ge [sflag:s9], $0x4000  }
0x176: {  	[sflag:s9] =	ssyncset.done $0x0  }
0x177: {  	s6 =	simm.s32 $0x5;
	s16 =	rddreg [dreg:$0x9];
	[sflag:s9] =	ssyncadd.s32 $0xFFFFC000  }
0x178: {  	[hbm4b:s16+s22] =	stream.linear.scatter [tilespmem:s30], [sflag:$0x6], $0x4000, $0x38;
	[tilespmem:$0x1C200] =	vst v63  }
0x179: {  	_ =	swait.ge [sflag:s6], $0x4000  }
0x17a: {  	s23 =	sld [smem:$0x7FB]  }
0x17b: {  	[sflag:s6] =	ssyncset.done $0x0  }
0x17c: {  	[sflag:s6] =	ssyncadd.s32 $0xFFFFC000  }
0x17d: {  	[tilespmem:s8], [sflag:$0x7] =	stream.linear.gather [spmem:s23], $0x4000, $0x38;
	[tilespmem:$0x1C200] =	vst v63  }
0x17e: {  	_ =	swait.ge [sflag:s9], $0x4000  }
0x17f: {  	[sflag:s9] =	ssyncset.done $0x0  }
0x180: {  	s16 =	simm.s32 $0x6;
	s24 =	rddreg [dreg:$0xa];
	[sflag:s9] =	ssyncadd.s32 $0xFFFFC000  }
0x181: {  	[hbm4b:s24+s22] =	stream.linear.scatter [tilespmem:s8], [sflag:$0x5], $0x4000, $0x38;
	[tilespmem:$0x1C200] =	vst v63  }
0x182: {  	_ =	swait.ge [sflag:s16], $0x4000  }
0x183: {  	s24 =	sld [smem:$0x7FC]  }
0x184: {  	[sflag:s16] =	ssyncset.done $0x0  }
0x185: {  	[sflag:s16] =	ssyncadd.s32 $0xFFFFC000  }
0x186: {  	[tilespmem:s30], [sflag:$0x7] =	stream.linear.gather [spmem:s24], $0x4000, $0x38;
	[tilespmem:$0x1C200] =	vst v63  }
0x187: {  	_ =	swait.ge [sflag:s9], $0x4000  }
0x188: {  	[sflag:s9] =	ssyncset.done $0x0  }
0x189: {  	s25 =	rddreg [dreg:$0xb];
	[sflag:s9] =	ssyncadd.s32 $0xFFFFC000  }
0x18a: {  	[hbm4b:s25+s22] =	stream.linear.scatter [tilespmem:s30], [sflag:$0x6], $0x4000, $0x38;
	[tilespmem:$0x1C200] =	vst v63  }
0x18b: {  	_ =	swait.ge [sflag:s6], $0x4000  }
0x18c: {  	s23 =	sld [smem:$0x7FD]  }
0x18d: {  	[sflag:s6] =	ssyncset.done $0x0  }
0x18e: {  	[sflag:s6] =	ssyncadd.s32 $0xFFFFC000  }
0x18f: {  	[tilespmem:s8], [sflag:$0x7] =	stream.linear.gather [spmem:s23], $0x4000, $0x38;
	[tilespmem:$0x1C200] =	vst v63  }
0x190: {  	_ =	swait.ge [sflag:s9], $0x4000  }
0x191: {  	[sflag:s9] =	ssyncset.done $0x0  }
0x192: {  	s26 =	rddreg [dreg:$0xc];
	[sflag:s9] =	ssyncadd.s32 $0xFFFFC000  }
0x193: {  	[hbm4b:s26+s22] =	stream.linear.scatter [tilespmem:s8], [sflag:$0x5], $0x4000, $0x38;
	[tilespmem:$0x1C200] =	vst v63  }
0x194: {  	_ =	swait.ge [sflag:s16], $0x4000  }
0x195: {  	[sflag:s16] =	ssyncset.done $0x0  }
0x196: {  	[sflag:s16] =	ssyncadd.s32 $0xFFFFC000  }
0x197: {  	_ =	swait.ge [sflag:s6], $0x4000  }
0x198: {  	[sflag:s6] =	ssyncset.done $0x0  }
0x199: {  	s25 =	rddreg [dreg:$0x17];
	[sflag:s6] =	ssyncadd.s32 $0xFFFFC000  }
0x19a: {  	[tilespmem:s8], [sflag:$0x7] =	stream.linear.gather [hbm4b:s25+s22], $0x4000, $0x38;
	[tilespmem:$0x1C200] =	vst v63  }
0x19b: {  	_ =	swait.ge [sflag:s9], $0x4000  }
0x19c: {  	[sflag:s9] =	ssyncset.done $0x0  }
0x19d: {  	s26 =	rddreg [dreg:$0x18];
	[sflag:s9] =	ssyncadd.s32 $0xFFFFC000  }
0x19e: {  	[spmem:s26] =	stream.linear.scatter [tilespmem:s8], [sflag:$0x7], $0x4000, $0x38;
	[tilespmem:$0x1C200] =	vst v63  }
0x19f: {  	_ =	swait.ge [sflag:s9], $0x4000  }
0x1a0: {  	s7 =	sld [smem:$0x7FA]  }
0x1a1: {  	[sflag:s9] =	ssyncset.done $0x0  }
0x1a2: {  	[sflag:s9] =	ssyncadd.s32 $0xFFFFC000  }
0x1a3: {  	[spmem:s7] =	stream.linear.scatter [tilespmem:s8], [sflag:$0x7], $0x4000, $0x38;
	[tilespmem:$0x1C200] =	vst v63  }
0x1a4: {  	_ =	swait.ge [sflag:s9], $0x4000  }
0x1a5: {  	s16 =	sld [smem:$0x7FB]  }
0x1a6: {  	[sflag:s9] =	ssyncset.done $0x0  }
0x1a7: {  	[sflag:s9] =	ssyncadd.s32 $0xFFFFC000  }
0x1a8: {  	[spmem:s16] =	stream.linear.scatter [tilespmem:s8], [sflag:$0x7], $0x4000, $0x38;
	[tilespmem:$0x1C200] =	vst v63  }
0x1a9: {  	_ =	swait.ge [sflag:s9], $0x4000  }
0x1aa: {  	[sflag:s9] =	ssyncset.done $0x0  }
0x1ab: {  	[sflag:s9] =	ssyncadd.s32 $0xFFFFC000  }
0x1ac: {  	[spmem:s24] =	stream.linear.scatter [tilespmem:s8], [sflag:$0x7], $0x4000, $0x38;
	[tilespmem:$0x1C200] =	vst v63  }
0x1ad: {  	_ =	swait.ge [sflag:s9], $0x4000  }
0x1ae: {  	[sflag:s9] =	ssyncset.done $0x0  }
0x1af: {  	[sflag:s9] =	ssyncadd.s32 $0xFFFFC000  }
0x1b0: {  	[spmem:s23] =	stream.linear.scatter [tilespmem:s8], [sflag:$0x7], $0x4000, $0x38;
	[tilespmem:$0x1C200] =	vst v63  }
0x1b1: {  	_ =	swait.ge [sflag:s9], $0x4000  }
0x1b2: {  	[sflag:s9] =	ssyncset.done $0x0  }
0x1b3: {  	[sflag:s9] =	ssyncadd.s32 $0xFFFFC000  }
0x1b4: {  	[bflag:$0x0] =	sbarrier.arrive $0xFFFF  }
0x1b5: {  	s25 =	rddreg [dreg:$0x1d]  }
0x1b6: {  	[tilespmem:s10], [sflag:$0x1] =	stream.linear.gather [hbm4b:s25+s22], $0x80, $0x38;
	[tilespmem:$0x1C200] =	vst v63  }
0x1b7: {  	s26 =	rddreg [dreg:$0x1e]  }
0x1b8: {  	[tilespmem:s11], [sflag:$0x1] =	stream.linear.gather [hbm4b:s26+s22], $0x80, $0x38;
	[tilespmem:$0x1C200] =	vst v63  }
0x1b9: {  	_ =	swait.ge [sflag:s12], $0x80  }
0x1ba: {  	[sflag:s12] =	ssyncset.done $0x0  }
0x1bb: {  	[sflag:s12] =	ssyncadd.s32 $0xFFFFFF80  }
0x1bc: {  	_ =	swait.ge [sflag:s12], $0x80  }
0x1bd: {  	[sflag:s12] =	ssyncset.done $0x0  }
0x1be: {  	s6 =	sld [smem:$0x7F5];
	[sflag:s12] =	ssyncadd.s32 $0xFFFFFF80  }
0x1bf: {  	[tilespmem:s8], [sflag:$0x3] =	stream.indirect.gather [hbm4b:s21+s13], $0x80, s10, s13, $0xb8;
	[tilespmem:$0x1C200] =	vst v63  }
0x1c0: {  	s16 =	sld [smem:$0x7F6]  }
0x1c1: {  	[tilespmem:s14], [sflag:$0x2] =	stream.linear.gather [hbm4b:s6+s22], $0x80, $0x38;
	[tilespmem:$0x1C200] =	vst v63  }
0x1c2: {  	_ = 	snop  }
0x1c3: {  	[tilespmem:s29], [sflag:$0x2] =	stream.linear.gather [hbm4b:s16+s22], $0x80, $0x38;
	[tilespmem:$0x1C200] =	vst v63  }
0x1c4: {  	_ =	swait.ge [sflag:s15], $0x80  }
0x1c5: {  	[sflag:s15] =	ssyncset.done $0x0  }
0x1c6: {  	[sflag:s15] =	ssyncadd.s32 $0xFFFFFF80  }
0x1c7: {  	_ =	swait.ge [sflag:s15], $0x80  }
0x1c8: {  	[sflag:s15] =	ssyncset.done $0x0  }
0x1c9: {  	[sflag:s15] =	ssyncadd.s32 $0xFFFFFF80  }
0x1ca: {  	[tilespmem:s30], [sflag:$0x4] =	stream.indirect.gather [hbm4b:s21+s13], $0x80, s14, s13, $0xb8;
	[tilespmem:$0x1C200] =	vst v63  }
0x1cb: {  	_ =	swait.ge [sflag:s1], $0x4000  }
0x1cc: {  	[sflag:s1] =	ssyncset.done $0x0  }
0x1cd: {  	[sflag:s1] =	ssyncadd.s32 $0xFFFFC000  }
0x1ce: {  	[spmem:s2] =	stream.indirect.scatter.add.f32 [tilespmem:s8], [sflag:$0x7], $0x80, s11, s13, $0xb8;
	[tilespmem:$0x1C200] =	vst v63  }
0x1cf: {  	_ =	swait.ge [sflag:s9], $0x4000  }
0x1d0: {  	s22 =	sld [smem:$0x7F1];
	_ =	sdelay $0x1  }
0x1d1: {  	[sflag:s9] =	ssyncset.done $0x0  }
0x1d2: {  	s16 =	rddreg [dreg:$0x16];
	[sflag:s9] =	ssyncadd.s32 $0xFFFFC000;
	s23 =	sadd.s32 s28, s22  }
0x1d3: {  	[tilespmem:s10], [sflag:$0x1] =	stream.linear.gather [hbm4b:s23+s3], $0x80, $0x38;
	[tilespmem:$0x1C200] =	vst v63  }
0x1d4: {  	s24 =	sadd.s32 s16, s22  }
0x1d5: {  	[tilespmem:s11], [sflag:$0x1] =	stream.linear.gather [hbm4b:s24+s3], $0x80, $0x38;
	[tilespmem:$0x1C200] =	vst v63  }
0x1d6: {  	_ =	swait.ge [sflag:s12], $0x80  }
0x1d7: {  	[sflag:s12] =	ssyncset.done $0x0  }
0x1d8: {  	[sflag:s12] =	ssyncadd.s32 $0xFFFFFF80  }
0x1d9: {  	_ =	swait.ge [sflag:s12], $0x80  }
0x1da: {  	[sflag:s12] =	ssyncset.done $0x0  }
0x1db: {  	[sflag:s12] =	ssyncadd.s32 $0xFFFFFF80  }
0x1dc: {  	[tilespmem:s8], [sflag:$0x3] =	stream.indirect.gather [hbm4b:s21+s13], $0x80, s10, s13, $0xb8;
	[tilespmem:$0x1C200] =	vst v63  }
0x1dd: {  	_ =	swait.ge [sflag:s5], $0x4000  }
0x1de: {  	[sflag:s5] =	ssyncset.done $0x0  }
0x1df: {  	[sflag:s5] =	ssyncadd.s32 $0xFFFFC000  }
0x1e0: {  	[spmem:s2] =	stream.indirect.scatter.add.f32 [tilespmem:s30], [sflag:$0x7], $0x80, s29, s13, $0xb8;
	[tilespmem:$0x1C200] =	vst v63  }
0x1e1: {  	_ =	swait.ge [sflag:s9], $0x4000  }
0x1e2: {  	[sflag:s9] =	ssyncset.done $0x0;
	s26 =	sld [smem:$0x7F8]  }
0x1e3: {  	s25 =	sadd.s32 $0x0, s0;
	[sflag:s9] =	ssyncadd.s32 $0xFFFFC000  }
0x1e4: {  	[tilespmem:s14], [sflag:$0x2] =	stream.linear.gather [hbm4b:s25+s3], $0x80, $0x38;
	[tilespmem:$0x1C200] =	vst v63  }
0x1e5: {  	s7 =	simm.s32 $0x20;
	s22 =	sadd.s32 $0x0, s31;
	s6 =	sadd.s32 $0x100, s26  }
.LBB2_6:
0x1e6: {  	[tilespmem:s29], [sflag:$0x2] =	stream.linear.gather [hbm4b:s22+s3], $0x80, $0x38;
	[tilespmem:$0x1C200] =	vst v63  }
0x1e7: {  	s22 =	smov.u32 s7  }
0x1e8: {  	p0 =	sne.s32 s7, $0x160;
	s7 =	sadd.s32 $0x20, s7;
	_ =	swait.ge [sflag:s15], $0x80  }
0x1e9: {  	[sflag:s15] =	ssyncset.done $0x0  }
0x1ea: {  	[sflag:s15] =	ssyncadd.s32 $0xFFFFFF80  }
0x1eb: {  	_ =	swait.ge [sflag:s15], $0x80  }
0x1ec: {  	[sflag:s15] =	ssyncset.done $0x0  }
0x1ed: {  	[sflag:s15] =	ssyncadd.s32 $0xFFFFFF80  }
0x1ee: {  	[tilespmem:s30], [sflag:$0x4] =	stream.indirect.gather [hbm4b:s21+s13], $0x80, s14, s13, $0xb8;
	[tilespmem:$0x1C200] =	vst v63  }
0x1ef: {  	_ =	swait.ge [sflag:s1], $0x4000  }
0x1f0: {  	[sflag:s1] =	ssyncset.done $0x0  }
0x1f1: {  	[sflag:s1] =	ssyncadd.s32 $0xFFFFC000  }
0x1f2: {  	[spmem:s2] =	stream.indirect.scatter.add.f32 [tilespmem:s8], [sflag:$0x7], $0x80, s11, s13, $0xb8;
	[tilespmem:$0x1C200] =	vst v63  }
0x1f3: {  	_ =	swait.ge [sflag:s9], $0x4000  }
0x1f4: {  	s23 =	sshrl.u32 s6, $0x3;
	[sflag:s9] =	ssyncset.done $0x0  }
0x1f5: {  	s24 =	sadd.s32 s28, s23;
	[sflag:s9] =	ssyncadd.s32 $0xFFFFC000  }
0x1f6: {  	[tilespmem:s10], [sflag:$0x1] =	stream.linear.gather [hbm4b:s24+s3], $0x80, $0x38;
	[tilespmem:$0x1C200] =	vst v63  }
0x1f7: {  	s23 =	sadd.s32 s16, s23  }
0x1f8: {  	[tilespmem:s11], [sflag:$0x1] =	stream.linear.gather [hbm4b:s23+s3], $0x80, $0x38;
	[tilespmem:$0x1C200] =	vst v63  }
0x1f9: {  	_ =	swait.ge [sflag:s12], $0x80  }
0x1fa: {  	[sflag:s12] =	ssyncset.done $0x0  }
0x1fb: {  	[sflag:s12] =	ssyncadd.s32 $0xFFFFFF80  }
0x1fc: {  	_ =	swait.ge [sflag:s12], $0x80  }
0x1fd: {  	[sflag:s12] =	ssyncset.done $0x0  }
0x1fe: {  	[sflag:s12] =	ssyncadd.s32 $0xFFFFFF80  }
0x1ff: {  	[tilespmem:s8], [sflag:$0x3] =	stream.indirect.gather [hbm4b:s21+s13], $0x80, s10, s13, $0xb8;
	[tilespmem:$0x1C200] =	vst v63  }
0x200: {  	_ =	swait.ge [sflag:s5], $0x4000  }
0x201: {  	[sflag:s5] =	ssyncset.done $0x0  }
0x202: {  	[sflag:s5] =	ssyncadd.s32 $0xFFFFC000  }
0x203: {  	[spmem:s2] =	stream.indirect.scatter.add.f32 [tilespmem:s30], [sflag:$0x7], $0x80, s29, s13, $0xb8;
	[tilespmem:$0x1C200] =	vst v63  }
.Ltmp2:
0x204: {  	_ =	swait.ge [sflag:s9], $0x4000;
	(pc) =	sbr.rel @p0 .LBB2_6-.Ltmp2, $4  }
0x205: {  	[sflag:s9] =	ssyncset.done $0x0  }
0x206: {  	s23 =	sadd.s32 s22, s0;
	[sflag:s9] =	ssyncadd.s32 $0xFFFFC000  }
0x207: {  	[tilespmem:s14], [sflag:$0x2] =	stream.linear.gather [hbm4b:s23+s3], $0x80, $0x38;
	[tilespmem:$0x1C200] =	vst v63  }
0x208: {  	s6 =	sadd.s32 $0x100, s6;
	s22 =	sadd.s32 s22, s31  }
0x209: {  	[tilespmem:s29], [sflag:$0x2] =	stream.linear.gather [hbm4b:s22+s3], $0x80, $0x38;
	[tilespmem:$0x1C200] =	vst v63  }
0x20a: {  	_ =	swait.ge [sflag:s15], $0x80  }
0x20b: {  	[sflag:s15] =	ssyncset.done $0x0  }
0x20c: {  	[sflag:s15] =	ssyncadd.s32 $0xFFFFFF80  }
0x20d: {  	_ =	swait.ge [sflag:s15], $0x80  }
0x20e: {  	[sflag:s15] =	ssyncset.done $0x0  }
0x20f: {  	[sflag:s15] =	ssyncadd.s32 $0xFFFFFF80  }
0x210: {  	[tilespmem:s30], [sflag:$0x4] =	stream.indirect.gather [hbm4b:s21+s13], $0x80, s14, s13, $0xb8;
	[tilespmem:$0x1C200] =	vst v63  }
0x211: {  	_ =	swait.ge [sflag:s1], $0x4000  }
0x212: {  	[sflag:s1] =	ssyncset.done $0x0  }
0x213: {  	[sflag:s1] =	ssyncadd.s32 $0xFFFFC000  }
0x214: {  	[spmem:s2] =	stream.indirect.scatter.add.f32 [tilespmem:s8], [sflag:$0x7], $0x80, s11, s13, $0xb8;
	[tilespmem:$0x1C200] =	vst v63  }
0x215: {  	_ =	swait.ge [sflag:s9], $0x4000  }
0x216: {  	[sflag:s9] =	ssyncset.done $0x0  }
0x217: {  	[sflag:s9] =	ssyncadd.s32 $0xFFFFC000  }
0x218: {  	_ =	swait.ge [sflag:s5], $0x4000  }
0x219: {  	[sflag:s5] =	ssyncset.done $0x0  }
0x21a: {  	[sflag:s5] =	ssyncadd.s32 $0xFFFFC000  }
0x21b: {  	[spmem:s2] =	stream.indirect.scatter.add.f32 [tilespmem:s30], [sflag:$0x7], $0x80, s29, s13, $0xb8;
	[tilespmem:$0x1C200] =	vst v63  }
0x21c: {  	_ =	swait.ge [sflag:s9], $0x4000  }
0x21d: {  	[sflag:s9] =	ssyncset.done $0x0  }
0x21e: {  	[sflag:s9] =	ssyncadd.s32 $0xFFFFC000  }
0x21f: {  	[bflag:$0x0] =	sbarrier.arrive $0xFFFF  }
0x220: {  	s6 =	rddreg [dreg:$0x18]  }
0x221: {  	[tilespmem:s8], [sflag:$0x7] =	stream.linear.gather [spmem:s6], $0x4000, $0x38;
	[tilespmem:$0x1C200] =	vst v63  }
0x222: {  	_ =	swait.ge [sflag:s9], $0x4000  }
0x223: {  	[sflag:s9] =	ssyncset.done $0x0;
	s25 =	rddreg [dreg:$0xd]  }
0x224: {  	s16 =	sld [smem:$0x7FA];
	[sflag:s9] =	ssyncadd.s32 $0xFFFFC000  }
0x225: {  	[hbm4b:s25+s3] =	stream.linear.scatter [tilespmem:s8], [sflag:$0x5], $0x4000, $0x38;
	[tilespmem:$0x1C200] =	vst v63  }
0x226: {  	_ = 	snop  }
0x227: {  	[tilespmem:s30], [sflag:$0x7] =	stream.linear.gather [spmem:s16], $0x4000, $0x38;
	[tilespmem:$0x1C200] =	vst v63  }
0x228: {  	_ =	swait.ge [sflag:s9], $0x4000  }
0x229: {  	[sflag:s9] =	ssyncset.done $0x0  }
0x22a: {  	s23 =	simm.s32 $0x5;
	s26 =	rddreg [dreg:$0xe];
	[sflag:s9] =	ssyncadd.s32 $0xFFFFC000  }
0x22b: {  	[hbm4b:s26+s3] =	stream.linear.scatter [tilespmem:s30], [sflag:$0x6], $0x4000, $0x38;
	[tilespmem:$0x1C200] =	vst v63  }
0x22c: {  	_ =	swait.ge [sflag:s23], $0x4000  }
0x22d: {  	s7 =	sld [smem:$0x7FB]  }
0x22e: {  	[sflag:s23] =	ssyncset.done $0x0  }
0x22f: {  	[sflag:s23] =	ssyncadd.s32 $0xFFFFC000  }
0x230: {  	[tilespmem:s8], [sflag:$0x7] =	stream.linear.gather [spmem:s7], $0x4000, $0x38;
	[tilespmem:$0x1C200] =	vst v63  }
0x231: {  	_ =	swait.ge [sflag:s9], $0x4000  }
0x232: {  	[sflag:s9] =	ssyncset.done $0x0  }
0x233: {  	s7 =	simm.s32 $0x6;
	s22 =	rddreg [dreg:$0xf];
	[sflag:s9] =	ssyncadd.s32 $0xFFFFC000  }
0x234: {  	[hbm4b:s22+s3] =	stream.linear.scatter [tilespmem:s8], [sflag:$0x5], $0x4000, $0x38;
	[tilespmem:$0x1C200] =	vst v63  }
0x235: {  	_ =	swait.ge [sflag:s7], $0x4000  }
0x236: {  	s24 =	smov.u32 s28;
	s28 =	sld [smem:$0x7FC]  }
0x237: {  	[sflag:s7] =	ssyncset.done $0x0  }
0x238: {  	[sflag:s7] =	ssyncadd.s32 $0xFFFFC000  }
0x239: {  	[tilespmem:s30], [sflag:$0x7] =	stream.linear.gather [spmem:s28], $0x4000, $0x38;
	[tilespmem:$0x1C200] =	vst v63  }
0x23a: {  	_ =	swait.ge [sflag:s9], $0x4000  }
0x23b: {  	[sflag:s9] =	ssyncset.done $0x0  }
0x23c: {  	s25 =	rddreg [dreg:$0x10];
	[sflag:s9] =	ssyncadd.s32 $0xFFFFC000  }
0x23d: {  	[hbm4b:s25+s3] =	stream.linear.scatter [tilespmem:s30], [sflag:$0x6], $0x4000, $0x38;
	[tilespmem:$0x1C200] =	vst v63  }
0x23e: {  	_ =	swait.ge [sflag:s23], $0x4000  }
0x23f: {  	s22 =	sld [smem:$0x7FD]  }
0x240: {  	[sflag:s23] =	ssyncset.done $0x0  }
0x241: {  	[sflag:s23] =	ssyncadd.s32 $0xFFFFC000  }
0x242: {  	[tilespmem:s8], [sflag:$0x7] =	stream.linear.gather [spmem:s22], $0x4000, $0x38;
	[tilespmem:$0x1C200] =	vst v63  }
0x243: {  	_ =	swait.ge [sflag:s9], $0x4000  }
0x244: {  	[sflag:s9] =	ssyncset.done $0x0  }
0x245: {  	s26 =	rddreg [dreg:$0x11];
	[sflag:s9] =	ssyncadd.s32 $0xFFFFC000  }
0x246: {  	[hbm4b:s26+s3] =	stream.linear.scatter [tilespmem:s8], [sflag:$0x5], $0x4000, $0x38;
	[tilespmem:$0x1C200] =	vst v63  }
0x247: {  	_ =	swait.ge [sflag:s7], $0x4000  }
0x248: {  	[sflag:s7] =	ssyncset.done $0x0  }
0x249: {  	[sflag:s7] =	ssyncadd.s32 $0xFFFFC000  }
0x24a: {  	_ =	swait.ge [sflag:s23], $0x4000  }
0x24b: {  	s25 =	sld [smem:$0x7F0]  }
0x24c: {  	s26 =	sld [smem:$0x7F7];
	_ =	sdelay $0x1  }
0x24d: {  	s7 =	sadd.s32 $0x1, s25  }
0x24e: {  	p0 =	sne.s32 s7, s26  }
.Ltmp3:
0x24f: {  	_ = 	snop;
	(pc) =	sbr.rel @p0 .LBB2_1-.Ltmp3, $3  }
0x250: {  	_ =	sdelay $0x1  }
0x251: {  	[sflag:s23] =	ssyncset.done $0x0;
	s6 =	sld [smem:$0x7FB]  }
0x252: {  	[sflag:s23] =	ssyncadd.s32 $0xFFFFC000;
	s23 =	rddreg [dreg:$0x17]  }
0x253: {  	_ =	sfence.sel $0x180000  }
0x254: {  	[bflag:$0x0] =	sbarrier.arrive $0xFFFF  }
0x255: {  	_ =	strace $0x9000004A  }
0x256: {  	s0 =	stileid.u32;
	[bflag:$0x2] =	sbarrier.arrive $0xFFFF  }
0x257: {  	p0 =	sne.s32 s0, $0x0;
	s0 =	rddreg [dreg:$0x2]  }
0x258: {  	s0 =	sadd.s32 @!p0 $0x100000, s0  }
0x259: {  	[sflag:s0] =	ssyncadd.tile.s32 @!p0 $0x1;
	_ =	shalt  }
.Lfunc_end2:
_tile_overlayer_lowered:
.L_overlay_start_2:
0x25a: {  	(tag) =	ssettag $0x2  }
0x25b: {  	s0 =	rddreg [dreg:$0x0];
	s2 =	stileid.u32  }
0x25c: {  	s1 =	rddreg [dreg:$0x1];
	p0 =	sne.s32 s2, $0x0  }
0x25d: {  	s3 =	rddreg [dreg:$0x2];
	[bflag:$0x3] =	sbarrier.arrive $0xFFFF;
	s2 =	simm.s32 @!p0 $0x1C07  }
0x25e: {  	[timem:s3], [sflag:s2] =	dma.local @!p0 [hbm:s0], s1  }
0x25f: {  	s0 =	simm.s32 @!p0 $0x7  }
0x260: {  	_ =	swait.ge @!p0 [sflag:s0], s1  }
0x261: {  	s1 =	ssub.s32 @!p0 $0x0, s1;
	[sflag:s0] =	ssyncset.done @!p0 $0x0  }
0x262: {  	[sflag:s0] =	ssyncadd.s32 @!p0 s1  }
0x263: {  	[bflag:$0x3] =	sbarrier.arrive $0xFFFF  }
0x264: {  	_ =	shalt  }

// kernel: kernel.14.cloned.1.call-start
scs
__scs_entry_jumppad:
0x0: {  	(pc) =	sbr.rel $0x88, $3  }
0x1: {  	(tag) =	ssettag $0x0;
	lr =	simm.s32 $0x1  }
0x2: {  	[smem:$0x3F90] =	sst lr;
	_ =	strace $0xD0000000  }
0x3: {  	_ = 	snop  }
0x4: {  	_ = 	snop  }
0x5: {  	_ = 	snop  }
0x6: {  	_ = 	snop  }
0x7: {  	_ = 	snop  }
__scs_overlays_trampoline_lowered:
0x8: {  	[smem:$0x3F9F] =	sst s0  }
0x9: {  	[smem:$0x3FA0] =	sst s1  }
0xa: {  	[smem:$0x3FA1] =	sst s2  }
0xb: {  	[smem:$0x3FA2] =	sst s3  }
0xc: {  	[smem:$0x3FA3] =	sst s4  }
0xd: {  	[smem:$0x3FA4] =	sst s5  }
0xe: {  	[smem:$0x3FA5] =	sst s6  }
0xf: {  	[smem:$0x3FA6] =	sst s7  }
0x10: {  	[smem:$0x3FA7] =	sst s8  }
0x11: {  	[smem:$0x3FA8] =	sst s9;
	s0 =	simm.s32 @!p0 $0x0  }
0x12: {  	s1 =	sld [smem:$0x3F8E];
	s0 =	simm.s32 @p0 $0x1  }
0x13: {  	[smem:$0x3FA9] =	sst s0;
	s0 =	simm.s32 @!p1 $0x0  }
0x14: {  	s2 =	sld [smem:$0x3F8D];
	s0 =	simm.s32 @p1 $0x1  }
0x15: {  	[smem:$0x3FAA] =	sst s0;
	s0 =	simm.s32 @!p2 $0x0  }
0x16: {  	s3 =	sld [smem:$0x3FDB];
	s0 =	simm.s32 @p2 $0x1  }
0x17: {  	s4 =	simm.s32 $0x1BF5;
	[smem:$0x3FAC] =	sst s0  }
0x18: {  	s0 =	sld [smem:$0x3F8F];
	_ =	swait.ge [sflag:s4], $0x0  }
0x19: {  	s7 =	sld [smem:$0x3F90]  }
0x1a: {  	s8 =	sadd.s32 $0xFFFFE003, lr  }
0x1b: {  	s9 =	sadd.s32 $0xFFFFFEF7, lr;
	s5 =	simm.s32 $0xFFFFFFFF;
	p2 =	slt.u32 s8, $0xFFFFF086  }
0x1c: {  	p1 =	slt.u32 s9, $0xF7A;
	s5 =	simm.s32 @!p2 $0x0  }
0x1d: {  	s5 =	simm.s32 @p1 $0x1;
	p0 =	seq.s32 s7, s2  }
0x1e: {  	s7 =	smul.u32 @!p0 $0xF7A, s2;
	p2 =	seq.s32 @!p0 s5, $0x0  }
0x1f: {  	s9 =	smul.u32 $0xF7A, s1;
	s8 =	simm.s32 @!p0 $0x1BF5;
	p2 =	por !p2, p0  }
0x20: {  	[sflag:s8] =	ssyncset.s32 @!p0 $0xFFFFF086;
	s6 =	sadd.s32 @!p0 s3, s7;
	s7 =	simm.s32 @!p0 $0x108  }
0x21: {  	s3 =	sadd.s32 s3, s9;
	s6 =	sadd.s32 @!p0 $0x88, s6;
	s7 =	simm.s32 @p2 $0x1082  }
0x22: {  	[simem:s7], [sflag:s8] =	dma.local @!p0 [hbm:s6], $0xF7A  }
0x23: {  	s9 =	sor.u32 $0xD0000000, s2;
	s6 =	simm.s32 $0x108;
	_ =	swait.ge @!p0 [sflag:s8], $0x0  }
0x24: {  	s3 =	sadd.s32 $0x88, s3;
	s6 =	simm.s32 @!p1 $0x1082;
	[sflag:s4] =	ssyncset.s32 $0xFFFFF086  }
0x25: {  	[simem:s6], [sflag:s4] =	dma.local [hbm:s3], $0xF7A  }
0x26: {  	[smem:$0x3F90] =	sst s1;
	(tag) =	ssettag s2;
	_ =	strace s9  }
0x27: {  	s1 =	sld [smem:$0x3FA0]  }
0x28: {  	s2 =	sld [smem:$0x3FA1]  }
0x29: {  	s4 =	sld [smem:$0x3FA3]  }
0x2a: {  	p0 =	seq.s32 s5, $0x0;
	s5 =	sld [smem:$0x3FA4]  }
0x2b: {  	s6 =	sld [smem:$0x3FA5]  }
0x2c: {  	s7 =	sld [smem:$0x3FA6]  }
0x2d: {  	s3 =	simm.s32 $0x108;
	s8 =	sld [smem:$0x3FA7]  }
0x2e: {  	s3 =	simm.s32 @!p0 $0x1082;
	s9 =	sld [smem:$0x3FA8]  }
0x2f: {  	lr =	sadd.s32 s0, s3;
	s0 =	sld [smem:$0x3F9F]  }
0x30: {  	s3 =	sld [smem:$0x3FA2]  }
0x31: {  	[smem:$0x3FAB] =	sst s10  }
0x32: {  	s10 =	sld [smem:$0x3FA9];
	_ =	sdelay $0x3  }
0x33: {  	p0 =	seq.s32 s10, $0x1;
	s10 =	sld [smem:$0x3FAB];
	_ =	sdelay $0x3  }
0x34: {  	[smem:$0x3FAB] =	sst s10  }
0x35: {  	s10 =	sld [smem:$0x3FAA];
	_ =	sdelay $0x3  }
0x36: {  	p1 =	seq.s32 s10, $0x1;
	s10 =	sld [smem:$0x3FAB];
	_ =	sdelay $0x3  }
0x37: {  	[smem:$0x3FAB] =	sst s10  }
0x38: {  	s10 =	sld [smem:$0x3FAC]  }
0x39: {  	_ = 	snop;
	(pc) =	sbr.ind lr, $3  }
0x3a: {  	_ = 	snop  }
0x3b: {  	_ = 	snop  }
0x3c: {  	p2 =	seq.s32 s10, $0x1;
	s10 =	sld [smem:$0x3FAB]  }
0x3d: {  	_ =	shalt  }
0x3e: {  	_ =	shalt  }
0x3f: {  	_ =	shalt  }
0x40: {  	_ =	shalt  }
0x41: {  	_ =	shalt  }
0x42: {  	_ =	shalt  }
0x43: {  	_ =	shalt  }
0x44: {  	_ =	shalt  }
0x45: {  	_ =	shalt  }
0x46: {  	_ =	shalt  }
0x47: {  	_ =	shalt  }
0x48: {  	_ =	shalt  }
0x49: {  	_ =	shalt  }
0x4a: {  	_ =	shalt  }
0x4b: {  	_ =	shalt  }
0x4c: {  	_ =	shalt  }
0x4d: {  	_ =	shalt  }
0x4e: {  	_ =	shalt  }
0x4f: {  	_ =	shalt  }
0x50: {  	_ =	shalt  }
0x51: {  	_ =	shalt  }
0x52: {  	_ =	shalt  }
0x53: {  	_ =	shalt  }
0x54: {  	_ =	shalt  }
0x55: {  	_ =	shalt  }
0x56: {  	_ =	shalt  }
0x57: {  	_ =	shalt  }
0x58: {  	_ =	shalt  }
0x59: {  	_ =	shalt  }
0x5a: {  	_ =	shalt  }
0x5b: {  	_ =	shalt  }
0x5c: {  	_ =	shalt  }
0x5d: {  	_ =	shalt  }
0x5e: {  	_ =	shalt  }
0x5f: {  	_ =	shalt  }
0x60: {  	_ =	shalt  }
0x61: {  	_ =	shalt  }
0x62: {  	_ =	shalt  }
0x63: {  	_ =	shalt  }
0x64: {  	_ =	shalt  }
0x65: {  	_ =	shalt  }
0x66: {  	_ =	shalt  }
0x67: {  	_ =	shalt  }
0x68: {  	_ =	shalt  }
0x69: {  	_ =	shalt  }
0x6a: {  	_ =	shalt  }
0x6b: {  	_ =	shalt  }
0x6c: {  	_ =	shalt  }
0x6d: {  	_ =	shalt  }
0x6e: {  	_ =	shalt  }
0x6f: {  	_ =	shalt  }
0x70: {  	_ =	shalt  }
0x71: {  	_ =	shalt  }
0x72: {  	_ =	shalt  }
0x73: {  	_ =	shalt  }
0x74: {  	_ =	shalt  }
0x75: {  	_ =	shalt  }
0x76: {  	_ =	shalt  }
0x77: {  	_ =	shalt  }
0x78: {  	_ =	shalt  }
0x79: {  	_ =	shalt  }
0x7a: {  	_ =	shalt  }
0x7b: {  	_ =	shalt  }
0x7c: {  	_ =	shalt  }
0x7d: {  	_ =	shalt  }
0x7e: {  	_ =	shalt  }
0x7f: {  	_ =	shalt  }
0x80: {  	_ =	shalt  }
0x81: {  	_ =	shalt  }
0x82: {  	_ =	shalt  }
0x83: {  	_ =	shalt  }
0x84: {  	_ =	shalt  }
0x85: {  	_ =	shalt  }
0x86: {  	_ =	shalt  }
0x87: {  	_ =	shalt  }
.Lfunc_end0:
.L_simem_size_0:
called_computation.2_lowered:
.L_overlay_start_0:
0x88: {  	s2 =	sld [smem:$0x3FD9]  }
0x89: {  	s3 =	sld [smem:$0x3FFE];
	_ =	sdelay $0x1  }
0x8a: {  	s1 =	srdreg.scid  }
0x8b: {  	s0 =	sand.u32 $0x1, s1  }
0x8c: {  	s14 =	sshll.u32 s0, $0xA;
	s2 =	sadd.s32 s3, s2  }
0x8d: {  	s2 =	sadd.s32 s2, s14  }
0x8e: {  	[smem:$0x3FB7] =	sst s2  }
0x8f: {  	_ = 	snop  }
0x90: {  	s2 =	sld [smem:$0x3FD0];
	_ =	sdelay $0x2  }
0x91: {  	s15 =	simm.s32 $0xB;
	s4 =	simm.s32 $0x10  }
0x92: {  	[smem:s4], [sflag:s15] =	dma.local [hbm:s2], $0x1  }
0x93: {  	_ =	swait.eq [sflag:s15], $0x1  }
0x94: {  	[sflag:s15] =	ssyncset.done $0x0  }
0x95: {  	[sflag:s15] =	ssyncadd.s32 $0xFFFFFFFF  }
0x96: {  	s16 =	sld [smem:$0x11];
	(tm) =	ssettm $0x1  }
0x97: {  	s17 =	sld [smem:$0x3FFB];
	_ =	sdelay $0x3  }
0x98: {  	_ =	strace s17  }
0x99: {  	s3 =	sld [smem:$0x3FFC];
	_ =	sdelay $0x3  }
0x9a: {  	_ =	strace s3  }
0x9b: {  	s3 =	sld [smem:$0x3FFD];
	_ =	sdelay $0x3  }
0x9c: {  	_ =	strace s3  }
0x9d: {  	_ =	strace $0x8FFFFFFF  }
0x9e: {  	s18 =	sld [smem:$0x3FDB];
	_ =	sdelay $0x1  }
0x9f: {  	s19 =	simm.s32 $_scs_section_size  }
0xa0: {  	s5 =	simm.s32 $_size__tile_overlayer_lowered;
	s6 =	simm.s32 $_tile_overlayer_lowered  }
0xa1: {  	s22 =	simm.s32 $0x1BFF;
	s21 =	sshll.u32 s6, $0x1;
	s3 =	sadd.s32 s19, s18  }
0xa2: {  	s7 =	simm.s32 $0x0;
	s20 =	sshll.u32 s5, $0x1;
	s5 =	sadd.s32 s21, s3  }
0xa3: {  	[timem:s7], [sflag:s22] =	dma.local [hbm:s5], s20  }
0xa4: {  	_ =	swait.ge [sflag:s22], s20  }
0xa5: {  	s4 =	ssub.s32 $0x0, s20;
	[sflag:s22] =	ssyncset.done $0x0  }
0xa6: {  	[sflag:s22] =	ssyncadd.s32 s4;
	_ =	sdelay $0x1  }
0xa7: {  	s23 =	simm.s32 $0x1B8B  }
0xa8: {  	_ =	swait.ge [sflag:s23], $0x1  }
0xa9: {  	[sflag:s23] =	ssyncset.done $0x0  }
0xaa: {  	s25 =	simm.s32 $0x1B8E;
	s24 =	sld [smem:$0x3FFE];
	[sflag:s23] =	ssyncadd.s32 $0xFFFFFFFF  }
0xab: {  	s26 =	simm.s32 $execute0_lowered;
	[smem:$0x3FD2] =	sst s25  }
0xac: {  	s5 =	sshll.u32 s26, $0x1;
	_ =	strace $0x8000004C;
	[dreg:$0x1] =	wrdreg $0xFFFFFFFF  }
0xad: {  	s28 =	simm.s32 $_size_execute0_lowered;
	s3 =	sadd.s32 s3, s5;
	[dreg:$0x0] =	wrdreg $0x0  }
0xae: {  	s5 =	sshll.u32 s28, $0x1;
	[dreg:$0x2] =	wrdreg s3  }
0xaf: {  	[dreg:$0x3] =	wrdreg s5  }
0xb0: {  	[dreg:$0x4] =	wrdreg $0xC0  }
0xb1: {  	_ =	task [dreg:s7], $0x5FFFF  }
0xb2: {  	[dreg:$0x1] =	wrdreg $0xFFFFFFFF  }
0xb3: {  	[dreg:$0x0] =	wrdreg $0x60  }
0xb4: {  	[dreg:$0x2] =	wrdreg s24  }
0xb5: {  	[dreg:$0x3] =	wrdreg s16  }
0xb6: {  	[dreg:$0x4] =	wrdreg $0x0  }
0xb7: {  	[dreg:$0x5] =	wrdreg $0x9  }
0xb8: {  	_ =	task.clear_ibuf [dreg:s7], $0x6FFFF;
	_ =	strace $0x9000004C  }
0xb9: {  	s29 =	simm.s32 $0x9;
	_ =	strace $0x8000004E  }
0xba: {  	_ =	swait.ge [sflag:s29], $0x1  }
0xbb: {  	[sflag:s29] =	ssyncadd.s32 $0xFFFFFFFF  }
0xbc: {  	_ =	strace $0x9000004E  }
0xbd: {  	_ =	sfence  }
0xbe: {  	s30 =	sld [smem:$0x0];
	_ =	sdelay $0x2  }
0xbf: {  	s31 =	sshll.u32 s1, $0xD;
	s1 =	sshrl.u32 s1, $0x2  }
0xc0: {  	s3 =	sand.u32 $0x4000, s31;
	s1 =	sadd.s32 s1, s30  }
0xc1: {  	s0 =	sor.u32 s3, s0;
	s1 =	sshll.u32 s1, $0x11  }
0xc2: {  	s0 =	sor.u32 s1, s0  }
0xc3: {  	s0 =	sadd.s32 $0x8F2B, s0  }
0xc4: {  	[sflag:s0] =	ssyncadd.remote.s32 $0x1  }
0xc5: {  	_ =	sfence.sel $0xFFFF  }
0xc6: {  	[dreg:$0x0] =	wrdreg $0xFFFFFFFF;
	(pc) =	sbr.abs _section_cstart, $3  }
0xc7: {  	[dreg:$0x1] =	wrdreg $0xFFFFFFFF  }
0xc8: {  	_ =	task.clear_ibuf [dreg:s7], $0x2FFFF;
	_ =	strace $0x9FFFFFFF  }
0xc9: {  	(tm) =	ssettm $0x7FFFFFFF  }
tec
execute0_lowered:
.L_overlay_start_1:
0x0: {  	(tag) =	ssettag $0x1  }
0x1: {  	s1 =	srdreg.scid;
	s14 =	stileid.u32  }
0x2: {  	s0 =	rddreg [dreg:$0x0];
	s1 =	sand.u32 $0x1, s1;
	s2 =	smul.u32 $0x280, s14  }
0x3: {  	s3 =	rddreg [dreg:$0x2];
	s4 =	simm.s32 $0x0;
	s5 =	smul.u32 $0x2800, s1  }
0x4: {  	[smem:$0x7FF] =	sst s4  }
0x5: {  	s6 =	sadd.s32 $0x5B200, s0;
	s7 =	sadd.s32 $0x83200, s0;
	s2 =	sadd.s32 s2, s5  }
0x6: {  	s18 =	sadd.s32 $0xAB200, s0;
	_ =	strace $0x8000004D;
	s2 =	sshll.u32 s2, $0x3  }
0x7: {  	s10 =	sadd.s32 $0x400, s2;
	s11 =	sadd.s32 s6, s2;
	s21 =	sadd.s32 $0x800, s2  }
0x8: {  	s22 =	sadd.s32 $0xC00, s2;
	s23 =	sadd.s32 s7, s2;
	[dreg:$0x4] =	wrdreg s11  }
0x9: {  	s13 =	sadd.s32 $0x1000, s2;
	s2 =	sadd.s32 s18, s2;
	[dreg:$0x9] =	wrdreg s23  }
0xa: {  	s20 =	sadd.s32 s6, s10;
	[dreg:$0xe] =	wrdreg s2  }
0xb: {  	s12 =	sadd.s32 s6, s21;
	[dreg:$0x5] =	wrdreg s20  }
0xc: {  	s15 =	sadd.s32 s6, s22;
	[dreg:$0x6] =	wrdreg s12  }
0xd: {  	s6 =	sadd.s32 s6, s13;
	[dreg:$0x7] =	wrdreg s15  }
0xe: {  	s24 =	sadd.s32 s7, s10;
	[dreg:$0x8] =	wrdreg s6  }
0xf: {  	s30 =	simm.s32 $0xC200;
	s25 =	sadd.s32 s7, s21;
	[dreg:$0xa] =	wrdreg s24  }
0x10: {  	s8 =	ssub.s32 $0x2, s1;
	s26 =	sadd.s32 s7, s22;
	[dreg:$0xb] =	wrdreg s25  }
0x11: {  	s19 =	sshll.u32 s1, $0x4;
	s28 =	sadd.s32 s7, s13;
	[dreg:$0xc] =	wrdreg s26  }
0x12: {  	s1 =	smul.u32 $0xD000, s1;
	s7 =	sadd.s32 s18, s10;
	[dreg:$0xd] =	wrdreg s28  }
0x13: {  	s9 =	sshrl.u32 s8, $0x1;
	s10 =	sadd.s32 s18, s21;
	[dreg:$0xf] =	wrdreg s7  }
0x14: {  	s16 =	sor.u32 s14, s19;
	s5 =	sadd.s32 s18, s13;
	[dreg:$0x10] =	wrdreg s10  }
0x15: {  	s8 =	ssub.s32 s8, s9;
	s23 =	sadd.s32 $0x15600, s0;
	[dreg:$0x12] =	wrdreg s5  }
0x16: {  	s11 =	smul.u32 $0xD00, s14;
	s12 =	sadd.s32 s18, s22;
	[dreg:$0x13] =	wrdreg s23  }
0x17: {  	s2 =	smul.u32 $0xD00, s16;
	s7 =	sadd.s32 $0x4000, s0;
	[dreg:$0x11] =	wrdreg s12  }
0x18: {  	s21 =	sadd.s32 $0x33200, s0;
	s6 =	sadd.s32 $0xA800, s0;
	[dreg:$0x14] =	wrdreg s7  }
0x19: {  	s15 =	smul.u32 $0x28000, s14;
	s26 =	sadd.s32 $0x18A00, s0;
	[dreg:$0x17] =	wrdreg s6  }
0x1a: {  	s28 =	sadd.s32 $0x7400, s0;
	s17 =	sshrl.u32 s2, $0x3;
	[dreg:$0x15] =	wrdreg s26  }
0x1b: {  	s20 =	sadd.s32 $0x47200, s0;
	[dreg:$0x16] =	wrdreg s28;
	s2 =	sadd.s32 s23, s17  }
0x1c: {  	s22 =	sadd.s32 $0x1F200, s0;
	s18 =	sadd.s32 s7, s17;
	[dreg:$0x19] =	wrdreg s2  }
0x1d: {  	s25 =	sadd.s32 $0x1BE00, s0;
	s24 =	sadd.s32 s26, s17;
	[dreg:$0x1a] =	wrdreg s18  }
0x1e: {  	s1 =	sadd.s32 s11, s1;
	s10 =	sadd.s32 s28, s17;
	[dreg:$0x1b] =	wrdreg s24  }
0x1f: {  	s5 =	sshrl.u32 s15, $0x2;
	s11 =	sadd.s32 s25, s17;
	[dreg:$0x1c] =	wrdreg s10  }
0x20: {  	s19 =	sor.u32 $0x10, s17;
	s0 =	sadd.s32 s6, s17;
	[dreg:$0x1d] =	wrdreg s11  }
0x21: {  	s16 =	sadd.s32 $0x180, s1;
	s1 =	sadd.s32 $0x100, s1;
	[dreg:$0x1e] =	wrdreg s0  }
0x22: {  	s9 =	sadd.s32 s5, s3;
	s12 =	sadd.s32 s23, s19;
	[smem:$0x7F8] =	sst s1  }
0x23: {  	s13 =	sadd.s32 s7, s19;
	s14 =	sadd.s32 s26, s19;
	[dreg:$0x1f] =	wrdreg s12  }
0x24: {  	s15 =	sadd.s32 s28, s19;
	s17 =	sadd.s32 s25, s19;
	[smem:$0x7F2] =	sst s13  }
0x25: {  	s2 =	sadd.s32 s6, s19;
	s0 =	sshrl.u32 s16, $0x3;
	[smem:$0x7F3] =	sst s14  }
0x26: {  	s18 =	smax.u32 s8, $0x1;
	s8 =	simm.s32 $0xA200;
	[smem:$0x7F4] =	sst s15  }
0x27: {  	s10 =	simm.s32 $0xA000;
	s11 =	simm.s32 $0xA100;
	[smem:$0x7F5] =	sst s17  }
0x28: {  	s1 =	simm.s32 $0x3;
	s5 =	simm.s32 $0x4;
	[smem:$0x7F6] =	sst s2  }
0x29: {  	s16 =	simm.s32 $0x0;
	[smem:$0x7F7] =	sst s18;
	s19 =	sadd.s32 s0, s7  }
0x2a: {  	s17 =	sadd.s32 s0, s23;
	s18 =	sadd.s32 s0, s28;
	s31 =	sadd.s32 s0, s6  }
0x2b: {  	s24 =	sadd.s32 $0x2000, s9;
	s29 =	sadd.s32 $0x6000, s9;
	[dreg:$0x18] =	wrdreg s9  }
0x2c: {  	s7 =	sadd.s32 $0x8000, s9;
	s12 =	simm.s32 $0x1;
	[smem:$0x7F9] =	sst s19  }
0x2d: {  	s13 =	simm.s32 $0x80;
	s14 =	simm.s32 $0xA080;
	[smem:$0x7FA] =	sst s24  }
0x2e: {  	s2 =	simm.s32 $0xA180;
	s15 =	simm.s32 $0x2;
	[smem:$0x7FC] =	sst s29  }
0x2f: {  	s19 =	sadd.s32 s0, s26;
	s24 =	sadd.s32 $0x4000, s9;
	[smem:$0x7FD] =	sst s7  }
0x30: {  	s0 =	sadd.s32 s0, s25;
	s9 =	simm.s32 $0x7;
	[smem:$0x7FB] =	sst s24  }
.LBB2_1:
0x31: {  	[smem:$0x7F0] =	sst s16  }
0x32: {  	s6 =	rddreg [dreg:$0x1]  }
0x33: {  	[tilespmem:s8], [sflag:$0x7] =	stream.linear.gather [hbm4b:s6+s4], $0x2000, $0x38;
	[tilespmem:$0xE200] =	vst v63  }
0x34: {  	s16 =	smov.u32 s23;
	_ =	swait.ge [sflag:s9], $0x2000  }
0x35: {  	s23 =	smov.u32 s7;
	s7 =	smov.u32 s29;
	[sflag:s9] =	ssyncset.done $0x0  }
0x36: {  	s29 =	smov.u32 s25;
	s25 =	rddreg [dreg:$0x18];
	[sflag:s9] =	ssyncadd.s32 $0xFFFFE000  }
0x37: {  	[spmem:s25] =	stream.linear.scatter [tilespmem:s8], [sflag:$0x7], $0x2000, $0x38;
	[tilespmem:$0xE200] =	vst v63  }
0x38: {  	_ =	swait.ge [sflag:s9], $0x2000  }
0x39: {  	s26 =	sld [smem:$0x7FA]  }
0x3a: {  	[sflag:s9] =	ssyncset.done $0x0  }
0x3b: {  	[sflag:s9] =	ssyncadd.s32 $0xFFFFE000  }
0x3c: {  	[spmem:s26] =	stream.linear.scatter [tilespmem:s8], [sflag:$0x7], $0x2000, $0x38;
	[tilespmem:$0xE200] =	vst v63  }
0x3d: {  	_ =	swait.ge [sflag:s9], $0x2000  }
0x3e: {  	[sflag:s9] =	ssyncset.done $0x0  }
0x3f: {  	[sflag:s9] =	ssyncadd.s32 $0xFFFFE000  }
0x40: {  	[spmem:s24] =	stream.linear.scatter [tilespmem:s8], [sflag:$0x7], $0x2000, $0x38;
	[tilespmem:$0xE200] =	vst v63  }
0x41: {  	_ =	swait.ge [sflag:s9], $0x2000  }
0x42: {  	[sflag:s9] =	ssyncset.done $0x0  }
0x43: {  	[sflag:s9] =	ssyncadd.s32 $0xFFFFE000  }
0x44: {  	[spmem:s7] =	stream.linear.scatter [tilespmem:s8], [sflag:$0x7], $0x2000, $0x38;
	[tilespmem:$0xE200] =	vst v63  }
0x45: {  	_ =	swait.ge [sflag:s9], $0x2000  }
0x46: {  	[sflag:s9] =	ssyncset.done $0x0  }
0x47: {  	[sflag:s9] =	ssyncadd.s32 $0xFFFFE000  }
0x48: {  	[spmem:s23] =	stream.linear.scatter [tilespmem:s8], [sflag:$0x7], $0x2000, $0x38;
	[tilespmem:$0xE200] =	vst v63  }
0x49: {  	_ =	swait.ge [sflag:s9], $0x2000  }
0x4a: {  	[sflag:s9] =	ssyncset.done $0x0  }
0x4b: {  	[sflag:s9] =	ssyncadd.s32 $0xFFFFE000  }
0x4c: {  	[bflag:$0x0] =	sbarrier.arrive $0xFFFF  }
0x4d: {  	s7 =	rddreg [dreg:$0x19]  }
0x4e: {  	[tilespmem:s10], [sflag:$0x1] =	stream.linear.gather [hbm4b:s7+s4], $0x80, $0x38;
	[tilespmem:$0xE200] =	vst v63  }
0x4f: {  	s23 =	rddreg [dreg:$0x1a]  }
0x50: {  	[tilespmem:s11], [sflag:$0x1] =	stream.linear.gather [hbm4b:s23+s4], $0x80, $0x38;
	[tilespmem:$0xE200] =	vst v63  }
0x51: {  	_ =	swait.ge [sflag:s12], $0x80  }
0x52: {  	[sflag:s12] =	ssyncset.done $0x0  }
0x53: {  	[sflag:s12] =	ssyncadd.s32 $0xFFFFFF80  }
0x54: {  	_ =	swait.ge [sflag:s12], $0x80  }
0x55: {  	[sflag:s12] =	ssyncset.done $0x0  }
0x56: {  	s24 =	rddreg [dreg:$0x1f];
	[sflag:s12] =	ssyncadd.s32 $0xFFFFFF80  }
0x57: {  	[tilespmem:s8], [sflag:$0x3] =	stream.indirect.gather [hbm4b:s20+s13], $0x40, s10, s13, $0xb8;
	[tilespmem:$0xE200] =	vst v63  }
0x58: {  	s25 =	sld [smem:$0x7F2]  }
0x59: {  	[tilespmem:s14], [sflag:$0x2] =	stream.linear.gather [hbm4b:s24+s4], $0x80, $0x38;
	[tilespmem:$0xE200] =	vst v63  }
0x5a: {  	_ = 	snop  }
0x5b: {  	[tilespmem:s2], [sflag:$0x2] =	stream.linear.gather [hbm4b:s25+s4], $0x80, $0x38;
	[tilespmem:$0xE200] =	vst v63  }
0x5c: {  	_ =	swait.ge [sflag:s15], $0x80  }
0x5d: {  	[sflag:s15] =	ssyncset.done $0x0  }
0x5e: {  	[sflag:s15] =	ssyncadd.s32 $0xFFFFFF80  }
0x5f: {  	_ =	swait.ge [sflag:s15], $0x80  }
0x60: {  	[sflag:s15] =	ssyncset.done $0x0  }
0x61: {  	[sflag:s15] =	ssyncadd.s32 $0xFFFFFF80  }
0x62: {  	[tilespmem:s30], [sflag:$0x4] =	stream.indirect.gather [hbm4b:s20+s13], $0x40, s14, s13, $0xb8;
	[tilespmem:$0xE200] =	vst v63  }
0x63: {  	_ =	swait.ge [sflag:s1], $0x2000  }
0x64: {  	[sflag:s1] =	ssyncset.done $0x0  }
0x65: {  	[sflag:s1] =	ssyncadd.s32 $0xFFFFE000  }
0x66: {  	[spmem:s3] =	stream.indirect.scatter.add.f32 [tilespmem:s8], [sflag:$0x7], $0x40, s11, s13, $0xb8;
	[tilespmem:$0xE200] =	vst v63  }
0x67: {  	_ =	swait.ge [sflag:s9], $0x2000  }
0x68: {  	s24 =	sld [smem:$0x7F8];
	_ =	sdelay $0x2  }
0x69: {  	[sflag:s9] =	ssyncset.done $0x0;
	s26 =	sshrl.u32 s24, $0x3  }
0x6a: {  	s28 =	rddreg [dreg:$0x14];
	[sflag:s9] =	ssyncadd.s32 $0xFFFFE000;
	s23 =	sadd.s32 s16, s26  }
0x6b: {  	[tilespmem:s10], [sflag:$0x1] =	stream.linear.gather [hbm4b:s23+s4], $0x80, $0x38;
	[tilespmem:$0xE200] =	vst v63  }
0x6c: {  	[smem:$0x7F1] =	sst s26;
	s25 =	sadd.s32 s28, s26  }
0x6d: {  	[tilespmem:s11], [sflag:$0x1] =	stream.linear.gather [hbm4b:s25+s4], $0x80, $0x38;
	[tilespmem:$0xE200] =	vst v63  }
0x6e: {  	_ =	swait.ge [sflag:s12], $0x80  }
0x6f: {  	[sflag:s12] =	ssyncset.done $0x0  }
0x70: {  	[sflag:s12] =	ssyncadd.s32 $0xFFFFFF80  }
0x71: {  	_ =	swait.ge [sflag:s12], $0x80  }
0x72: {  	[sflag:s12] =	ssyncset.done $0x0  }
0x73: {  	[sflag:s12] =	ssyncadd.s32 $0xFFFFFF80  }
0x74: {  	[tilespmem:s8], [sflag:$0x3] =	stream.indirect.gather [hbm4b:s20+s13], $0x40, s10, s13, $0xb8;
	[tilespmem:$0xE200] =	vst v63  }
0x75: {  	_ =	swait.ge [sflag:s5], $0x2000  }
0x76: {  	[sflag:s5] =	ssyncset.done $0x0  }
0x77: {  	[sflag:s5] =	ssyncadd.s32 $0xFFFFE000  }
0x78: {  	[spmem:s3] =	stream.indirect.scatter.add.f32 [tilespmem:s30], [sflag:$0x7], $0x40, s2, s13, $0xb8;
	[tilespmem:$0xE200] =	vst v63  }
0x79: {  	_ =	swait.ge [sflag:s9], $0x2000  }
0x7a: {  	[sflag:s9] =	ssyncset.done $0x0  }
0x7b: {  	s26 =	sadd.s32 $0x0, s17;
	[sflag:s9] =	ssyncadd.s32 $0xFFFFE000  }
0x7c: {  	[tilespmem:s14], [sflag:$0x2] =	stream.linear.gather [hbm4b:s26+s4], $0x80, $0x38;
	[tilespmem:$0xE200] =	vst v63  }
0x7d: {  	s26 =	smov.u32 s16;
	s16 =	sld [smem:$0x7F9];
	_ =	sdelay $0x2  }
0x7e: {  	s7 =	simm.s32 $0x20;
	s6 =	sadd.s32 $0x100, s24;
	s23 =	sadd.s32 $0x0, s16  }
.LBB2_2:
0x7f: {  	[tilespmem:s2], [sflag:$0x2] =	stream.linear.gather [hbm4b:s23+s4], $0x80, $0x38;
	[tilespmem:$0xE200] =	vst v63  }
0x80: {  	s23 =	smov.u32 s7  }
0x81: {  	p0 =	sne.s32 s7, $0x160;
	s7 =	sadd.s32 $0x20, s7;
	_ =	swait.ge [sflag:s15], $0x80  }
0x82: {  	[sflag:s15] =	ssyncset.done $0x0  }
0x83: {  	[sflag:s15] =	ssyncadd.s32 $0xFFFFFF80  }
0x84: {  	_ =	swait.ge [sflag:s15], $0x80  }
0x85: {  	[sflag:s15] =	ssyncset.done $0x0  }
0x86: {  	[sflag:s15] =	ssyncadd.s32 $0xFFFFFF80  }
0x87: {  	[tilespmem:s30], [sflag:$0x4] =	stream.indirect.gather [hbm4b:s20+s13], $0x40, s14, s13, $0xb8;
	[tilespmem:$0xE200] =	vst v63  }
0x88: {  	_ =	swait.ge [sflag:s1], $0x2000  }
0x89: {  	[sflag:s1] =	ssyncset.done $0x0  }
0x8a: {  	[sflag:s1] =	ssyncadd.s32 $0xFFFFE000  }
0x8b: {  	[spmem:s3] =	stream.indirect.scatter.add.f32 [tilespmem:s8], [sflag:$0x7], $0x40, s11, s13, $0xb8;
	[tilespmem:$0xE200] =	vst v63  }
0x8c: {  	_ =	swait.ge [sflag:s9], $0x2000  }
0x8d: {  	s24 =	sshrl.u32 s6, $0x3;
	[sflag:s9] =	ssyncset.done $0x0  }
0x8e: {  	s25 =	sadd.s32 s26, s24;
	[sflag:s9] =	ssyncadd.s32 $0xFFFFE000  }
0x8f: {  	[tilespmem:s10], [sflag:$0x1] =	stream.linear.gather [hbm4b:s25+s4], $0x80, $0x38;
	[tilespmem:$0xE200] =	vst v63  }
0x90: {  	s24 =	sadd.s32 s28, s24  }
0x91: {  	[tilespmem:s11], [sflag:$0x1] =	stream.linear.gather [hbm4b:s24+s4], $0x80, $0x38;
	[tilespmem:$0xE200] =	vst v63  }
0x92: {  	_ =	swait.ge [sflag:s12], $0x80  }
0x93: {  	[sflag:s12] =	ssyncset.done $0x0  }
0x94: {  	[sflag:s12] =	ssyncadd.s32 $0xFFFFFF80  }
0x95: {  	_ =	swait.ge [sflag:s12], $0x80  }
0x96: {  	[sflag:s12] =	ssyncset.done $0x0  }
0x97: {  	[sflag:s12] =	ssyncadd.s32 $0xFFFFFF80  }
0x98: {  	[tilespmem:s8], [sflag:$0x3] =	stream.indirect.gather [hbm4b:s20+s13], $0x40, s10, s13, $0xb8;
	[tilespmem:$0xE200] =	vst v63  }
0x99: {  	_ =	swait.ge [sflag:s5], $0x2000  }
0x9a: {  	[sflag:s5] =	ssyncset.done $0x0  }
0x9b: {  	[sflag:s5] =	ssyncadd.s32 $0xFFFFE000  }
0x9c: {  	[spmem:s3] =	stream.indirect.scatter.add.f32 [tilespmem:s30], [sflag:$0x7], $0x40, s2, s13, $0xb8;
	[tilespmem:$0xE200] =	vst v63  }
.Ltmp0:
0x9d: {  	_ =	swait.ge [sflag:s9], $0x2000;
	(pc) =	sbr.rel @p0 .LBB2_2-.Ltmp0, $4  }
0x9e: {  	[sflag:s9] =	ssyncset.done $0x0  }
0x9f: {  	s24 =	sadd.s32 s23, s17;
	[sflag:s9] =	ssyncadd.s32 $0xFFFFE000  }
0xa0: {  	[tilespmem:s14], [sflag:$0x2] =	stream.linear.gather [hbm4b:s24+s4], $0x80, $0x38;
	[tilespmem:$0xE200] =	vst v63  }
0xa1: {  	s6 =	sadd.s32 $0x100, s6;
	s23 =	sadd.s32 s23, s16  }
0xa2: {  	[tilespmem:s2], [sflag:$0x2] =	stream.linear.gather [hbm4b:s23+s4], $0x80, $0x38;
	[tilespmem:$0xE200] =	vst v63  }
0xa3: {  	_ =	swait.ge [sflag:s15], $0x80  }
0xa4: {  	[sflag:s15] =	ssyncset.done $0x0  }
0xa5: {  	[sflag:s15] =	ssyncadd.s32 $0xFFFFFF80  }
0xa6: {  	_ =	swait.ge [sflag:s15], $0x80  }
0xa7: {  	[sflag:s15] =	ssyncset.done $0x0  }
0xa8: {  	[sflag:s15] =	ssyncadd.s32 $0xFFFFFF80  }
0xa9: {  	[tilespmem:s30], [sflag:$0x4] =	stream.indirect.gather [hbm4b:s20+s13], $0x40, s14, s13, $0xb8;
	[tilespmem:$0xE200] =	vst v63  }
0xaa: {  	_ =	swait.ge [sflag:s1], $0x2000  }
0xab: {  	[sflag:s1] =	ssyncset.done $0x0  }
0xac: {  	[sflag:s1] =	ssyncadd.s32 $0xFFFFE000  }
0xad: {  	[spmem:s3] =	stream.indirect.scatter.add.f32 [tilespmem:s8], [sflag:$0x7], $0x40, s11, s13, $0xb8;
	[tilespmem:$0xE200] =	vst v63  }
0xae: {  	_ =	swait.ge [sflag:s9], $0x2000  }
0xaf: {  	[sflag:s9] =	ssyncset.done $0x0  }
0xb0: {  	[sflag:s9] =	ssyncadd.s32 $0xFFFFE000  }
0xb1: {  	_ =	swait.ge [sflag:s5], $0x2000  }
0xb2: {  	[sflag:s5] =	ssyncset.done $0x0  }
0xb3: {  	[sflag:s5] =	ssyncadd.s32 $0xFFFFE000  }
0xb4: {  	[spmem:s3] =	stream.indirect.scatter.add.f32 [tilespmem:s30], [sflag:$0x7], $0x40, s2, s13, $0xb8;
	[tilespmem:$0xE200] =	vst v63  }
0xb5: {  	_ =	swait.ge [sflag:s9], $0x2000  }
0xb6: {  	[sflag:s9] =	ssyncset.done $0x0  }
0xb7: {  	[sflag:s9] =	ssyncadd.s32 $0xFFFFE000  }
0xb8: {  	[bflag:$0x0] =	sbarrier.arrive $0xFFFF  }
0xb9: {  	s28 =	rddreg [dreg:$0x18]  }
0xba: {  	[tilespmem:s8], [sflag:$0x7] =	stream.linear.gather [spmem:s28], $0x2000, $0x38;
	[tilespmem:$0xE200] =	vst v63  }
0xbb: {  	_ =	swait.ge [sflag:s9], $0x2000  }
0xbc: {  	[sflag:s9] =	ssyncset.done $0x0;
	s7 =	rddreg [dreg:$0x4]  }
0xbd: {  	s23 =	simm.s32 $0x0;
	s6 =	sld [smem:$0x7FA];
	[sflag:s9] =	ssyncadd.s32 $0xFFFFE000  }
0xbe: {  	[hbm4b:s7+s23] =	stream.linear.scatter [tilespmem:s8], [sflag:$0x5], $0x2000, $0x38;
	[tilespmem:$0xE200] =	vst v63  }
0xbf: {  	_ = 	snop  }
0xc0: {  	[tilespmem:s30], [sflag:$0x7] =	stream.linear.gather [spmem:s6], $0x2000, $0x38;
	[tilespmem:$0xE200] =	vst v63  }
0xc1: {  	_ =	swait.ge [sflag:s9], $0x2000  }
0xc2: {  	[sflag:s9] =	ssyncset.done $0x0  }
0xc3: {  	s26 =	rddreg [dreg:$0x5];
	[sflag:s9] =	ssyncadd.s32 $0xFFFFE000  }
0xc4: {  	[hbm4b:s26+s23] =	stream.linear.scatter [tilespmem:s30], [sflag:$0x6], $0x2000, $0x38;
	[tilespmem:$0xE200] =	vst v63  }
0xc5: {  	s26 =	simm.s32 $0x5  }
0xc6: {  	_ =	swait.ge [sflag:s26], $0x2000  }
0xc7: {  	s16 =	sld [smem:$0x7FB]  }
0xc8: {  	[sflag:s26] =	ssyncset.done $0x0  }
0xc9: {  	[sflag:s26] =	ssyncadd.s32 $0xFFFFE000  }
0xca: {  	[tilespmem:s8], [sflag:$0x7] =	stream.linear.gather [spmem:s16], $0x2000, $0x38;
	[tilespmem:$0xE200] =	vst v63  }
0xcb: {  	_ =	swait.ge [sflag:s9], $0x2000  }
0xcc: {  	[sflag:s9] =	ssyncset.done $0x0  }
0xcd: {  	s16 =	simm.s32 $0x6;
	s24 =	rddreg [dreg:$0x6];
	[sflag:s9] =	ssyncadd.s32 $0xFFFFE000  }
0xce: {  	[hbm4b:s24+s23] =	stream.linear.scatter [tilespmem:s8], [sflag:$0x5], $0x2000, $0x38;
	[tilespmem:$0xE200] =	vst v63  }
0xcf: {  	_ =	swait.ge [sflag:s16], $0x2000  }
0xd0: {  	s24 =	sld [smem:$0x7FC]  }
0xd1: {  	[sflag:s16] =	ssyncset.done $0x0  }
0xd2: {  	[sflag:s16] =	ssyncadd.s32 $0xFFFFE000  }
0xd3: {  	[tilespmem:s30], [sflag:$0x7] =	stream.linear.gather [spmem:s24], $0x2000, $0x38;
	[tilespmem:$0xE200] =	vst v63  }
0xd4: {  	_ =	swait.ge [sflag:s9], $0x2000  }
0xd5: {  	[sflag:s9] =	ssyncset.done $0x0  }
0xd6: {  	s25 =	rddreg [dreg:$0x7];
	[sflag:s9] =	ssyncadd.s32 $0xFFFFE000  }
0xd7: {  	[hbm4b:s25+s23] =	stream.linear.scatter [tilespmem:s30], [sflag:$0x6], $0x2000, $0x38;
	[tilespmem:$0xE200] =	vst v63  }
0xd8: {  	_ =	swait.ge [sflag:s26], $0x2000  }
0xd9: {  	s25 =	sld [smem:$0x7FD]  }
0xda: {  	[sflag:s26] =	ssyncset.done $0x0  }
0xdb: {  	[sflag:s26] =	ssyncadd.s32 $0xFFFFE000  }
0xdc: {  	[tilespmem:s8], [sflag:$0x7] =	stream.linear.gather [spmem:s25], $0x2000, $0x38;
	[tilespmem:$0xE200] =	vst v63  }
0xdd: {  	_ =	swait.ge [sflag:s9], $0x2000  }
0xde: {  	[sflag:s9] =	ssyncset.done $0x0  }
0xdf: {  	s7 =	rddreg [dreg:$0x8];
	[sflag:s9] =	ssyncadd.s32 $0xFFFFE000  }
0xe0: {  	[hbm4b:s7+s23] =	stream.linear.scatter [tilespmem:s8], [sflag:$0x5], $0x2000, $0x38;
	[tilespmem:$0xE200] =	vst v63  }
0xe1: {  	_ =	swait.ge [sflag:s16], $0x2000  }
0xe2: {  	[sflag:s16] =	ssyncset.done $0x0  }
0xe3: {  	[sflag:s16] =	ssyncadd.s32 $0xFFFFE000  }
0xe4: {  	_ =	swait.ge [sflag:s26], $0x2000  }
0xe5: {  	[sflag:s26] =	ssyncset.done $0x0  }
0xe6: {  	[sflag:s26] =	ssyncadd.s32 $0xFFFFE000  }
0xe7: {  	s26 =	rddreg [dreg:$0x1]  }
0xe8: {  	[tilespmem:s8], [sflag:$0x7] =	stream.linear.gather [hbm4b:s26+s23], $0x2000, $0x38;
	[tilespmem:$0xE200] =	vst v63  }
0xe9: {  	_ =	swait.ge [sflag:s9], $0x2000  }
0xea: {  	[sflag:s9] =	ssyncset.done $0x0  }
0xeb: {  	[sflag:s9] =	ssyncadd.s32 $0xFFFFE000  }
0xec: {  	[spmem:s28] =	stream.linear.scatter [tilespmem:s8], [sflag:$0x7], $0x2000, $0x38;
	[tilespmem:$0xE200] =	vst v63  }
0xed: {  	_ =	swait.ge [sflag:s9], $0x2000  }
0xee: {  	[sflag:s9] =	ssyncset.done $0x0  }
0xef: {  	[sflag:s9] =	ssyncadd.s32 $0xFFFFE000  }
0xf0: {  	[spmem:s6] =	stream.linear.scatter [tilespmem:s8], [sflag:$0x7], $0x2000, $0x38;
	[tilespmem:$0xE200] =	vst v63  }
0xf1: {  	_ =	swait.ge [sflag:s9], $0x2000  }
0xf2: {  	s7 =	sld [smem:$0x7FB]  }
0xf3: {  	[sflag:s9] =	ssyncset.done $0x0  }
0xf4: {  	[sflag:s9] =	ssyncadd.s32 $0xFFFFE000  }
0xf5: {  	[spmem:s7] =	stream.linear.scatter [tilespmem:s8], [sflag:$0x7], $0x2000, $0x38;
	[tilespmem:$0xE200] =	vst v63  }
0xf6: {  	_ =	swait.ge [sflag:s9], $0x2000  }
0xf7: {  	[sflag:s9] =	ssyncset.done $0x0  }
0xf8: {  	[sflag:s9] =	ssyncadd.s32 $0xFFFFE000  }
0xf9: {  	[spmem:s24] =	stream.linear.scatter [tilespmem:s8], [sflag:$0x7], $0x2000, $0x38;
	[tilespmem:$0xE200] =	vst v63  }
0xfa: {  	_ =	swait.ge [sflag:s9], $0x2000  }
0xfb: {  	[sflag:s9] =	ssyncset.done $0x0  }
0xfc: {  	[sflag:s9] =	ssyncadd.s32 $0xFFFFE000  }
0xfd: {  	[spmem:s25] =	stream.linear.scatter [tilespmem:s8], [sflag:$0x7], $0x2000, $0x38;
	[tilespmem:$0xE200] =	vst v63  }
0xfe: {  	_ =	swait.ge [sflag:s9], $0x2000  }
0xff: {  	[sflag:s9] =	ssyncset.done $0x0  }
0x100: {  	[sflag:s9] =	ssyncadd.s32 $0xFFFFE000  }
0x101: {  	[bflag:$0x0] =	sbarrier.arrive $0xFFFF  }
0x102: {  	s24 =	rddreg [dreg:$0x1b]  }
0x103: {  	[tilespmem:s10], [sflag:$0x1] =	stream.linear.gather [hbm4b:s24+s23], $0x80, $0x38;
	[tilespmem:$0xE200] =	vst v63  }
0x104: {  	s25 =	rddreg [dreg:$0x1c]  }
0x105: {  	[tilespmem:s11], [sflag:$0x1] =	stream.linear.gather [hbm4b:s25+s23], $0x80, $0x38;
	[tilespmem:$0xE200] =	vst v63  }
0x106: {  	_ =	swait.ge [sflag:s12], $0x80  }
0x107: {  	[sflag:s12] =	ssyncset.done $0x0  }
0x108: {  	[sflag:s12] =	ssyncadd.s32 $0xFFFFFF80  }
0x109: {  	_ =	swait.ge [sflag:s12], $0x80  }
0x10a: {  	[sflag:s12] =	ssyncset.done $0x0  }
0x10b: {  	s26 =	sld [smem:$0x7F3];
	[sflag:s12] =	ssyncadd.s32 $0xFFFFFF80  }
0x10c: {  	[tilespmem:s8], [sflag:$0x3] =	stream.indirect.gather [hbm4b:s21+s13], $0x40, s10, s13, $0xb8;
	[tilespmem:$0xE200] =	vst v63  }
0x10d: {  	s6 =	sld [smem:$0x7F4]  }
0x10e: {  	[tilespmem:s14], [sflag:$0x2] =	stream.linear.gather [hbm4b:s26+s23], $0x80, $0x38;
	[tilespmem:$0xE200] =	vst v63  }
0x10f: {  	_ = 	snop  }
0x110: {  	[tilespmem:s2], [sflag:$0x2] =	stream.linear.gather [hbm4b:s6+s23], $0x80, $0x38;
	[tilespmem:$0xE200] =	vst v63  }
0x111: {  	_ =	swait.ge [sflag:s15], $0x80  }
0x112: {  	[sflag:s15] =	ssyncset.done $0x0  }
0x113: {  	[sflag:s15] =	ssyncadd.s32 $0xFFFFFF80  }
0x114: {  	_ =	swait.ge [sflag:s15], $0x80  }
0x115: {  	[sflag:s15] =	ssyncset.done $0x0  }
0x116: {  	[sflag:s15] =	ssyncadd.s32 $0xFFFFFF80  }
0x117: {  	[tilespmem:s30], [sflag:$0x4] =	stream.indirect.gather [hbm4b:s21+s13], $0x40, s14, s13, $0xb8;
	[tilespmem:$0xE200] =	vst v63  }
0x118: {  	_ =	swait.ge [sflag:s1], $0x2000  }
0x119: {  	[sflag:s1] =	ssyncset.done $0x0  }
0x11a: {  	[sflag:s1] =	ssyncadd.s32 $0xFFFFE000  }
0x11b: {  	[spmem:s3] =	stream.indirect.scatter.add.f32 [tilespmem:s8], [sflag:$0x7], $0x40, s11, s13, $0xb8;
	[tilespmem:$0xE200] =	vst v63  }
0x11c: {  	_ =	swait.ge [sflag:s9], $0x2000  }
0x11d: {  	s24 =	sld [smem:$0x7F1];
	_ =	sdelay $0x1  }
0x11e: {  	s16 =	smov.u32 s28;
	[sflag:s9] =	ssyncset.done $0x0;
	s26 =	rddreg [dreg:$0x15]  }
0x11f: {  	s28 =	rddreg [dreg:$0x16];
	[sflag:s9] =	ssyncadd.s32 $0xFFFFE000;
	s25 =	sadd.s32 s26, s24  }
0x120: {  	[tilespmem:s10], [sflag:$0x1] =	stream.linear.gather [hbm4b:s25+s4], $0x80, $0x38;
	[tilespmem:$0xE200] =	vst v63  }
0x121: {  	s23 =	sadd.s32 s28, s24  }
0x122: {  	[tilespmem:s11], [sflag:$0x1] =	stream.linear.gather [hbm4b:s23+s4], $0x80, $0x38;
	[tilespmem:$0xE200] =	vst v63  }
0x123: {  	_ =	swait.ge [sflag:s12], $0x80  }
0x124: {  	[sflag:s12] =	ssyncset.done $0x0  }
0x125: {  	[sflag:s12] =	ssyncadd.s32 $0xFFFFFF80  }
0x126: {  	_ =	swait.ge [sflag:s12], $0x80  }
0x127: {  	[sflag:s12] =	ssyncset.done $0x0  }
0x128: {  	[sflag:s12] =	ssyncadd.s32 $0xFFFFFF80  }
0x129: {  	[tilespmem:s8], [sflag:$0x3] =	stream.indirect.gather [hbm4b:s21+s13], $0x40, s10, s13, $0xb8;
	[tilespmem:$0xE200] =	vst v63  }
0x12a: {  	_ =	swait.ge [sflag:s5], $0x2000  }
0x12b: {  	[sflag:s5] =	ssyncset.done $0x0  }
0x12c: {  	[sflag:s5] =	ssyncadd.s32 $0xFFFFE000  }
0x12d: {  	[spmem:s3] =	stream.indirect.scatter.add.f32 [tilespmem:s30], [sflag:$0x7], $0x40, s2, s13, $0xb8;
	[tilespmem:$0xE200] =	vst v63  }
0x12e: {  	_ =	swait.ge [sflag:s9], $0x2000  }
0x12f: {  	[sflag:s9] =	ssyncset.done $0x0;
	s25 =	sld [smem:$0x7F8]  }
0x130: {  	s24 =	sadd.s32 $0x0, s19;
	[sflag:s9] =	ssyncadd.s32 $0xFFFFE000  }
0x131: {  	[tilespmem:s14], [sflag:$0x2] =	stream.linear.gather [hbm4b:s24+s4], $0x80, $0x38;
	[tilespmem:$0xE200] =	vst v63  }
0x132: {  	s7 =	simm.s32 $0x20;
	s23 =	sadd.s32 $0x0, s18;
	s6 =	sadd.s32 $0x100, s25  }
.LBB2_4:
0x133: {  	[tilespmem:s2], [sflag:$0x2] =	stream.linear.gather [hbm4b:s23+s4], $0x80, $0x38;
	[tilespmem:$0xE200] =	vst v63  }
0x134: {  	s23 =	smov.u32 s7  }
0x135: {  	p0 =	sne.s32 s7, $0x160;
	s7 =	sadd.s32 $0x20, s7;
	_ =	swait.ge [sflag:s15], $0x80  }
0x136: {  	[sflag:s15] =	ssyncset.done $0x0  }
0x137: {  	[sflag:s15] =	ssyncadd.s32 $0xFFFFFF80  }
0x138: {  	_ =	swait.ge [sflag:s15], $0x80  }
0x139: {  	[sflag:s15] =	ssyncset.done $0x0  }
0x13a: {  	[sflag:s15] =	ssyncadd.s32 $0xFFFFFF80  }
0x13b: {  	[tilespmem:s30], [sflag:$0x4] =	stream.indirect.gather [hbm4b:s21+s13], $0x40, s14, s13, $0xb8;
	[tilespmem:$0xE200] =	vst v63  }
0x13c: {  	_ =	swait.ge [sflag:s1], $0x2000  }
0x13d: {  	[sflag:s1] =	ssyncset.done $0x0  }
0x13e: {  	[sflag:s1] =	ssyncadd.s32 $0xFFFFE000  }
0x13f: {  	[spmem:s3] =	stream.indirect.scatter.add.f32 [tilespmem:s8], [sflag:$0x7], $0x40, s11, s13, $0xb8;
	[tilespmem:$0xE200] =	vst v63  }
0x140: {  	_ =	swait.ge [sflag:s9], $0x2000  }
0x141: {  	s24 =	sshrl.u32 s6, $0x3;
	[sflag:s9] =	ssyncset.done $0x0  }
0x142: {  	s25 =	sadd.s32 s26, s24;
	[sflag:s9] =	ssyncadd.s32 $0xFFFFE000  }
0x143: {  	[tilespmem:s10], [sflag:$0x1] =	stream.linear.gather [hbm4b:s25+s4], $0x80, $0x38;
	[tilespmem:$0xE200] =	vst v63  }
0x144: {  	s24 =	sadd.s32 s28, s24  }
0x145: {  	[tilespmem:s11], [sflag:$0x1] =	stream.linear.gather [hbm4b:s24+s4], $0x80, $0x38;
	[tilespmem:$0xE200] =	vst v63  }
0x146: {  	_ =	swait.ge [sflag:s12], $0x80  }
0x147: {  	[sflag:s12] =	ssyncset.done $0x0  }
0x148: {  	[sflag:s12] =	ssyncadd.s32 $0xFFFFFF80  }
0x149: {  	_ =	swait.ge [sflag:s12], $0x80  }
0x14a: {  	[sflag:s12] =	ssyncset.done $0x0  }
0x14b: {  	[sflag:s12] =	ssyncadd.s32 $0xFFFFFF80  }
0x14c: {  	[tilespmem:s8], [sflag:$0x3] =	stream.indirect.gather [hbm4b:s21+s13], $0x40, s10, s13, $0xb8;
	[tilespmem:$0xE200] =	vst v63  }
0x14d: {  	_ =	swait.ge [sflag:s5], $0x2000  }
0x14e: {  	[sflag:s5] =	ssyncset.done $0x0  }
0x14f: {  	[sflag:s5] =	ssyncadd.s32 $0xFFFFE000  }
0x150: {  	[spmem:s3] =	stream.indirect.scatter.add.f32 [tilespmem:s30], [sflag:$0x7], $0x40, s2, s13, $0xb8;
	[tilespmem:$0xE200] =	vst v63  }
.Ltmp1:
0x151: {  	_ =	swait.ge [sflag:s9], $0x2000;
	(pc) =	sbr.rel @p0 .LBB2_4-.Ltmp1, $4  }
0x152: {  	[sflag:s9] =	ssyncset.done $0x0  }
0x153: {  	s24 =	sadd.s32 s23, s19;
	[sflag:s9] =	ssyncadd.s32 $0xFFFFE000  }
0x154: {  	[tilespmem:s14], [sflag:$0x2] =	stream.linear.gather [hbm4b:s24+s4], $0x80, $0x38;
	[tilespmem:$0xE200] =	vst v63  }
0x155: {  	s6 =	sadd.s32 $0x100, s6;
	s23 =	sadd.s32 s23, s18  }
0x156: {  	[tilespmem:s2], [sflag:$0x2] =	stream.linear.gather [hbm4b:s23+s4], $0x80, $0x38;
	[tilespmem:$0xE200] =	vst v63  }
0x157: {  	_ =	swait.ge [sflag:s15], $0x80  }
0x158: {  	[sflag:s15] =	ssyncset.done $0x0  }
0x159: {  	[sflag:s15] =	ssyncadd.s32 $0xFFFFFF80  }
0x15a: {  	_ =	swait.ge [sflag:s15], $0x80  }
0x15b: {  	[sflag:s15] =	ssyncset.done $0x0  }
0x15c: {  	[sflag:s15] =	ssyncadd.s32 $0xFFFFFF80  }
0x15d: {  	[tilespmem:s30], [sflag:$0x4] =	stream.indirect.gather [hbm4b:s21+s13], $0x40, s14, s13, $0xb8;
	[tilespmem:$0xE200] =	vst v63  }
0x15e: {  	_ =	swait.ge [sflag:s1], $0x2000  }
0x15f: {  	[sflag:s1] =	ssyncset.done $0x0  }
0x160: {  	[sflag:s1] =	ssyncadd.s32 $0xFFFFE000  }
0x161: {  	[spmem:s3] =	stream.indirect.scatter.add.f32 [tilespmem:s8], [sflag:$0x7], $0x40, s11, s13, $0xb8;
	[tilespmem:$0xE200] =	vst v63  }
0x162: {  	_ =	swait.ge [sflag:s9], $0x2000  }
0x163: {  	[sflag:s9] =	ssyncset.done $0x0  }
0x164: {  	[sflag:s9] =	ssyncadd.s32 $0xFFFFE000  }
0x165: {  	_ =	swait.ge [sflag:s5], $0x2000  }
0x166: {  	[sflag:s5] =	ssyncset.done $0x0  }
0x167: {  	[sflag:s5] =	ssyncadd.s32 $0xFFFFE000  }
0x168: {  	[spmem:s3] =	stream.indirect.scatter.add.f32 [tilespmem:s30], [sflag:$0x7], $0x40, s2, s13, $0xb8;
	[tilespmem:$0xE200] =	vst v63  }
0x169: {  	_ =	swait.ge [sflag:s9], $0x2000  }
0x16a: {  	[sflag:s9] =	ssyncset.done $0x0  }
0x16b: {  	[sflag:s9] =	ssyncadd.s32 $0xFFFFE000  }
0x16c: {  	[bflag:$0x0] =	sbarrier.arrive $0xFFFF  }
0x16d: {  	[tilespmem:s8], [sflag:$0x7] =	stream.linear.gather [spmem:s16], $0x2000, $0x38;
	[tilespmem:$0xE200] =	vst v63  }
0x16e: {  	_ =	swait.ge [sflag:s9], $0x2000  }
0x16f: {  	[sflag:s9] =	ssyncset.done $0x0;
	s7 =	rddreg [dreg:$0x9]  }
0x170: {  	s23 =	simm.s32 $0x0;
	s6 =	sld [smem:$0x7FA];
	[sflag:s9] =	ssyncadd.s32 $0xFFFFE000  }
0x171: {  	[hbm4b:s7+s23] =	stream.linear.scatter [tilespmem:s8], [sflag:$0x5], $0x2000, $0x38;
	[tilespmem:$0xE200] =	vst v63  }
0x172: {  	_ = 	snop  }
0x173: {  	[tilespmem:s30], [sflag:$0x7] =	stream.linear.gather [spmem:s6], $0x2000, $0x38;
	[tilespmem:$0xE200] =	vst v63  }
0x174: {  	_ =	swait.ge [sflag:s9], $0x2000  }
0x175: {  	s24 =	smov.u32 s16;
	[sflag:s9] =	ssyncset.done $0x0  }
0x176: {  	s16 =	simm.s32 $0x5;
	s26 =	rddreg [dreg:$0xa];
	[sflag:s9] =	ssyncadd.s32 $0xFFFFE000  }
0x177: {  	[hbm4b:s26+s23] =	stream.linear.scatter [tilespmem:s30], [sflag:$0x6], $0x2000, $0x38;
	[tilespmem:$0xE200] =	vst v63  }
0x178: {  	_ =	swait.ge [sflag:s16], $0x2000  }
0x179: {  	s28 =	sld [smem:$0x7FB]  }
0x17a: {  	[sflag:s16] =	ssyncset.done $0x0  }
0x17b: {  	[sflag:s16] =	ssyncadd.s32 $0xFFFFE000  }
0x17c: {  	[tilespmem:s8], [sflag:$0x7] =	stream.linear.gather [spmem:s28], $0x2000, $0x38;
	[tilespmem:$0xE200] =	vst v63  }
0x17d: {  	_ =	swait.ge [sflag:s9], $0x2000  }
0x17e: {  	[sflag:s9] =	ssyncset.done $0x0  }
0x17f: {  	s6 =	rddreg [dreg:$0xb];
	[sflag:s9] =	ssyncadd.s32 $0xFFFFE000  }
0x180: {  	[hbm4b:s6+s23] =	stream.linear.scatter [tilespmem:s8], [sflag:$0x5], $0x2000, $0x38;
	[tilespmem:$0xE200] =	vst v63  }
0x181: {  	s6 =	simm.s32 $0x6  }
0x182: {  	_ =	swait.ge [sflag:s6], $0x2000  }
0x183: {  	s25 =	sld [smem:$0x7FC]  }
0x184: {  	[sflag:s6] =	ssyncset.done $0x0  }
0x185: {  	[sflag:s6] =	ssyncadd.s32 $0xFFFFE000  }
0x186: {  	[tilespmem:s30], [sflag:$0x7] =	stream.linear.gather [spmem:s25], $0x2000, $0x38;
	[tilespmem:$0xE200] =	vst v63  }
0x187: {  	_ =	swait.ge [sflag:s9], $0x2000  }
0x188: {  	[sflag:s9] =	ssyncset.done $0x0  }
0x189: {  	s26 =	rddreg [dreg:$0xc];
	[sflag:s9] =	ssyncadd.s32 $0xFFFFE000  }
0x18a: {  	[hbm4b:s26+s23] =	stream.linear.scatter [tilespmem:s30], [sflag:$0x6], $0x2000, $0x38;
	[tilespmem:$0xE200] =	vst v63  }
0x18b: {  	_ =	swait.ge [sflag:s16], $0x2000  }
0x18c: {  	s25 =	sld [smem:$0x7FD]  }
0x18d: {  	[sflag:s16] =	ssyncset.done $0x0  }
0x18e: {  	[sflag:s16] =	ssyncadd.s32 $0xFFFFE000  }
0x18f: {  	[tilespmem:s8], [sflag:$0x7] =	stream.linear.gather [spmem:s25], $0x2000, $0x38;
	[tilespmem:$0xE200] =	vst v63  }
0x190: {  	_ =	swait.ge [sflag:s9], $0x2000  }
0x191: {  	[sflag:s9] =	ssyncset.done $0x0  }
0x192: {  	s28 =	rddreg [dreg:$0xd];
	[sflag:s9] =	ssyncadd.s32 $0xFFFFE000  }
0x193: {  	[hbm4b:s28+s23] =	stream.linear.scatter [tilespmem:s8], [sflag:$0x5], $0x2000, $0x38;
	[tilespmem:$0xE200] =	vst v63  }
0x194: {  	_ =	swait.ge [sflag:s6], $0x2000  }
0x195: {  	[sflag:s6] =	ssyncset.done $0x0  }
0x196: {  	[sflag:s6] =	ssyncadd.s32 $0xFFFFE000  }
0x197: {  	_ =	swait.ge [sflag:s16], $0x2000  }
0x198: {  	[sflag:s16] =	ssyncset.done $0x0  }
0x199: {  	[sflag:s16] =	ssyncadd.s32 $0xFFFFE000  }
0x19a: {  	s6 =	rddreg [dreg:$0x1]  }
0x19b: {  	[tilespmem:s8], [sflag:$0x7] =	stream.linear.gather [hbm4b:s6+s23], $0x2000, $0x38;
	[tilespmem:$0xE200] =	vst v63  }
0x19c: {  	_ =	swait.ge [sflag:s9], $0x2000  }
0x19d: {  	[sflag:s9] =	ssyncset.done $0x0  }
0x19e: {  	[sflag:s9] =	ssyncadd.s32 $0xFFFFE000  }
0x19f: {  	[spmem:s24] =	stream.linear.scatter [tilespmem:s8], [sflag:$0x7], $0x2000, $0x38;
	[tilespmem:$0xE200] =	vst v63  }
0x1a0: {  	_ =	swait.ge [sflag:s9], $0x2000  }
0x1a1: {  	s7 =	sld [smem:$0x7FA]  }
0x1a2: {  	[sflag:s9] =	ssyncset.done $0x0  }
0x1a3: {  	[sflag:s9] =	ssyncadd.s32 $0xFFFFE000  }
0x1a4: {  	[spmem:s7] =	stream.linear.scatter [tilespmem:s8], [sflag:$0x7], $0x2000, $0x38;
	[tilespmem:$0xE200] =	vst v63  }
0x1a5: {  	_ =	swait.ge [sflag:s9], $0x2000  }
0x1a6: {  	s16 =	sld [smem:$0x7FB]  }
0x1a7: {  	[sflag:s9] =	ssyncset.done $0x0  }
0x1a8: {  	[sflag:s9] =	ssyncadd.s32 $0xFFFFE000  }
0x1a9: {  	[spmem:s16] =	stream.linear.scatter [tilespmem:s8], [sflag:$0x7], $0x2000, $0x38;
	[tilespmem:$0xE200] =	vst v63  }
0x1aa: {  	_ =	swait.ge [sflag:s9], $0x2000  }
0x1ab: {  	s24 =	sld [smem:$0x7FC]  }
0x1ac: {  	[sflag:s9] =	ssyncset.done $0x0  }
0x1ad: {  	[sflag:s9] =	ssyncadd.s32 $0xFFFFE000  }
0x1ae: {  	[spmem:s24] =	stream.linear.scatter [tilespmem:s8], [sflag:$0x7], $0x2000, $0x38;
	[tilespmem:$0xE200] =	vst v63  }
0x1af: {  	_ =	swait.ge [sflag:s9], $0x2000  }
0x1b0: {  	[sflag:s9] =	ssyncset.done $0x0  }
0x1b1: {  	[sflag:s9] =	ssyncadd.s32 $0xFFFFE000  }
0x1b2: {  	[spmem:s25] =	stream.linear.scatter [tilespmem:s8], [sflag:$0x7], $0x2000, $0x38;
	[tilespmem:$0xE200] =	vst v63  }
0x1b3: {  	_ =	swait.ge [sflag:s9], $0x2000  }
0x1b4: {  	[sflag:s9] =	ssyncset.done $0x0  }
0x1b5: {  	[sflag:s9] =	ssyncadd.s32 $0xFFFFE000  }
0x1b6: {  	[bflag:$0x0] =	sbarrier.arrive $0xFFFF  }
0x1b7: {  	s26 =	rddreg [dreg:$0x1d]  }
0x1b8: {  	[tilespmem:s10], [sflag:$0x1] =	stream.linear.gather [hbm4b:s26+s23], $0x80, $0x38;
	[tilespmem:$0xE200] =	vst v63  }
0x1b9: {  	s28 =	rddreg [dreg:$0x1e]  }
0x1ba: {  	[tilespmem:s11], [sflag:$0x1] =	stream.linear.gather [hbm4b:s28+s23], $0x80, $0x38;
	[tilespmem:$0xE200] =	vst v63  }
0x1bb: {  	_ =	swait.ge [sflag:s12], $0x80  }
0x1bc: {  	[sflag:s12] =	ssyncset.done $0x0  }
0x1bd: {  	[sflag:s12] =	ssyncadd.s32 $0xFFFFFF80  }
0x1be: {  	_ =	swait.ge [sflag:s12], $0x80  }
0x1bf: {  	[sflag:s12] =	ssyncset.done $0x0  }
0x1c0: {  	s6 =	sld [smem:$0x7F5];
	[sflag:s12] =	ssyncadd.s32 $0xFFFFFF80  }
0x1c1: {  	[tilespmem:s8], [sflag:$0x3] =	stream.indirect.gather [hbm4b:s22+s13], $0x40, s10, s13, $0xb8;
	[tilespmem:$0xE200] =	vst v63  }
0x1c2: {  	s16 =	sld [smem:$0x7F6]  }
0x1c3: {  	[tilespmem:s14], [sflag:$0x2] =	stream.linear.gather [hbm4b:s6+s23], $0x80, $0x38;
	[tilespmem:$0xE200] =	vst v63  }
0x1c4: {  	_ = 	snop  }
0x1c5: {  	[tilespmem:s2], [sflag:$0x2] =	stream.linear.gather [hbm4b:s16+s23], $0x80, $0x38;
	[tilespmem:$0xE200] =	vst v63  }
0x1c6: {  	_ =	swait.ge [sflag:s15], $0x80  }
0x1c7: {  	[sflag:s15] =	ssyncset.done $0x0  }
0x1c8: {  	[sflag:s15] =	ssyncadd.s32 $0xFFFFFF80  }
0x1c9: {  	_ =	swait.ge [sflag:s15], $0x80  }
0x1ca: {  	[sflag:s15] =	ssyncset.done $0x0  }
0x1cb: {  	[sflag:s15] =	ssyncadd.s32 $0xFFFFFF80  }
0x1cc: {  	[tilespmem:s30], [sflag:$0x4] =	stream.indirect.gather [hbm4b:s22+s13], $0x40, s14, s13, $0xb8;
	[tilespmem:$0xE200] =	vst v63  }
0x1cd: {  	_ =	swait.ge [sflag:s1], $0x2000  }
0x1ce: {  	[sflag:s1] =	ssyncset.done $0x0  }
0x1cf: {  	[sflag:s1] =	ssyncadd.s32 $0xFFFFE000  }
0x1d0: {  	[spmem:s3] =	stream.indirect.scatter.add.f32 [tilespmem:s8], [sflag:$0x7], $0x40, s11, s13, $0xb8;
	[tilespmem:$0xE200] =	vst v63  }
0x1d1: {  	_ =	swait.ge [sflag:s9], $0x2000  }
0x1d2: {  	s23 =	sld [smem:$0x7F1];
	_ =	sdelay $0x1  }
0x1d3: {  	[sflag:s9] =	ssyncset.done $0x0  }
0x1d4: {  	s16 =	rddreg [dreg:$0x17];
	[sflag:s9] =	ssyncadd.s32 $0xFFFFE000;
	s24 =	sadd.s32 s29, s23  }
0x1d5: {  	[tilespmem:s10], [sflag:$0x1] =	stream.linear.gather [hbm4b:s24+s4], $0x80, $0x38;
	[tilespmem:$0xE200] =	vst v63  }
0x1d6: {  	s25 =	sadd.s32 s16, s23  }
0x1d7: {  	[tilespmem:s11], [sflag:$0x1] =	stream.linear.gather [hbm4b:s25+s4], $0x80, $0x38;
	[tilespmem:$0xE200] =	vst v63  }
0x1d8: {  	_ =	swait.ge [sflag:s12], $0x80  }
0x1d9: {  	[sflag:s12] =	ssyncset.done $0x0  }
0x1da: {  	[sflag:s12] =	ssyncadd.s32 $0xFFFFFF80  }
0x1db: {  	_ =	swait.ge [sflag:s12], $0x80  }
0x1dc: {  	[sflag:s12] =	ssyncset.done $0x0  }
0x1dd: {  	[sflag:s12] =	ssyncadd.s32 $0xFFFFFF80  }
0x1de: {  	[tilespmem:s8], [sflag:$0x3] =	stream.indirect.gather [hbm4b:s22+s13], $0x40, s10, s13, $0xb8;
	[tilespmem:$0xE200] =	vst v63  }
0x1df: {  	_ =	swait.ge [sflag:s5], $0x2000  }
0x1e0: {  	[sflag:s5] =	ssyncset.done $0x0  }
0x1e1: {  	[sflag:s5] =	ssyncadd.s32 $0xFFFFE000  }
0x1e2: {  	[spmem:s3] =	stream.indirect.scatter.add.f32 [tilespmem:s30], [sflag:$0x7], $0x40, s2, s13, $0xb8;
	[tilespmem:$0xE200] =	vst v63  }
0x1e3: {  	_ =	swait.ge [sflag:s9], $0x2000  }
0x1e4: {  	[sflag:s9] =	ssyncset.done $0x0;
	s28 =	sld [smem:$0x7F8]  }
0x1e5: {  	s26 =	sadd.s32 $0x0, s0;
	[sflag:s9] =	ssyncadd.s32 $0xFFFFE000  }
0x1e6: {  	[tilespmem:s14], [sflag:$0x2] =	stream.linear.gather [hbm4b:s26+s4], $0x80, $0x38;
	[tilespmem:$0xE200] =	vst v63  }
0x1e7: {  	s7 =	simm.s32 $0x20;
	s23 =	sadd.s32 $0x0, s31;
	s6 =	sadd.s32 $0x100, s28  }
.LBB2_6:
0x1e8: {  	[tilespmem:s2], [sflag:$0x2] =	stream.linear.gather [hbm4b:s23+s4], $0x80, $0x38;
	[tilespmem:$0xE200] =	vst v63  }
0x1e9: {  	s23 =	smov.u32 s7  }
0x1ea: {  	p0 =	sne.s32 s7, $0x160;
	s7 =	sadd.s32 $0x20, s7;
	_ =	swait.ge [sflag:s15], $0x80  }
0x1eb: {  	[sflag:s15] =	ssyncset.done $0x0  }
0x1ec: {  	[sflag:s15] =	ssyncadd.s32 $0xFFFFFF80  }
0x1ed: {  	_ =	swait.ge [sflag:s15], $0x80  }
0x1ee: {  	[sflag:s15] =	ssyncset.done $0x0  }
0x1ef: {  	[sflag:s15] =	ssyncadd.s32 $0xFFFFFF80  }
0x1f0: {  	[tilespmem:s30], [sflag:$0x4] =	stream.indirect.gather [hbm4b:s22+s13], $0x40, s14, s13, $0xb8;
	[tilespmem:$0xE200] =	vst v63  }
0x1f1: {  	_ =	swait.ge [sflag:s1], $0x2000  }
0x1f2: {  	[sflag:s1] =	ssyncset.done $0x0  }
0x1f3: {  	[sflag:s1] =	ssyncadd.s32 $0xFFFFE000  }
0x1f4: {  	[spmem:s3] =	stream.indirect.scatter.add.f32 [tilespmem:s8], [sflag:$0x7], $0x40, s11, s13, $0xb8;
	[tilespmem:$0xE200] =	vst v63  }
0x1f5: {  	_ =	swait.ge [sflag:s9], $0x2000  }
0x1f6: {  	s24 =	sshrl.u32 s6, $0x3;
	[sflag:s9] =	ssyncset.done $0x0  }
0x1f7: {  	s25 =	sadd.s32 s29, s24;
	[sflag:s9] =	ssyncadd.s32 $0xFFFFE000  }
0x1f8: {  	[tilespmem:s10], [sflag:$0x1] =	stream.linear.gather [hbm4b:s25+s4], $0x80, $0x38;
	[tilespmem:$0xE200] =	vst v63  }
0x1f9: {  	s24 =	sadd.s32 s16, s24  }
0x1fa: {  	[tilespmem:s11], [sflag:$0x1] =	stream.linear.gather [hbm4b:s24+s4], $0x80, $0x38;
	[tilespmem:$0xE200] =	vst v63  }
0x1fb: {  	_ =	swait.ge [sflag:s12], $0x80  }
0x1fc: {  	[sflag:s12] =	ssyncset.done $0x0  }
0x1fd: {  	[sflag:s12] =	ssyncadd.s32 $0xFFFFFF80  }
0x1fe: {  	_ =	swait.ge [sflag:s12], $0x80  }
0x1ff: {  	[sflag:s12] =	ssyncset.done $0x0  }
0x200: {  	[sflag:s12] =	ssyncadd.s32 $0xFFFFFF80  }
0x201: {  	[tilespmem:s8], [sflag:$0x3] =	stream.indirect.gather [hbm4b:s22+s13], $0x40, s10, s13, $0xb8;
	[tilespmem:$0xE200] =	vst v63  }
0x202: {  	_ =	swait.ge [sflag:s5], $0x2000  }
0x203: {  	[sflag:s5] =	ssyncset.done $0x0  }
0x204: {  	[sflag:s5] =	ssyncadd.s32 $0xFFFFE000  }
0x205: {  	[spmem:s3] =	stream.indirect.scatter.add.f32 [tilespmem:s30], [sflag:$0x7], $0x40, s2, s13, $0xb8;
	[tilespmem:$0xE200] =	vst v63  }
.Ltmp2:
0x206: {  	_ =	swait.ge [sflag:s9], $0x2000;
	(pc) =	sbr.rel @p0 .LBB2_6-.Ltmp2, $4  }
0x207: {  	[sflag:s9] =	ssyncset.done $0x0  }
0x208: {  	s24 =	sadd.s32 s23, s0;
	[sflag:s9] =	ssyncadd.s32 $0xFFFFE000  }
0x209: {  	[tilespmem:s14], [sflag:$0x2] =	stream.linear.gather [hbm4b:s24+s4], $0x80, $0x38;
	[tilespmem:$0xE200] =	vst v63  }
0x20a: {  	s6 =	sadd.s32 $0x100, s6;
	s23 =	sadd.s32 s23, s31  }
0x20b: {  	[tilespmem:s2], [sflag:$0x2] =	stream.linear.gather [hbm4b:s23+s4], $0x80, $0x38;
	[tilespmem:$0xE200] =	vst v63  }
0x20c: {  	_ =	swait.ge [sflag:s15], $0x80  }
0x20d: {  	[sflag:s15] =	ssyncset.done $0x0  }
0x20e: {  	[sflag:s15] =	ssyncadd.s32 $0xFFFFFF80  }
0x20f: {  	_ =	swait.ge [sflag:s15], $0x80  }
0x210: {  	[sflag:s15] =	ssyncset.done $0x0  }
0x211: {  	[sflag:s15] =	ssyncadd.s32 $0xFFFFFF80  }
0x212: {  	[tilespmem:s30], [sflag:$0x4] =	stream.indirect.gather [hbm4b:s22+s13], $0x40, s14, s13, $0xb8;
	[tilespmem:$0xE200] =	vst v63  }
0x213: {  	_ =	swait.ge [sflag:s1], $0x2000  }
0x214: {  	[sflag:s1] =	ssyncset.done $0x0  }
0x215: {  	[sflag:s1] =	ssyncadd.s32 $0xFFFFE000  }
0x216: {  	[spmem:s3] =	stream.indirect.scatter.add.f32 [tilespmem:s8], [sflag:$0x7], $0x40, s11, s13, $0xb8;
	[tilespmem:$0xE200] =	vst v63  }
0x217: {  	_ =	swait.ge [sflag:s9], $0x2000  }
0x218: {  	[sflag:s9] =	ssyncset.done $0x0  }
0x219: {  	[sflag:s9] =	ssyncadd.s32 $0xFFFFE000  }
0x21a: {  	_ =	swait.ge [sflag:s5], $0x2000  }
0x21b: {  	[sflag:s5] =	ssyncset.done $0x0  }
0x21c: {  	[sflag:s5] =	ssyncadd.s32 $0xFFFFE000  }
0x21d: {  	[spmem:s3] =	stream.indirect.scatter.add.f32 [tilespmem:s30], [sflag:$0x7], $0x40, s2, s13, $0xb8;
	[tilespmem:$0xE200] =	vst v63  }
0x21e: {  	_ =	swait.ge [sflag:s9], $0x2000  }
0x21f: {  	[sflag:s9] =	ssyncset.done $0x0  }
0x220: {  	[sflag:s9] =	ssyncadd.s32 $0xFFFFE000  }
0x221: {  	[bflag:$0x0] =	sbarrier.arrive $0xFFFF  }
0x222: {  	s6 =	rddreg [dreg:$0x18]  }
0x223: {  	[tilespmem:s8], [sflag:$0x7] =	stream.linear.gather [spmem:s6], $0x2000, $0x38;
	[tilespmem:$0xE200] =	vst v63  }
0x224: {  	_ =	swait.ge [sflag:s9], $0x2000  }
0x225: {  	[sflag:s9] =	ssyncset.done $0x0;
	s26 =	rddreg [dreg:$0xe]  }
0x226: {  	s28 =	sld [smem:$0x7FA];
	[sflag:s9] =	ssyncadd.s32 $0xFFFFE000  }
0x227: {  	[hbm4b:s26+s4] =	stream.linear.scatter [tilespmem:s8], [sflag:$0x5], $0x2000, $0x38;
	[tilespmem:$0xE200] =	vst v63  }
0x228: {  	_ = 	snop  }
0x229: {  	[tilespmem:s30], [sflag:$0x7] =	stream.linear.gather [spmem:s28], $0x2000, $0x38;
	[tilespmem:$0xE200] =	vst v63  }
0x22a: {  	_ =	swait.ge [sflag:s9], $0x2000  }
0x22b: {  	[sflag:s9] =	ssyncset.done $0x0  }
0x22c: {  	s23 =	simm.s32 $0x5;
	s7 =	rddreg [dreg:$0xf];
	[sflag:s9] =	ssyncadd.s32 $0xFFFFE000  }
0x22d: {  	[hbm4b:s7+s4] =	stream.linear.scatter [tilespmem:s30], [sflag:$0x6], $0x2000, $0x38;
	[tilespmem:$0xE200] =	vst v63  }
0x22e: {  	_ =	swait.ge [sflag:s23], $0x2000  }
0x22f: {  	s24 =	sld [smem:$0x7FB]  }
0x230: {  	[sflag:s23] =	ssyncset.done $0x0  }
0x231: {  	[sflag:s23] =	ssyncadd.s32 $0xFFFFE000  }
0x232: {  	[tilespmem:s8], [sflag:$0x7] =	stream.linear.gather [spmem:s24], $0x2000, $0x38;
	[tilespmem:$0xE200] =	vst v63  }
0x233: {  	_ =	swait.ge [sflag:s9], $0x2000  }
0x234: {  	[sflag:s9] =	ssyncset.done $0x0  }
0x235: {  	s16 =	rddreg [dreg:$0x10];
	[sflag:s9] =	ssyncadd.s32 $0xFFFFE000  }
0x236: {  	[hbm4b:s16+s4] =	stream.linear.scatter [tilespmem:s8], [sflag:$0x5], $0x2000, $0x38;
	[tilespmem:$0xE200] =	vst v63  }
0x237: {  	s16 =	simm.s32 $0x6  }
0x238: {  	_ =	swait.ge [sflag:s16], $0x2000  }
0x239: {  	s25 =	smov.u32 s29;
	s29 =	sld [smem:$0x7FC]  }
0x23a: {  	[sflag:s16] =	ssyncset.done $0x0  }
0x23b: {  	[sflag:s16] =	ssyncadd.s32 $0xFFFFE000  }
0x23c: {  	[tilespmem:s30], [sflag:$0x7] =	stream.linear.gather [spmem:s29], $0x2000, $0x38;
	[tilespmem:$0xE200] =	vst v63  }
0x23d: {  	_ =	swait.ge [sflag:s9], $0x2000  }
0x23e: {  	[sflag:s9] =	ssyncset.done $0x0  }
0x23f: {  	s26 =	rddreg [dreg:$0x11];
	[sflag:s9] =	ssyncadd.s32 $0xFFFFE000  }
0x240: {  	[hbm4b:s26+s4] =	stream.linear.scatter [tilespmem:s30], [sflag:$0x6], $0x2000, $0x38;
	[tilespmem:$0xE200] =	vst v63  }
0x241: {  	_ =	swait.ge [sflag:s23], $0x2000  }
0x242: {  	s7 =	sld [smem:$0x7FD]  }
0x243: {  	[sflag:s23] =	ssyncset.done $0x0  }
0x244: {  	[sflag:s23] =	ssyncadd.s32 $0xFFFFE000  }
0x245: {  	[tilespmem:s8], [sflag:$0x7] =	stream.linear.gather [spmem:s7], $0x2000, $0x38;
	[tilespmem:$0xE200] =	vst v63  }
0x246: {  	_ =	swait.ge [sflag:s9], $0x2000  }
0x247: {  	[sflag:s9] =	ssyncset.done $0x0  }
0x248: {  	s28 =	rddreg [dreg:$0x12];
	[sflag:s9] =	ssyncadd.s32 $0xFFFFE000  }
0x249: {  	[hbm4b:s28+s4] =	stream.linear.scatter [tilespmem:s8], [sflag:$0x5], $0x2000, $0x38;
	[tilespmem:$0xE200] =	vst v63  }
0x24a: {  	_ =	swait.ge [sflag:s16], $0x2000  }
0x24b: {  	[sflag:s16] =	ssyncset.done $0x0  }
0x24c: {  	[sflag:s16] =	ssyncadd.s32 $0xFFFFE000  }
0x24d: {  	_ =	swait.ge [sflag:s23], $0x2000  }
0x24e: {  	s26 =	sld [smem:$0x7F0]  }
0x24f: {  	s28 =	sld [smem:$0x7F7];
	_ =	sdelay $0x1  }
0x250: {  	s16 =	sadd.s32 $0x1, s26  }
0x251: {  	p0 =	sne.s32 s16, s28  }
.Ltmp3:
0x252: {  	_ = 	snop;
	(pc) =	sbr.rel @p0 .LBB2_1-.Ltmp3, $3  }
0x253: {  	_ =	sdelay $0x1  }
0x254: {  	[sflag:s23] =	ssyncset.done $0x0  }
0x255: {  	[sflag:s23] =	ssyncadd.s32 $0xFFFFE000;
	s23 =	rddreg [dreg:$0x13]  }
0x256: {  	_ =	sfence.sel $0x180000  }
0x257: {  	[bflag:$0x0] =	sbarrier.arrive $0xFFFF  }
0x258: {  	_ =	strace $0x9000004D  }
0x259: {  	s0 =	stileid.u32;
	[bflag:$0x2] =	sbarrier.arrive $0xFFFF  }
0x25a: {  	p0 =	sne.s32 s0, $0x0;
	s0 =	rddreg [dreg:$0x3]  }
0x25b: {  	s0 =	sadd.s32 @!p0 $0x100000, s0  }
0x25c: {  	[sflag:s0] =	ssyncadd.tile.s32 @!p0 $0x1;
	_ =	shalt  }
.Lfunc_end2:
_tile_overlayer_lowered:
.L_overlay_start_2:
0x25d: {  	(tag) =	ssettag $0x2  }
0x25e: {  	s0 =	rddreg [dreg:$0x0];
	s2 =	stileid.u32  }
0x25f: {  	s1 =	rddreg [dreg:$0x1];
	p0 =	sne.s32 s2, $0x0  }
0x260: {  	s3 =	rddreg [dreg:$0x2];
	[bflag:$0x3] =	sbarrier.arrive $0xFFFF;
	s2 =	simm.s32 @!p0 $0x1C07  }
0x261: {  	[timem:s3], [sflag:s2] =	dma.local @!p0 [hbm:s0], s1  }
0x262: {  	s0 =	simm.s32 @!p0 $0x7  }
0x263: {  	_ =	swait.ge @!p0 [sflag:s0], s1  }
0x264: {  	s1 =	ssub.s32 @!p0 $0x0, s1;
	[sflag:s0] =	ssyncset.done @!p0 $0x0  }
0x265: {  	[sflag:s0] =	ssyncadd.s32 @!p0 s1  }
0x266: {  	[bflag:$0x3] =	sbarrier.arrive $0xFFFF  }
0x267: {  	_ =	shalt  }

// kernel: kernel.8.cloned.1.call-start
scs
__scs_entry_jumppad:
0x0: {  	(pc) =	sbr.rel $0x88, $3  }
0x1: {  	(tag) =	ssettag $0x0;
	lr =	simm.s32 $0x1  }
0x2: {  	[smem:$0x3F90] =	sst lr;
	_ =	strace $0xD0000000  }
0x3: {  	_ = 	snop  }
0x4: {  	_ = 	snop  }
0x5: {  	_ = 	snop  }
0x6: {  	_ = 	snop  }
0x7: {  	_ = 	snop  }
__scs_overlays_trampoline_lowered:
0x8: {  	[smem:$0x3F9F] =	sst s0  }
0x9: {  	[smem:$0x3FA0] =	sst s1  }
0xa: {  	[smem:$0x3FA1] =	sst s2  }
0xb: {  	[smem:$0x3FA2] =	sst s3  }
0xc: {  	[smem:$0x3FA3] =	sst s4  }
0xd: {  	[smem:$0x3FA4] =	sst s5  }
0xe: {  	[smem:$0x3FA5] =	sst s6  }
0xf: {  	[smem:$0x3FA6] =	sst s7  }
0x10: {  	[smem:$0x3FA7] =	sst s8  }
0x11: {  	[smem:$0x3FA8] =	sst s9;
	s0 =	simm.s32 @!p0 $0x0  }
0x12: {  	s1 =	sld [smem:$0x3F8E];
	s0 =	simm.s32 @p0 $0x1  }
0x13: {  	[smem:$0x3FA9] =	sst s0;
	s0 =	simm.s32 @!p1 $0x0  }
0x14: {  	s2 =	sld [smem:$0x3F8D];
	s0 =	simm.s32 @p1 $0x1  }
0x15: {  	[smem:$0x3FAA] =	sst s0;
	s0 =	simm.s32 @!p2 $0x0  }
0x16: {  	s3 =	sld [smem:$0x3FDB];
	s0 =	simm.s32 @p2 $0x1  }
0x17: {  	s4 =	simm.s32 $0x1BF5;
	[smem:$0x3FAC] =	sst s0  }
0x18: {  	s0 =	sld [smem:$0x3F8F];
	_ =	swait.ge [sflag:s4], $0x0  }
0x19: {  	s7 =	sld [smem:$0x3F90]  }
0x1a: {  	s8 =	sadd.s32 $0xFFFFE003, lr  }
0x1b: {  	s9 =	sadd.s32 $0xFFFFFEF7, lr;
	s5 =	simm.s32 $0xFFFFFFFF;
	p2 =	slt.u32 s8, $0xFFFFF086  }
0x1c: {  	p1 =	slt.u32 s9, $0xF7A;
	s5 =	simm.s32 @!p2 $0x0  }
0x1d: {  	s5 =	simm.s32 @p1 $0x1;
	p0 =	seq.s32 s7, s2  }
0x1e: {  	s7 =	smul.u32 @!p0 $0xF7A, s2;
	p2 =	seq.s32 @!p0 s5, $0x0  }
0x1f: {  	s9 =	smul.u32 $0xF7A, s1;
	s8 =	simm.s32 @!p0 $0x1BF5;
	p2 =	por !p2, p0  }
0x20: {  	[sflag:s8] =	ssyncset.s32 @!p0 $0xFFFFF086;
	s6 =	sadd.s32 @!p0 s3, s7;
	s7 =	simm.s32 @!p0 $0x108  }
0x21: {  	s3 =	sadd.s32 s3, s9;
	s6 =	sadd.s32 @!p0 $0x88, s6;
	s7 =	simm.s32 @p2 $0x1082  }
0x22: {  	[simem:s7], [sflag:s8] =	dma.local @!p0 [hbm:s6], $0xF7A  }
0x23: {  	s9 =	sor.u32 $0xD0000000, s2;
	s6 =	simm.s32 $0x108;
	_ =	swait.ge @!p0 [sflag:s8], $0x0  }
0x24: {  	s3 =	sadd.s32 $0x88, s3;
	s6 =	simm.s32 @!p1 $0x1082;
	[sflag:s4] =	ssyncset.s32 $0xFFFFF086  }
0x25: {  	[simem:s6], [sflag:s4] =	dma.local [hbm:s3], $0xF7A  }
0x26: {  	[smem:$0x3F90] =	sst s1;
	(tag) =	ssettag s2;
	_ =	strace s9  }
0x27: {  	s1 =	sld [smem:$0x3FA0]  }
0x28: {  	s2 =	sld [smem:$0x3FA1]  }
0x29: {  	s4 =	sld [smem:$0x3FA3]  }
0x2a: {  	p0 =	seq.s32 s5, $0x0;
	s5 =	sld [smem:$0x3FA4]  }
0x2b: {  	s6 =	sld [smem:$0x3FA5]  }
0x2c: {  	s7 =	sld [smem:$0x3FA6]  }
0x2d: {  	s3 =	simm.s32 $0x108;
	s8 =	sld [smem:$0x3FA7]  }
0x2e: {  	s3 =	simm.s32 @!p0 $0x1082;
	s9 =	sld [smem:$0x3FA8]  }
0x2f: {  	lr =	sadd.s32 s0, s3;
	s0 =	sld [smem:$0x3F9F]  }
0x30: {  	s3 =	sld [smem:$0x3FA2]  }
0x31: {  	[smem:$0x3FAB] =	sst s10  }
0x32: {  	s10 =	sld [smem:$0x3FA9];
	_ =	sdelay $0x3  }
0x33: {  	p0 =	seq.s32 s10, $0x1;
	s10 =	sld [smem:$0x3FAB];
	_ =	sdelay $0x3  }
0x34: {  	[smem:$0x3FAB] =	sst s10  }
0x35: {  	s10 =	sld [smem:$0x3FAA];
	_ =	sdelay $0x3  }
0x36: {  	p1 =	seq.s32 s10, $0x1;
	s10 =	sld [smem:$0x3FAB];
	_ =	sdelay $0x3  }
0x37: {  	[smem:$0x3FAB] =	sst s10  }
0x38: {  	s10 =	sld [smem:$0x3FAC]  }
0x39: {  	_ = 	snop;
	(pc) =	sbr.ind lr, $3  }
0x3a: {  	_ = 	snop  }
0x3b: {  	_ = 	snop  }
0x3c: {  	p2 =	seq.s32 s10, $0x1;
	s10 =	sld [smem:$0x3FAB]  }
0x3d: {  	_ =	shalt  }
0x3e: {  	_ =	shalt  }
0x3f: {  	_ =	shalt  }
0x40: {  	_ =	shalt  }
0x41: {  	_ =	shalt  }
0x42: {  	_ =	shalt  }
0x43: {  	_ =	shalt  }
0x44: {  	_ =	shalt  }
0x45: {  	_ =	shalt  }
0x46: {  	_ =	shalt  }
0x47: {  	_ =	shalt  }
0x48: {  	_ =	shalt  }
0x49: {  	_ =	shalt  }
0x4a: {  	_ =	shalt  }
0x4b: {  	_ =	shalt  }
0x4c: {  	_ =	shalt  }
0x4d: {  	_ =	shalt  }
0x4e: {  	_ =	shalt  }
0x4f: {  	_ =	shalt  }
0x50: {  	_ =	shalt  }
0x51: {  	_ =	shalt  }
0x52: {  	_ =	shalt  }
0x53: {  	_ =	shalt  }
0x54: {  	_ =	shalt  }
0x55: {  	_ =	shalt  }
0x56: {  	_ =	shalt  }
0x57: {  	_ =	shalt  }
0x58: {  	_ =	shalt  }
0x59: {  	_ =	shalt  }
0x5a: {  	_ =	shalt  }
0x5b: {  	_ =	shalt  }
0x5c: {  	_ =	shalt  }
0x5d: {  	_ =	shalt  }
0x5e: {  	_ =	shalt  }
0x5f: {  	_ =	shalt  }
0x60: {  	_ =	shalt  }
0x61: {  	_ =	shalt  }
0x62: {  	_ =	shalt  }
0x63: {  	_ =	shalt  }
0x64: {  	_ =	shalt  }
0x65: {  	_ =	shalt  }
0x66: {  	_ =	shalt  }
0x67: {  	_ =	shalt  }
0x68: {  	_ =	shalt  }
0x69: {  	_ =	shalt  }
0x6a: {  	_ =	shalt  }
0x6b: {  	_ =	shalt  }
0x6c: {  	_ =	shalt  }
0x6d: {  	_ =	shalt  }
0x6e: {  	_ =	shalt  }
0x6f: {  	_ =	shalt  }
0x70: {  	_ =	shalt  }
0x71: {  	_ =	shalt  }
0x72: {  	_ =	shalt  }
0x73: {  	_ =	shalt  }
0x74: {  	_ =	shalt  }
0x75: {  	_ =	shalt  }
0x76: {  	_ =	shalt  }
0x77: {  	_ =	shalt  }
0x78: {  	_ =	shalt  }
0x79: {  	_ =	shalt  }
0x7a: {  	_ =	shalt  }
0x7b: {  	_ =	shalt  }
0x7c: {  	_ =	shalt  }
0x7d: {  	_ =	shalt  }
0x7e: {  	_ =	shalt  }
0x7f: {  	_ =	shalt  }
0x80: {  	_ =	shalt  }
0x81: {  	_ =	shalt  }
0x82: {  	_ =	shalt  }
0x83: {  	_ =	shalt  }
0x84: {  	_ =	shalt  }
0x85: {  	_ =	shalt  }
0x86: {  	_ =	shalt  }
0x87: {  	_ =	shalt  }
.Lfunc_end0:
.L_simem_size_0:
called_computation_lowered:
.L_overlay_start_0:
0x88: {  	s2 =	sld [smem:$0x3FD9]  }
0x89: {  	s3 =	sld [smem:$0x3FFE];
	_ =	sdelay $0x1  }
0x8a: {  	s1 =	srdreg.scid  }
0x8b: {  	s0 =	sand.u32 $0x1, s1  }
0x8c: {  	s14 =	sshll.u32 s0, $0xA;
	s2 =	sadd.s32 s3, s2  }
0x8d: {  	s2 =	sadd.s32 s2, s14  }
0x8e: {  	[smem:$0x3FB7] =	sst s2  }
0x8f: {  	_ = 	snop  }
0x90: {  	s2 =	sld [smem:$0x3FD0];
	_ =	sdelay $0x2  }
0x91: {  	s15 =	simm.s32 $0xB;
	s4 =	simm.s32 $0x10  }
0x92: {  	[smem:s4], [sflag:s15] =	dma.local [hbm:s2], $0x1  }
0x93: {  	_ =	swait.eq [sflag:s15], $0x1  }
0x94: {  	[sflag:s15] =	ssyncset.done $0x0  }
0x95: {  	s16 =	sld [smem:$0x10];
	[sflag:s15] =	ssyncadd.s32 $0xFFFFFFFF  }
0x96: {  	s17 =	sld [smem:$0x11];
	(tm) =	ssettm $0x1  }
0x97: {  	s18 =	sld [smem:$0x3FFB];
	_ =	sdelay $0x3  }
0x98: {  	_ =	strace s18  }
0x99: {  	s4 =	sld [smem:$0x3FFC];
	_ =	sdelay $0x3  }
0x9a: {  	_ =	strace s4  }
0x9b: {  	s4 =	sld [smem:$0x3FFD];
	_ =	sdelay $0x3  }
0x9c: {  	_ =	strace s4  }
0x9d: {  	_ =	strace $0x8FFFFFFF  }
0x9e: {  	s19 =	sld [smem:$0x3FDB];
	_ =	sdelay $0x1  }
0x9f: {  	s5 =	simm.s32 $_scs_section_size  }
0xa0: {  	s6 =	simm.s32 $_size__tile_overlayer_lowered;
	s7 =	simm.s32 $_tile_overlayer_lowered  }
0xa1: {  	s22 =	simm.s32 $0x1BFF;
	s21 =	sshll.u32 s7, $0x1;
	s4 =	sadd.s32 s5, s19  }
0xa2: {  	s8 =	simm.s32 $0x0;
	s20 =	sshll.u32 s6, $0x1;
	s6 =	sadd.s32 s21, s4  }
0xa3: {  	[timem:s8], [sflag:s22] =	dma.local [hbm:s6], s20  }
0xa4: {  	_ =	swait.ge [sflag:s22], s20  }
0xa5: {  	s5 =	ssub.s32 $0x0, s20;
	[sflag:s22] =	ssyncset.done $0x0  }
0xa6: {  	[sflag:s22] =	ssyncadd.s32 s5;
	_ =	sdelay $0x1  }
0xa7: {  	s23 =	simm.s32 $0x1B8B  }
0xa8: {  	_ =	swait.ge [sflag:s23], $0x1  }
0xa9: {  	[sflag:s23] =	ssyncset.done $0x0  }
0xaa: {  	s25 =	simm.s32 $0x1B8E;
	s24 =	sld [smem:$0x3FFE];
	[sflag:s23] =	ssyncadd.s32 $0xFFFFFFFF  }
0xab: {  	s26 =	simm.s32 $execute0_lowered;
	[smem:$0x3FD2] =	sst s25  }
0xac: {  	s6 =	sshll.u32 s26, $0x1;
	_ =	strace $0x80000046;
	[dreg:$0x1] =	wrdreg $0xFFFFFFFF  }
0xad: {  	s28 =	simm.s32 $_size_execute0_lowered;
	s4 =	sadd.s32 s4, s6;
	[dreg:$0x0] =	wrdreg $0x0  }
0xae: {  	s6 =	sshll.u32 s28, $0x1;
	[dreg:$0x2] =	wrdreg s4  }
0xaf: {  	[dreg:$0x3] =	wrdreg s6  }
0xb0: {  	[dreg:$0x4] =	wrdreg $0xC0  }
0xb1: {  	_ =	task [dreg:s8], $0x5FFFF  }
0xb2: {  	[dreg:$0x1] =	wrdreg $0xFFFFFFFF  }
0xb3: {  	[dreg:$0x0] =	wrdreg $0x60  }
0xb4: {  	[dreg:$0x2] =	wrdreg s24  }
0xb5: {  	[dreg:$0x3] =	wrdreg s17  }
0xb6: {  	[dreg:$0x4] =	wrdreg s16  }
0xb7: {  	[dreg:$0x5] =	wrdreg $0x0  }
0xb8: {  	[dreg:$0x6] =	wrdreg $0x9  }
0xb9: {  	_ =	task.clear_ibuf [dreg:s8], $0x7FFFF;
	_ =	strace $0x90000046  }
0xba: {  	s29 =	simm.s32 $0x9;
	_ =	strace $0x80000048  }
0xbb: {  	_ =	swait.ge [sflag:s29], $0x1  }
0xbc: {  	[sflag:s29] =	ssyncadd.s32 $0xFFFFFFFF  }
0xbd: {  	_ =	strace $0x90000048  }
0xbe: {  	_ =	sfence  }
0xbf: {  	s30 =	sld [smem:$0x0];
	_ =	sdelay $0x2  }
0xc0: {  	s31 =	sshll.u32 s1, $0xD;
	s1 =	sshrl.u32 s1, $0x2  }
0xc1: {  	s3 =	sand.u32 $0x4000, s31;
	s1 =	sadd.s32 s1, s30  }
0xc2: {  	s0 =	sor.u32 s3, s0;
	s1 =	sshll.u32 s1, $0x11  }
0xc3: {  	s0 =	sor.u32 s1, s0  }
0xc4: {  	s0 =	sadd.s32 $0x8F2B, s0  }
0xc5: {  	[sflag:s0] =	ssyncadd.remote.s32 $0x1  }
0xc6: {  	_ =	sfence.sel $0xFFFF  }
0xc7: {  	[dreg:$0x0] =	wrdreg $0xFFFFFFFF;
	(pc) =	sbr.abs _section_cstart, $3  }
0xc8: {  	[dreg:$0x1] =	wrdreg $0xFFFFFFFF  }
0xc9: {  	_ =	task.clear_ibuf [dreg:s8], $0x2FFFF;
	_ =	strace $0x9FFFFFFF  }
0xca: {  	(tm) =	ssettm $0x7FFFFFFF  }
0xcb: {  	_ =	shalt  }
tec
execute0_lowered:
.L_overlay_start_1:
0x0: {  	(tag) =	ssettag $0x1  }
0x1: {  	s0 =	rddreg [dreg:$0x0]  }
0x2: {  	s6 =	rddreg [dreg:$0x1]  }
0x3: {  	s8 =	rddreg [dreg:$0x2]  }
0x4: {  	s1 =	rddreg [dreg:$0x3];
	s2 =	simm.s32 $0x0;
	s3 =	srdreg.scid  }
0x5: {  	s22 =	stileid.u32;
	s28 =	simm.s32 $0x80;
	s29 =	simm.s32 $0x2  }
0x6: {  	s30 =	simm.s32 $0x0;
	[smem:$0x7FF] =	sst s2;
	s9 =	sand.u32 $0x1, s3  }
0x7: {  	s3 =	sadd.s32 $0x4000, s0;
	s5 =	sadd.s32 $0xA800, s0;
	s21 =	sadd.s32 $0x10400, s0  }
0x8: {  	s12 =	smul.u32 $0xD00, s22;
	p0 =	sne.s32 s22, $0x0;
	_ =	strace $0x80000047  }
0x9: {  	s4 =	sshll.u32 s9, $0x4;
	s13 =	smul.u32 $0x2800, s9;
	[dreg:$0x5] =	wrdreg s21  }
0xa: {  	s11 =	ssub.s32 $0x2, s9;
	s9 =	smul.u32 $0xD000, s9;
	s7 =	sor.u32 s22, s4  }
0xb: {  	s4 =	sadd.s32 $0x7400, s0;
	s23 =	sshrl.u32 s11, $0x1;
	s22 =	simm.s32 $0x1500  }
0xc: {  	s10 =	smul.u32 $0xD00, s7;
	s7 =	sadd.s32 $0xDC00, s0;
	s0 =	sadd.s32 s13, s0  }
0xd: {  	s17 =	ssub.s32 s11, s23;
	s6 =	sadd.s32 s6, s13;
	s26 =	sadd.s32 s12, s9  }
0xe: {  	s13 =	sadd.s32 s8, s13;
	s23 =	simm.s32 $0x3;
	[dreg:$0x8] =	wrdreg s6  }
0xf: {  	s31 =	sadd.s32 $0x180, s26;
	s16 =	sadd.s32 $0x10600, s0;
	s17 =	smax.u32 s17, $0x1  }
0x10: {  	s19 =	sadd.s32 $0x100, s26;
	s26 =	simm.s32 $0x1;
	s14 =	sshrl.u32 s10, $0x3  }
0x11: {  	s8 =	sshrl.u32 s31, $0x3;
	s15 =	sor.u32 $0x10, s14;
	s24 =	sadd.s32 s3, s14  }
0x12: {  	s11 =	sadd.s32 s4, s14;
	s14 =	sadd.s32 s5, s14;
	s18 =	sadd.s32 s8, s3  }
0x13: {  	s20 =	sadd.s32 s8, s4;
	s21 =	sadd.s32 s8, s5;
	[dreg:$0x6] =	wrdreg s24  }
0x14: {  	s25 =	sadd.s32 s3, s15;
	s12 =	sadd.s32 s4, s15;
	s15 =	sadd.s32 s5, s15  }
0x15: {  	s24 =	simm.s32 $0x1400;
	[dreg:$0x7] =	wrdreg s25;
	s25 =	simm.s32 $0x1480  }
.LBB2_1:
0x16: {  	s0 =	rddreg [dreg:$0x5]  }
0x17: {  	[tilespmem:s22], [sflag:$0x3] =	stream.linear.gather [hbm4b:s0+s2], $0x400, $0x38;
	[tilespmem:$0x1900] =	vst v63  }
0x18: {  	_ =	swait.ge [sflag:s23], $0x400  }
0x19: {  	[sflag:s23] =	ssyncset.done $0x0  }
0x1a: {  	s31 =	sshrl.u32 @!p0 s1, $0x3;
	s0 =	simm.s32 @!p0 $0x1C03;
	[sflag:s23] =	ssyncadd.s32 $0xFFFFFC00  }
0x1b: {  	[spmem:s31], [sflag:s0] =	dma.local @!p0 [hbm:s7], $0x2800  }
0x1c: {  	s0 =	simm.s32 @!p0 $0x3  }
0x1d: {  	_ =	swait.ge @!p0 [sflag:s0], $0x2800  }
0x1e: {  	[sflag:s0] =	ssyncset.done @!p0 $0x0  }
0x1f: {  	[sflag:s0] =	ssyncadd.s32 @!p0 $0xFFFFD800  }
0x20: {  	[bflag:$0x0] =	sbarrier.arrive $0xFFFF  }
0x21: {  	s9 =	rddreg [dreg:$0x6]  }
0x22: {  	[tilespmem:s24], [sflag:$0x1] =	stream.linear.gather [hbm4b:s9+s2], $0x80, $0x38;
	[tilespmem:$0x1900] =	vst v63  }
0x23: {  	s10 =	rddreg [dreg:$0x7]  }
0x24: {  	[tilespmem:s25], [sflag:$0x2] =	stream.linear.gather [hbm4b:s10+s2], $0x80, $0x38;
	[tilespmem:$0x1900] =	vst v63  }
0x25: {  	_ =	swait.ge [sflag:s26], $0x80  }
0x26: {  	[sflag:s26] =	ssyncset.done $0x0  }
0x27: {  	[sflag:s26] =	ssyncadd.s32 $0xFFFFFF80  }
0x28: {  	[spmem:s1] =	stream.indirect.scatter.add.f32 [tilespmem:s22], [sflag:$0x3], $0x8, s24, s28, $0xb8;
	[tilespmem:$0x1900] =	vst v63  }
0x29: {  	_ =	swait.ge [sflag:s23], $0x400  }
0x2a: {  	s0 =	sshrl.u32 s19, $0x3;
	[sflag:s23] =	ssyncset.done $0x0  }
0x2b: {  	s6 =	sadd.s32 s3, s0;
	[sflag:s23] =	ssyncadd.s32 $0xFFFFFC00  }
0x2c: {  	[tilespmem:s24], [sflag:$0x1] =	stream.linear.gather [hbm4b:s6+s2], $0x80, $0x38;
	[tilespmem:$0x1900] =	vst v63  }
0x2d: {  	_ =	swait.ge [sflag:s29], $0x80  }
0x2e: {  	[sflag:s29] =	ssyncset.done $0x0  }
0x2f: {  	[sflag:s29] =	ssyncadd.s32 $0xFFFFFF80  }
0x30: {  	[spmem:s1] =	stream.indirect.scatter.add.f32 [tilespmem:s22], [sflag:$0x3], $0x8, s25, s28, $0xb8;
	[tilespmem:$0x1900] =	vst v63  }
0x31: {  	_ =	swait.ge [sflag:s23], $0x400  }
0x32: {  	s8 =	sadd.s32 $0x100, s19;
	[sflag:s23] =	ssyncset.done $0x0  }
0x33: {  	s9 =	sadd.s32 $0x0, s18;
	s6 =	simm.s32 $0x20;
	[sflag:s23] =	ssyncadd.s32 $0xFFFFFC00  }
.LBB2_2:
0x34: {  	[tilespmem:s25], [sflag:$0x2] =	stream.linear.gather [hbm4b:s9+s2], $0x80, $0x38;
	[tilespmem:$0x1900] =	vst v63  }
0x35: {  	s9 =	smov.u32 s6  }
0x36: {  	p1 =	sne.s32 s6, $0x160;
	s6 =	sadd.s32 $0x20, s6;
	_ =	swait.ge [sflag:s26], $0x80  }
0x37: {  	[sflag:s26] =	ssyncset.done $0x0  }
0x38: {  	[sflag:s26] =	ssyncadd.s32 $0xFFFFFF80  }
0x39: {  	[spmem:s1] =	stream.indirect.scatter.add.f32 [tilespmem:s22], [sflag:$0x3], $0x8, s24, s28, $0xb8;
	[tilespmem:$0x1900] =	vst v63  }
0x3a: {  	_ =	swait.ge [sflag:s23], $0x400  }
0x3b: {  	s10 =	sshrl.u32 s8, $0x3;
	[sflag:s23] =	ssyncset.done $0x0  }
0x3c: {  	s10 =	sadd.s32 s3, s10;
	[sflag:s23] =	ssyncadd.s32 $0xFFFFFC00  }
0x3d: {  	[tilespmem:s24], [sflag:$0x1] =	stream.linear.gather [hbm4b:s10+s2], $0x80, $0x38;
	[tilespmem:$0x1900] =	vst v63  }
0x3e: {  	_ =	swait.ge [sflag:s29], $0x80  }
0x3f: {  	[sflag:s29] =	ssyncset.done $0x0  }
.Ltmp0:
0x40: {  	[sflag:s29] =	ssyncadd.s32 $0xFFFFFF80;
	(pc) =	sbr.rel @p1 .LBB2_2-.Ltmp0, $4  }
0x41: {  	[spmem:s1] =	stream.indirect.scatter.add.f32 [tilespmem:s22], [sflag:$0x3], $0x8, s25, s28, $0xb8;
	[tilespmem:$0x1900] =	vst v63  }
0x42: {  	_ =	swait.ge [sflag:s23], $0x400  }
0x43: {  	[sflag:s23] =	ssyncset.done $0x0  }
0x44: {  	s8 =	sadd.s32 $0x100, s8;
	s9 =	sadd.s32 s9, s18;
	[sflag:s23] =	ssyncadd.s32 $0xFFFFFC00  }
0x45: {  	[tilespmem:s25], [sflag:$0x2] =	stream.linear.gather [hbm4b:s9+s2], $0x80, $0x38;
	[tilespmem:$0x1900] =	vst v63  }
0x46: {  	_ =	swait.ge [sflag:s26], $0x80  }
0x47: {  	[sflag:s26] =	ssyncset.done $0x0  }
0x48: {  	[sflag:s26] =	ssyncadd.s32 $0xFFFFFF80  }
0x49: {  	[spmem:s1] =	stream.indirect.scatter.add.f32 [tilespmem:s22], [sflag:$0x3], $0x8, s24, s28, $0xb8;
	[tilespmem:$0x1900] =	vst v63  }
0x4a: {  	_ =	swait.ge [sflag:s23], $0x400  }
0x4b: {  	[sflag:s23] =	ssyncset.done $0x0  }
0x4c: {  	[sflag:s23] =	ssyncadd.s32 $0xFFFFFC00  }
0x4d: {  	_ =	swait.ge [sflag:s29], $0x80  }
0x4e: {  	[sflag:s29] =	ssyncset.done $0x0  }
0x4f: {  	[sflag:s29] =	ssyncadd.s32 $0xFFFFFF80  }
0x50: {  	[spmem:s1] =	stream.indirect.scatter.add.f32 [tilespmem:s22], [sflag:$0x3], $0x8, s25, s28, $0xb8;
	[tilespmem:$0x1900] =	vst v63  }
0x51: {  	_ =	swait.ge [sflag:s23], $0x400  }
0x52: {  	[sflag:s23] =	ssyncset.done $0x0  }
0x53: {  	[sflag:s23] =	ssyncadd.s32 $0xFFFFFC00  }
0x54: {  	[bflag:$0x0] =	sbarrier.arrive $0xFFFF  }
0x55: {  	s6 =	simm.s32 @!p0 $0x1C03;
	s8 =	rddreg [dreg:$0x8]  }
0x56: {  	[hbm:s8], [sflag:s6] =	dma.local @!p0 [spmem:s31], $0x2800  }
0x57: {  	s8 =	simm.s32 @!p0 $0x3  }
0x58: {  	_ =	swait.ge @!p0 [sflag:s8], $0x2800  }
0x59: {  	[sflag:s8] =	ssyncset.done @!p0 $0x0  }
0x5a: {  	[sflag:s8] =	ssyncadd.s32 @!p0 $0xFFFFD800  }
0x5b: {  	[spmem:s31], [sflag:s6] =	dma.local @!p0 [hbm:s7], $0x2800  }
0x5c: {  	_ =	swait.ge @!p0 [sflag:s8], $0x2800  }
0x5d: {  	[sflag:s8] =	ssyncset.done @!p0 $0x0  }
0x5e: {  	[sflag:s8] =	ssyncadd.s32 @!p0 $0xFFFFD800  }
0x5f: {  	s9 =	simm.s32 $0x0;
	[bflag:$0x0] =	sbarrier.arrive $0xFFFF  }
0x60: {  	[tilespmem:s24], [sflag:$0x1] =	stream.linear.gather [hbm4b:s11+s9], $0x80, $0x38;
	[tilespmem:$0x1900] =	vst v63  }
0x61: {  	_ = 	snop  }
0x62: {  	[tilespmem:s25], [sflag:$0x2] =	stream.linear.gather [hbm4b:s12+s9], $0x80, $0x38;
	[tilespmem:$0x1900] =	vst v63  }
0x63: {  	_ =	swait.ge [sflag:s26], $0x80  }
0x64: {  	[sflag:s26] =	ssyncset.done $0x0  }
0x65: {  	[sflag:s26] =	ssyncadd.s32 $0xFFFFFF80  }
0x66: {  	[spmem:s1] =	stream.indirect.scatter.add.f32 [tilespmem:s22], [sflag:$0x3], $0x8, s24, s28, $0xb8;
	[tilespmem:$0x1900] =	vst v63  }
0x67: {  	_ =	swait.ge [sflag:s23], $0x400  }
0x68: {  	[sflag:s23] =	ssyncset.done $0x0  }
0x69: {  	s10 =	sadd.s32 s4, s0;
	[sflag:s23] =	ssyncadd.s32 $0xFFFFFC00  }
0x6a: {  	[tilespmem:s24], [sflag:$0x1] =	stream.linear.gather [hbm4b:s10+s2], $0x80, $0x38;
	[tilespmem:$0x1900] =	vst v63  }
0x6b: {  	_ =	swait.ge [sflag:s29], $0x80  }
0x6c: {  	[sflag:s29] =	ssyncset.done $0x0  }
0x6d: {  	[sflag:s29] =	ssyncadd.s32 $0xFFFFFF80  }
0x6e: {  	[spmem:s1] =	stream.indirect.scatter.add.f32 [tilespmem:s22], [sflag:$0x3], $0x8, s25, s28, $0xb8;
	[tilespmem:$0x1900] =	vst v63  }
0x6f: {  	_ =	swait.ge [sflag:s23], $0x400  }
0x70: {  	s6 =	simm.s32 $0x20;
	[sflag:s23] =	ssyncset.done $0x0  }
0x71: {  	s8 =	sadd.s32 $0x100, s19;
	s9 =	sadd.s32 $0x0, s20;
	[sflag:s23] =	ssyncadd.s32 $0xFFFFFC00  }
.LBB2_4:
0x72: {  	[tilespmem:s25], [sflag:$0x2] =	stream.linear.gather [hbm4b:s9+s2], $0x80, $0x38;
	[tilespmem:$0x1900] =	vst v63  }
0x73: {  	s9 =	smov.u32 s6  }
0x74: {  	p1 =	sne.s32 s6, $0x160;
	s6 =	sadd.s32 $0x20, s6;
	_ =	swait.ge [sflag:s26], $0x80  }
0x75: {  	[sflag:s26] =	ssyncset.done $0x0  }
0x76: {  	[sflag:s26] =	ssyncadd.s32 $0xFFFFFF80  }
0x77: {  	[spmem:s1] =	stream.indirect.scatter.add.f32 [tilespmem:s22], [sflag:$0x3], $0x8, s24, s28, $0xb8;
	[tilespmem:$0x1900] =	vst v63  }
0x78: {  	_ =	swait.ge [sflag:s23], $0x400  }
0x79: {  	s10 =	sshrl.u32 s8, $0x3;
	[sflag:s23] =	ssyncset.done $0x0  }
0x7a: {  	s10 =	sadd.s32 s4, s10;
	[sflag:s23] =	ssyncadd.s32 $0xFFFFFC00  }
0x7b: {  	[tilespmem:s24], [sflag:$0x1] =	stream.linear.gather [hbm4b:s10+s2], $0x80, $0x38;
	[tilespmem:$0x1900] =	vst v63  }
0x7c: {  	_ =	swait.ge [sflag:s29], $0x80  }
0x7d: {  	[sflag:s29] =	ssyncset.done $0x0  }
.Ltmp1:
0x7e: {  	[sflag:s29] =	ssyncadd.s32 $0xFFFFFF80;
	(pc) =	sbr.rel @p1 .LBB2_4-.Ltmp1, $4  }
0x7f: {  	[spmem:s1] =	stream.indirect.scatter.add.f32 [tilespmem:s22], [sflag:$0x3], $0x8, s25, s28, $0xb8;
	[tilespmem:$0x1900] =	vst v63  }
0x80: {  	_ =	swait.ge [sflag:s23], $0x400  }
0x81: {  	[sflag:s23] =	ssyncset.done $0x0  }
0x82: {  	s8 =	sadd.s32 $0x100, s8;
	s9 =	sadd.s32 s9, s20;
	[sflag:s23] =	ssyncadd.s32 $0xFFFFFC00  }
0x83: {  	[tilespmem:s25], [sflag:$0x2] =	stream.linear.gather [hbm4b:s9+s2], $0x80, $0x38;
	[tilespmem:$0x1900] =	vst v63  }
0x84: {  	_ =	swait.ge [sflag:s26], $0x80  }
0x85: {  	[sflag:s26] =	ssyncset.done $0x0  }
0x86: {  	[sflag:s26] =	ssyncadd.s32 $0xFFFFFF80  }
0x87: {  	[spmem:s1] =	stream.indirect.scatter.add.f32 [tilespmem:s22], [sflag:$0x3], $0x8, s24, s28, $0xb8;
	[tilespmem:$0x1900] =	vst v63  }
0x88: {  	_ =	swait.ge [sflag:s23], $0x400  }
0x89: {  	[sflag:s23] =	ssyncset.done $0x0  }
0x8a: {  	[sflag:s23] =	ssyncadd.s32 $0xFFFFFC00  }
0x8b: {  	_ =	swait.ge [sflag:s29], $0x80  }
0x8c: {  	[sflag:s29] =	ssyncset.done $0x0  }
0x8d: {  	[sflag:s29] =	ssyncadd.s32 $0xFFFFFF80  }
0x8e: {  	[spmem:s1] =	stream.indirect.scatter.add.f32 [tilespmem:s22], [sflag:$0x3], $0x8, s25, s28, $0xb8;
	[tilespmem:$0x1900] =	vst v63  }
0x8f: {  	_ =	swait.ge [sflag:s23], $0x400  }
0x90: {  	[sflag:s23] =	ssyncset.done $0x0  }
0x91: {  	[sflag:s23] =	ssyncadd.s32 $0xFFFFFC00  }
0x92: {  	s6 =	simm.s32 @!p0 $0x1C03;
	s8 =	simm.s32 @!p0 $0x3;
	[bflag:$0x0] =	sbarrier.arrive $0xFFFF  }
0x93: {  	[hbm:s13], [sflag:s6] =	dma.local @!p0 [spmem:s31], $0x2800  }
0x94: {  	_ =	swait.ge @!p0 [sflag:s8], $0x2800  }
0x95: {  	[sflag:s8] =	ssyncset.done @!p0 $0x0  }
0x96: {  	[sflag:s8] =	ssyncadd.s32 @!p0 $0xFFFFD800  }
0x97: {  	[spmem:s31], [sflag:s6] =	dma.local @!p0 [hbm:s7], $0x2800  }
0x98: {  	_ =	swait.ge @!p0 [sflag:s8], $0x2800  }
0x99: {  	[sflag:s8] =	ssyncset.done @!p0 $0x0  }
0x9a: {  	[sflag:s8] =	ssyncadd.s32 @!p0 $0xFFFFD800  }
0x9b: {  	s10 =	simm.s32 $0x0;
	[bflag:$0x0] =	sbarrier.arrive $0xFFFF  }
0x9c: {  	[tilespmem:s24], [sflag:$0x1] =	stream.linear.gather [hbm4b:s14+s10], $0x80, $0x38;
	[tilespmem:$0x1900] =	vst v63  }
0x9d: {  	_ = 	snop  }
0x9e: {  	[tilespmem:s25], [sflag:$0x2] =	stream.linear.gather [hbm4b:s15+s10], $0x80, $0x38;
	[tilespmem:$0x1900] =	vst v63  }
0x9f: {  	_ =	swait.ge [sflag:s26], $0x80  }
0xa0: {  	[sflag:s26] =	ssyncset.done $0x0  }
0xa1: {  	[sflag:s26] =	ssyncadd.s32 $0xFFFFFF80  }
0xa2: {  	[spmem:s1] =	stream.indirect.scatter.add.f32 [tilespmem:s22], [sflag:$0x3], $0x8, s24, s28, $0xb8;
	[tilespmem:$0x1900] =	vst v63  }
0xa3: {  	_ =	swait.ge [sflag:s23], $0x400  }
0xa4: {  	[sflag:s23] =	ssyncset.done $0x0  }
0xa5: {  	s0 =	sadd.s32 s5, s0;
	[sflag:s23] =	ssyncadd.s32 $0xFFFFFC00  }
0xa6: {  	[tilespmem:s24], [sflag:$0x1] =	stream.linear.gather [hbm4b:s0+s2], $0x80, $0x38;
	[tilespmem:$0x1900] =	vst v63  }
0xa7: {  	_ =	swait.ge [sflag:s29], $0x80  }
0xa8: {  	[sflag:s29] =	ssyncset.done $0x0  }
0xa9: {  	[sflag:s29] =	ssyncadd.s32 $0xFFFFFF80  }
0xaa: {  	[spmem:s1] =	stream.indirect.scatter.add.f32 [tilespmem:s22], [sflag:$0x3], $0x8, s25, s28, $0xb8;
	[tilespmem:$0x1900] =	vst v63  }
0xab: {  	_ =	swait.ge [sflag:s23], $0x400  }
0xac: {  	s6 =	sadd.s32 $0x100, s19;
	[sflag:s23] =	ssyncset.done $0x0  }
0xad: {  	s8 =	sadd.s32 $0x0, s21;
	s0 =	simm.s32 $0x20;
	[sflag:s23] =	ssyncadd.s32 $0xFFFFFC00  }
.LBB2_6:
0xae: {  	[tilespmem:s25], [sflag:$0x2] =	stream.linear.gather [hbm4b:s8+s2], $0x80, $0x38;
	[tilespmem:$0x1900] =	vst v63  }
0xaf: {  	s8 =	smov.u32 s0  }
0xb0: {  	p1 =	sne.s32 s0, $0x160;
	s0 =	sadd.s32 $0x20, s0;
	_ =	swait.ge [sflag:s26], $0x80  }
0xb1: {  	[sflag:s26] =	ssyncset.done $0x0  }
0xb2: {  	[sflag:s26] =	ssyncadd.s32 $0xFFFFFF80  }
0xb3: {  	[spmem:s1] =	stream.indirect.scatter.add.f32 [tilespmem:s22], [sflag:$0x3], $0x8, s24, s28, $0xb8;
	[tilespmem:$0x1900] =	vst v63  }
0xb4: {  	_ =	swait.ge [sflag:s23], $0x400  }
0xb5: {  	s9 =	sshrl.u32 s6, $0x3;
	[sflag:s23] =	ssyncset.done $0x0  }
0xb6: {  	s9 =	sadd.s32 s5, s9;
	[sflag:s23] =	ssyncadd.s32 $0xFFFFFC00  }
0xb7: {  	[tilespmem:s24], [sflag:$0x1] =	stream.linear.gather [hbm4b:s9+s2], $0x80, $0x38;
	[tilespmem:$0x1900] =	vst v63  }
0xb8: {  	_ =	swait.ge [sflag:s29], $0x80  }
0xb9: {  	[sflag:s29] =	ssyncset.done $0x0  }
.Ltmp2:
0xba: {  	[sflag:s29] =	ssyncadd.s32 $0xFFFFFF80;
	(pc) =	sbr.rel @p1 .LBB2_6-.Ltmp2, $4  }
0xbb: {  	[spmem:s1] =	stream.indirect.scatter.add.f32 [tilespmem:s22], [sflag:$0x3], $0x8, s25, s28, $0xb8;
	[tilespmem:$0x1900] =	vst v63  }
0xbc: {  	_ =	swait.ge [sflag:s23], $0x400  }
0xbd: {  	[sflag:s23] =	ssyncset.done $0x0  }
0xbe: {  	s6 =	sadd.s32 $0x100, s6;
	s8 =	sadd.s32 s8, s21;
	[sflag:s23] =	ssyncadd.s32 $0xFFFFFC00  }
0xbf: {  	[tilespmem:s25], [sflag:$0x2] =	stream.linear.gather [hbm4b:s8+s2], $0x80, $0x38;
	[tilespmem:$0x1900] =	vst v63  }
0xc0: {  	_ =	swait.ge [sflag:s26], $0x80  }
0xc1: {  	[sflag:s26] =	ssyncset.done $0x0  }
0xc2: {  	[sflag:s26] =	ssyncadd.s32 $0xFFFFFF80  }
0xc3: {  	[spmem:s1] =	stream.indirect.scatter.add.f32 [tilespmem:s22], [sflag:$0x3], $0x8, s24, s28, $0xb8;
	[tilespmem:$0x1900] =	vst v63  }
0xc4: {  	_ =	swait.ge [sflag:s23], $0x400  }
0xc5: {  	[sflag:s23] =	ssyncset.done $0x0  }
0xc6: {  	[sflag:s23] =	ssyncadd.s32 $0xFFFFFC00  }
0xc7: {  	_ =	swait.ge [sflag:s29], $0x80  }
0xc8: {  	[sflag:s29] =	ssyncset.done $0x0  }
0xc9: {  	[sflag:s29] =	ssyncadd.s32 $0xFFFFFF80  }
0xca: {  	[spmem:s1] =	stream.indirect.scatter.add.f32 [tilespmem:s22], [sflag:$0x3], $0x8, s25, s28, $0xb8;
	[tilespmem:$0x1900] =	vst v63  }
0xcb: {  	_ =	swait.ge [sflag:s23], $0x400  }
0xcc: {  	[sflag:s23] =	ssyncset.done $0x0  }
0xcd: {  	s30 =	sadd.s32 $0x1, s30;
	[sflag:s23] =	ssyncadd.s32 $0xFFFFFC00  }
0xce: {  	s0 =	simm.s32 @!p0 $0x1C03;
	p1 =	sne.s32 s30, s17;
	[bflag:$0x0] =	sbarrier.arrive $0xFFFF  }
0xcf: {  	[hbm:s16], [sflag:s0] =	dma.local @!p0 [spmem:s31], $0x2800  }
.Ltmp3:
0xd0: {  	_ = 	snop;
	(pc) =	sbr.rel @p1 .LBB2_1-.Ltmp3, $4  }
0xd1: {  	s0 =	simm.s32 @!p0 $0x3  }
0xd2: {  	_ =	swait.ge @!p0 [sflag:s0], $0x2800  }
0xd3: {  	[sflag:s0] =	ssyncset.done @!p0 $0x0  }
0xd4: {  	[sflag:s0] =	ssyncadd.s32 @!p0 $0xFFFFD800  }
0xd5: {  	_ =	sfence.sel $0x180000  }
0xd6: {  	[bflag:$0x0] =	sbarrier.arrive $0xFFFF  }
0xd7: {  	_ =	strace $0x90000047  }
0xd8: {  	[bflag:$0x2] =	sbarrier.arrive $0xFFFF  }
0xd9: {  	s0 =	rddreg [dreg:$0x4]  }
0xda: {  	s0 =	sadd.s32 @!p0 $0x100000, s0  }
0xdb: {  	[sflag:s0] =	ssyncadd.tile.s32 @!p0 $0x1;
	_ =	shalt  }
.Lfunc_end2:
_tile_overlayer_lowered:
.L_overlay_start_2:
0xdc: {  	(tag) =	ssettag $0x2  }
0xdd: {  	s0 =	rddreg [dreg:$0x0];
	s2 =	stileid.u32  }
0xde: {  	s1 =	rddreg [dreg:$0x1];
	p0 =	sne.s32 s2, $0x0  }
0xdf: {  	s3 =	rddreg [dreg:$0x2];
	[bflag:$0x3] =	sbarrier.arrive $0xFFFF;
	s2 =	simm.s32 @!p0 $0x1C03  }
0xe0: {  	[timem:s3], [sflag:s2] =	dma.local @!p0 [hbm:s0], s1  }
0xe1: {  	s0 =	simm.s32 @!p0 $0x3  }
0xe2: {  	_ =	swait.ge @!p0 [sflag:s0], s1  }
0xe3: {  	s1 =	ssub.s32 @!p0 $0x0, s1;
	[sflag:s0] =	ssyncset.done @!p0 $0x0  }
0xe4: {  	[sflag:s0] =	ssyncadd.s32 @!p0 s1  }
0xe5: {  	[bflag:$0x3] =	sbarrier.arrive $0xFFFF  }
0xe6: {  	_ =	shalt  }

</sc_bundles>
